<compile_context>
chip_gen: v7x
topology: tpu7x:2x2x1
jax: 0.10.2.dev20260603
libtpu: 0.0.44.dev20260713+nightly
codegen_flags: <defaults>
</compile_context>

<pallas_src>
import jax
import jax.numpy as jnp
from jax import lax
from jax.experimental import pallas as pl
from jax.experimental.pallas import tpu as pltpu
from jax.experimental.pallas import tpu_sc as plsc

DIM = 384
POS_HID = 64
MULT = 2
P = 64
TOPK = 128
H = 384
W = 384


def _transformer_body(ef_ref, pidx_ref, wq_ref, wk_ref, wv_ref, pw1t_ref,
                      pb1_ref, pw2_ref, pb2_ref, aw1_ref, ab1_ref, aw2_ref,
                      ab2_ref, out_ref):
    C = DIM
    x = ef_ref[0]

    def dgt(a, b):
        return lax.dot_general(a, b, (((1,), (1,)), ((), ())),
                               preferred_element_type=jnp.float32)

    q = dgt(x, wq_ref[...])
    k = dgt(x, wk_ref[...])
    v = dgt(x, wv_ref[...])

    pidx = pidx_ref[0].astype(jnp.float32)
    y = jnp.floor((pidx + 0.5) * (1.0 / W))
    xcoord = pidx - y * W
    cx = xcoord / W
    cy = y / H

    u = cx * pw1t_ref[0:1, :] + cy * pw1t_ref[1:2, :]

    def rep_i(a):
        d = a.shape[-1]
        return jnp.broadcast_to(a[:, None, :], (P, P, d)).reshape(P * P, d)

    def rep_j(a):
        d = a.shape[-1]
        return jnp.broadcast_to(a[None, :, :], (P, P, d)).reshape(P * P, d)

    hid = jnp.maximum(rep_i(u) - rep_j(u) + pb1_ref[...], 0.0)
    rpe = dgt(hid, pw2_ref[...]) + pb2_ref[...]

    s = rep_i(q) - rep_j(k) + rpe
    h1 = jnp.maximum(
        dgt(s.astype(jnp.bfloat16), aw1_ref[...].astype(jnp.bfloat16))
        + ab1_ref[...], 0.0)
    sim = dgt(h1.astype(jnp.bfloat16), aw2_ref[...].astype(jnp.bfloat16)) \
        + ab2_ref[...]

    sim3 = sim.reshape(P, P, C)
    m = jnp.max(sim3, axis=1, keepdims=True)
    e = jnp.exp(sim3 - m)
    denom = jnp.sum(e, axis=1, keepdims=True)
    attn = e / denom

    vv = (rep_j(v) + rpe).reshape(P, P, C)
    agg = jnp.sum(attn * vv, axis=1)
    out_ref[0] = agg


def _transformer(edge_feat, pidx_col, Wq, Wk, Wv, pos_w1t, pos_b1, pos_w2,
                 pos_b2, attn_w1, attn_b1, attn_w2, attn_b2):
    N = edge_feat.shape[0]
    C = DIM
    full = lambda shape: pl.BlockSpec(shape, lambda n: (0,) * len(shape))
    return pl.pallas_call(
        _transformer_body,
        grid=(N,),
        in_specs=[
            pl.BlockSpec((1, P, C), lambda n: (n, 0, 0)),
            pl.BlockSpec((1, P, 1), lambda n: (n, 0, 0)),
            full((C, C)), full((C, C)), full((C, C)),
            full((2, POS_HID)),
            full((1, POS_HID)), full((C, POS_HID)), full((1, C)),
            full((C * MULT, C)), full((1, C * MULT)),
            full((C, C * MULT)), full((1, C)),
        ],
        out_specs=pl.BlockSpec((1, P, C), lambda n: (n, 0, 0)),
        out_shape=jax.ShapeDtypeStruct((N, P, C), jnp.float32),
    )(edge_feat, pidx_col, Wq, Wk, Wv, pos_w1t, pos_b1, pos_w2, pos_b2,
      attn_w1, attn_b1, attn_w2, attn_b2)


HW_CONST = H * W
NPT = (2 * P) // 32


def _sc_scatter_body(out0_hbm, agg_hbm, pidx_hbm, out_hbm, *rest):
    del out0_hbm
    ptmp = rest[:NPT]
    offs = rest[NPT:NPT + NPT * 3]
    vals_v = rest[NPT + NPT * 3]
    sem, gsem = rest[NPT + NPT * 3 + 1:]
    wid = lax.axis_index("c") * 16 + lax.axis_index("s")
    lanes = lax.iota(jnp.int32, 16)
    gathers = []
    for r_local in range(NPT):
        r = wid * NPT + r_local
        rvec = jnp.full((16,), r, jnp.int32)
        gathers.append(pltpu.make_async_copy(
            pidx_hbm.at[rvec], ptmp[r_local], gsem))
        gathers[-1].start()
        gathers.append(pltpu.make_async_copy(
            agg_hbm.at[r], vals_v.at[r_local], gsem))
        gathers[-1].start()
    for cp in gathers:
        cp.wait()
    copies = []
    for r_local in range(NPT):
        r = wid * NPT + r_local
        rvec = jnp.full((16,), r, jnp.int32)
        pvec = ptmp[r_local][...]
        base = pvec + jnp.where(rvec >= P, DIM * HW_CONST, 0)
        for j in range(DIM // 16):
            off = base + (lanes + j * 16) * HW_CONST
            offs[r_local * 3 + j // 8][pl.ds((j % 8) * 16, 16)] = off
    for r_local in range(NPT):
        for j3 in range(DIM // 128):
            cp = pltpu.make_async_copy(
                vals_v.at[r_local, j3],
                out_hbm.at[offs[r_local * 3 + j3]],
                sem,
            )
            cp.start()
            copies.append(cp)
    for cp in copies:
        cp.wait()


def _sc_gather_body(feat_hbm, pidx_hbm, ef_hbm, *rest):
    ptmp = rest[:NPT]
    offs = rest[NPT:NPT + NPT * 3]
    vals_v = rest[NPT + NPT * 3]
    sem, gsem = rest[NPT + NPT * 3 + 1:]
    wid = lax.axis_index("c") * 16 + lax.axis_index("s")
    lanes = lax.iota(jnp.int32, 16)
    gathers = []
    for r_local in range(NPT):
        r = wid * NPT + r_local
        rvec = jnp.full((16,), r, jnp.int32)
        gathers.append(pltpu.make_async_copy(
            pidx_hbm.at[rvec], ptmp[r_local], gsem))
        gathers[-1].start()
    for cp in gathers:
        cp.wait()
    copies = []
    for r_local in range(NPT):
        r = wid * NPT + r_local
        rvec = jnp.full((16,), r, jnp.int32)
        pvec = ptmp[r_local][...]
        base = pvec + jnp.where(rvec >= P, DIM * HW_CONST, 0)
        for j in range(DIM // 16):
            off = base + (lanes + j * 16) * HW_CONST
            offs[r_local * 3 + j // 8][pl.ds((j % 8) * 16, 16)] = off
    for r_local in range(NPT):
        for j3 in range(DIM // 128):
            cp = pltpu.make_async_copy(
                feat_hbm.at[offs[r_local * 3 + j3]],
                vals_v.at[r_local, j3],
                sem,
            )
            cp.start()
            copies.append(cp)
    for cp in copies:
        cp.wait()
    for r_local in range(NPT):
        r = wid * NPT + r_local
        pltpu.sync_copy(vals_v.at[r_local], ef_hbm.at[r])


def _sc_gather(feat_flat, pidxs):
    mesh = plsc.VectorSubcoreMesh(core_axis_name="c", subcore_axis_name="s")
    fn = pl.kernel(
        _sc_gather_body,
        out_type=jax.ShapeDtypeStruct((2 * P, DIM // 128, 128), jnp.float32),
        mesh=mesh,
        compiler_params=pltpu.CompilerParams(needs_layout_passes=False),
        scratch_types=(
            [pltpu.VMEM((16,), jnp.int32) for _ in range(NPT)]
            + [pltpu.VMEM((128,), jnp.int32) for _ in range(NPT * 3)]
            + [pltpu.VMEM((NPT, DIM // 128, 128), jnp.float32),
               pltpu.SemaphoreType.DMA,
               pltpu.SemaphoreType.DMA]
        ),
    )
    return fn(feat_flat, pidxs)


def _sc_scatter(out0, aggc, pidxs):
    from jax._src.pallas import mpmd as _mpmd
    mesh = plsc.VectorSubcoreMesh(core_axis_name="c", subcore_axis_name="s")
    fn = _mpmd._mpmd_map(
        [(mesh, _sc_scatter_body)],
        [jax.ShapeDtypeStruct(out0.shape, out0.dtype)],
        input_output_aliases={0: 0},
        compiler_params=pltpu.CompilerParams(needs_layout_passes=False),
        scratch_types=(
            [pltpu.VMEM((16,), jnp.int32) for _ in range(NPT)]
            + [pltpu.VMEM((128,), jnp.int32) for _ in range(NPT * 3)]
            + [pltpu.VMEM((NPT, DIM // 128, 128), jnp.float32),
               pltpu.SemaphoreType.DMA,
               pltpu.SemaphoreType.DMA]
        ),
    )
    return fn(out0, aggc, pidxs)[0]


def kernel(edge_pred, feature, Wq, Wk, Wv, pos_w1, pos_b1, pos_w2, pos_b2,
           attn_w1, attn_b1, attn_w2, attn_b2):
    N, C, Hh, Ww = feature.shape
    HW = Hh * Ww

    NSEG = HW // 128
    seg = edge_pred.reshape(N, NSEG, 128)
    segmax = seg.max(axis=-1)
    _, seg_ids = jax.lax.top_k(segmax, TOPK)
    seg_ids = jnp.sort(seg_ids, axis=-1)
    segs = jnp.take_along_axis(seg, seg_ids[:, :, None], axis=1)
    vals = segs.reshape(N, TOPK * 128)
    _, pos = jax.lax.top_k(vals, TOPK)
    topk_idx = (jnp.take_along_axis(seg_ids, pos // 128, axis=1) * 128
                + pos % 128)
    sel = (jax.random.uniform(jax.random.key(1234), (P,)) * TOPK).astype(jnp.int32)
    point_indices = topk_idx[:, sel]

    pidx_flat = point_indices.reshape(N * P).astype(jnp.int32)
    lin = feature.reshape(N * C * HW)
    edge_feat = _sc_gather(lin, pidx_flat)

    agg = _transformer(
        edge_feat.reshape(N, P, C),
        point_indices[:, :, None].astype(jnp.int32),
        Wq, Wk, Wv,
        pos_w1.T, pos_b1[None, :], pos_w2, pos_b2[None, :],
        attn_w1, attn_b1[None, :], attn_w2, attn_b2[None, :],
    )

    final = _sc_scatter(lin,
                        agg.reshape(N * P, C // 128, 128),
                        pidx_flat)
    return final.reshape(N, C, Hh, Ww)

# --- scband reference (transcript-rebuilt; emitter-appended) ---
"""Pipeline reference for scband-point-enhance-7808250544222 (READ-ONLY COPY).

The authoritative reference and input builder live on the scoring server;
editing this copy changes nothing except your own understanding.
"""

import jax, jax.numpy as jnp
import numpy as np

DIM = 384
POS_HID = 64
MULT = 2
P = 64
TOPK = 128  # random_points[64] = 128 in the original dict


def setup_inputs(seed: int = 0) -> dict:
    key = jax.random.key(seed)
    ks = jax.random.split(key, 14)
    N, C, H, W = 2, DIM, 384, 384
    d = DIM

    def lin(k, out_f, in_f):
        s = 1.0 / np.sqrt(in_f)
        return jax.random.uniform(k, (out_f, in_f), minval=-s, maxval=s, dtype=jnp.float32)

    def bias(k, out_f, in_f):
        s = 1.0 / np.sqrt(in_f)
        return jax.random.uniform(k, (out_f,), minval=-s, maxval=s, dtype=jnp.float32)

    return {
        'edge_pred': jax.random.normal(ks[0], (N, 1, H, W), dtype=jnp.float32),
        'feature': jax.random.normal(ks[1], (N, C, H, W), dtype=jnp.float32),
        'Wq': lin(ks[2], d, d),
        'Wk': lin(ks[3], d, d),
        'Wv': lin(ks[4], d, d),
        'pos_w1': lin(ks[5], POS_HID, 2),
        'pos_b1': bias(ks[6], POS_HID, 2),
        'pos_w2': lin(ks[7], d, POS_HID),
        'pos_b2': bias(ks[8], d, POS_HID),
        'attn_w1': lin(ks[9], d * MULT, d),
        'attn_b1': bias(ks[10], d * MULT, d),
        'attn_w2': lin(ks[11], d, d * MULT),
        'attn_b2': bias(ks[12], d, d * MULT),
    }


def reference(edge_pred, feature, Wq, Wk, Wv, pos_w1, pos_b1, pos_w2, pos_b2,
              attn_w1, attn_b1, attn_w2, attn_b2):
    N, C, H, W = feature.shape
    # --- get_uncertain_point_coords_on_grid with use_scale=True ---
    flat_u = edge_pred.reshape(N, H * W)
    _, topk_idx = jax.lax.top_k(flat_u, TOPK)  # (N, TOPK)
    # torch.rand(P) * TOPK -> long; use a fixed key for determinism
    sel = (jax.random.uniform(jax.random.key(1234), (P,)) * TOPK).astype(jnp.int32)
    point_indices = topk_idx[:, sel]  # (N, P)

    sample_x = point_indices % H
    sample_y = point_indices // W
    point_coords = jnp.stack([
        sample_x.astype(jnp.float32) / W,
        sample_y.astype(jnp.float32) / H,
    ], axis=-1)  # (N, P, 2)

    # --- point_sample (gather of selected points) ---
    flatfeat = feature.reshape(N, C, H * W)
    idx = jnp.broadcast_to(point_indices[:, None, :], (N, C, P))
    edge_feat = jnp.take_along_axis(flatfeat, idx, axis=2)  # (N, C, P)

    # --- PointTransformerLayer on (N, P, C) ---
    x = edge_feat.transpose(0, 2, 1)
    q = x @ Wq.T
    k = x @ Wk.T
    v = x @ Wv.T
    rel_pos = point_coords[:, :, None, :] - point_coords[:, None, :, :]  # (N,P,P,2)
    rel_pos_emb = jax.nn.relu(rel_pos @ pos_w1.T + pos_b1) @ pos_w2.T + pos_b2  # (N,P,P,C)
    qk_rel = q[:, :, None, :] - k[:, None, :, :]
    vv = v[:, None, :, :] + rel_pos_emb
    s = qk_rel + rel_pos_emb
    sim = jax.nn.relu(s @ attn_w1.T + attn_b1) @ attn_w2.T + attn_b2
    attn = jax.nn.softmax(sim, axis=-2)
    agg = jnp.einsum('bijd,bijd->bid', attn, vv)  # (N,P,C)
    edge_feat_aggr = agg.transpose(0, 2, 1)  # (N,C,P)

    # --- scatter (overwrite) back into feature map ---
    b = jnp.arange(N)[:, None, None]
    c = jnp.arange(C)[None, :, None]
    final = flatfeat.at[b, c, idx].set(edge_feat_aggr)
    return final.reshape(N, C, H, W)

if __name__ == "__main__":
    import jax
    _d = setup_inputs()
    print(jax.jit(kernel)(*tuple(_d.values())))

</pallas_src>

<mosaic_0001>
#map = affine_map<(d0, d1) -> (0)>
#map1 = affine_map<(d0, d1) -> (0, 0, 0)>
module attributes {stable_mosaic.version = 14 : i64} {
  func.func @_sc_gather_body(%arg0: i32, %arg1: i32, %arg2: memref<113246208xf32, #tpu.memory_space<hbm>>, %arg3: memref<128xi32, #tpu.memory_space<hbm>>, %arg4: memref<128x3x128xf32, #tpu.memory_space<hbm>>, %arg5: memref<16xi32, #tpu.memory_space<vmem>>, %arg6: memref<16xi32, #tpu.memory_space<vmem>>, %arg7: memref<16xi32, #tpu.memory_space<vmem>>, %arg8: memref<16xi32, #tpu.memory_space<vmem>>, %arg9: memref<128xi32, #tpu.memory_space<vmem>>, %arg10: memref<128xi32, #tpu.memory_space<vmem>>, %arg11: memref<128xi32, #tpu.memory_space<vmem>>, %arg12: memref<128xi32, #tpu.memory_space<vmem>>, %arg13: memref<128xi32, #tpu.memory_space<vmem>>, %arg14: memref<128xi32, #tpu.memory_space<vmem>>, %arg15: memref<128xi32, #tpu.memory_space<vmem>>, %arg16: memref<128xi32, #tpu.memory_space<vmem>>, %arg17: memref<128xi32, #tpu.memory_space<vmem>>, %arg18: memref<128xi32, #tpu.memory_space<vmem>>, %arg19: memref<128xi32, #tpu.memory_space<vmem>>, %arg20: memref<128xi32, #tpu.memory_space<vmem>>, %arg21: memref<4x3x128xf32, #tpu.memory_space<vmem>>, %arg22: memref<!tpu.dma_semaphore, #tpu.memory_space<semaphore_mem>>, %arg23: memref<!tpu.dma_semaphore, #tpu.memory_space<semaphore_mem>>) attributes {dimension_semantics = [#tpu.dimension_semantics<core_parallel>, #tpu.dimension_semantics<subcore_parallel>], iteration_bounds = array<i64: 2, 16>, scalar_prefetch = 0 : i64, scratch_operands = 19 : i64, tpu.core_type = #tpu.core_type<sc_vector_subcore>, window_params = [{transform_indices = #map}, {transform_indices = #map}, {transform_indices = #map1}]} {
    %mul3A = arith.constant 16 : i32
    %mul3A_0 = arith.muli %arg0, %mul3A : i32
    %add3A = arith.addi %mul3A_0, %arg1 : i32
    %iota3A = tpu.iota {dimensions = array<i32: 0>} : vector<16xi32>
    %mul3A_1 = arith.constant 4 : i32
    %mul3A_2 = arith.muli %add3A, %mul3A_1 : i32
    %add3A_3 = arith.constant 0 : i32
    %add3A_4 = arith.addi %mul3A_2, %add3A_3 : i32
    %broadcast_in_dim3A = vector.broadcast %add3A_4 : i32 to vector<16xi32>
    %dma_start3A = arith.constant 0 : i32
    %dma_start3A_5 = tpu.memref_slice %arg3[%dma_start3A] : memref<128xi32, #tpu.memory_space<hbm>> -> memref<128xi32, #tpu.memory_space<hbm>>
    tpu.enqueue_indirect_dma source(%dma_start3A_5 : memref<128xi32, #tpu.memory_space<hbm>>) target(%arg5 : memref<16xi32, #tpu.memory_space<vmem>>) offsets(%broadcast_in_dim3A : vector<16xi32>) semaphore(%arg23 : memref<!tpu.dma_semaphore, #tpu.memory_space<semaphore_mem>>)
    %mul3A_6 = arith.constant 4 : i32
    %mul3A_7 = arith.muli %add3A, %mul3A_6 : i32
    %add3A_8 = arith.constant 1 : i32
    %add3A_9 = arith.addi %mul3A_7, %add3A_8 : i32
    %broadcast_in_dim3A_10 = vector.broadcast %add3A_9 : i32 to vector<16xi32>
    %dma_start3A_11 = arith.constant 0 : i32
    %dma_start3A_12 = tpu.memref_slice %arg3[%dma_start3A_11] : memref<128xi32, #tpu.memory_space<hbm>> -> memref<128xi32, #tpu.memory_space<hbm>>
    tpu.enqueue_indirect_dma source(%dma_start3A_12 : memref<128xi32, #tpu.memory_space<hbm>>) target(%arg6 : memref<16xi32, #tpu.memory_space<vmem>>) offsets(%broadcast_in_dim3A_10 : vector<16xi32>) semaphore(%arg23 : memref<!tpu.dma_semaphore, #tpu.memory_space<semaphore_mem>>)
    %mul3A_13 = arith.constant 4 : i32
    %mul3A_14 = arith.muli %add3A, %mul3A_13 : i32
    %add3A_15 = arith.constant 2 : i32
    %add3A_16 = arith.addi %mul3A_14, %add3A_15 : i32
    %broadcast_in_dim3A_17 = vector.broadcast %add3A_16 : i32 to vector<16xi32>
    %dma_start3A_18 = arith.constant 0 : i32
    %dma_start3A_19 = tpu.memref_slice %arg3[%dma_start3A_18] : memref<128xi32, #tpu.memory_space<hbm>> -> memref<128xi32, #tpu.memory_space<hbm>>
    tpu.enqueue_indirect_dma source(%dma_start3A_19 : memref<128xi32, #tpu.memory_space<hbm>>) target(%arg7 : memref<16xi32, #tpu.memory_space<vmem>>) offsets(%broadcast_in_dim3A_17 : vector<16xi32>) semaphore(%arg23 : memref<!tpu.dma_semaphore, #tpu.memory_space<semaphore_mem>>)
    %mul3A_20 = arith.constant 4 : i32
    %mul3A_21 = arith.muli %add3A, %mul3A_20 : i32
    %add3A_22 = arith.constant 3 : i32
    %add3A_23 = arith.addi %mul3A_21, %add3A_22 : i32
    %broadcast_in_dim3A_24 = vector.broadcast %add3A_23 : i32 to vector<16xi32>
    %dma_start3A_25 = arith.constant 0 : i32
    %dma_start3A_26 = tpu.memref_slice %arg3[%dma_start3A_25] : memref<128xi32, #tpu.memory_space<hbm>> -> memref<128xi32, #tpu.memory_space<hbm>>
    tpu.enqueue_indirect_dma source(%dma_start3A_26 : memref<128xi32, #tpu.memory_space<hbm>>) target(%arg8 : memref<16xi32, #tpu.memory_space<vmem>>) offsets(%broadcast_in_dim3A_24 : vector<16xi32>) semaphore(%arg23 : memref<!tpu.dma_semaphore, #tpu.memory_space<semaphore_mem>>)
    %dma_wait3A = arith.constant 0 : i32
    %dma_wait3A_27 = tpu.memref_slice %arg3[%dma_wait3A] : memref<128xi32, #tpu.memory_space<hbm>> -> memref<128xi32, #tpu.memory_space<hbm>>
    tpu.wait_indirect_dma semaphore(%arg23 : memref<!tpu.dma_semaphore, #tpu.memory_space<semaphore_mem>>) src(%dma_wait3A_27 : memref<128xi32, #tpu.memory_space<hbm>>) dst(%arg5 : memref<16xi32, #tpu.memory_space<vmem>>)
    %dma_wait3A_28 = arith.constant 0 : i32
    %dma_wait3A_29 = tpu.memref_slice %arg3[%dma_wait3A_28] : memref<128xi32, #tpu.memory_space<hbm>> -> memref<128xi32, #tpu.memory_space<hbm>>
    tpu.wait_indirect_dma semaphore(%arg23 : memref<!tpu.dma_semaphore, #tpu.memory_space<semaphore_mem>>) src(%dma_wait3A_29 : memref<128xi32, #tpu.memory_space<hbm>>) dst(%arg6 : memref<16xi32, #tpu.memory_space<vmem>>)
    %dma_wait3A_30 = arith.constant 0 : i32
    %dma_wait3A_31 = tpu.memref_slice %arg3[%dma_wait3A_30] : memref<128xi32, #tpu.memory_space<hbm>> -> memref<128xi32, #tpu.memory_space<hbm>>
    tpu.wait_indirect_dma semaphore(%arg23 : memref<!tpu.dma_semaphore, #tpu.memory_space<semaphore_mem>>) src(%dma_wait3A_31 : memref<128xi32, #tpu.memory_space<hbm>>) dst(%arg7 : memref<16xi32, #tpu.memory_space<vmem>>)
    %dma_wait3A_32 = arith.constant 0 : i32
    %dma_wait3A_33 = tpu.memref_slice %arg3[%dma_wait3A_32] : memref<128xi32, #tpu.memory_space<hbm>> -> memref<128xi32, #tpu.memory_space<hbm>>
    tpu.wait_indirect_dma semaphore(%arg23 : memref<!tpu.dma_semaphore, #tpu.memory_space<semaphore_mem>>) src(%dma_wait3A_33 : memref<128xi32, #tpu.memory_space<hbm>>) dst(%arg8 : memref<16xi32, #tpu.memory_space<vmem>>)
    %mul3A_34 = arith.constant 4 : i32
    %mul3A_35 = arith.muli %add3A, %mul3A_34 : i32
    %add3A_36 = arith.constant 0 : i32
    %add3A_37 = arith.addi %mul3A_35, %add3A_36 : i32
    %broadcast_in_dim3A_38 = vector.broadcast %add3A_37 : i32 to vector<16xi32>
    %get3A = arith.constant 0 : index
    %get3A_39 = tpu.vector_load %arg5[%get3A] {strides = array<i32>} : memref<16xi32, #tpu.memory_space<vmem>>, vector<16xi32>,
    %ge3A = arith.constant 64 : i32
    %ge3A_40 = vector.broadcast %ge3A : i32 to vector<16xi32>
    %ge3A_41 = arith.cmpi sge, %broadcast_in_dim3A_38, %ge3A_40 : vector<16xi32>
    %jit3A = arith.constant 56623104 : i32
    %jit3A_42 = arith.constant 0 : i32
    %broadcast_in_dim3A_43 = vector.broadcast %jit3A : i32 to vector<16xi32>
    %broadcast_in_dim3A_44 = vector.broadcast %jit3A_42 : i32 to vector<16xi32>
    %select_n3A = arith.select %ge3A_41, %broadcast_in_dim3A_43, %broadcast_in_dim3A_44 : vector<16xi1>, vector<16xi32>
    %add3A_45 = arith.addi %get3A_39, %select_n3A : vector<16xi32>
    %add3A_46 = arith.constant 0 : i32
    %add3A_47 = vector.broadcast %add3A_46 : i32 to vector<16xi32>
    %add3A_48 = arith.addi %iota3A, %add3A_47 : vector<16xi32>
    %mul3A_49 = arith.constant 147456 : i32
    %mul3A_50 = vector.broadcast %mul3A_49 : i32 to vector<16xi32>
    %mul3A_51 = arith.muli %add3A_48, %mul3A_50 : vector<16xi32>
    %add3A_52 = arith.addi %add3A_45, %mul3A_51 : vector<16xi32>
    %swap3A = arith.constant 0 : index
    %swap3A_53 = tpu.vector_load %arg9[%swap3A] {strides = array<i32>} : memref<128xi32, #tpu.memory_space<vmem>>, vector<16xi32>,
    tpu.vector_store %arg9[%swap3A], %add3A_52 {strides = array<i32>} : memref<128xi32, #tpu.memory_space<vmem>>, vector<16xi32>,
    %add3A_54 = arith.constant 16 : i32
    %add3A_55 = vector.broadcast %add3A_54 : i32 to vector<16xi32>
    %add3A_56 = arith.addi %iota3A, %add3A_55 : vector<16xi32>
    %mul3A_57 = arith.constant 147456 : i32
    %mul3A_58 = vector.broadcast %mul3A_57 : i32 to vector<16xi32>
    %mul3A_59 = arith.muli %add3A_56, %mul3A_58 : vector<16xi32>
    %add3A_60 = arith.addi %add3A_45, %mul3A_59 : vector<16xi32>
    %swap3A_61 = arith.constant 16 : index
    %swap3A_62 = tpu.vector_load %arg9[%swap3A_61] {strides = array<i32>} : memref<128xi32, #tpu.memory_space<vmem>>, vector<16xi32>,
    tpu.vector_store %arg9[%swap3A_61], %add3A_60 {strides = array<i32>} : memref<128xi32, #tpu.memory_space<vmem>>, vector<16xi32>,
    %add3A_63 = arith.constant 32 : i32
    %add3A_64 = vector.broadcast %add3A_63 : i32 to vector<16xi32>
    %add3A_65 = arith.addi %iota3A, %add3A_64 : vector<16xi32>
    %mul3A_66 = arith.constant 147456 : i32
    %mul3A_67 = vector.broadcast %mul3A_66 : i32 to vector<16xi32>
    %mul3A_68 = arith.muli %add3A_65, %mul3A_67 : vector<16xi32>
    %add3A_69 = arith.addi %add3A_45, %mul3A_68 : vector<16xi32>
    %swap3A_70 = arith.constant 32 : index
    %swap3A_71 = tpu.vector_load %arg9[%swap3A_70] {strides = array<i32>} : memref<128xi32, #tpu.memory_space<vmem>>, vector<16xi32>,
    tpu.vector_store %arg9[%swap3A_70], %add3A_69 {strides = array<i32>} : memref<128xi32, #tpu.memory_space<vmem>>, vector<16xi32>,
    %add3A_72 = arith.constant 48 : i32
    %add3A_73 = vector.broadcast %add3A_72 : i32 to vector<16xi32>
    %add3A_74 = arith.addi %iota3A, %add3A_73 : vector<16xi32>
    %mul3A_75 = arith.constant 147456 : i32
    %mul3A_76 = vector.broadcast %mul3A_75 : i32 to vector<16xi32>
    %mul3A_77 = arith.muli %add3A_74, %mul3A_76 : vector<16xi32>
    %add3A_78 = arith.addi %add3A_45, %mul3A_77 : vector<16xi32>
    %swap3A_79 = arith.constant 48 : index
    %swap3A_80 = tpu.vector_load %arg9[%swap3A_79] {strides = array<i32>} : memref<128xi32, #tpu.memory_space<vmem>>, vector<16xi32>,
    tpu.vector_store %arg9[%swap3A_79], %add3A_78 {strides = array<i32>} : memref<128xi32, #tpu.memory_space<vmem>>, vector<16xi32>,
    %add3A_81 = arith.constant 64 : i32
    %add3A_82 = vector.broadcast %add3A_81 : i32 to vector<16xi32>
    %add3A_83 = arith.addi %iota3A, %add3A_82 : vector<16xi32>
    %mul3A_84 = arith.constant 147456 : i32
    %mul3A_85 = vector.broadcast %mul3A_84 : i32 to vector<16xi32>
    %mul3A_86 = arith.muli %add3A_83, %mul3A_85 : vector<16xi32>
    %add3A_87 = arith.addi %add3A_45, %mul3A_86 : vector<16xi32>
    %swap3A_88 = arith.constant 64 : index
    %swap3A_89 = tpu.vector_load %arg9[%swap3A_88] {strides = array<i32>} : memref<128xi32, #tpu.memory_space<vmem>>, vector<16xi32>,
    tpu.vector_store %arg9[%swap3A_88], %add3A_87 {strides = array<i32>} : memref<128xi32, #tpu.memory_space<vmem>>, vector<16xi32>,
    %add3A_90 = arith.constant 80 : i32
    %add3A_91 = vector.broadcast %add3A_90 : i32 to vector<16xi32>
    %add3A_92 = arith.addi %iota3A, %add3A_91 : vector<16xi32>
    %mul3A_93 = arith.constant 147456 : i32
    %mul3A_94 = vector.broadcast %mul3A_93 : i32 to vector<16xi32>
    %mul3A_95 = arith.muli %add3A_92, %mul3A_94 : vector<16xi32>
    %add3A_96 = arith.addi %add3A_45, %mul3A_95 : vector<16xi32>
    %swap3A_97 = arith.constant 80 : index
    %swap3A_98 = tpu.vector_load %arg9[%swap3A_97] {strides = array<i32>} : memref<128xi32, #tpu.memory_space<vmem>>, vector<16xi32>,
    tpu.vector_store %arg9[%swap3A_97], %add3A_96 {strides = array<i32>} : memref<128xi32, #tpu.memory_space<vmem>>, vector<16xi32>,
    %add3A_99 = arith.constant 96 : i32
    %add3A_100 = vector.broadcast %add3A_99 : i32 to vector<16xi32>
    %add3A_101 = arith.addi %iota3A, %add3A_100 : vector<16xi32>
    %mul3A_102 = arith.constant 147456 : i32
    %mul3A_103 = vector.broadcast %mul3A_102 : i32 to vector<16xi32>
    %mul3A_104 = arith.muli %add3A_101, %mul3A_103 : vector<16xi32>
    %add3A_105 = arith.addi %add3A_45, %mul3A_104 : vector<16xi32>
    %swap3A_106 = arith.constant 96 : index
    %swap3A_107 = tpu.vector_load %arg9[%swap3A_106] {strides = array<i32>} : memref<128xi32, #tpu.memory_space<vmem>>, vector<16xi32>,
    tpu.vector_store %arg9[%swap3A_106], %add3A_105 {strides = array<i32>} : memref<128xi32, #tpu.memory_space<vmem>>, vector<16xi32>,
    %add3A_108 = arith.constant 112 : i32
    %add3A_109 = vector.broadcast %add3A_108 : i32 to vector<16xi32>
    %add3A_110 = arith.addi %iota3A, %add3A_109 : vector<16xi32>
    %mul3A_111 = arith.constant 147456 : i32
    %mul3A_112 = vector.broadcast %mul3A_111 : i32 to vector<16xi32>
    %mul3A_113 = arith.muli %add3A_110, %mul3A_112 : vector<16xi32>
    %add3A_114 = arith.addi %add3A_45, %mul3A_113 : vector<16xi32>
    %swap3A_115 = arith.constant 112 : index
    %swap3A_116 = tpu.vector_load %arg9[%swap3A_115] {strides = array<i32>} : memref<128xi32, #tpu.memory_space<vmem>>, vector<16xi32>,
    tpu.vector_store %arg9[%swap3A_115], %add3A_114 {strides = array<i32>} : memref<128xi32, #tpu.memory_space<vmem>>, vector<16xi32>,
    %add3A_117 = arith.constant 128 : i32
    %add3A_118 = vector.broadcast %add3A_117 : i32 to vector<16xi32>
    %add3A_119 = arith.addi %iota3A, %add3A_118 : vector<16xi32>
    %mul3A_120 = arith.constant 147456 : i32
    %mul3A_121 = vector.broadcast %mul3A_120 : i32 to vector<16xi32>
    %mul3A_122 = arith.muli %add3A_119, %mul3A_121 : vector<16xi32>
    %add3A_123 = arith.addi %add3A_45, %mul3A_122 : vector<16xi32>
    %swap3A_124 = arith.constant 0 : index
    %swap3A_125 = tpu.vector_load %arg10[%swap3A_124] {strides = array<i32>} : memref<128xi32, #tpu.memory_space<vmem>>, vector<16xi32>,
    tpu.vector_store %arg10[%swap3A_124], %add3A_123 {strides = array<i32>} : memref<128xi32, #tpu.memory_space<vmem>>, vector<16xi32>,
    %add3A_126 = arith.constant 144 : i32
    %add3A_127 = vector.broadcast %add3A_126 : i32 to vector<16xi32>
    %add3A_128 = arith.addi %iota3A, %add3A_127 : vector<16xi32>
    %mul3A_129 = arith.constant 147456 : i32
    %mul3A_130 = vector.broadcast %mul3A_129 : i32 to vector<16xi32>
    %mul3A_131 = arith.muli %add3A_128, %mul3A_130 : vector<16xi32>
    %add3A_132 = arith.addi %add3A_45, %mul3A_131 : vector<16xi32>
    %swap3A_133 = arith.constant 16 : index
    %swap3A_134 = tpu.vector_load %arg10[%swap3A_133] {strides = array<i32>} : memref<128xi32, #tpu.memory_space<vmem>>, vector<16xi32>,
    tpu.vector_store %arg10[%swap3A_133], %add3A_132 {strides = array<i32>} : memref<128xi32, #tpu.memory_space<vmem>>, vector<16xi32>,
    %add3A_135 = arith.constant 160 : i32
    %add3A_136 = vector.broadcast %add3A_135 : i32 to vector<16xi32>
    %add3A_137 = arith.addi %iota3A, %add3A_136 : vector<16xi32>
    %mul3A_138 = arith.constant 147456 : i32
    %mul3A_139 = vector.broadcast %mul3A_138 : i32 to vector<16xi32>
    %mul3A_140 = arith.muli %add3A_137, %mul3A_139 : vector<16xi32>
    %add3A_141 = arith.addi %add3A_45, %mul3A_140 : vector<16xi32>
    %swap3A_142 = arith.constant 32 : index
    %swap3A_143 = tpu.vector_load %arg10[%swap3A_142] {strides = array<i32>} : memref<128xi32, #tpu.memory_space<vmem>>, vector<16xi32>,
    tpu.vector_store %arg10[%swap3A_142], %add3A_141 {strides = array<i32>} : memref<128xi32, #tpu.memory_space<vmem>>, vector<16xi32>,
    %add3A_144 = arith.constant 176 : i32
    %add3A_145 = vector.broadcast %add3A_144 : i32 to vector<16xi32>
    %add3A_146 = arith.addi %iota3A, %add3A_145 : vector<16xi32>
    %mul3A_147 = arith.constant 147456 : i32
    %mul3A_148 = vector.broadcast %mul3A_147 : i32 to vector<16xi32>
    %mul3A_149 = arith.muli %add3A_146, %mul3A_148 : vector<16xi32>
    %add3A_150 = arith.addi %add3A_45, %mul3A_149 : vector<16xi32>
    %swap3A_151 = arith.constant 48 : index
    %swap3A_152 = tpu.vector_load %arg10[%swap3A_151] {strides = array<i32>} : memref<128xi32, #tpu.memory_space<vmem>>, vector<16xi32>,
    tpu.vector_store %arg10[%swap3A_151], %add3A_150 {strides = array<i32>} : memref<128xi32, #tpu.memory_space<vmem>>, vector<16xi32>,
    %add3A_153 = arith.constant 192 : i32
    %add3A_154 = vector.broadcast %add3A_153 : i32 to vector<16xi32>
    %add3A_155 = arith.addi %iota3A, %add3A_154 : vector<16xi32>
    %mul3A_156 = arith.constant 147456 : i32
    %mul3A_157 = vector.broadcast %mul3A_156 : i32 to vector<16xi32>
    %mul3A_158 = arith.muli %add3A_155, %mul3A_157 : vector<16xi32>
    %add3A_159 = arith.addi %add3A_45, %mul3A_158 : vector<16xi32>
    %swap3A_160 = arith.constant 64 : index
    %swap3A_161 = tpu.vector_load %arg10[%swap3A_160] {strides = array<i32>} : memref<128xi32, #tpu.memory_space<vmem>>, vector<16xi32>,
    tpu.vector_store %arg10[%swap3A_160], %add3A_159 {strides = array<i32>} : memref<128xi32, #tpu.memory_space<vmem>>, vector<16xi32>,
    %add3A_162 = arith.constant 208 : i32
    %add3A_163 = vector.broadcast %add3A_162 : i32 to vector<16xi32>
    %add3A_164 = arith.addi %iota3A, %add3A_163 : vector<16xi32>
    %mul3A_165 = arith.constant 147456 : i32
    %mul3A_166 = vector.broadcast %mul3A_165 : i32 to vector<16xi32>
    %mul3A_167 = arith.muli %add3A_164, %mul3A_166 : vector<16xi32>
    %add3A_168 = arith.addi %add3A_45, %mul3A_167 : vector<16xi32>
    %swap3A_169 = arith.constant 80 : index
    %swap3A_170 = tpu.vector_load %arg10[%swap3A_169] {strides = array<i32>} : memref<128xi32, #tpu.memory_space<vmem>>, vector<16xi32>,
    tpu.vector_store %arg10[%swap3A_169], %add3A_168 {strides = array<i32>} : memref<128xi32, #tpu.memory_space<vmem>>, vector<16xi32>,
    %add3A_171 = arith.constant 224 : i32
    %add3A_172 = vector.broadcast %add3A_171 : i32 to vector<16xi32>
    %add3A_173 = arith.addi %iota3A, %add3A_172 : vector<16xi32>
    %mul3A_174 = arith.constant 147456 : i32
    %mul3A_175 = vector.broadcast %mul3A_174 : i32 to vector<16xi32>
    %mul3A_176 = arith.muli %add3A_173, %mul3A_175 : vector<16xi32>
    %add3A_177 = arith.addi %add3A_45, %mul3A_176 : vector<16xi32>
    %swap3A_178 = arith.constant 96 : index
    %swap3A_179 = tpu.vector_load %arg10[%swap3A_178] {strides = array<i32>} : memref<128xi32, #tpu.memory_space<vmem>>, vector<16xi32>,
    tpu.vector_store %arg10[%swap3A_178], %add3A_177 {strides = array<i32>} : memref<128xi32, #tpu.memory_space<vmem>>, vector<16xi32>,
    %add3A_180 = arith.constant 240 : i32
    %add3A_181 = vector.broadcast %add3A_180 : i32 to vector<16xi32>
    %add3A_182 = arith.addi %iota3A, %add3A_181 : vector<16xi32>
    %mul3A_183 = arith.constant 147456 : i32
    %mul3A_184 = vector.broadcast %mul3A_183 : i32 to vector<16xi32>
    %mul3A_185 = arith.muli %add3A_182, %mul3A_184 : vector<16xi32>
    %add3A_186 = arith.addi %add3A_45, %mul3A_185 : vector<16xi32>
    %swap3A_187 = arith.constant 112 : index
    %swap3A_188 = tpu.vector_load %arg10[%swap3A_187] {strides = array<i32>} : memref<128xi32, #tpu.memory_space<vmem>>, vector<16xi32>,
    tpu.vector_store %arg10[%swap3A_187], %add3A_186 {strides = array<i32>} : memref<128xi32, #tpu.memory_space<vmem>>, vector<16xi32>,
    %add3A_189 = arith.constant 256 : i32
    %add3A_190 = vector.broadcast %add3A_189 : i32 to vector<16xi32>
    %add3A_191 = arith.addi %iota3A, %add3A_190 : vector<16xi32>
    %mul3A_192 = arith.constant 147456 : i32
    %mul3A_193 = vector.broadcast %mul3A_192 : i32 to vector<16xi32>
    %mul3A_194 = arith.muli %add3A_191, %mul3A_193 : vector<16xi32>
    %add3A_195 = arith.addi %add3A_45, %mul3A_194 : vector<16xi32>
    %swap3A_196 = arith.constant 0 : index
    %swap3A_197 = tpu.vector_load %arg11[%swap3A_196] {strides = array<i32>} : memref<128xi32, #tpu.memory_space<vmem>>, vector<16xi32>,
    tpu.vector_store %arg11[%swap3A_196], %add3A_195 {strides = array<i32>} : memref<128xi32, #tpu.memory_space<vmem>>, vector<16xi32>,
    %add3A_198 = arith.constant 272 : i32
    %add3A_199 = vector.broadcast %add3A_198 : i32 to vector<16xi32>
    %add3A_200 = arith.addi %iota3A, %add3A_199 : vector<16xi32>
    %mul3A_201 = arith.constant 147456 : i32
    %mul3A_202 = vector.broadcast %mul3A_201 : i32 to vector<16xi32>
    %mul3A_203 = arith.muli %add3A_200, %mul3A_202 : vector<16xi32>
    %add3A_204 = arith.addi %add3A_45, %mul3A_203 : vector<16xi32>
    %swap3A_205 = arith.constant 16 : index
    %swap3A_206 = tpu.vector_load %arg11[%swap3A_205] {strides = array<i32>} : memref<128xi32, #tpu.memory_space<vmem>>, vector<16xi32>,
    tpu.vector_store %arg11[%swap3A_205], %add3A_204 {strides = array<i32>} : memref<128xi32, #tpu.memory_space<vmem>>, vector<16xi32>,
    %add3A_207 = arith.constant 288 : i32
    %add3A_208 = vector.broadcast %add3A_207 : i32 to vector<16xi32>
    %add3A_209 = arith.addi %iota3A, %add3A_208 : vector<16xi32>
    %mul3A_210 = arith.constant 147456 : i32
    %mul3A_211 = vector.broadcast %mul3A_210 : i32 to vector<16xi32>
    %mul3A_212 = arith.muli %add3A_209, %mul3A_211 : vector<16xi32>
    %add3A_213 = arith.addi %add3A_45, %mul3A_212 : vector<16xi32>
    %swap3A_214 = arith.constant 32 : index
    %swap3A_215 = tpu.vector_load %arg11[%swap3A_214] {strides = array<i32>} : memref<128xi32, #tpu.memory_space<vmem>>, vector<16xi32>,
    tpu.vector_store %arg11[%swap3A_214], %add3A_213 {strides = array<i32>} : memref<128xi32, #tpu.memory_space<vmem>>, vector<16xi32>,
    %add3A_216 = arith.constant 304 : i32
    %add3A_217 = vector.broadcast %add3A_216 : i32 to vector<16xi32>
    %add3A_218 = arith.addi %iota3A, %add3A_217 : vector<16xi32>
    %mul3A_219 = arith.constant 147456 : i32
    %mul3A_220 = vector.broadcast %mul3A_219 : i32 to vector<16xi32>
    %mul3A_221 = arith.muli %add3A_218, %mul3A_220 : vector<16xi32>
    %add3A_222 = arith.addi %add3A_45, %mul3A_221 : vector<16xi32>
    %swap3A_223 = arith.constant 48 : index
    %swap3A_224 = tpu.vector_load %arg11[%swap3A_223] {strides = array<i32>} : memref<128xi32, #tpu.memory_space<vmem>>, vector<16xi32>,
    tpu.vector_store %arg11[%swap3A_223], %add3A_222 {strides = array<i32>} : memref<128xi32, #tpu.memory_space<vmem>>, vector<16xi32>,
    %add3A_225 = arith.constant 320 : i32
    %add3A_226 = vector.broadcast %add3A_225 : i32 to vector<16xi32>
    %add3A_227 = arith.addi %iota3A, %add3A_226 : vector<16xi32>
    %mul3A_228 = arith.constant 147456 : i32
    %mul3A_229 = vector.broadcast %mul3A_228 : i32 to vector<16xi32>
    %mul3A_230 = arith.muli %add3A_227, %mul3A_229 : vector<16xi32>
    %add3A_231 = arith.addi %add3A_45, %mul3A_230 : vector<16xi32>
    %swap3A_232 = arith.constant 64 : index
    %swap3A_233 = tpu.vector_load %arg11[%swap3A_232] {strides = array<i32>} : memref<128xi32, #tpu.memory_space<vmem>>, vector<16xi32>,
    tpu.vector_store %arg11[%swap3A_232], %add3A_231 {strides = array<i32>} : memref<128xi32, #tpu.memory_space<vmem>>, vector<16xi32>,
    %add3A_234 = arith.constant 336 : i32
    %add3A_235 = vector.broadcast %add3A_234 : i32 to vector<16xi32>
    %add3A_236 = arith.addi %iota3A, %add3A_235 : vector<16xi32>
    %mul3A_237 = arith.constant 147456 : i32
    %mul3A_238 = vector.broadcast %mul3A_237 : i32 to vector<16xi32>
    %mul3A_239 = arith.muli %add3A_236, %mul3A_238 : vector<16xi32>
    %add3A_240 = arith.addi %add3A_45, %mul3A_239 : vector<16xi32>
    %swap3A_241 = arith.constant 80 : index
    %swap3A_242 = tpu.vector_load %arg11[%swap3A_241] {strides = array<i32>} : memref<128xi32, #tpu.memory_space<vmem>>, vector<16xi32>,
    tpu.vector_store %arg11[%swap3A_241], %add3A_240 {strides = array<i32>} : memref<128xi32, #tpu.memory_space<vmem>>, vector<16xi32>,
    %add3A_243 = arith.constant 352 : i32
    %add3A_244 = vector.broadcast %add3A_243 : i32 to vector<16xi32>
    %add3A_245 = arith.addi %iota3A, %add3A_244 : vector<16xi32>
    %mul3A_246 = arith.constant 147456 : i32
    %mul3A_247 = vector.broadcast %mul3A_246 : i32 to vector<16xi32>
    %mul3A_248 = arith.muli %add3A_245, %mul3A_247 : vector<16xi32>
    %add3A_249 = arith.addi %add3A_45, %mul3A_248 : vector<16xi32>
    %swap3A_250 = arith.constant 96 : index
    %swap3A_251 = tpu.vector_load %arg11[%swap3A_250] {strides = array<i32>} : memref<128xi32, #tpu.memory_space<vmem>>, vector<16xi32>,
    tpu.vector_store %arg11[%swap3A_250], %add3A_249 {strides = array<i32>} : memref<128xi32, #tpu.memory_space<vmem>>, vector<16xi32>,
    %add3A_252 = arith.constant 368 : i32
    %add3A_253 = vector.broadcast %add3A_252 : i32 to vector<16xi32>
    %add3A_254 = arith.addi %iota3A, %add3A_253 : vector<16xi32>
    %mul3A_255 = arith.constant 147456 : i32
    %mul3A_256 = vector.broadcast %mul3A_255 : i32 to vector<16xi32>
    %mul3A_257 = arith.muli %add3A_254, %mul3A_256 : vector<16xi32>
    %add3A_258 = arith.addi %add3A_45, %mul3A_257 : vector<16xi32>
    %swap3A_259 = arith.constant 112 : index
    %swap3A_260 = tpu.vector_load %arg11[%swap3A_259] {strides = array<i32>} : memref<128xi32, #tpu.memory_space<vmem>>, vector<16xi32>,
    tpu.vector_store %arg11[%swap3A_259], %add3A_258 {strides = array<i32>} : memref<128xi32, #tpu.memory_space<vmem>>, vector<16xi32>,
    %mul3A_261 = arith.constant 4 : i32
    %mul3A_262 = arith.muli %add3A, %mul3A_261 : i32
    %add3A_263 = arith.constant 1 : i32
    %add3A_264 = arith.addi %mul3A_262, %add3A_263 : i32
    %broadcast_in_dim3A_265 = vector.broadcast %add3A_264 : i32 to vector<16xi32>
    %get3A_266 = arith.constant 0 : index
    %get3A_267 = tpu.vector_load %arg6[%get3A_266] {strides = array<i32>} : memref<16xi32, #tpu.memory_space<vmem>>, vector<16xi32>,
    %ge3A_268 = arith.constant 64 : i32
    %ge3A_269 = vector.broadcast %ge3A_268 : i32 to vector<16xi32>
    %ge3A_270 = arith.cmpi sge, %broadcast_in_dim3A_265, %ge3A_269 : vector<16xi32>
    %jit3A_271 = arith.constant 56623104 : i32
    %jit3A_272 = arith.constant 0 : i32
    %broadcast_in_dim3A_273 = vector.broadcast %jit3A_271 : i32 to vector<16xi32>
    %broadcast_in_dim3A_274 = vector.broadcast %jit3A_272 : i32 to vector<16xi32>
    %select_n3A_275 = arith.select %ge3A_270, %broadcast_in_dim3A_273, %broadcast_in_dim3A_274 : vector<16xi1>, vector<16xi32>
    %add3A_276 = arith.addi %get3A_267, %select_n3A_275 : vector<16xi32>
    %add3A_277 = arith.constant 0 : i32
    %add3A_278 = vector.broadcast %add3A_277 : i32 to vector<16xi32>
    %add3A_279 = arith.addi %iota3A, %add3A_278 : vector<16xi32>
    %mul3A_280 = arith.constant 147456 : i32
    %mul3A_281 = vector.broadcast %mul3A_280 : i32 to vector<16xi32>
    %mul3A_282 = arith.muli %add3A_279, %mul3A_281 : vector<16xi32>
    %add3A_283 = arith.addi %add3A_276, %mul3A_282 : vector<16xi32>
    %swap3A_284 = arith.constant 0 : index
    %swap3A_285 = tpu.vector_load %arg12[%swap3A_284] {strides = array<i32>} : memref<128xi32, #tpu.memory_space<vmem>>, vector<16xi32>,
    tpu.vector_store %arg12[%swap3A_284], %add3A_283 {strides = array<i32>} : memref<128xi32, #tpu.memory_space<vmem>>, vector<16xi32>,
    %add3A_286 = arith.constant 16 : i32
    %add3A_287 = vector.broadcast %add3A_286 : i32 to vector<16xi32>
    %add3A_288 = arith.addi %iota3A, %add3A_287 : vector<16xi32>
    %mul3A_289 = arith.constant 147456 : i32
    %mul3A_290 = vector.broadcast %mul3A_289 : i32 to vector<16xi32>
    %mul3A_291 = arith.muli %add3A_288, %mul3A_290 : vector<16xi32>
    %add3A_292 = arith.addi %add3A_276, %mul3A_291 : vector<16xi32>
    %swap3A_293 = arith.constant 16 : index
    %swap3A_294 = tpu.vector_load %arg12[%swap3A_293] {strides = array<i32>} : memref<128xi32, #tpu.memory_space<vmem>>, vector<16xi32>,
    tpu.vector_store %arg12[%swap3A_293], %add3A_292 {strides = array<i32>} : memref<128xi32, #tpu.memory_space<vmem>>, vector<16xi32>,
    %add3A_295 = arith.constant 32 : i32
    %add3A_296 = vector.broadcast %add3A_295 : i32 to vector<16xi32>
    %add3A_297 = arith.addi %iota3A, %add3A_296 : vector<16xi32>
    %mul3A_298 = arith.constant 147456 : i32
    %mul3A_299 = vector.broadcast %mul3A_298 : i32 to vector<16xi32>
    %mul3A_300 = arith.muli %add3A_297, %mul3A_299 : vector<16xi32>
    %add3A_301 = arith.addi %add3A_276, %mul3A_300 : vector<16xi32>
    %swap3A_302 = arith.constant 32 : index
    %swap3A_303 = tpu.vector_load %arg12[%swap3A_302] {strides = array<i32>} : memref<128xi32, #tpu.memory_space<vmem>>, vector<16xi32>,
    tpu.vector_store %arg12[%swap3A_302], %add3A_301 {strides = array<i32>} : memref<128xi32, #tpu.memory_space<vmem>>, vector<16xi32>,
    %add3A_304 = arith.constant 48 : i32
    %add3A_305 = vector.broadcast %add3A_304 : i32 to vector<16xi32>
    %add3A_306 = arith.addi %iota3A, %add3A_305 : vector<16xi32>
    %mul3A_307 = arith.constant 147456 : i32
    %mul3A_308 = vector.broadcast %mul3A_307 : i32 to vector<16xi32>
    %mul3A_309 = arith.muli %add3A_306, %mul3A_308 : vector<16xi32>
    %add3A_310 = arith.addi %add3A_276, %mul3A_309 : vector<16xi32>
    %swap3A_311 = arith.constant 48 : index
    %swap3A_312 = tpu.vector_load %arg12[%swap3A_311] {strides = array<i32>} : memref<128xi32, #tpu.memory_space<vmem>>, vector<16xi32>,
    tpu.vector_store %arg12[%swap3A_311], %add3A_310 {strides = array<i32>} : memref<128xi32, #tpu.memory_space<vmem>>, vector<16xi32>,
    %add3A_313 = arith.constant 64 : i32
    %add3A_314 = vector.broadcast %add3A_313 : i32 to vector<16xi32>
    %add3A_315 = arith.addi %iota3A, %add3A_314 : vector<16xi32>
    %mul3A_316 = arith.constant 147456 : i32
    %mul3A_317 = vector.broadcast %mul3A_316 : i32 to vector<16xi32>
    %mul3A_318 = arith.muli %add3A_315, %mul3A_317 : vector<16xi32>
    %add3A_319 = arith.addi %add3A_276, %mul3A_318 : vector<16xi32>
    %swap3A_320 = arith.constant 64 : index
    %swap3A_321 = tpu.vector_load %arg12[%swap3A_320] {strides = array<i32>} : memref<128xi32, #tpu.memory_space<vmem>>, vector<16xi32>,
    tpu.vector_store %arg12[%swap3A_320], %add3A_319 {strides = array<i32>} : memref<128xi32, #tpu.memory_space<vmem>>, vector<16xi32>,
    %add3A_322 = arith.constant 80 : i32
    %add3A_323 = vector.broadcast %add3A_322 : i32 to vector<16xi32>
    %add3A_324 = arith.addi %iota3A, %add3A_323 : vector<16xi32>
    %mul3A_325 = arith.constant 147456 : i32
    %mul3A_326 = vector.broadcast %mul3A_325 : i32 to vector<16xi32>
    %mul3A_327 = arith.muli %add3A_324, %mul3A_326 : vector<16xi32>
    %add3A_328 = arith.addi %add3A_276, %mul3A_327 : vector<16xi32>
    %swap3A_329 = arith.constant 80 : index
    %swap3A_330 = tpu.vector_load %arg12[%swap3A_329] {strides = array<i32>} : memref<128xi32, #tpu.memory_space<vmem>>, vector<16xi32>,
    tpu.vector_store %arg12[%swap3A_329], %add3A_328 {strides = array<i32>} : memref<128xi32, #tpu.memory_space<vmem>>, vector<16xi32>,
    %add3A_331 = arith.constant 96 : i32
    %add3A_332 = vector.broadcast %add3A_331 : i32 to vector<16xi32>
    %add3A_333 = arith.addi %iota3A, %add3A_332 : vector<16xi32>
    %mul3A_334 = arith.constant 147456 : i32
    %mul3A_335 = vector.broadcast %mul3A_334 : i32 to vector<16xi32>
    %mul3A_336 = arith.muli %add3A_333, %mul3A_335 : vector<16xi32>
    %add3A_337 = arith.addi %add3A_276, %mul3A_336 : vector<16xi32>
    %swap3A_338 = arith.constant 96 : index
    %swap3A_339 = tpu.vector_load %arg12[%swap3A_338] {strides = array<i32>} : memref<128xi32, #tpu.memory_space<vmem>>, vector<16xi32>,
    tpu.vector_store %arg12[%swap3A_338], %add3A_337 {strides = array<i32>} : memref<128xi32, #tpu.memory_space<vmem>>, vector<16xi32>,
    %add3A_340 = arith.constant 112 : i32
    %add3A_341 = vector.broadcast %add3A_340 : i32 to vector<16xi32>
    %add3A_342 = arith.addi %iota3A, %add3A_341 : vector<16xi32>
    %mul3A_343 = arith.constant 147456 : i32
    %mul3A_344 = vector.broadcast %mul3A_343 : i32 to vector<16xi32>
    %mul3A_345 = arith.muli %add3A_342, %mul3A_344 : vector<16xi32>
    %add3A_346 = arith.addi %add3A_276, %mul3A_345 : vector<16xi32>
    %swap3A_347 = arith.constant 112 : index
    %swap3A_348 = tpu.vector_load %arg12[%swap3A_347] {strides = array<i32>} : memref<128xi32, #tpu.memory_space<vmem>>, vector<16xi32>,
    tpu.vector_store %arg12[%swap3A_347], %add3A_346 {strides = array<i32>} : memref<128xi32, #tpu.memory_space<vmem>>, vector<16xi32>,
    %add3A_349 = arith.constant 128 : i32
    %add3A_350 = vector.broadcast %add3A_349 : i32 to vector<16xi32>
    %add3A_351 = arith.addi %iota3A, %add3A_350 : vector<16xi32>
    %mul3A_352 = arith.constant 147456 : i32
    %mul3A_353 = vector.broadcast %mul3A_352 : i32 to vector<16xi32>
    %mul3A_354 = arith.muli %add3A_351, %mul3A_353 : vector<16xi32>
    %add3A_355 = arith.addi %add3A_276, %mul3A_354 : vector<16xi32>
    %swap3A_356 = arith.constant 0 : index
    %swap3A_357 = tpu.vector_load %arg13[%swap3A_356] {strides = array<i32>} : memref<128xi32, #tpu.memory_space<vmem>>, vector<16xi32>,
    tpu.vector_store %arg13[%swap3A_356], %add3A_355 {strides = array<i32>} : memref<128xi32, #tpu.memory_space<vmem>>, vector<16xi32>,
    %add3A_358 = arith.constant 144 : i32
    %add3A_359 = vector.broadcast %add3A_358 : i32 to vector<16xi32>
    %add3A_360 = arith.addi %iota3A, %add3A_359 : vector<16xi32>
    %mul3A_361 = arith.constant 147456 : i32
    %mul3A_362 = vector.broadcast %mul3A_361 : i32 to vector<16xi32>
    %mul3A_363 = arith.muli %add3A_360, %mul3A_362 : vector<16xi32>
    %add3A_364 = arith.addi %add3A_276, %mul3A_363 : vector<16xi32>
    %swap3A_365 = arith.constant 16 : index
    %swap3A_366 = tpu.vector_load %arg13[%swap3A_365] {strides = array<i32>} : memref<128xi32, #tpu.memory_space<vmem>>, vector<16xi32>,
    tpu.vector_store %arg13[%swap3A_365], %add3A_364 {strides = array<i32>} : memref<128xi32, #tpu.memory_space<vmem>>, vector<16xi32>,
    %add3A_367 = arith.constant 160 : i32
    %add3A_368 = vector.broadcast %add3A_367 : i32 to vector<16xi32>
    %add3A_369 = arith.addi %iota3A, %add3A_368 : vector<16xi32>
    %mul3A_370 = arith.constant 147456 : i32
    %mul3A_371 = vector.broadcast %mul3A_370 : i32 to vector<16xi32>
    %mul3A_372 = arith.muli %add3A_369, %mul3A_371 : vector<16xi32>
    %add3A_373 = arith.addi %add3A_276, %mul3A_372 : vector<16xi32>
    %swap3A_374 = arith.constant 32 : index
    %swap3A_375 = tpu.vector_load %arg13[%swap3A_374] {strides = array<i32>} : memref<128xi32, #tpu.memory_space<vmem>>, vector<16xi32>,
    tpu.vector_store %arg13[%swap3A_374], %add3A_373 {strides = array<i32>} : memref<128xi32, #tpu.memory_space<vmem>>, vector<16xi32>,
    %add3A_376 = arith.constant 176 : i32
    %add3A_377 = vector.broadcast %add3A_376 : i32 to vector<16xi32>
    %add3A_378 = arith.addi %iota3A, %add3A_377 : vector<16xi32>
    %mul3A_379 = arith.constant 147456 : i32
    %mul3A_380 = vector.broadcast %mul3A_379 : i32 to vector<16xi32>
    %mul3A_381 = arith.muli %add3A_378, %mul3A_380 : vector<16xi32>
    %add3A_382 = arith.addi %add3A_276, %mul3A_381 : vector<16xi32>
    %swap3A_383 = arith.constant 48 : index
    %swap3A_384 = tpu.vector_load %arg13[%swap3A_383] {strides = array<i32>} : memref<128xi32, #tpu.memory_space<vmem>>, vector<16xi32>,
    tpu.vector_store %arg13[%swap3A_383], %add3A_382 {strides = array<i32>} : memref<128xi32, #tpu.memory_space<vmem>>, vector<16xi32>,
    %add3A_385 = arith.constant 192 : i32
    %add3A_386 = vector.broadcast %add3A_385 : i32 to vector<16xi32>
    %add3A_387 = arith.addi %iota3A, %add3A_386 : vector<16xi32>
    %mul3A_388 = arith.constant 147456 : i32
    %mul3A_389 = vector.broadcast %mul3A_388 : i32 to vector<16xi32>
    %mul3A_390 = arith.muli %add3A_387, %mul3A_389 : vector<16xi32>
    %add3A_391 = arith.addi %add3A_276, %mul3A_390 : vector<16xi32>
    %swap3A_392 = arith.constant 64 : index
    %swap3A_393 = tpu.vector_load %arg13[%swap3A_392] {strides = array<i32>} : memref<128xi32, #tpu.memory_space<vmem>>, vector<16xi32>,
    tpu.vector_store %arg13[%swap3A_392], %add3A_391 {strides = array<i32>} : memref<128xi32, #tpu.memory_space<vmem>>, vector<16xi32>,
    %add3A_394 = arith.constant 208 : i32
    %add3A_395 = vector.broadcast %add3A_394 : i32 to vector<16xi32>
    %add3A_396 = arith.addi %iota3A, %add3A_395 : vector<16xi32>
    %mul3A_397 = arith.constant 147456 : i32
    %mul3A_398 = vector.broadcast %mul3A_397 : i32 to vector<16xi32>
    %mul3A_399 = arith.muli %add3A_396, %mul3A_398 : vector<16xi32>
    %add3A_400 = arith.addi %add3A_276, %mul3A_399 : vector<16xi32>
    %swap3A_401 = arith.constant 80 : index
    %swap3A_402 = tpu.vector_load %arg13[%swap3A_401] {strides = array<i32>} : memref<128xi32, #tpu.memory_space<vmem>>, vector<16xi32>,
    tpu.vector_store %arg13[%swap3A_401], %add3A_400 {strides = array<i32>} : memref<128xi32, #tpu.memory_space<vmem>>, vector<16xi32>,
    %add3A_403 = arith.constant 224 : i32
    %add3A_404 = vector.broadcast %add3A_403 : i32 to vector<16xi32>
    %add3A_405 = arith.addi %iota3A, %add3A_404 : vector<16xi32>
    %mul3A_406 = arith.constant 147456 : i32
    %mul3A_407 = vector.broadcast %mul3A_406 : i32 to vector<16xi32>
    %mul3A_408 = arith.muli %add3A_405, %mul3A_407 : vector<16xi32>
    %add3A_409 = arith.addi %add3A_276, %mul3A_408 : vector<16xi32>
    %swap3A_410 = arith.constant 96 : index
    %swap3A_411 = tpu.vector_load %arg13[%swap3A_410] {strides = array<i32>} : memref<128xi32, #tpu.memory_space<vmem>>, vector<16xi32>,
    tpu.vector_store %arg13[%swap3A_410], %add3A_409 {strides = array<i32>} : memref<128xi32, #tpu.memory_space<vmem>>, vector<16xi32>,
    %add3A_412 = arith.constant 240 : i32
    %add3A_413 = vector.broadcast %add3A_412 : i32 to vector<16xi32>
    %add3A_414 = arith.addi %iota3A, %add3A_413 : vector<16xi32>
    %mul3A_415 = arith.constant 147456 : i32
    %mul3A_416 = vector.broadcast %mul3A_415 : i32 to vector<16xi32>
    %mul3A_417 = arith.muli %add3A_414, %mul3A_416 : vector<16xi32>
    %add3A_418 = arith.addi %add3A_276, %mul3A_417 : vector<16xi32>
    %swap3A_419 = arith.constant 112 : index
    %swap3A_420 = tpu.vector_load %arg13[%swap3A_419] {strides = array<i32>} : memref<128xi32, #tpu.memory_space<vmem>>, vector<16xi32>,
    tpu.vector_store %arg13[%swap3A_419], %add3A_418 {strides = array<i32>} : memref<128xi32, #tpu.memory_space<vmem>>, vector<16xi32>,
    %add3A_421 = arith.constant 256 : i32
    %add3A_422 = vector.broadcast %add3A_421 : i32 to vector<16xi32>
    %add3A_423 = arith.addi %iota3A, %add3A_422 : vector<16xi32>
    %mul3A_424 = arith.constant 147456 : i32
    %mul3A_425 = vector.broadcast %mul3A_424 : i32 to vector<16xi32>
    %mul3A_426 = arith.muli %add3A_423, %mul3A_425 : vector<16xi32>
    %add3A_427 = arith.addi %add3A_276, %mul3A_426 : vector<16xi32>
    %swap3A_428 = arith.constant 0 : index
    %swap3A_429 = tpu.vector_load %arg14[%swap3A_428] {strides = array<i32>} : memref<128xi32, #tpu.memory_space<vmem>>, vector<16xi32>,
    tpu.vector_store %arg14[%swap3A_428], %add3A_427 {strides = array<i32>} : memref<128xi32, #tpu.memory_space<vmem>>, vector<16xi32>,
    %add3A_430 = arith.constant 272 : i32
    %add3A_431 = vector.broadcast %add3A_430 : i32 to vector<16xi32>
    %add3A_432 = arith.addi %iota3A, %add3A_431 : vector<16xi32>
    %mul3A_433 = arith.constant 147456 : i32
    %mul3A_434 = vector.broadcast %mul3A_433 : i32 to vector<16xi32>
    %mul3A_435 = arith.muli %add3A_432, %mul3A_434 : vector<16xi32>
    %add3A_436 = arith.addi %add3A_276, %mul3A_435 : vector<16xi32>
    %swap3A_437 = arith.constant 16 : index
    %swap3A_438 = tpu.vector_load %arg14[%swap3A_437] {strides = array<i32>} : memref<128xi32, #tpu.memory_space<vmem>>, vector<16xi32>,
    tpu.vector_store %arg14[%swap3A_437], %add3A_436 {strides = array<i32>} : memref<128xi32, #tpu.memory_space<vmem>>, vector<16xi32>,
    %add3A_439 = arith.constant 288 : i32
    %add3A_440 = vector.broadcast %add3A_439 : i32 to vector<16xi32>
    %add3A_441 = arith.addi %iota3A, %add3A_440 : vector<16xi32>
    %mul3A_442 = arith.constant 147456 : i32
    %mul3A_443 = vector.broadcast %mul3A_442 : i32 to vector<16xi32>
    %mul3A_444 = arith.muli %add3A_441, %mul3A_443 : vector<16xi32>
    %add3A_445 = arith.addi %add3A_276, %mul3A_444 : vector<16xi32>
    %swap3A_446 = arith.constant 32 : index
    %swap3A_447 = tpu.vector_load %arg14[%swap3A_446] {strides = array<i32>} : memref<128xi32, #tpu.memory_space<vmem>>, vector<16xi32>,
    tpu.vector_store %arg14[%swap3A_446], %add3A_445 {strides = array<i32>} : memref<128xi32, #tpu.memory_space<vmem>>, vector<16xi32>,
    %add3A_448 = arith.constant 304 : i32
    %add3A_449 = vector.broadcast %add3A_448 : i32 to vector<16xi32>
    %add3A_450 = arith.addi %iota3A, %add3A_449 : vector<16xi32>
    %mul3A_451 = arith.constant 147456 : i32
    %mul3A_452 = vector.broadcast %mul3A_451 : i32 to vector<16xi32>
    %mul3A_453 = arith.muli %add3A_450, %mul3A_452 : vector<16xi32>
    %add3A_454 = arith.addi %add3A_276, %mul3A_453 : vector<16xi32>
    %swap3A_455 = arith.constant 48 : index
    %swap3A_456 = tpu.vector_load %arg14[%swap3A_455] {strides = array<i32>} : memref<128xi32, #tpu.memory_space<vmem>>, vector<16xi32>,
    tpu.vector_store %arg14[%swap3A_455], %add3A_454 {strides = array<i32>} : memref<128xi32, #tpu.memory_space<vmem>>, vector<16xi32>,
    %add3A_457 = arith.constant 320 : i32
    %add3A_458 = vector.broadcast %add3A_457 : i32 to vector<16xi32>
    %add3A_459 = arith.addi %iota3A, %add3A_458 : vector<16xi32>
    %mul3A_460 = arith.constant 147456 : i32
    %mul3A_461 = vector.broadcast %mul3A_460 : i32 to vector<16xi32>
    %mul3A_462 = arith.muli %add3A_459, %mul3A_461 : vector<16xi32>
    %add3A_463 = arith.addi %add3A_276, %mul3A_462 : vector<16xi32>
    %swap3A_464 = arith.constant 64 : index
    %swap3A_465 = tpu.vector_load %arg14[%swap3A_464] {strides = array<i32>} : memref<128xi32, #tpu.memory_space<vmem>>, vector<16xi32>,
    tpu.vector_store %arg14[%swap3A_464], %add3A_463 {strides = array<i32>} : memref<128xi32, #tpu.memory_space<vmem>>, vector<16xi32>,
    %add3A_466 = arith.constant 336 : i32
    %add3A_467 = vector.broadcast %add3A_466 : i32 to vector<16xi32>
    %add3A_468 = arith.addi %iota3A, %add3A_467 : vector<16xi32>
    %mul3A_469 = arith.constant 147456 : i32
    %mul3A_470 = vector.broadcast %mul3A_469 : i32 to vector<16xi32>
    %mul3A_471 = arith.muli %add3A_468, %mul3A_470 : vector<16xi32>
    %add3A_472 = arith.addi %add3A_276, %mul3A_471 : vector<16xi32>
    %swap3A_473 = arith.constant 80 : index
    %swap3A_474 = tpu.vector_load %arg14[%swap3A_473] {strides = array<i32>} : memref<128xi32, #tpu.memory_space<vmem>>, vector<16xi32>,
    tpu.vector_store %arg14[%swap3A_473], %add3A_472 {strides = array<i32>} : memref<128xi32, #tpu.memory_space<vmem>>, vector<16xi32>,
    %add3A_475 = arith.constant 352 : i32
    %add3A_476 = vector.broadcast %add3A_475 : i32 to vector<16xi32>
    %add3A_477 = arith.addi %iota3A, %add3A_476 : vector<16xi32>
    %mul3A_478 = arith.constant 147456 : i32
    %mul3A_479 = vector.broadcast %mul3A_478 : i32 to vector<16xi32>
    %mul3A_480 = arith.muli %add3A_477, %mul3A_479 : vector<16xi32>
    %add3A_481 = arith.addi %add3A_276, %mul3A_480 : vector<16xi32>
    %swap3A_482 = arith.constant 96 : index
    %swap3A_483 = tpu.vector_load %arg14[%swap3A_482] {strides = array<i32>} : memref<128xi32, #tpu.memory_space<vmem>>, vector<16xi32>,
    tpu.vector_store %arg14[%swap3A_482], %add3A_481 {strides = array<i32>} : memref<128xi32, #tpu.memory_space<vmem>>, vector<16xi32>,
    %add3A_484 = arith.constant 368 : i32
    %add3A_485 = vector.broadcast %add3A_484 : i32 to vector<16xi32>
    %add3A_486 = arith.addi %iota3A, %add3A_485 : vector<16xi32>
    %mul3A_487 = arith.constant 147456 : i32
    %mul3A_488 = vector.broadcast %mul3A_487 : i32 to vector<16xi32>
    %mul3A_489 = arith.muli %add3A_486, %mul3A_488 : vector<16xi32>
    %add3A_490 = arith.addi %add3A_276, %mul3A_489 : vector<16xi32>
    %swap3A_491 = arith.constant 112 : index
    %swap3A_492 = tpu.vector_load %arg14[%swap3A_491] {strides = array<i32>} : memref<128xi32, #tpu.memory_space<vmem>>, vector<16xi32>,
    tpu.vector_store %arg14[%swap3A_491], %add3A_490 {strides = array<i32>} : memref<128xi32, #tpu.memory_space<vmem>>, vector<16xi32>,
    %mul3A_493 = arith.constant 4 : i32
    %mul3A_494 = arith.muli %add3A, %mul3A_493 : i32
    %add3A_495 = arith.constant 2 : i32
    %add3A_496 = arith.addi %mul3A_494, %add3A_495 : i32
    %broadcast_in_dim3A_497 = vector.broadcast %add3A_496 : i32 to vector<16xi32>
    %get3A_498 = arith.constant 0 : index
    %get3A_499 = tpu.vector_load %arg7[%get3A_498] {strides = array<i32>} : memref<16xi32, #tpu.memory_space<vmem>>, vector<16xi32>,
    %ge3A_500 = arith.constant 64 : i32
    %ge3A_501 = vector.broadcast %ge3A_500 : i32 to vector<16xi32>
    %ge3A_502 = arith.cmpi sge, %broadcast_in_dim3A_497, %ge3A_501 : vector<16xi32>
    %jit3A_503 = arith.constant 56623104 : i32
    %jit3A_504 = arith.constant 0 : i32
    %broadcast_in_dim3A_505 = vector.broadcast %jit3A_503 : i32 to vector<16xi32>
    %broadcast_in_dim3A_506 = vector.broadcast %jit3A_504 : i32 to vector<16xi32>
    %select_n3A_507 = arith.select %ge3A_502, %broadcast_in_dim3A_505, %broadcast_in_dim3A_506 : vector<16xi1>, vector<16xi32>
    %add3A_508 = arith.addi %get3A_499, %select_n3A_507 : vector<16xi32>
    %add3A_509 = arith.constant 0 : i32
    %add3A_510 = vector.broadcast %add3A_509 : i32 to vector<16xi32>
    %add3A_511 = arith.addi %iota3A, %add3A_510 : vector<16xi32>
    %mul3A_512 = arith.constant 147456 : i32
    %mul3A_513 = vector.broadcast %mul3A_512 : i32 to vector<16xi32>
    %mul3A_514 = arith.muli %add3A_511, %mul3A_513 : vector<16xi32>
    %add3A_515 = arith.addi %add3A_508, %mul3A_514 : vector<16xi32>
    %swap3A_516 = arith.constant 0 : index
    %swap3A_517 = tpu.vector_load %arg15[%swap3A_516] {strides = array<i32>} : memref<128xi32, #tpu.memory_space<vmem>>, vector<16xi32>,
    tpu.vector_store %arg15[%swap3A_516], %add3A_515 {strides = array<i32>} : memref<128xi32, #tpu.memory_space<vmem>>, vector<16xi32>,
    %add3A_518 = arith.constant 16 : i32
    %add3A_519 = vector.broadcast %add3A_518 : i32 to vector<16xi32>
    %add3A_520 = arith.addi %iota3A, %add3A_519 : vector<16xi32>
    %mul3A_521 = arith.constant 147456 : i32
    %mul3A_522 = vector.broadcast %mul3A_521 : i32 to vector<16xi32>
    %mul3A_523 = arith.muli %add3A_520, %mul3A_522 : vector<16xi32>
    %add3A_524 = arith.addi %add3A_508, %mul3A_523 : vector<16xi32>
    %swap3A_525 = arith.constant 16 : index
    %swap3A_526 = tpu.vector_load %arg15[%swap3A_525] {strides = array<i32>} : memref<128xi32, #tpu.memory_space<vmem>>, vector<16xi32>,
    tpu.vector_store %arg15[%swap3A_525], %add3A_524 {strides = array<i32>} : memref<128xi32, #tpu.memory_space<vmem>>, vector<16xi32>,
    %add3A_527 = arith.constant 32 : i32
    %add3A_528 = vector.broadcast %add3A_527 : i32 to vector<16xi32>
    %add3A_529 = arith.addi %iota3A, %add3A_528 : vector<16xi32>
    %mul3A_530 = arith.constant 147456 : i32
    %mul3A_531 = vector.broadcast %mul3A_530 : i32 to vector<16xi32>
    %mul3A_532 = arith.muli %add3A_529, %mul3A_531 : vector<16xi32>
    %add3A_533 = arith.addi %add3A_508, %mul3A_532 : vector<16xi32>
    %swap3A_534 = arith.constant 32 : index
    %swap3A_535 = tpu.vector_load %arg15[%swap3A_534] {strides = array<i32>} : memref<128xi32, #tpu.memory_space<vmem>>, vector<16xi32>,
    tpu.vector_store %arg15[%swap3A_534], %add3A_533 {strides = array<i32>} : memref<128xi32, #tpu.memory_space<vmem>>, vector<16xi32>,
    %add3A_536 = arith.constant 48 : i32
    %add3A_537 = vector.broadcast %add3A_536 : i32 to vector<16xi32>
    %add3A_538 = arith.addi %iota3A, %add3A_537 : vector<16xi32>
    %mul3A_539 = arith.constant 147456 : i32
    %mul3A_540 = vector.broadcast %mul3A_539 : i32 to vector<16xi32>
    %mul3A_541 = arith.muli %add3A_538, %mul3A_540 : vector<16xi32>
    %add3A_542 = arith.addi %add3A_508, %mul3A_541 : vector<16xi32>
    %swap3A_543 = arith.constant 48 : index
    %swap3A_544 = tpu.vector_load %arg15[%swap3A_543] {strides = array<i32>} : memref<128xi32, #tpu.memory_space<vmem>>, vector<16xi32>,
    tpu.vector_store %arg15[%swap3A_543], %add3A_542 {strides = array<i32>} : memref<128xi32, #tpu.memory_space<vmem>>, vector<16xi32>,
    %add3A_545 = arith.constant 64 : i32
    %add3A_546 = vector.broadcast %add3A_545 : i32 to vector<16xi32>
    %add3A_547 = arith.addi %iota3A, %add3A_546 : vector<16xi32>
    %mul3A_548 = arith.constant 147456 : i32
    %mul3A_549 = vector.broadcast %mul3A_548 : i32 to vector<16xi32>
    %mul3A_550 = arith.muli %add3A_547, %mul3A_549 : vector<16xi32>
    %add3A_551 = arith.addi %add3A_508, %mul3A_550 : vector<16xi32>
    %swap3A_552 = arith.constant 64 : index
    %swap3A_553 = tpu.vector_load %arg15[%swap3A_552] {strides = array<i32>} : memref<128xi32, #tpu.memory_space<vmem>>, vector<16xi32>,
    tpu.vector_store %arg15[%swap3A_552], %add3A_551 {strides = array<i32>} : memref<128xi32, #tpu.memory_space<vmem>>, vector<16xi32>,
    %add3A_554 = arith.constant 80 : i32
    %add3A_555 = vector.broadcast %add3A_554 : i32 to vector<16xi32>
    %add3A_556 = arith.addi %iota3A, %add3A_555 : vector<16xi32>
    %mul3A_557 = arith.constant 147456 : i32
    %mul3A_558 = vector.broadcast %mul3A_557 : i32 to vector<16xi32>
    %mul3A_559 = arith.muli %add3A_556, %mul3A_558 : vector<16xi32>
    %add3A_560 = arith.addi %add3A_508, %mul3A_559 : vector<16xi32>
    %swap3A_561 = arith.constant 80 : index
    %swap3A_562 = tpu.vector_load %arg15[%swap3A_561] {strides = array<i32>} : memref<128xi32, #tpu.memory_space<vmem>>, vector<16xi32>,
    tpu.vector_store %arg15[%swap3A_561], %add3A_560 {strides = array<i32>} : memref<128xi32, #tpu.memory_space<vmem>>, vector<16xi32>,
    %add3A_563 = arith.constant 96 : i32
    %add3A_564 = vector.broadcast %add3A_563 : i32 to vector<16xi32>
    %add3A_565 = arith.addi %iota3A, %add3A_564 : vector<16xi32>
    %mul3A_566 = arith.constant 147456 : i32
    %mul3A_567 = vector.broadcast %mul3A_566 : i32 to vector<16xi32>
    %mul3A_568 = arith.muli %add3A_565, %mul3A_567 : vector<16xi32>
    %add3A_569 = arith.addi %add3A_508, %mul3A_568 : vector<16xi32>
    %swap3A_570 = arith.constant 96 : index
    %swap3A_571 = tpu.vector_load %arg15[%swap3A_570] {strides = array<i32>} : memref<128xi32, #tpu.memory_space<vmem>>, vector<16xi32>,
    tpu.vector_store %arg15[%swap3A_570], %add3A_569 {strides = array<i32>} : memref<128xi32, #tpu.memory_space<vmem>>, vector<16xi32>,
    %add3A_572 = arith.constant 112 : i32
    %add3A_573 = vector.broadcast %add3A_572 : i32 to vector<16xi32>
    %add3A_574 = arith.addi %iota3A, %add3A_573 : vector<16xi32>
    %mul3A_575 = arith.constant 147456 : i32
    %mul3A_576 = vector.broadcast %mul3A_575 : i32 to vector<16xi32>
    %mul3A_577 = arith.muli %add3A_574, %mul3A_576 : vector<16xi32>
    %add3A_578 = arith.addi %add3A_508, %mul3A_577 : vector<16xi32>
    %swap3A_579 = arith.constant 112 : index
    %swap3A_580 = tpu.vector_load %arg15[%swap3A_579] {strides = array<i32>} : memref<128xi32, #tpu.memory_space<vmem>>, vector<16xi32>,
    tpu.vector_store %arg15[%swap3A_579], %add3A_578 {strides = array<i32>} : memref<128xi32, #tpu.memory_space<vmem>>, vector<16xi32>,
    %add3A_581 = arith.constant 128 : i32
    %add3A_582 = vector.broadcast %add3A_581 : i32 to vector<16xi32>
    %add3A_583 = arith.addi %iota3A, %add3A_582 : vector<16xi32>
    %mul3A_584 = arith.constant 147456 : i32
    %mul3A_585 = vector.broadcast %mul3A_584 : i32 to vector<16xi32>
    %mul3A_586 = arith.muli %add3A_583, %mul3A_585 : vector<16xi32>
    %add3A_587 = arith.addi %add3A_508, %mul3A_586 : vector<16xi32>
    %swap3A_588 = arith.constant 0 : index
    %swap3A_589 = tpu.vector_load %arg16[%swap3A_588] {strides = array<i32>} : memref<128xi32, #tpu.memory_space<vmem>>, vector<16xi32>,
    tpu.vector_store %arg16[%swap3A_588], %add3A_587 {strides = array<i32>} : memref<128xi32, #tpu.memory_space<vmem>>, vector<16xi32>,
    %add3A_590 = arith.constant 144 : i32
    %add3A_591 = vector.broadcast %add3A_590 : i32 to vector<16xi32>
    %add3A_592 = arith.addi %iota3A, %add3A_591 : vector<16xi32>
    %mul3A_593 = arith.constant 147456 : i32
    %mul3A_594 = vector.broadcast %mul3A_593 : i32 to vector<16xi32>
    %mul3A_595 = arith.muli %add3A_592, %mul3A_594 : vector<16xi32>
    %add3A_596 = arith.addi %add3A_508, %mul3A_595 : vector<16xi32>
    %swap3A_597 = arith.constant 16 : index
    %swap3A_598 = tpu.vector_load %arg16[%swap3A_597] {strides = array<i32>} : memref<128xi32, #tpu.memory_space<vmem>>, vector<16xi32>,
    tpu.vector_store %arg16[%swap3A_597], %add3A_596 {strides = array<i32>} : memref<128xi32, #tpu.memory_space<vmem>>, vector<16xi32>,
    %add3A_599 = arith.constant 160 : i32
    %add3A_600 = vector.broadcast %add3A_599 : i32 to vector<16xi32>
    %add3A_601 = arith.addi %iota3A, %add3A_600 : vector<16xi32>
    %mul3A_602 = arith.constant 147456 : i32
    %mul3A_603 = vector.broadcast %mul3A_602 : i32 to vector<16xi32>
    %mul3A_604 = arith.muli %add3A_601, %mul3A_603 : vector<16xi32>
    %add3A_605 = arith.addi %add3A_508, %mul3A_604 : vector<16xi32>
    %swap3A_606 = arith.constant 32 : index
    %swap3A_607 = tpu.vector_load %arg16[%swap3A_606] {strides = array<i32>} : memref<128xi32, #tpu.memory_space<vmem>>, vector<16xi32>,
    tpu.vector_store %arg16[%swap3A_606], %add3A_605 {strides = array<i32>} : memref<128xi32, #tpu.memory_space<vmem>>, vector<16xi32>,
    %add3A_608 = arith.constant 176 : i32
    %add3A_609 = vector.broadcast %add3A_608 : i32 to vector<16xi32>
    %add3A_610 = arith.addi %iota3A, %add3A_609 : vector<16xi32>
    %mul3A_611 = arith.constant 147456 : i32
    %mul3A_612 = vector.broadcast %mul3A_611 : i32 to vector<16xi32>
    %mul3A_613 = arith.muli %add3A_610, %mul3A_612 : vector<16xi32>
    %add3A_614 = arith.addi %add3A_508, %mul3A_613 : vector<16xi32>
    %swap3A_615 = arith.constant 48 : index
    %swap3A_616 = tpu.vector_load %arg16[%swap3A_615] {strides = array<i32>} : memref<128xi32, #tpu.memory_space<vmem>>, vector<16xi32>,
    tpu.vector_store %arg16[%swap3A_615], %add3A_614 {strides = array<i32>} : memref<128xi32, #tpu.memory_space<vmem>>, vector<16xi32>,
    %add3A_617 = arith.constant 192 : i32
    %add3A_618 = vector.broadcast %add3A_617 : i32 to vector<16xi32>
    %add3A_619 = arith.addi %iota3A, %add3A_618 : vector<16xi32>
    %mul3A_620 = arith.constant 147456 : i32
    %mul3A_621 = vector.broadcast %mul3A_620 : i32 to vector<16xi32>
    %mul3A_622 = arith.muli %add3A_619, %mul3A_621 : vector<16xi32>
    %add3A_623 = arith.addi %add3A_508, %mul3A_622 : vector<16xi32>
    %swap3A_624 = arith.constant 64 : index
    %swap3A_625 = tpu.vector_load %arg16[%swap3A_624] {strides = array<i32>} : memref<128xi32, #tpu.memory_space<vmem>>, vector<16xi32>,
    tpu.vector_store %arg16[%swap3A_624], %add3A_623 {strides = array<i32>} : memref<128xi32, #tpu.memory_space<vmem>>, vector<16xi32>,
    %add3A_626 = arith.constant 208 : i32
    %add3A_627 = vector.broadcast %add3A_626 : i32 to vector<16xi32>
    %add3A_628 = arith.addi %iota3A, %add3A_627 : vector<16xi32>
    %mul3A_629 = arith.constant 147456 : i32
    %mul3A_630 = vector.broadcast %mul3A_629 : i32 to vector<16xi32>
    %mul3A_631 = arith.muli %add3A_628, %mul3A_630 : vector<16xi32>
    %add3A_632 = arith.addi %add3A_508, %mul3A_631 : vector<16xi32>
    %swap3A_633 = arith.constant 80 : index
    %swap3A_634 = tpu.vector_load %arg16[%swap3A_633] {strides = array<i32>} : memref<128xi32, #tpu.memory_space<vmem>>, vector<16xi32>,
    tpu.vector_store %arg16[%swap3A_633], %add3A_632 {strides = array<i32>} : memref<128xi32, #tpu.memory_space<vmem>>, vector<16xi32>,
    %add3A_635 = arith.constant 224 : i32
    %add3A_636 = vector.broadcast %add3A_635 : i32 to vector<16xi32>
    %add3A_637 = arith.addi %iota3A, %add3A_636 : vector<16xi32>
    %mul3A_638 = arith.constant 147456 : i32
    %mul3A_639 = vector.broadcast %mul3A_638 : i32 to vector<16xi32>
    %mul3A_640 = arith.muli %add3A_637, %mul3A_639 : vector<16xi32>
    %add3A_641 = arith.addi %add3A_508, %mul3A_640 : vector<16xi32>
    %swap3A_642 = arith.constant 96 : index
    %swap3A_643 = tpu.vector_load %arg16[%swap3A_642] {strides = array<i32>} : memref<128xi32, #tpu.memory_space<vmem>>, vector<16xi32>,
    tpu.vector_store %arg16[%swap3A_642], %add3A_641 {strides = array<i32>} : memref<128xi32, #tpu.memory_space<vmem>>, vector<16xi32>,
    %add3A_644 = arith.constant 240 : i32
    %add3A_645 = vector.broadcast %add3A_644 : i32 to vector<16xi32>
    %add3A_646 = arith.addi %iota3A, %add3A_645 : vector<16xi32>
    %mul3A_647 = arith.constant 147456 : i32
    %mul3A_648 = vector.broadcast %mul3A_647 : i32 to vector<16xi32>
    %mul3A_649 = arith.muli %add3A_646, %mul3A_648 : vector<16xi32>
    %add3A_650 = arith.addi %add3A_508, %mul3A_649 : vector<16xi32>
    %swap3A_651 = arith.constant 112 : index
    %swap3A_652 = tpu.vector_load %arg16[%swap3A_651] {strides = array<i32>} : memref<128xi32, #tpu.memory_space<vmem>>, vector<16xi32>,
    tpu.vector_store %arg16[%swap3A_651], %add3A_650 {strides = array<i32>} : memref<128xi32, #tpu.memory_space<vmem>>, vector<16xi32>,
    %add3A_653 = arith.constant 256 : i32
    %add3A_654 = vector.broadcast %add3A_653 : i32 to vector<16xi32>
    %add3A_655 = arith.addi %iota3A, %add3A_654 : vector<16xi32>
    %mul3A_656 = arith.constant 147456 : i32
    %mul3A_657 = vector.broadcast %mul3A_656 : i32 to vector<16xi32>
    %mul3A_658 = arith.muli %add3A_655, %mul3A_657 : vector<16xi32>
    %add3A_659 = arith.addi %add3A_508, %mul3A_658 : vector<16xi32>
    %swap3A_660 = arith.constant 0 : index
    %swap3A_661 = tpu.vector_load %arg17[%swap3A_660] {strides = array<i32>} : memref<128xi32, #tpu.memory_space<vmem>>, vector<16xi32>,
    tpu.vector_store %arg17[%swap3A_660], %add3A_659 {strides = array<i32>} : memref<128xi32, #tpu.memory_space<vmem>>, vector<16xi32>,
    %add3A_662 = arith.constant 272 : i32
    %add3A_663 = vector.broadcast %add3A_662 : i32 to vector<16xi32>
    %add3A_664 = arith.addi %iota3A, %add3A_663 : vector<16xi32>
    %mul3A_665 = arith.constant 147456 : i32
    %mul3A_666 = vector.broadcast %mul3A_665 : i32 to vector<16xi32>
    %mul3A_667 = arith.muli %add3A_664, %mul3A_666 : vector<16xi32>
    %add3A_668 = arith.addi %add3A_508, %mul3A_667 : vector<16xi32>
    %swap3A_669 = arith.constant 16 : index
    %swap3A_670 = tpu.vector_load %arg17[%swap3A_669] {strides = array<i32>} : memref<128xi32, #tpu.memory_space<vmem>>, vector<16xi32>,
    tpu.vector_store %arg17[%swap3A_669], %add3A_668 {strides = array<i32>} : memref<128xi32, #tpu.memory_space<vmem>>, vector<16xi32>,
    %add3A_671 = arith.constant 288 : i32
    %add3A_672 = vector.broadcast %add3A_671 : i32 to vector<16xi32>
    %add3A_673 = arith.addi %iota3A, %add3A_672 : vector<16xi32>
    %mul3A_674 = arith.constant 147456 : i32
    %mul3A_675 = vector.broadcast %mul3A_674 : i32 to vector<16xi32>
    %mul3A_676 = arith.muli %add3A_673, %mul3A_675 : vector<16xi32>
    %add3A_677 = arith.addi %add3A_508, %mul3A_676 : vector<16xi32>
    %swap3A_678 = arith.constant 32 : index
    %swap3A_679 = tpu.vector_load %arg17[%swap3A_678] {strides = array<i32>} : memref<128xi32, #tpu.memory_space<vmem>>, vector<16xi32>,
    tpu.vector_store %arg17[%swap3A_678], %add3A_677 {strides = array<i32>} : memref<128xi32, #tpu.memory_space<vmem>>, vector<16xi32>,
    %add3A_680 = arith.constant 304 : i32
    %add3A_681 = vector.broadcast %add3A_680 : i32 to vector<16xi32>
    %add3A_682 = arith.addi %iota3A, %add3A_681 : vector<16xi32>
    %mul3A_683 = arith.constant 147456 : i32
    %mul3A_684 = vector.broadcast %mul3A_683 : i32 to vector<16xi32>
    %mul3A_685 = arith.muli %add3A_682, %mul3A_684 : vector<16xi32>
    %add3A_686 = arith.addi %add3A_508, %mul3A_685 : vector<16xi32>
    %swap3A_687 = arith.constant 48 : index
    %swap3A_688 = tpu.vector_load %arg17[%swap3A_687] {strides = array<i32>} : memref<128xi32, #tpu.memory_space<vmem>>, vector<16xi32>,
    tpu.vector_store %arg17[%swap3A_687], %add3A_686 {strides = array<i32>} : memref<128xi32, #tpu.memory_space<vmem>>, vector<16xi32>,
    %add3A_689 = arith.constant 320 : i32
    %add3A_690 = vector.broadcast %add3A_689 : i32 to vector<16xi32>
    %add3A_691 = arith.addi %iota3A, %add3A_690 : vector<16xi32>
    %mul3A_692 = arith.constant 147456 : i32
    %mul3A_693 = vector.broadcast %mul3A_692 : i32 to vector<16xi32>
    %mul3A_694 = arith.muli %add3A_691, %mul3A_693 : vector<16xi32>
    %add3A_695 = arith.addi %add3A_508, %mul3A_694 : vector<16xi32>
    %swap3A_696 = arith.constant 64 : index
    %swap3A_697 = tpu.vector_load %arg17[%swap3A_696] {strides = array<i32>} : memref<128xi32, #tpu.memory_space<vmem>>, vector<16xi32>,
    tpu.vector_store %arg17[%swap3A_696], %add3A_695 {strides = array<i32>} : memref<128xi32, #tpu.memory_space<vmem>>, vector<16xi32>,
    %add3A_698 = arith.constant 336 : i32
    %add3A_699 = vector.broadcast %add3A_698 : i32 to vector<16xi32>
    %add3A_700 = arith.addi %iota3A, %add3A_699 : vector<16xi32>
    %mul3A_701 = arith.constant 147456 : i32
    %mul3A_702 = vector.broadcast %mul3A_701 : i32 to vector<16xi32>
    %mul3A_703 = arith.muli %add3A_700, %mul3A_702 : vector<16xi32>
    %add3A_704 = arith.addi %add3A_508, %mul3A_703 : vector<16xi32>
    %swap3A_705 = arith.constant 80 : index
    %swap3A_706 = tpu.vector_load %arg17[%swap3A_705] {strides = array<i32>} : memref<128xi32, #tpu.memory_space<vmem>>, vector<16xi32>,
    tpu.vector_store %arg17[%swap3A_705], %add3A_704 {strides = array<i32>} : memref<128xi32, #tpu.memory_space<vmem>>, vector<16xi32>,
    %add3A_707 = arith.constant 352 : i32
    %add3A_708 = vector.broadcast %add3A_707 : i32 to vector<16xi32>
    %add3A_709 = arith.addi %iota3A, %add3A_708 : vector<16xi32>
    %mul3A_710 = arith.constant 147456 : i32
    %mul3A_711 = vector.broadcast %mul3A_710 : i32 to vector<16xi32>
    %mul3A_712 = arith.muli %add3A_709, %mul3A_711 : vector<16xi32>
    %add3A_713 = arith.addi %add3A_508, %mul3A_712 : vector<16xi32>
    %swap3A_714 = arith.constant 96 : index
    %swap3A_715 = tpu.vector_load %arg17[%swap3A_714] {strides = array<i32>} : memref<128xi32, #tpu.memory_space<vmem>>, vector<16xi32>,
    tpu.vector_store %arg17[%swap3A_714], %add3A_713 {strides = array<i32>} : memref<128xi32, #tpu.memory_space<vmem>>, vector<16xi32>,
    %add3A_716 = arith.constant 368 : i32
    %add3A_717 = vector.broadcast %add3A_716 : i32 to vector<16xi32>
    %add3A_718 = arith.addi %iota3A, %add3A_717 : vector<16xi32>
    %mul3A_719 = arith.constant 147456 : i32
    %mul3A_720 = vector.broadcast %mul3A_719 : i32 to vector<16xi32>
    %mul3A_721 = arith.muli %add3A_718, %mul3A_720 : vector<16xi32>
    %add3A_722 = arith.addi %add3A_508, %mul3A_721 : vector<16xi32>
    %swap3A_723 = arith.constant 112 : index
    %swap3A_724 = tpu.vector_load %arg17[%swap3A_723] {strides = array<i32>} : memref<128xi32, #tpu.memory_space<vmem>>, vector<16xi32>,
    tpu.vector_store %arg17[%swap3A_723], %add3A_722 {strides = array<i32>} : memref<128xi32, #tpu.memory_space<vmem>>, vector<16xi32>,
    %mul3A_725 = arith.constant 4 : i32
    %mul3A_726 = arith.muli %add3A, %mul3A_725 : i32
    %add3A_727 = arith.constant 3 : i32
    %add3A_728 = arith.addi %mul3A_726, %add3A_727 : i32
    %broadcast_in_dim3A_729 = vector.broadcast %add3A_728 : i32 to vector<16xi32>
    %get3A_730 = arith.constant 0 : index
    %get3A_731 = tpu.vector_load %arg8[%get3A_730] {strides = array<i32>} : memref<16xi32, #tpu.memory_space<vmem>>, vector<16xi32>,
    %ge3A_732 = arith.constant 64 : i32
    %ge3A_733 = vector.broadcast %ge3A_732 : i32 to vector<16xi32>
    %ge3A_734 = arith.cmpi sge, %broadcast_in_dim3A_729, %ge3A_733 : vector<16xi32>
    %jit3A_735 = arith.constant 56623104 : i32
    %jit3A_736 = arith.constant 0 : i32
    %broadcast_in_dim3A_737 = vector.broadcast %jit3A_735 : i32 to vector<16xi32>
    %broadcast_in_dim3A_738 = vector.broadcast %jit3A_736 : i32 to vector<16xi32>
    %select_n3A_739 = arith.select %ge3A_734, %broadcast_in_dim3A_737, %broadcast_in_dim3A_738 : vector<16xi1>, vector<16xi32>
    %add3A_740 = arith.addi %get3A_731, %select_n3A_739 : vector<16xi32>
    %add3A_741 = arith.constant 0 : i32
    %add3A_742 = vector.broadcast %add3A_741 : i32 to vector<16xi32>
    %add3A_743 = arith.addi %iota3A, %add3A_742 : vector<16xi32>
    %mul3A_744 = arith.constant 147456 : i32
    %mul3A_745 = vector.broadcast %mul3A_744 : i32 to vector<16xi32>
    %mul3A_746 = arith.muli %add3A_743, %mul3A_745 : vector<16xi32>
    %add3A_747 = arith.addi %add3A_740, %mul3A_746 : vector<16xi32>
    %swap3A_748 = arith.constant 0 : index
    %swap3A_749 = tpu.vector_load %arg18[%swap3A_748] {strides = array<i32>} : memref<128xi32, #tpu.memory_space<vmem>>, vector<16xi32>,
    tpu.vector_store %arg18[%swap3A_748], %add3A_747 {strides = array<i32>} : memref<128xi32, #tpu.memory_space<vmem>>, vector<16xi32>,
    %add3A_750 = arith.constant 16 : i32
    %add3A_751 = vector.broadcast %add3A_750 : i32 to vector<16xi32>
    %add3A_752 = arith.addi %iota3A, %add3A_751 : vector<16xi32>
    %mul3A_753 = arith.constant 147456 : i32
    %mul3A_754 = vector.broadcast %mul3A_753 : i32 to vector<16xi32>
    %mul3A_755 = arith.muli %add3A_752, %mul3A_754 : vector<16xi32>
    %add3A_756 = arith.addi %add3A_740, %mul3A_755 : vector<16xi32>
    %swap3A_757 = arith.constant 16 : index
    %swap3A_758 = tpu.vector_load %arg18[%swap3A_757] {strides = array<i32>} : memref<128xi32, #tpu.memory_space<vmem>>, vector<16xi32>,
    tpu.vector_store %arg18[%swap3A_757], %add3A_756 {strides = array<i32>} : memref<128xi32, #tpu.memory_space<vmem>>, vector<16xi32>,
    %add3A_759 = arith.constant 32 : i32
    %add3A_760 = vector.broadcast %add3A_759 : i32 to vector<16xi32>
    %add3A_761 = arith.addi %iota3A, %add3A_760 : vector<16xi32>
    %mul3A_762 = arith.constant 147456 : i32
    %mul3A_763 = vector.broadcast %mul3A_762 : i32 to vector<16xi32>
    %mul3A_764 = arith.muli %add3A_761, %mul3A_763 : vector<16xi32>
    %add3A_765 = arith.addi %add3A_740, %mul3A_764 : vector<16xi32>
    %swap3A_766 = arith.constant 32 : index
    %swap3A_767 = tpu.vector_load %arg18[%swap3A_766] {strides = array<i32>} : memref<128xi32, #tpu.memory_space<vmem>>, vector<16xi32>,
    tpu.vector_store %arg18[%swap3A_766], %add3A_765 {strides = array<i32>} : memref<128xi32, #tpu.memory_space<vmem>>, vector<16xi32>,
    %add3A_768 = arith.constant 48 : i32
    %add3A_769 = vector.broadcast %add3A_768 : i32 to vector<16xi32>
    %add3A_770 = arith.addi %iota3A, %add3A_769 : vector<16xi32>
    %mul3A_771 = arith.constant 147456 : i32
    %mul3A_772 = vector.broadcast %mul3A_771 : i32 to vector<16xi32>
    %mul3A_773 = arith.muli %add3A_770, %mul3A_772 : vector<16xi32>
    %add3A_774 = arith.addi %add3A_740, %mul3A_773 : vector<16xi32>
    %swap3A_775 = arith.constant 48 : index
    %swap3A_776 = tpu.vector_load %arg18[%swap3A_775] {strides = array<i32>} : memref<128xi32, #tpu.memory_space<vmem>>, vector<16xi32>,
    tpu.vector_store %arg18[%swap3A_775], %add3A_774 {strides = array<i32>} : memref<128xi32, #tpu.memory_space<vmem>>, vector<16xi32>,
    %add3A_777 = arith.constant 64 : i32
    %add3A_778 = vector.broadcast %add3A_777 : i32 to vector<16xi32>
    %add3A_779 = arith.addi %iota3A, %add3A_778 : vector<16xi32>
    %mul3A_780 = arith.constant 147456 : i32
    %mul3A_781 = vector.broadcast %mul3A_780 : i32 to vector<16xi32>
    %mul3A_782 = arith.muli %add3A_779, %mul3A_781 : vector<16xi32>
    %add3A_783 = arith.addi %add3A_740, %mul3A_782 : vector<16xi32>
    %swap3A_784 = arith.constant 64 : index
    %swap3A_785 = tpu.vector_load %arg18[%swap3A_784] {strides = array<i32>} : memref<128xi32, #tpu.memory_space<vmem>>, vector<16xi32>,
    tpu.vector_store %arg18[%swap3A_784], %add3A_783 {strides = array<i32>} : memref<128xi32, #tpu.memory_space<vmem>>, vector<16xi32>,
    %add3A_786 = arith.constant 80 : i32
    %add3A_787 = vector.broadcast %add3A_786 : i32 to vector<16xi32>
    %add3A_788 = arith.addi %iota3A, %add3A_787 : vector<16xi32>
    %mul3A_789 = arith.constant 147456 : i32
    %mul3A_790 = vector.broadcast %mul3A_789 : i32 to vector<16xi32>
    %mul3A_791 = arith.muli %add3A_788, %mul3A_790 : vector<16xi32>
    %add3A_792 = arith.addi %add3A_740, %mul3A_791 : vector<16xi32>
    %swap3A_793 = arith.constant 80 : index
    %swap3A_794 = tpu.vector_load %arg18[%swap3A_793] {strides = array<i32>} : memref<128xi32, #tpu.memory_space<vmem>>, vector<16xi32>,
    tpu.vector_store %arg18[%swap3A_793], %add3A_792 {strides = array<i32>} : memref<128xi32, #tpu.memory_space<vmem>>, vector<16xi32>,
    %add3A_795 = arith.constant 96 : i32
    %add3A_796 = vector.broadcast %add3A_795 : i32 to vector<16xi32>
    %add3A_797 = arith.addi %iota3A, %add3A_796 : vector<16xi32>
    %mul3A_798 = arith.constant 147456 : i32
    %mul3A_799 = vector.broadcast %mul3A_798 : i32 to vector<16xi32>
    %mul3A_800 = arith.muli %add3A_797, %mul3A_799 : vector<16xi32>
    %add3A_801 = arith.addi %add3A_740, %mul3A_800 : vector<16xi32>
    %swap3A_802 = arith.constant 96 : index
    %swap3A_803 = tpu.vector_load %arg18[%swap3A_802] {strides = array<i32>} : memref<128xi32, #tpu.memory_space<vmem>>, vector<16xi32>,
    tpu.vector_store %arg18[%swap3A_802], %add3A_801 {strides = array<i32>} : memref<128xi32, #tpu.memory_space<vmem>>, vector<16xi32>,
    %add3A_804 = arith.constant 112 : i32
    %add3A_805 = vector.broadcast %add3A_804 : i32 to vector<16xi32>
    %add3A_806 = arith.addi %iota3A, %add3A_805 : vector<16xi32>
    %mul3A_807 = arith.constant 147456 : i32
    %mul3A_808 = vector.broadcast %mul3A_807 : i32 to vector<16xi32>
    %mul3A_809 = arith.muli %add3A_806, %mul3A_808 : vector<16xi32>
    %add3A_810 = arith.addi %add3A_740, %mul3A_809 : vector<16xi32>
    %swap3A_811 = arith.constant 112 : index
    %swap3A_812 = tpu.vector_load %arg18[%swap3A_811] {strides = array<i32>} : memref<128xi32, #tpu.memory_space<vmem>>, vector<16xi32>,
    tpu.vector_store %arg18[%swap3A_811], %add3A_810 {strides = array<i32>} : memref<128xi32, #tpu.memory_space<vmem>>, vector<16xi32>,
    %add3A_813 = arith.constant 128 : i32
    %add3A_814 = vector.broadcast %add3A_813 : i32 to vector<16xi32>
    %add3A_815 = arith.addi %iota3A, %add3A_814 : vector<16xi32>
    %mul3A_816 = arith.constant 147456 : i32
    %mul3A_817 = vector.broadcast %mul3A_816 : i32 to vector<16xi32>
    %mul3A_818 = arith.muli %add3A_815, %mul3A_817 : vector<16xi32>
    %add3A_819 = arith.addi %add3A_740, %mul3A_818 : vector<16xi32>
    %swap3A_820 = arith.constant 0 : index
    %swap3A_821 = tpu.vector_load %arg19[%swap3A_820] {strides = array<i32>} : memref<128xi32, #tpu.memory_space<vmem>>, vector<16xi32>,
    tpu.vector_store %arg19[%swap3A_820], %add3A_819 {strides = array<i32>} : memref<128xi32, #tpu.memory_space<vmem>>, vector<16xi32>,
    %add3A_822 = arith.constant 144 : i32
    %add3A_823 = vector.broadcast %add3A_822 : i32 to vector<16xi32>
    %add3A_824 = arith.addi %iota3A, %add3A_823 : vector<16xi32>
    %mul3A_825 = arith.constant 147456 : i32
    %mul3A_826 = vector.broadcast %mul3A_825 : i32 to vector<16xi32>
    %mul3A_827 = arith.muli %add3A_824, %mul3A_826 : vector<16xi32>
    %add3A_828 = arith.addi %add3A_740, %mul3A_827 : vector<16xi32>
    %swap3A_829 = arith.constant 16 : index
    %swap3A_830 = tpu.vector_load %arg19[%swap3A_829] {strides = array<i32>} : memref<128xi32, #tpu.memory_space<vmem>>, vector<16xi32>,
    tpu.vector_store %arg19[%swap3A_829], %add3A_828 {strides = array<i32>} : memref<128xi32, #tpu.memory_space<vmem>>, vector<16xi32>,
    %add3A_831 = arith.constant 160 : i32
    %add3A_832 = vector.broadcast %add3A_831 : i32 to vector<16xi32>
    %add3A_833 = arith.addi %iota3A, %add3A_832 : vector<16xi32>
    %mul3A_834 = arith.constant 147456 : i32
    %mul3A_835 = vector.broadcast %mul3A_834 : i32 to vector<16xi32>
    %mul3A_836 = arith.muli %add3A_833, %mul3A_835 : vector<16xi32>
    %add3A_837 = arith.addi %add3A_740, %mul3A_836 : vector<16xi32>
    %swap3A_838 = arith.constant 32 : index
    %swap3A_839 = tpu.vector_load %arg19[%swap3A_838] {strides = array<i32>} : memref<128xi32, #tpu.memory_space<vmem>>, vector<16xi32>,
    tpu.vector_store %arg19[%swap3A_838], %add3A_837 {strides = array<i32>} : memref<128xi32, #tpu.memory_space<vmem>>, vector<16xi32>,
    %add3A_840 = arith.constant 176 : i32
    %add3A_841 = vector.broadcast %add3A_840 : i32 to vector<16xi32>
    %add3A_842 = arith.addi %iota3A, %add3A_841 : vector<16xi32>
    %mul3A_843 = arith.constant 147456 : i32
    %mul3A_844 = vector.broadcast %mul3A_843 : i32 to vector<16xi32>
    %mul3A_845 = arith.muli %add3A_842, %mul3A_844 : vector<16xi32>
    %add3A_846 = arith.addi %add3A_740, %mul3A_845 : vector<16xi32>
    %swap3A_847 = arith.constant 48 : index
    %swap3A_848 = tpu.vector_load %arg19[%swap3A_847] {strides = array<i32>} : memref<128xi32, #tpu.memory_space<vmem>>, vector<16xi32>,
    tpu.vector_store %arg19[%swap3A_847], %add3A_846 {strides = array<i32>} : memref<128xi32, #tpu.memory_space<vmem>>, vector<16xi32>,
    %add3A_849 = arith.constant 192 : i32
    %add3A_850 = vector.broadcast %add3A_849 : i32 to vector<16xi32>
    %add3A_851 = arith.addi %iota3A, %add3A_850 : vector<16xi32>
    %mul3A_852 = arith.constant 147456 : i32
    %mul3A_853 = vector.broadcast %mul3A_852 : i32 to vector<16xi32>
    %mul3A_854 = arith.muli %add3A_851, %mul3A_853 : vector<16xi32>
    %add3A_855 = arith.addi %add3A_740, %mul3A_854 : vector<16xi32>
    %swap3A_856 = arith.constant 64 : index
    %swap3A_857 = tpu.vector_load %arg19[%swap3A_856] {strides = array<i32>} : memref<128xi32, #tpu.memory_space<vmem>>, vector<16xi32>,
    tpu.vector_store %arg19[%swap3A_856], %add3A_855 {strides = array<i32>} : memref<128xi32, #tpu.memory_space<vmem>>, vector<16xi32>,
    %add3A_858 = arith.constant 208 : i32
    %add3A_859 = vector.broadcast %add3A_858 : i32 to vector<16xi32>
    %add3A_860 = arith.addi %iota3A, %add3A_859 : vector<16xi32>
    %mul3A_861 = arith.constant 147456 : i32
    %mul3A_862 = vector.broadcast %mul3A_861 : i32 to vector<16xi32>
    %mul3A_863 = arith.muli %add3A_860, %mul3A_862 : vector<16xi32>
    %add3A_864 = arith.addi %add3A_740, %mul3A_863 : vector<16xi32>
    %swap3A_865 = arith.constant 80 : index
    %swap3A_866 = tpu.vector_load %arg19[%swap3A_865] {strides = array<i32>} : memref<128xi32, #tpu.memory_space<vmem>>, vector<16xi32>,
    tpu.vector_store %arg19[%swap3A_865], %add3A_864 {strides = array<i32>} : memref<128xi32, #tpu.memory_space<vmem>>, vector<16xi32>,
    %add3A_867 = arith.constant 224 : i32
    %add3A_868 = vector.broadcast %add3A_867 : i32 to vector<16xi32>
    %add3A_869 = arith.addi %iota3A, %add3A_868 : vector<16xi32>
    %mul3A_870 = arith.constant 147456 : i32
    %mul3A_871 = vector.broadcast %mul3A_870 : i32 to vector<16xi32>
    %mul3A_872 = arith.muli %add3A_869, %mul3A_871 : vector<16xi32>
    %add3A_873 = arith.addi %add3A_740, %mul3A_872 : vector<16xi32>
    %swap3A_874 = arith.constant 96 : index
    %swap3A_875 = tpu.vector_load %arg19[%swap3A_874] {strides = array<i32>} : memref<128xi32, #tpu.memory_space<vmem>>, vector<16xi32>,
    tpu.vector_store %arg19[%swap3A_874], %add3A_873 {strides = array<i32>} : memref<128xi32, #tpu.memory_space<vmem>>, vector<16xi32>,
    %add3A_876 = arith.constant 240 : i32
    %add3A_877 = vector.broadcast %add3A_876 : i32 to vector<16xi32>
    %add3A_878 = arith.addi %iota3A, %add3A_877 : vector<16xi32>
    %mul3A_879 = arith.constant 147456 : i32
    %mul3A_880 = vector.broadcast %mul3A_879 : i32 to vector<16xi32>
    %mul3A_881 = arith.muli %add3A_878, %mul3A_880 : vector<16xi32>
    %add3A_882 = arith.addi %add3A_740, %mul3A_881 : vector<16xi32>
    %swap3A_883 = arith.constant 112 : index
    %swap3A_884 = tpu.vector_load %arg19[%swap3A_883] {strides = array<i32>} : memref<128xi32, #tpu.memory_space<vmem>>, vector<16xi32>,
    tpu.vector_store %arg19[%swap3A_883], %add3A_882 {strides = array<i32>} : memref<128xi32, #tpu.memory_space<vmem>>, vector<16xi32>,
    %add3A_885 = arith.constant 256 : i32
    %add3A_886 = vector.broadcast %add3A_885 : i32 to vector<16xi32>
    %add3A_887 = arith.addi %iota3A, %add3A_886 : vector<16xi32>
    %mul3A_888 = arith.constant 147456 : i32
    %mul3A_889 = vector.broadcast %mul3A_888 : i32 to vector<16xi32>
    %mul3A_890 = arith.muli %add3A_887, %mul3A_889 : vector<16xi32>
    %add3A_891 = arith.addi %add3A_740, %mul3A_890 : vector<16xi32>
    %swap3A_892 = arith.constant 0 : index
    %swap3A_893 = tpu.vector_load %arg20[%swap3A_892] {strides = array<i32>} : memref<128xi32, #tpu.memory_space<vmem>>, vector<16xi32>,
    tpu.vector_store %arg20[%swap3A_892], %add3A_891 {strides = array<i32>} : memref<128xi32, #tpu.memory_space<vmem>>, vector<16xi32>,
    %add3A_894 = arith.constant 272 : i32
    %add3A_895 = vector.broadcast %add3A_894 : i32 to vector<16xi32>
    %add3A_896 = arith.addi %iota3A, %add3A_895 : vector<16xi32>
    %mul3A_897 = arith.constant 147456 : i32
    %mul3A_898 = vector.broadcast %mul3A_897 : i32 to vector<16xi32>
    %mul3A_899 = arith.muli %add3A_896, %mul3A_898 : vector<16xi32>
    %add3A_900 = arith.addi %add3A_740, %mul3A_899 : vector<16xi32>
    %swap3A_901 = arith.constant 16 : index
    %swap3A_902 = tpu.vector_load %arg20[%swap3A_901] {strides = array<i32>} : memref<128xi32, #tpu.memory_space<vmem>>, vector<16xi32>,
    tpu.vector_store %arg20[%swap3A_901], %add3A_900 {strides = array<i32>} : memref<128xi32, #tpu.memory_space<vmem>>, vector<16xi32>,
    %add3A_903 = arith.constant 288 : i32
    %add3A_904 = vector.broadcast %add3A_903 : i32 to vector<16xi32>
    %add3A_905 = arith.addi %iota3A, %add3A_904 : vector<16xi32>
    %mul3A_906 = arith.constant 147456 : i32
    %mul3A_907 = vector.broadcast %mul3A_906 : i32 to vector<16xi32>
    %mul3A_908 = arith.muli %add3A_905, %mul3A_907 : vector<16xi32>
    %add3A_909 = arith.addi %add3A_740, %mul3A_908 : vector<16xi32>
    %swap3A_910 = arith.constant 32 : index
    %swap3A_911 = tpu.vector_load %arg20[%swap3A_910] {strides = array<i32>} : memref<128xi32, #tpu.memory_space<vmem>>, vector<16xi32>,
    tpu.vector_store %arg20[%swap3A_910], %add3A_909 {strides = array<i32>} : memref<128xi32, #tpu.memory_space<vmem>>, vector<16xi32>,
    %add3A_912 = arith.constant 304 : i32
    %add3A_913 = vector.broadcast %add3A_912 : i32 to vector<16xi32>
    %add3A_914 = arith.addi %iota3A, %add3A_913 : vector<16xi32>
    %mul3A_915 = arith.constant 147456 : i32
    %mul3A_916 = vector.broadcast %mul3A_915 : i32 to vector<16xi32>
    %mul3A_917 = arith.muli %add3A_914, %mul3A_916 : vector<16xi32>
    %add3A_918 = arith.addi %add3A_740, %mul3A_917 : vector<16xi32>
    %swap3A_919 = arith.constant 48 : index
    %swap3A_920 = tpu.vector_load %arg20[%swap3A_919] {strides = array<i32>} : memref<128xi32, #tpu.memory_space<vmem>>, vector<16xi32>,
    tpu.vector_store %arg20[%swap3A_919], %add3A_918 {strides = array<i32>} : memref<128xi32, #tpu.memory_space<vmem>>, vector<16xi32>,
    %add3A_921 = arith.constant 320 : i32
    %add3A_922 = vector.broadcast %add3A_921 : i32 to vector<16xi32>
    %add3A_923 = arith.addi %iota3A, %add3A_922 : vector<16xi32>
    %mul3A_924 = arith.constant 147456 : i32
    %mul3A_925 = vector.broadcast %mul3A_924 : i32 to vector<16xi32>
    %mul3A_926 = arith.muli %add3A_923, %mul3A_925 : vector<16xi32>
    %add3A_927 = arith.addi %add3A_740, %mul3A_926 : vector<16xi32>
    %swap3A_928 = arith.constant 64 : index
    %swap3A_929 = tpu.vector_load %arg20[%swap3A_928] {strides = array<i32>} : memref<128xi32, #tpu.memory_space<vmem>>, vector<16xi32>,
    tpu.vector_store %arg20[%swap3A_928], %add3A_927 {strides = array<i32>} : memref<128xi32, #tpu.memory_space<vmem>>, vector<16xi32>,
    %add3A_930 = arith.constant 336 : i32
    %add3A_931 = vector.broadcast %add3A_930 : i32 to vector<16xi32>
    %add3A_932 = arith.addi %iota3A, %add3A_931 : vector<16xi32>
    %mul3A_933 = arith.constant 147456 : i32
    %mul3A_934 = vector.broadcast %mul3A_933 : i32 to vector<16xi32>
    %mul3A_935 = arith.muli %add3A_932, %mul3A_934 : vector<16xi32>
    %add3A_936 = arith.addi %add3A_740, %mul3A_935 : vector<16xi32>
    %swap3A_937 = arith.constant 80 : index
    %swap3A_938 = tpu.vector_load %arg20[%swap3A_937] {strides = array<i32>} : memref<128xi32, #tpu.memory_space<vmem>>, vector<16xi32>,
    tpu.vector_store %arg20[%swap3A_937], %add3A_936 {strides = array<i32>} : memref<128xi32, #tpu.memory_space<vmem>>, vector<16xi32>,
    %add3A_939 = arith.constant 352 : i32
    %add3A_940 = vector.broadcast %add3A_939 : i32 to vector<16xi32>
    %add3A_941 = arith.addi %iota3A, %add3A_940 : vector<16xi32>
    %mul3A_942 = arith.constant 147456 : i32
    %mul3A_943 = vector.broadcast %mul3A_942 : i32 to vector<16xi32>
    %mul3A_944 = arith.muli %add3A_941, %mul3A_943 : vector<16xi32>
    %add3A_945 = arith.addi %add3A_740, %mul3A_944 : vector<16xi32>
    %swap3A_946 = arith.constant 96 : index
    %swap3A_947 = tpu.vector_load %arg20[%swap3A_946] {strides = array<i32>} : memref<128xi32, #tpu.memory_space<vmem>>, vector<16xi32>,
    tpu.vector_store %arg20[%swap3A_946], %add3A_945 {strides = array<i32>} : memref<128xi32, #tpu.memory_space<vmem>>, vector<16xi32>,
    %add3A_948 = arith.constant 368 : i32
    %add3A_949 = vector.broadcast %add3A_948 : i32 to vector<16xi32>
    %add3A_950 = arith.addi %iota3A, %add3A_949 : vector<16xi32>
    %mul3A_951 = arith.constant 147456 : i32
    %mul3A_952 = vector.broadcast %mul3A_951 : i32 to vector<16xi32>
    %mul3A_953 = arith.muli %add3A_950, %mul3A_952 : vector<16xi32>
    %add3A_954 = arith.addi %add3A_740, %mul3A_953 : vector<16xi32>
    %swap3A_955 = arith.constant 112 : index
    %swap3A_956 = tpu.vector_load %arg20[%swap3A_955] {strides = array<i32>} : memref<128xi32, #tpu.memory_space<vmem>>, vector<16xi32>,
    tpu.vector_store %arg20[%swap3A_955], %add3A_954 {strides = array<i32>} : memref<128xi32, #tpu.memory_space<vmem>>, vector<16xi32>,
    %dma_start3A_957 = arith.constant 0 : i32
    %dma_start3A_958 = arith.constant 0 : i32
    %dma_start3A_959 = arith.constant 0 : i32
    %dma_start3A_960 = tpu.memref_slice %arg21[%dma_start3A_957, %dma_start3A_958, %dma_start3A_959] : memref<4x3x128xf32, #tpu.memory_space<vmem>> -> memref<1x1x128xf32, #tpu.memory_space<vmem>>
    %dma_start3A_961 = tpu.memref_squeeze %dma_start3A_960 : memref<1x1x128xf32, #tpu.memory_space<vmem>> -> memref<128xf32, #tpu.memory_space<vmem>>
    %dma_start3A_962 = arith.constant 0 : i32
    %dma_start3A_963 = tpu.memref_slice %arg2[%dma_start3A_962] : memref<113246208xf32, #tpu.memory_space<hbm>> -> memref<113246208xf32, #tpu.memory_space<hbm>>
    tpu.enqueue_indirect_dma source(%dma_start3A_963 : memref<113246208xf32, #tpu.memory_space<hbm>>) target(%dma_start3A_961 : memref<128xf32, #tpu.memory_space<vmem>>) offsets(%arg9 : memref<128xi32, #tpu.memory_space<vmem>>) semaphore(%arg22 : memref<!tpu.dma_semaphore, #tpu.memory_space<semaphore_mem>>)
    %dma_start3A_964 = arith.constant 0 : i32
    %dma_start3A_965 = arith.constant 1 : i32
    %dma_start3A_966 = arith.constant 0 : i32
    %dma_start3A_967 = tpu.memref_slice %arg21[%dma_start3A_964, %dma_start3A_965, %dma_start3A_966] : memref<4x3x128xf32, #tpu.memory_space<vmem>> -> memref<1x1x128xf32, #tpu.memory_space<vmem>>
    %dma_start3A_968 = tpu.memref_squeeze %dma_start3A_967 : memref<1x1x128xf32, #tpu.memory_space<vmem>> -> memref<128xf32, #tpu.memory_space<vmem>>
    %dma_start3A_969 = arith.constant 0 : i32
    %dma_start3A_970 = tpu.memref_slice %arg2[%dma_start3A_969] : memref<113246208xf32, #tpu.memory_space<hbm>> -> memref<113246208xf32, #tpu.memory_space<hbm>>
    tpu.enqueue_indirect_dma source(%dma_start3A_970 : memref<113246208xf32, #tpu.memory_space<hbm>>) target(%dma_start3A_968 : memref<128xf32, #tpu.memory_space<vmem>>) offsets(%arg10 : memref<128xi32, #tpu.memory_space<vmem>>) semaphore(%arg22 : memref<!tpu.dma_semaphore, #tpu.memory_space<semaphore_mem>>)
    %dma_start3A_971 = arith.constant 0 : i32
    %dma_start3A_972 = arith.constant 2 : i32
    %dma_start3A_973 = arith.constant 0 : i32
    %dma_start3A_974 = tpu.memref_slice %arg21[%dma_start3A_971, %dma_start3A_972, %dma_start3A_973] : memref<4x3x128xf32, #tpu.memory_space<vmem>> -> memref<1x1x128xf32, #tpu.memory_space<vmem>>
    %dma_start3A_975 = tpu.memref_squeeze %dma_start3A_974 : memref<1x1x128xf32, #tpu.memory_space<vmem>> -> memref<128xf32, #tpu.memory_space<vmem>>
    %dma_start3A_976 = arith.constant 0 : i32
    %dma_start3A_977 = tpu.memref_slice %arg2[%dma_start3A_976] : memref<113246208xf32, #tpu.memory_space<hbm>> -> memref<113246208xf32, #tpu.memory_space<hbm>>
    tpu.enqueue_indirect_dma source(%dma_start3A_977 : memref<113246208xf32, #tpu.memory_space<hbm>>) target(%dma_start3A_975 : memref<128xf32, #tpu.memory_space<vmem>>) offsets(%arg11 : memref<128xi32, #tpu.memory_space<vmem>>) semaphore(%arg22 : memref<!tpu.dma_semaphore, #tpu.memory_space<semaphore_mem>>)
    %dma_start3A_978 = arith.constant 1 : i32
    %dma_start3A_979 = arith.constant 0 : i32
    %dma_start3A_980 = arith.constant 0 : i32
    %dma_start3A_981 = tpu.memref_slice %arg21[%dma_start3A_978, %dma_start3A_979, %dma_start3A_980] : memref<4x3x128xf32, #tpu.memory_space<vmem>> -> memref<1x1x128xf32, #tpu.memory_space<vmem>>
    %dma_start3A_982 = tpu.memref_squeeze %dma_start3A_981 : memref<1x1x128xf32, #tpu.memory_space<vmem>> -> memref<128xf32, #tpu.memory_space<vmem>>
    %dma_start3A_983 = arith.constant 0 : i32
    %dma_start3A_984 = tpu.memref_slice %arg2[%dma_start3A_983] : memref<113246208xf32, #tpu.memory_space<hbm>> -> memref<113246208xf32, #tpu.memory_space<hbm>>
    tpu.enqueue_indirect_dma source(%dma_start3A_984 : memref<113246208xf32, #tpu.memory_space<hbm>>) target(%dma_start3A_982 : memref<128xf32, #tpu.memory_space<vmem>>) offsets(%arg12 : memref<128xi32, #tpu.memory_space<vmem>>) semaphore(%arg22 : memref<!tpu.dma_semaphore, #tpu.memory_space<semaphore_mem>>)
    %dma_start3A_985 = arith.constant 1 : i32
    %dma_start3A_986 = arith.constant 1 : i32
    %dma_start3A_987 = arith.constant 0 : i32
    %dma_start3A_988 = tpu.memref_slice %arg21[%dma_start3A_985, %dma_start3A_986, %dma_start3A_987] : memref<4x3x128xf32, #tpu.memory_space<vmem>> -> memref<1x1x128xf32, #tpu.memory_space<vmem>>
    %dma_start3A_989 = tpu.memref_squeeze %dma_start3A_988 : memref<1x1x128xf32, #tpu.memory_space<vmem>> -> memref<128xf32, #tpu.memory_space<vmem>>
    %dma_start3A_990 = arith.constant 0 : i32
    %dma_start3A_991 = tpu.memref_slice %arg2[%dma_start3A_990] : memref<113246208xf32, #tpu.memory_space<hbm>> -> memref<113246208xf32, #tpu.memory_space<hbm>>
    tpu.enqueue_indirect_dma source(%dma_start3A_991 : memref<113246208xf32, #tpu.memory_space<hbm>>) target(%dma_start3A_989 : memref<128xf32, #tpu.memory_space<vmem>>) offsets(%arg13 : memref<128xi32, #tpu.memory_space<vmem>>) semaphore(%arg22 : memref<!tpu.dma_semaphore, #tpu.memory_space<semaphore_mem>>)
    %dma_start3A_992 = arith.constant 1 : i32
    %dma_start3A_993 = arith.constant 2 : i32
    %dma_start3A_994 = arith.constant 0 : i32
    %dma_start3A_995 = tpu.memref_slice %arg21[%dma_start3A_992, %dma_start3A_993, %dma_start3A_994] : memref<4x3x128xf32, #tpu.memory_space<vmem>> -> memref<1x1x128xf32, #tpu.memory_space<vmem>>
    %dma_start3A_996 = tpu.memref_squeeze %dma_start3A_995 : memref<1x1x128xf32, #tpu.memory_space<vmem>> -> memref<128xf32, #tpu.memory_space<vmem>>
    %dma_start3A_997 = arith.constant 0 : i32
    %dma_start3A_998 = tpu.memref_slice %arg2[%dma_start3A_997] : memref<113246208xf32, #tpu.memory_space<hbm>> -> memref<113246208xf32, #tpu.memory_space<hbm>>
    tpu.enqueue_indirect_dma source(%dma_start3A_998 : memref<113246208xf32, #tpu.memory_space<hbm>>) target(%dma_start3A_996 : memref<128xf32, #tpu.memory_space<vmem>>) offsets(%arg14 : memref<128xi32, #tpu.memory_space<vmem>>) semaphore(%arg22 : memref<!tpu.dma_semaphore, #tpu.memory_space<semaphore_mem>>)
    %dma_start3A_999 = arith.constant 2 : i32
    %dma_start3A_1000 = arith.constant 0 : i32
    %dma_start3A_1001 = arith.constant 0 : i32
    %dma_start3A_1002 = tpu.memref_slice %arg21[%dma_start3A_999, %dma_start3A_1000, %dma_start3A_1001] : memref<4x3x128xf32, #tpu.memory_space<vmem>> -> memref<1x1x128xf32, #tpu.memory_space<vmem>>
    %dma_start3A_1003 = tpu.memref_squeeze %dma_start3A_1002 : memref<1x1x128xf32, #tpu.memory_space<vmem>> -> memref<128xf32, #tpu.memory_space<vmem>>
    %dma_start3A_1004 = arith.constant 0 : i32
    %dma_start3A_1005 = tpu.memref_slice %arg2[%dma_start3A_1004] : memref<113246208xf32, #tpu.memory_space<hbm>> -> memref<113246208xf32, #tpu.memory_space<hbm>>
    tpu.enqueue_indirect_dma source(%dma_start3A_1005 : memref<113246208xf32, #tpu.memory_space<hbm>>) target(%dma_start3A_1003 : memref<128xf32, #tpu.memory_space<vmem>>) offsets(%arg15 : memref<128xi32, #tpu.memory_space<vmem>>) semaphore(%arg22 : memref<!tpu.dma_semaphore, #tpu.memory_space<semaphore_mem>>)
    %dma_start3A_1006 = arith.constant 2 : i32
    %dma_start3A_1007 = arith.constant 1 : i32
    %dma_start3A_1008 = arith.constant 0 : i32
    %dma_start3A_1009 = tpu.memref_slice %arg21[%dma_start3A_1006, %dma_start3A_1007, %dma_start3A_1008] : memref<4x3x128xf32, #tpu.memory_space<vmem>> -> memref<1x1x128xf32, #tpu.memory_space<vmem>>
    %dma_start3A_1010 = tpu.memref_squeeze %dma_start3A_1009 : memref<1x1x128xf32, #tpu.memory_space<vmem>> -> memref<128xf32, #tpu.memory_space<vmem>>
    %dma_start3A_1011 = arith.constant 0 : i32
    %dma_start3A_1012 = tpu.memref_slice %arg2[%dma_start3A_1011] : memref<113246208xf32, #tpu.memory_space<hbm>> -> memref<113246208xf32, #tpu.memory_space<hbm>>
    tpu.enqueue_indirect_dma source(%dma_start3A_1012 : memref<113246208xf32, #tpu.memory_space<hbm>>) target(%dma_start3A_1010 : memref<128xf32, #tpu.memory_space<vmem>>) offsets(%arg16 : memref<128xi32, #tpu.memory_space<vmem>>) semaphore(%arg22 : memref<!tpu.dma_semaphore, #tpu.memory_space<semaphore_mem>>)
    %dma_start3A_1013 = arith.constant 2 : i32
    %dma_start3A_1014 = arith.constant 2 : i32
    %dma_start3A_1015 = arith.constant 0 : i32
    %dma_start3A_1016 = tpu.memref_slice %arg21[%dma_start3A_1013, %dma_start3A_1014, %dma_start3A_1015] : memref<4x3x128xf32, #tpu.memory_space<vmem>> -> memref<1x1x128xf32, #tpu.memory_space<vmem>>
    %dma_start3A_1017 = tpu.memref_squeeze %dma_start3A_1016 : memref<1x1x128xf32, #tpu.memory_space<vmem>> -> memref<128xf32, #tpu.memory_space<vmem>>
    %dma_start3A_1018 = arith.constant 0 : i32
    %dma_start3A_1019 = tpu.memref_slice %arg2[%dma_start3A_1018] : memref<113246208xf32, #tpu.memory_space<hbm>> -> memref<113246208xf32, #tpu.memory_space<hbm>>
    tpu.enqueue_indirect_dma source(%dma_start3A_1019 : memref<113246208xf32, #tpu.memory_space<hbm>>) target(%dma_start3A_1017 : memref<128xf32, #tpu.memory_space<vmem>>) offsets(%arg17 : memref<128xi32, #tpu.memory_space<vmem>>) semaphore(%arg22 : memref<!tpu.dma_semaphore, #tpu.memory_space<semaphore_mem>>)
    %dma_start3A_1020 = arith.constant 3 : i32
    %dma_start3A_1021 = arith.constant 0 : i32
    %dma_start3A_1022 = arith.constant 0 : i32
    %dma_start3A_1023 = tpu.memref_slice %arg21[%dma_start3A_1020, %dma_start3A_1021, %dma_start3A_1022] : memref<4x3x128xf32, #tpu.memory_space<vmem>> -> memref<1x1x128xf32, #tpu.memory_space<vmem>>
    %dma_start3A_1024 = tpu.memref_squeeze %dma_start3A_1023 : memref<1x1x128xf32, #tpu.memory_space<vmem>> -> memref<128xf32, #tpu.memory_space<vmem>>
    %dma_start3A_1025 = arith.constant 0 : i32
    %dma_start3A_1026 = tpu.memref_slice %arg2[%dma_start3A_1025] : memref<113246208xf32, #tpu.memory_space<hbm>> -> memref<113246208xf32, #tpu.memory_space<hbm>>
    tpu.enqueue_indirect_dma source(%dma_start3A_1026 : memref<113246208xf32, #tpu.memory_space<hbm>>) target(%dma_start3A_1024 : memref<128xf32, #tpu.memory_space<vmem>>) offsets(%arg18 : memref<128xi32, #tpu.memory_space<vmem>>) semaphore(%arg22 : memref<!tpu.dma_semaphore, #tpu.memory_space<semaphore_mem>>)
    %dma_start3A_1027 = arith.constant 3 : i32
    %dma_start3A_1028 = arith.constant 1 : i32
    %dma_start3A_1029 = arith.constant 0 : i32
    %dma_start3A_1030 = tpu.memref_slice %arg21[%dma_start3A_1027, %dma_start3A_1028, %dma_start3A_1029] : memref<4x3x128xf32, #tpu.memory_space<vmem>> -> memref<1x1x128xf32, #tpu.memory_space<vmem>>
    %dma_start3A_1031 = tpu.memref_squeeze %dma_start3A_1030 : memref<1x1x128xf32, #tpu.memory_space<vmem>> -> memref<128xf32, #tpu.memory_space<vmem>>
    %dma_start3A_1032 = arith.constant 0 : i32
    %dma_start3A_1033 = tpu.memref_slice %arg2[%dma_start3A_1032] : memref<113246208xf32, #tpu.memory_space<hbm>> -> memref<113246208xf32, #tpu.memory_space<hbm>>
    tpu.enqueue_indirect_dma source(%dma_start3A_1033 : memref<113246208xf32, #tpu.memory_space<hbm>>) target(%dma_start3A_1031 : memref<128xf32, #tpu.memory_space<vmem>>) offsets(%arg19 : memref<128xi32, #tpu.memory_space<vmem>>) semaphore(%arg22 : memref<!tpu.dma_semaphore, #tpu.memory_space<semaphore_mem>>)
    %dma_start3A_1034 = arith.constant 3 : i32
    %dma_start3A_1035 = arith.constant 2 : i32
    %dma_start3A_1036 = arith.constant 0 : i32
    %dma_start3A_1037 = tpu.memref_slice %arg21[%dma_start3A_1034, %dma_start3A_1035, %dma_start3A_1036] : memref<4x3x128xf32, #tpu.memory_space<vmem>> -> memref<1x1x128xf32, #tpu.memory_space<vmem>>
    %dma_start3A_1038 = tpu.memref_squeeze %dma_start3A_1037 : memref<1x1x128xf32, #tpu.memory_space<vmem>> -> memref<128xf32, #tpu.memory_space<vmem>>
    %dma_start3A_1039 = arith.constant 0 : i32
    %dma_start3A_1040 = tpu.memref_slice %arg2[%dma_start3A_1039] : memref<113246208xf32, #tpu.memory_space<hbm>> -> memref<113246208xf32, #tpu.memory_space<hbm>>
    tpu.enqueue_indirect_dma source(%dma_start3A_1040 : memref<113246208xf32, #tpu.memory_space<hbm>>) target(%dma_start3A_1038 : memref<128xf32, #tpu.memory_space<vmem>>) offsets(%arg20 : memref<128xi32, #tpu.memory_space<vmem>>) semaphore(%arg22 : memref<!tpu.dma_semaphore, #tpu.memory_space<semaphore_mem>>)
    %dma_wait3A_1041 = arith.constant 0 : i32
    %dma_wait3A_1042 = arith.constant 0 : i32
    %dma_wait3A_1043 = arith.constant 0 : i32
    %dma_wait3A_1044 = tpu.memref_slice %arg21[%dma_wait3A_1041, %dma_wait3A_1042, %dma_wait3A_1043] : memref<4x3x128xf32, #tpu.memory_space<vmem>> -> memref<1x1x128xf32, #tpu.memory_space<vmem>>
    %dma_wait3A_1045 = tpu.memref_squeeze %dma_wait3A_1044 : memref<1x1x128xf32, #tpu.memory_space<vmem>> -> memref<128xf32, #tpu.memory_space<vmem>>
    %dma_wait3A_1046 = arith.constant 0 : i32
    %dma_wait3A_1047 = tpu.memref_slice %arg2[%dma_wait3A_1046] : memref<113246208xf32, #tpu.memory_space<hbm>> -> memref<113246208xf32, #tpu.memory_space<hbm>>
    tpu.wait_indirect_dma semaphore(%arg22 : memref<!tpu.dma_semaphore, #tpu.memory_space<semaphore_mem>>) src(%dma_wait3A_1047 : memref<113246208xf32, #tpu.memory_space<hbm>>) dst(%dma_wait3A_1045 : memref<128xf32, #tpu.memory_space<vmem>>)
    %dma_wait3A_1048 = arith.constant 0 : i32
    %dma_wait3A_1049 = arith.constant 1 : i32
    %dma_wait3A_1050 = arith.constant 0 : i32
    %dma_wait3A_1051 = tpu.memref_slice %arg21[%dma_wait3A_1048, %dma_wait3A_1049, %dma_wait3A_1050] : memref<4x3x128xf32, #tpu.memory_space<vmem>> -> memref<1x1x128xf32, #tpu.memory_space<vmem>>
    %dma_wait3A_1052 = tpu.memref_squeeze %dma_wait3A_1051 : memref<1x1x128xf32, #tpu.memory_space<vmem>> -> memref<128xf32, #tpu.memory_space<vmem>>
    %dma_wait3A_1053 = arith.constant 0 : i32
    %dma_wait3A_1054 = tpu.memref_slice %arg2[%dma_wait3A_1053] : memref<113246208xf32, #tpu.memory_space<hbm>> -> memref<113246208xf32, #tpu.memory_space<hbm>>
    tpu.wait_indirect_dma semaphore(%arg22 : memref<!tpu.dma_semaphore, #tpu.memory_space<semaphore_mem>>) src(%dma_wait3A_1054 : memref<113246208xf32, #tpu.memory_space<hbm>>) dst(%dma_wait3A_1052 : memref<128xf32, #tpu.memory_space<vmem>>)
    %dma_wait3A_1055 = arith.constant 0 : i32
    %dma_wait3A_1056 = arith.constant 2 : i32
    %dma_wait3A_1057 = arith.constant 0 : i32
    %dma_wait3A_1058 = tpu.memref_slice %arg21[%dma_wait3A_1055, %dma_wait3A_1056, %dma_wait3A_1057] : memref<4x3x128xf32, #tpu.memory_space<vmem>> -> memref<1x1x128xf32, #tpu.memory_space<vmem>>
    %dma_wait3A_1059 = tpu.memref_squeeze %dma_wait3A_1058 : memref<1x1x128xf32, #tpu.memory_space<vmem>> -> memref<128xf32, #tpu.memory_space<vmem>>
    %dma_wait3A_1060 = arith.constant 0 : i32
    %dma_wait3A_1061 = tpu.memref_slice %arg2[%dma_wait3A_1060] : memref<113246208xf32, #tpu.memory_space<hbm>> -> memref<113246208xf32, #tpu.memory_space<hbm>>
    tpu.wait_indirect_dma semaphore(%arg22 : memref<!tpu.dma_semaphore, #tpu.memory_space<semaphore_mem>>) src(%dma_wait3A_1061 : memref<113246208xf32, #tpu.memory_space<hbm>>) dst(%dma_wait3A_1059 : memref<128xf32, #tpu.memory_space<vmem>>)
    %dma_wait3A_1062 = arith.constant 1 : i32
    %dma_wait3A_1063 = arith.constant 0 : i32
    %dma_wait3A_1064 = arith.constant 0 : i32
    %dma_wait3A_1065 = tpu.memref_slice %arg21[%dma_wait3A_1062, %dma_wait3A_1063, %dma_wait3A_1064] : memref<4x3x128xf32, #tpu.memory_space<vmem>> -> memref<1x1x128xf32, #tpu.memory_space<vmem>>
    %dma_wait3A_1066 = tpu.memref_squeeze %dma_wait3A_1065 : memref<1x1x128xf32, #tpu.memory_space<vmem>> -> memref<128xf32, #tpu.memory_space<vmem>>
    %dma_wait3A_1067 = arith.constant 0 : i32
    %dma_wait3A_1068 = tpu.memref_slice %arg2[%dma_wait3A_1067] : memref<113246208xf32, #tpu.memory_space<hbm>> -> memref<113246208xf32, #tpu.memory_space<hbm>>
    tpu.wait_indirect_dma semaphore(%arg22 : memref<!tpu.dma_semaphore, #tpu.memory_space<semaphore_mem>>) src(%dma_wait3A_1068 : memref<113246208xf32, #tpu.memory_space<hbm>>) dst(%dma_wait3A_1066 : memref<128xf32, #tpu.memory_space<vmem>>)
    %dma_wait3A_1069 = arith.constant 1 : i32
    %dma_wait3A_1070 = arith.constant 1 : i32
    %dma_wait3A_1071 = arith.constant 0 : i32
    %dma_wait3A_1072 = tpu.memref_slice %arg21[%dma_wait3A_1069, %dma_wait3A_1070, %dma_wait3A_1071] : memref<4x3x128xf32, #tpu.memory_space<vmem>> -> memref<1x1x128xf32, #tpu.memory_space<vmem>>
    %dma_wait3A_1073 = tpu.memref_squeeze %dma_wait3A_1072 : memref<1x1x128xf32, #tpu.memory_space<vmem>> -> memref<128xf32, #tpu.memory_space<vmem>>
    %dma_wait3A_1074 = arith.constant 0 : i32
    %dma_wait3A_1075 = tpu.memref_slice %arg2[%dma_wait3A_1074] : memref<113246208xf32, #tpu.memory_space<hbm>> -> memref<113246208xf32, #tpu.memory_space<hbm>>
    tpu.wait_indirect_dma semaphore(%arg22 : memref<!tpu.dma_semaphore, #tpu.memory_space<semaphore_mem>>) src(%dma_wait3A_1075 : memref<113246208xf32, #tpu.memory_space<hbm>>) dst(%dma_wait3A_1073 : memref<128xf32, #tpu.memory_space<vmem>>)
    %dma_wait3A_1076 = arith.constant 1 : i32
    %dma_wait3A_1077 = arith.constant 2 : i32
    %dma_wait3A_1078 = arith.constant 0 : i32
    %dma_wait3A_1079 = tpu.memref_slice %arg21[%dma_wait3A_1076, %dma_wait3A_1077, %dma_wait3A_1078] : memref<4x3x128xf32, #tpu.memory_space<vmem>> -> memref<1x1x128xf32, #tpu.memory_space<vmem>>
    %dma_wait3A_1080 = tpu.memref_squeeze %dma_wait3A_1079 : memref<1x1x128xf32, #tpu.memory_space<vmem>> -> memref<128xf32, #tpu.memory_space<vmem>>
    %dma_wait3A_1081 = arith.constant 0 : i32
    %dma_wait3A_1082 = tpu.memref_slice %arg2[%dma_wait3A_1081] : memref<113246208xf32, #tpu.memory_space<hbm>> -> memref<113246208xf32, #tpu.memory_space<hbm>>
    tpu.wait_indirect_dma semaphore(%arg22 : memref<!tpu.dma_semaphore, #tpu.memory_space<semaphore_mem>>) src(%dma_wait3A_1082 : memref<113246208xf32, #tpu.memory_space<hbm>>) dst(%dma_wait3A_1080 : memref<128xf32, #tpu.memory_space<vmem>>)
    %dma_wait3A_1083 = arith.constant 2 : i32
    %dma_wait3A_1084 = arith.constant 0 : i32
    %dma_wait3A_1085 = arith.constant 0 : i32
    %dma_wait3A_1086 = tpu.memref_slice %arg21[%dma_wait3A_1083, %dma_wait3A_1084, %dma_wait3A_1085] : memref<4x3x128xf32, #tpu.memory_space<vmem>> -> memref<1x1x128xf32, #tpu.memory_space<vmem>>
    %dma_wait3A_1087 = tpu.memref_squeeze %dma_wait3A_1086 : memref<1x1x128xf32, #tpu.memory_space<vmem>> -> memref<128xf32, #tpu.memory_space<vmem>>
    %dma_wait3A_1088 = arith.constant 0 : i32
    %dma_wait3A_1089 = tpu.memref_slice %arg2[%dma_wait3A_1088] : memref<113246208xf32, #tpu.memory_space<hbm>> -> memref<113246208xf32, #tpu.memory_space<hbm>>
    tpu.wait_indirect_dma semaphore(%arg22 : memref<!tpu.dma_semaphore, #tpu.memory_space<semaphore_mem>>) src(%dma_wait3A_1089 : memref<113246208xf32, #tpu.memory_space<hbm>>) dst(%dma_wait3A_1087 : memref<128xf32, #tpu.memory_space<vmem>>)
    %dma_wait3A_1090 = arith.constant 2 : i32
    %dma_wait3A_1091 = arith.constant 1 : i32
    %dma_wait3A_1092 = arith.constant 0 : i32
    %dma_wait3A_1093 = tpu.memref_slice %arg21[%dma_wait3A_1090, %dma_wait3A_1091, %dma_wait3A_1092] : memref<4x3x128xf32, #tpu.memory_space<vmem>> -> memref<1x1x128xf32, #tpu.memory_space<vmem>>
    %dma_wait3A_1094 = tpu.memref_squeeze %dma_wait3A_1093 : memref<1x1x128xf32, #tpu.memory_space<vmem>> -> memref<128xf32, #tpu.memory_space<vmem>>
    %dma_wait3A_1095 = arith.constant 0 : i32
    %dma_wait3A_1096 = tpu.memref_slice %arg2[%dma_wait3A_1095] : memref<113246208xf32, #tpu.memory_space<hbm>> -> memref<113246208xf32, #tpu.memory_space<hbm>>
    tpu.wait_indirect_dma semaphore(%arg22 : memref<!tpu.dma_semaphore, #tpu.memory_space<semaphore_mem>>) src(%dma_wait3A_1096 : memref<113246208xf32, #tpu.memory_space<hbm>>) dst(%dma_wait3A_1094 : memref<128xf32, #tpu.memory_space<vmem>>)
    %dma_wait3A_1097 = arith.constant 2 : i32
    %dma_wait3A_1098 = arith.constant 2 : i32
    %dma_wait3A_1099 = arith.constant 0 : i32
    %dma_wait3A_1100 = tpu.memref_slice %arg21[%dma_wait3A_1097, %dma_wait3A_1098, %dma_wait3A_1099] : memref<4x3x128xf32, #tpu.memory_space<vmem>> -> memref<1x1x128xf32, #tpu.memory_space<vmem>>
    %dma_wait3A_1101 = tpu.memref_squeeze %dma_wait3A_1100 : memref<1x1x128xf32, #tpu.memory_space<vmem>> -> memref<128xf32, #tpu.memory_space<vmem>>
    %dma_wait3A_1102 = arith.constant 0 : i32
    %dma_wait3A_1103 = tpu.memref_slice %arg2[%dma_wait3A_1102] : memref<113246208xf32, #tpu.memory_space<hbm>> -> memref<113246208xf32, #tpu.memory_space<hbm>>
    tpu.wait_indirect_dma semaphore(%arg22 : memref<!tpu.dma_semaphore, #tpu.memory_space<semaphore_mem>>) src(%dma_wait3A_1103 : memref<113246208xf32, #tpu.memory_space<hbm>>) dst(%dma_wait3A_1101 : memref<128xf32, #tpu.memory_space<vmem>>)
    %dma_wait3A_1104 = arith.constant 3 : i32
    %dma_wait3A_1105 = arith.constant 0 : i32
    %dma_wait3A_1106 = arith.constant 0 : i32
    %dma_wait3A_1107 = tpu.memref_slice %arg21[%dma_wait3A_1104, %dma_wait3A_1105, %dma_wait3A_1106] : memref<4x3x128xf32, #tpu.memory_space<vmem>> -> memref<1x1x128xf32, #tpu.memory_space<vmem>>
    %dma_wait3A_1108 = tpu.memref_squeeze %dma_wait3A_1107 : memref<1x1x128xf32, #tpu.memory_space<vmem>> -> memref<128xf32, #tpu.memory_space<vmem>>
    %dma_wait3A_1109 = arith.constant 0 : i32
    %dma_wait3A_1110 = tpu.memref_slice %arg2[%dma_wait3A_1109] : memref<113246208xf32, #tpu.memory_space<hbm>> -> memref<113246208xf32, #tpu.memory_space<hbm>>
    tpu.wait_indirect_dma semaphore(%arg22 : memref<!tpu.dma_semaphore, #tpu.memory_space<semaphore_mem>>) src(%dma_wait3A_1110 : memref<113246208xf32, #tpu.memory_space<hbm>>) dst(%dma_wait3A_1108 : memref<128xf32, #tpu.memory_space<vmem>>)
    %dma_wait3A_1111 = arith.constant 3 : i32
    %dma_wait3A_1112 = arith.constant 1 : i32
    %dma_wait3A_1113 = arith.constant 0 : i32
    %dma_wait3A_1114 = tpu.memref_slice %arg21[%dma_wait3A_1111, %dma_wait3A_1112, %dma_wait3A_1113] : memref<4x3x128xf32, #tpu.memory_space<vmem>> -> memref<1x1x128xf32, #tpu.memory_space<vmem>>
    %dma_wait3A_1115 = tpu.memref_squeeze %dma_wait3A_1114 : memref<1x1x128xf32, #tpu.memory_space<vmem>> -> memref<128xf32, #tpu.memory_space<vmem>>
    %dma_wait3A_1116 = arith.constant 0 : i32
    %dma_wait3A_1117 = tpu.memref_slice %arg2[%dma_wait3A_1116] : memref<113246208xf32, #tpu.memory_space<hbm>> -> memref<113246208xf32, #tpu.memory_space<hbm>>
    tpu.wait_indirect_dma semaphore(%arg22 : memref<!tpu.dma_semaphore, #tpu.memory_space<semaphore_mem>>) src(%dma_wait3A_1117 : memref<113246208xf32, #tpu.memory_space<hbm>>) dst(%dma_wait3A_1115 : memref<128xf32, #tpu.memory_space<vmem>>)
    %dma_wait3A_1118 = arith.constant 3 : i32
    %dma_wait3A_1119 = arith.constant 2 : i32
    %dma_wait3A_1120 = arith.constant 0 : i32
    %dma_wait3A_1121 = tpu.memref_slice %arg21[%dma_wait3A_1118, %dma_wait3A_1119, %dma_wait3A_1120] : memref<4x3x128xf32, #tpu.memory_space<vmem>> -> memref<1x1x128xf32, #tpu.memory_space<vmem>>
    %dma_wait3A_1122 = tpu.memref_squeeze %dma_wait3A_1121 : memref<1x1x128xf32, #tpu.memory_space<vmem>> -> memref<128xf32, #tpu.memory_space<vmem>>
    %dma_wait3A_1123 = arith.constant 0 : i32
    %dma_wait3A_1124 = tpu.memref_slice %arg2[%dma_wait3A_1123] : memref<113246208xf32, #tpu.memory_space<hbm>> -> memref<113246208xf32, #tpu.memory_space<hbm>>
    tpu.wait_indirect_dma semaphore(%arg22 : memref<!tpu.dma_semaphore, #tpu.memory_space<semaphore_mem>>) src(%dma_wait3A_1124 : memref<113246208xf32, #tpu.memory_space<hbm>>) dst(%dma_wait3A_1122 : memref<128xf32, #tpu.memory_space<vmem>>)
    %mul3A_1125 = arith.constant 4 : i32
    %mul3A_1126 = arith.muli %add3A, %mul3A_1125 : i32
    %add3A_1127 = arith.constant 0 : i32
    %add3A_1128 = arith.addi %mul3A_1126, %add3A_1127 : i32
    %run_scoped3A = arith.constant 0 : i32
    "tpu.region"() ({
      %run_scoped3A_1144 = tpu.sem_alloc : memref<!tpu.dma_semaphore, #tpu.memory_space<semaphore_mem>>
      %dma_start3A_1145 = arith.constant 0 : i32
      %dma_start3A_1146 = arith.constant 0 : i32
      %dma_start3A_1147 = tpu.memref_slice %arg21[%run_scoped3A, %dma_start3A_1145, %dma_start3A_1146] : memref<4x3x128xf32, #tpu.memory_space<vmem>> -> memref<1x3x128xf32, #tpu.memory_space<vmem>>
      %dma_start3A_1148 = tpu.memref_squeeze %dma_start3A_1147 : memref<1x3x128xf32, #tpu.memory_space<vmem>> -> memref<3x128xf32, #tpu.memory_space<vmem>>
      %dma_start3A_1149 = arith.constant 0 : i32
      %dma_start3A_1150 = arith.constant 0 : i32
      %dma_start3A_1151 = tpu.memref_slice %arg4[%add3A_1128, %dma_start3A_1149, %dma_start3A_1150] : memref<128x3x128xf32, #tpu.memory_space<hbm>> -> memref<1x3x128xf32, #tpu.memory_space<hbm>>
      %dma_start3A_1152 = tpu.memref_squeeze %dma_start3A_1151 : memref<1x3x128xf32, #tpu.memory_space<hbm>> -> memref<3x128xf32, #tpu.memory_space<hbm>>
      %dma_start3A_1153 = arith.constant 0 : i32
      %dma_start3A_1154 = arith.constant 0 : i32
      %dma_start3A_1155 = tpu.memref_slice %arg4[%add3A_1128, %dma_start3A_1153, %dma_start3A_1154] : memref<128x3x128xf32, #tpu.memory_space<hbm>> -> memref<1x3x128xf32, #tpu.memory_space<hbm>>
      %dma_start3A_1156 = tpu.memref_squeeze %dma_start3A_1155 : memref<1x3x128xf32, #tpu.memory_space<hbm>> -> memref<3x128xf32, #tpu.memory_space<hbm>>
      %dma_start3A_1157 = arith.constant 0 : i32
      %dma_start3A_1158 = arith.constant 0 : i32
      %dma_start3A_1159 = tpu.memref_slice %arg21[%run_scoped3A, %dma_start3A_1157, %dma_start3A_1158] : memref<4x3x128xf32, #tpu.memory_space<vmem>> -> memref<1x3x128xf32, #tpu.memory_space<vmem>>
      %dma_start3A_1160 = tpu.memref_squeeze %dma_start3A_1159 : memref<1x3x128xf32, #tpu.memory_space<vmem>> -> memref<3x128xf32, #tpu.memory_space<vmem>>
      tpu.enqueue_dma source(%dma_start3A_1160 : memref<3x128xf32, #tpu.memory_space<vmem>>) target(%dma_start3A_1156 : memref<3x128xf32, #tpu.memory_space<hbm>>) target_semaphore(%run_scoped3A_1144 : memref<!tpu.dma_semaphore, #tpu.memory_space<semaphore_mem>>)
      %dma_wait3A_1161 = arith.constant 0 : i32
      %dma_wait3A_1162 = arith.constant 0 : i32
      %dma_wait3A_1163 = tpu.memref_slice %arg21[%run_scoped3A, %dma_wait3A_1161, %dma_wait3A_1162] : memref<4x3x128xf32, #tpu.memory_space<vmem>> -> memref<1x3x128xf32, #tpu.memory_space<vmem>>
      %dma_wait3A_1164 = tpu.memref_squeeze %dma_wait3A_1163 : memref<1x3x128xf32, #tpu.memory_space<vmem>> -> memref<3x128xf32, #tpu.memory_space<vmem>>
      %dma_wait3A_1165 = arith.constant 0 : i32
      %dma_wait3A_1166 = arith.constant 0 : i32
      %dma_wait3A_1167 = tpu.memref_slice %arg4[%add3A_1128, %dma_wait3A_1165, %dma_wait3A_1166] : memref<128x3x128xf32, #tpu.memory_space<hbm>> -> memref<1x3x128xf32, #tpu.memory_space<hbm>>
      %dma_wait3A_1168 = tpu.memref_squeeze %dma_wait3A_1167 : memref<1x3x128xf32, #tpu.memory_space<hbm>> -> memref<3x128xf32, #tpu.memory_space<hbm>>
      %dma_wait3A_1169 = arith.constant 0 : i32
      %dma_wait3A_1170 = arith.constant 0 : i32
      %dma_wait3A_1171 = tpu.memref_slice %arg4[%add3A_1128, %dma_wait3A_1169, %dma_wait3A_1170] : memref<128x3x128xf32, #tpu.memory_space<hbm>> -> memref<1x3x128xf32, #tpu.memory_space<hbm>>
      %dma_wait3A_1172 = tpu.memref_squeeze %dma_wait3A_1171 : memref<1x3x128xf32, #tpu.memory_space<hbm>> -> memref<3x128xf32, #tpu.memory_space<hbm>>
      %dma_wait3A_1173 = arith.constant 0 : i32
      %dma_wait3A_1174 = arith.constant 0 : i32
      %dma_wait3A_1175 = tpu.memref_slice %arg21[%run_scoped3A, %dma_wait3A_1173, %dma_wait3A_1174] : memref<4x3x128xf32, #tpu.memory_space<vmem>> -> memref<1x3x128xf32, #tpu.memory_space<vmem>>
      %dma_wait3A_1176 = tpu.memref_squeeze %dma_wait3A_1175 : memref<1x3x128xf32, #tpu.memory_space<vmem>> -> memref<3x128xf32, #tpu.memory_space<vmem>>
      tpu.wait_dma2 semaphore(%run_scoped3A_1144 : memref<!tpu.dma_semaphore, #tpu.memory_space<semaphore_mem>>) src(%dma_wait3A_1176 : memref<3x128xf32, #tpu.memory_space<vmem>>) dst(%dma_wait3A_1172 : memref<3x128xf32, #tpu.memory_space<hbm>>)
      tpu.yield
    }) : () -> ()
    %mul3A_1129 = arith.constant 4 : i32
    %mul3A_1130 = arith.muli %add3A, %mul3A_1129 : i32
    %add3A_1131 = arith.constant 1 : i32
    %add3A_1132 = arith.addi %mul3A_1130, %add3A_1131 : i32
    %run_scoped3A_1133 = arith.constant 1 : i32
    "tpu.region"() ({
      %run_scoped3A_1144 = tpu.sem_alloc : memref<!tpu.dma_semaphore, #tpu.memory_space<semaphore_mem>>
      %dma_start3A_1145 = arith.constant 0 : i32
      %dma_start3A_1146 = arith.constant 0 : i32
      %dma_start3A_1147 = tpu.memref_slice %arg21[%run_scoped3A_1133, %dma_start3A_1145, %dma_start3A_1146] : memref<4x3x128xf32, #tpu.memory_space<vmem>> -> memref<1x3x128xf32, #tpu.memory_space<vmem>>
      %dma_start3A_1148 = tpu.memref_squeeze %dma_start3A_1147 : memref<1x3x128xf32, #tpu.memory_space<vmem>> -> memref<3x128xf32, #tpu.memory_space<vmem>>
      %dma_start3A_1149 = arith.constant 0 : i32
      %dma_start3A_1150 = arith.constant 0 : i32
      %dma_start3A_1151 = tpu.memref_slice %arg4[%add3A_1132, %dma_start3A_1149, %dma_start3A_1150] : memref<128x3x128xf32, #tpu.memory_space<hbm>> -> memref<1x3x128xf32, #tpu.memory_space<hbm>>
      %dma_start3A_1152 = tpu.memref_squeeze %dma_start3A_1151 : memref<1x3x128xf32, #tpu.memory_space<hbm>> -> memref<3x128xf32, #tpu.memory_space<hbm>>
      %dma_start3A_1153 = arith.constant 0 : i32
      %dma_start3A_1154 = arith.constant 0 : i32
      %dma_start3A_1155 = tpu.memref_slice %arg4[%add3A_1132, %dma_start3A_1153, %dma_start3A_1154] : memref<128x3x128xf32, #tpu.memory_space<hbm>> -> memref<1x3x128xf32, #tpu.memory_space<hbm>>
      %dma_start3A_1156 = tpu.memref_squeeze %dma_start3A_1155 : memref<1x3x128xf32, #tpu.memory_space<hbm>> -> memref<3x128xf32, #tpu.memory_space<hbm>>
      %dma_start3A_1157 = arith.constant 0 : i32
      %dma_start3A_1158 = arith.constant 0 : i32
      %dma_start3A_1159 = tpu.memref_slice %arg21[%run_scoped3A_1133, %dma_start3A_1157, %dma_start3A_1158] : memref<4x3x128xf32, #tpu.memory_space<vmem>> -> memref<1x3x128xf32, #tpu.memory_space<vmem>>
      %dma_start3A_1160 = tpu.memref_squeeze %dma_start3A_1159 : memref<1x3x128xf32, #tpu.memory_space<vmem>> -> memref<3x128xf32, #tpu.memory_space<vmem>>
      tpu.enqueue_dma source(%dma_start3A_1160 : memref<3x128xf32, #tpu.memory_space<vmem>>) target(%dma_start3A_1156 : memref<3x128xf32, #tpu.memory_space<hbm>>) target_semaphore(%run_scoped3A_1144 : memref<!tpu.dma_semaphore, #tpu.memory_space<semaphore_mem>>)
      %dma_wait3A_1161 = arith.constant 0 : i32
      %dma_wait3A_1162 = arith.constant 0 : i32
      %dma_wait3A_1163 = tpu.memref_slice %arg21[%run_scoped3A_1133, %dma_wait3A_1161, %dma_wait3A_1162] : memref<4x3x128xf32, #tpu.memory_space<vmem>> -> memref<1x3x128xf32, #tpu.memory_space<vmem>>
      %dma_wait3A_1164 = tpu.memref_squeeze %dma_wait3A_1163 : memref<1x3x128xf32, #tpu.memory_space<vmem>> -> memref<3x128xf32, #tpu.memory_space<vmem>>
      %dma_wait3A_1165 = arith.constant 0 : i32
      %dma_wait3A_1166 = arith.constant 0 : i32
      %dma_wait3A_1167 = tpu.memref_slice %arg4[%add3A_1132, %dma_wait3A_1165, %dma_wait3A_1166] : memref<128x3x128xf32, #tpu.memory_space<hbm>> -> memref<1x3x128xf32, #tpu.memory_space<hbm>>
      %dma_wait3A_1168 = tpu.memref_squeeze %dma_wait3A_1167 : memref<1x3x128xf32, #tpu.memory_space<hbm>> -> memref<3x128xf32, #tpu.memory_space<hbm>>
      %dma_wait3A_1169 = arith.constant 0 : i32
      %dma_wait3A_1170 = arith.constant 0 : i32
      %dma_wait3A_1171 = tpu.memref_slice %arg4[%add3A_1132, %dma_wait3A_1169, %dma_wait3A_1170] : memref<128x3x128xf32, #tpu.memory_space<hbm>> -> memref<1x3x128xf32, #tpu.memory_space<hbm>>
      %dma_wait3A_1172 = tpu.memref_squeeze %dma_wait3A_1171 : memref<1x3x128xf32, #tpu.memory_space<hbm>> -> memref<3x128xf32, #tpu.memory_space<hbm>>
      %dma_wait3A_1173 = arith.constant 0 : i32
      %dma_wait3A_1174 = arith.constant 0 : i32
      %dma_wait3A_1175 = tpu.memref_slice %arg21[%run_scoped3A_1133, %dma_wait3A_1173, %dma_wait3A_1174] : memref<4x3x128xf32, #tpu.memory_space<vmem>> -> memref<1x3x128xf32, #tpu.memory_space<vmem>>
      %dma_wait3A_1176 = tpu.memref_squeeze %dma_wait3A_1175 : memref<1x3x128xf32, #tpu.memory_space<vmem>> -> memref<3x128xf32, #tpu.memory_space<vmem>>
      tpu.wait_dma2 semaphore(%run_scoped3A_1144 : memref<!tpu.dma_semaphore, #tpu.memory_space<semaphore_mem>>) src(%dma_wait3A_1176 : memref<3x128xf32, #tpu.memory_space<vmem>>) dst(%dma_wait3A_1172 : memref<3x128xf32, #tpu.memory_space<hbm>>)
      tpu.yield
    }) : () -> ()
    %mul3A_1134 = arith.constant 4 : i32
    %mul3A_1135 = arith.muli %add3A, %mul3A_1134 : i32
    %add3A_1136 = arith.constant 2 : i32
    %add3A_1137 = arith.addi %mul3A_1135, %add3A_1136 : i32
    %run_scoped3A_1138 = arith.constant 2 : i32
    "tpu.region"() ({
      %run_scoped3A_1144 = tpu.sem_alloc : memref<!tpu.dma_semaphore, #tpu.memory_space<semaphore_mem>>
      %dma_start3A_1145 = arith.constant 0 : i32
      %dma_start3A_1146 = arith.constant 0 : i32
      %dma_start3A_1147 = tpu.memref_slice %arg21[%run_scoped3A_1138, %dma_start3A_1145, %dma_start3A_1146] : memref<4x3x128xf32, #tpu.memory_space<vmem>> -> memref<1x3x128xf32, #tpu.memory_space<vmem>>
      %dma_start3A_1148 = tpu.memref_squeeze %dma_start3A_1147 : memref<1x3x128xf32, #tpu.memory_space<vmem>> -> memref<3x128xf32, #tpu.memory_space<vmem>>
      %dma_start3A_1149 = arith.constant 0 : i32
      %dma_start3A_1150 = arith.constant 0 : i32
      %dma_start3A_1151 = tpu.memref_slice %arg4[%add3A_1137, %dma_start3A_1149, %dma_start3A_1150] : memref<128x3x128xf32, #tpu.memory_space<hbm>> -> memref<1x3x128xf32, #tpu.memory_space<hbm>>
      %dma_start3A_1152 = tpu.memref_squeeze %dma_start3A_1151 : memref<1x3x128xf32, #tpu.memory_space<hbm>> -> memref<3x128xf32, #tpu.memory_space<hbm>>
      %dma_start3A_1153 = arith.constant 0 : i32
      %dma_start3A_1154 = arith.constant 0 : i32
      %dma_start3A_1155 = tpu.memref_slice %arg4[%add3A_1137, %dma_start3A_1153, %dma_start3A_1154] : memref<128x3x128xf32, #tpu.memory_space<hbm>> -> memref<1x3x128xf32, #tpu.memory_space<hbm>>
      %dma_start3A_1156 = tpu.memref_squeeze %dma_start3A_1155 : memref<1x3x128xf32, #tpu.memory_space<hbm>> -> memref<3x128xf32, #tpu.memory_space<hbm>>
      %dma_start3A_1157 = arith.constant 0 : i32
      %dma_start3A_1158 = arith.constant 0 : i32
      %dma_start3A_1159 = tpu.memref_slice %arg21[%run_scoped3A_1138, %dma_start3A_1157, %dma_start3A_1158] : memref<4x3x128xf32, #tpu.memory_space<vmem>> -> memref<1x3x128xf32, #tpu.memory_space<vmem>>
      %dma_start3A_1160 = tpu.memref_squeeze %dma_start3A_1159 : memref<1x3x128xf32, #tpu.memory_space<vmem>> -> memref<3x128xf32, #tpu.memory_space<vmem>>
      tpu.enqueue_dma source(%dma_start3A_1160 : memref<3x128xf32, #tpu.memory_space<vmem>>) target(%dma_start3A_1156 : memref<3x128xf32, #tpu.memory_space<hbm>>) target_semaphore(%run_scoped3A_1144 : memref<!tpu.dma_semaphore, #tpu.memory_space<semaphore_mem>>)
      %dma_wait3A_1161 = arith.constant 0 : i32
      %dma_wait3A_1162 = arith.constant 0 : i32
      %dma_wait3A_1163 = tpu.memref_slice %arg21[%run_scoped3A_1138, %dma_wait3A_1161, %dma_wait3A_1162] : memref<4x3x128xf32, #tpu.memory_space<vmem>> -> memref<1x3x128xf32, #tpu.memory_space<vmem>>
      %dma_wait3A_1164 = tpu.memref_squeeze %dma_wait3A_1163 : memref<1x3x128xf32, #tpu.memory_space<vmem>> -> memref<3x128xf32, #tpu.memory_space<vmem>>
      %dma_wait3A_1165 = arith.constant 0 : i32
      %dma_wait3A_1166 = arith.constant 0 : i32
      %dma_wait3A_1167 = tpu.memref_slice %arg4[%add3A_1137, %dma_wait3A_1165, %dma_wait3A_1166] : memref<128x3x128xf32, #tpu.memory_space<hbm>> -> memref<1x3x128xf32, #tpu.memory_space<hbm>>
      %dma_wait3A_1168 = tpu.memref_squeeze %dma_wait3A_1167 : memref<1x3x128xf32, #tpu.memory_space<hbm>> -> memref<3x128xf32, #tpu.memory_space<hbm>>
      %dma_wait3A_1169 = arith.constant 0 : i32
      %dma_wait3A_1170 = arith.constant 0 : i32
      %dma_wait3A_1171 = tpu.memref_slice %arg4[%add3A_1137, %dma_wait3A_1169, %dma_wait3A_1170] : memref<128x3x128xf32, #tpu.memory_space<hbm>> -> memref<1x3x128xf32, #tpu.memory_space<hbm>>
      %dma_wait3A_1172 = tpu.memref_squeeze %dma_wait3A_1171 : memref<1x3x128xf32, #tpu.memory_space<hbm>> -> memref<3x128xf32, #tpu.memory_space<hbm>>
      %dma_wait3A_1173 = arith.constant 0 : i32
      %dma_wait3A_1174 = arith.constant 0 : i32
      %dma_wait3A_1175 = tpu.memref_slice %arg21[%run_scoped3A_1138, %dma_wait3A_1173, %dma_wait3A_1174] : memref<4x3x128xf32, #tpu.memory_space<vmem>> -> memref<1x3x128xf32, #tpu.memory_space<vmem>>
      %dma_wait3A_1176 = tpu.memref_squeeze %dma_wait3A_1175 : memref<1x3x128xf32, #tpu.memory_space<vmem>> -> memref<3x128xf32, #tpu.memory_space<vmem>>
      tpu.wait_dma2 semaphore(%run_scoped3A_1144 : memref<!tpu.dma_semaphore, #tpu.memory_space<semaphore_mem>>) src(%dma_wait3A_1176 : memref<3x128xf32, #tpu.memory_space<vmem>>) dst(%dma_wait3A_1172 : memref<3x128xf32, #tpu.memory_space<hbm>>)
      tpu.yield
    }) : () -> ()
    %mul3A_1139 = arith.constant 4 : i32
    %mul3A_1140 = arith.muli %add3A, %mul3A_1139 : i32
    %add3A_1141 = arith.constant 3 : i32
    %add3A_1142 = arith.addi %mul3A_1140, %add3A_1141 : i32
    %run_scoped3A_1143 = arith.constant 3 : i32
    "tpu.region"() ({
      %run_scoped3A_1144 = tpu.sem_alloc : memref<!tpu.dma_semaphore, #tpu.memory_space<semaphore_mem>>
      %dma_start3A_1145 = arith.constant 0 : i32
      %dma_start3A_1146 = arith.constant 0 : i32
      %dma_start3A_1147 = tpu.memref_slice %arg21[%run_scoped3A_1143, %dma_start3A_1145, %dma_start3A_1146] : memref<4x3x128xf32, #tpu.memory_space<vmem>> -> memref<1x3x128xf32, #tpu.memory_space<vmem>>
      %dma_start3A_1148 = tpu.memref_squeeze %dma_start3A_1147 : memref<1x3x128xf32, #tpu.memory_space<vmem>> -> memref<3x128xf32, #tpu.memory_space<vmem>>
      %dma_start3A_1149 = arith.constant 0 : i32
      %dma_start3A_1150 = arith.constant 0 : i32
      %dma_start3A_1151 = tpu.memref_slice %arg4[%add3A_1142, %dma_start3A_1149, %dma_start3A_1150] : memref<128x3x128xf32, #tpu.memory_space<hbm>> -> memref<1x3x128xf32, #tpu.memory_space<hbm>>
      %dma_start3A_1152 = tpu.memref_squeeze %dma_start3A_1151 : memref<1x3x128xf32, #tpu.memory_space<hbm>> -> memref<3x128xf32, #tpu.memory_space<hbm>>
      %dma_start3A_1153 = arith.constant 0 : i32
      %dma_start3A_1154 = arith.constant 0 : i32
      %dma_start3A_1155 = tpu.memref_slice %arg4[%add3A_1142, %dma_start3A_1153, %dma_start3A_1154] : memref<128x3x128xf32, #tpu.memory_space<hbm>> -> memref<1x3x128xf32, #tpu.memory_space<hbm>>
      %dma_start3A_1156 = tpu.memref_squeeze %dma_start3A_1155 : memref<1x3x128xf32, #tpu.memory_space<hbm>> -> memref<3x128xf32, #tpu.memory_space<hbm>>
      %dma_start3A_1157 = arith.constant 0 : i32
      %dma_start3A_1158 = arith.constant 0 : i32
      %dma_start3A_1159 = tpu.memref_slice %arg21[%run_scoped3A_1143, %dma_start3A_1157, %dma_start3A_1158] : memref<4x3x128xf32, #tpu.memory_space<vmem>> -> memref<1x3x128xf32, #tpu.memory_space<vmem>>
      %dma_start3A_1160 = tpu.memref_squeeze %dma_start3A_1159 : memref<1x3x128xf32, #tpu.memory_space<vmem>> -> memref<3x128xf32, #tpu.memory_space<vmem>>
      tpu.enqueue_dma source(%dma_start3A_1160 : memref<3x128xf32, #tpu.memory_space<vmem>>) target(%dma_start3A_1156 : memref<3x128xf32, #tpu.memory_space<hbm>>) target_semaphore(%run_scoped3A_1144 : memref<!tpu.dma_semaphore, #tpu.memory_space<semaphore_mem>>)
      %dma_wait3A_1161 = arith.constant 0 : i32
      %dma_wait3A_1162 = arith.constant 0 : i32
      %dma_wait3A_1163 = tpu.memref_slice %arg21[%run_scoped3A_1143, %dma_wait3A_1161, %dma_wait3A_1162] : memref<4x3x128xf32, #tpu.memory_space<vmem>> -> memref<1x3x128xf32, #tpu.memory_space<vmem>>
      %dma_wait3A_1164 = tpu.memref_squeeze %dma_wait3A_1163 : memref<1x3x128xf32, #tpu.memory_space<vmem>> -> memref<3x128xf32, #tpu.memory_space<vmem>>
      %dma_wait3A_1165 = arith.constant 0 : i32
      %dma_wait3A_1166 = arith.constant 0 : i32
      %dma_wait3A_1167 = tpu.memref_slice %arg4[%add3A_1142, %dma_wait3A_1165, %dma_wait3A_1166] : memref<128x3x128xf32, #tpu.memory_space<hbm>> -> memref<1x3x128xf32, #tpu.memory_space<hbm>>
      %dma_wait3A_1168 = tpu.memref_squeeze %dma_wait3A_1167 : memref<1x3x128xf32, #tpu.memory_space<hbm>> -> memref<3x128xf32, #tpu.memory_space<hbm>>
      %dma_wait3A_1169 = arith.constant 0 : i32
      %dma_wait3A_1170 = arith.constant 0 : i32
      %dma_wait3A_1171 = tpu.memref_slice %arg4[%add3A_1142, %dma_wait3A_1169, %dma_wait3A_1170] : memref<128x3x128xf32, #tpu.memory_space<hbm>> -> memref<1x3x128xf32, #tpu.memory_space<hbm>>
      %dma_wait3A_1172 = tpu.memref_squeeze %dma_wait3A_1171 : memref<1x3x128xf32, #tpu.memory_space<hbm>> -> memref<3x128xf32, #tpu.memory_space<hbm>>
      %dma_wait3A_1173 = arith.constant 0 : i32
      %dma_wait3A_1174 = arith.constant 0 : i32
      %dma_wait3A_1175 = tpu.memref_slice %arg21[%run_scoped3A_1143, %dma_wait3A_1173, %dma_wait3A_1174] : memref<4x3x128xf32, #tpu.memory_space<vmem>> -> memref<1x3x128xf32, #tpu.memory_space<vmem>>
      %dma_wait3A_1176 = tpu.memref_squeeze %dma_wait3A_1175 : memref<1x3x128xf32, #tpu.memory_space<vmem>> -> memref<3x128xf32, #tpu.memory_space<vmem>>
      tpu.wait_dma2 semaphore(%run_scoped3A_1144 : memref<!tpu.dma_semaphore, #tpu.memory_space<semaphore_mem>>) src(%dma_wait3A_1176 : memref<3x128xf32, #tpu.memory_space<vmem>>) dst(%dma_wait3A_1172 : memref<3x128xf32, #tpu.memory_space<hbm>>)
      tpu.yield
    }) : () -> ()
    return
  }
}

#map = affine_map<(d0, d1) -> (0)>
#map1 = affine_map<(d0, d1) -> (0, 0, 0)>
module attributes {stable_mosaic.version = 14 : i64} {
  func.func @_sc_scatter_body(%arg0: i32, %arg1: i32, %arg2: memref<113246208xf32, #tpu.memory_space<hbm>>, %arg3: memref<128x3x128xf32, #tpu.memory_space<hbm>>, %arg4: memref<128xi32, #tpu.memory_space<hbm>>, %arg5: memref<113246208xf32, #tpu.memory_space<hbm>>, %arg6: memref<16xi32, #tpu.memory_space<vmem>>, %arg7: memref<16xi32, #tpu.memory_space<vmem>>, %arg8: memref<16xi32, #tpu.memory_space<vmem>>, %arg9: memref<16xi32, #tpu.memory_space<vmem>>, %arg10: memref<128xi32, #tpu.memory_space<vmem>>, %arg11: memref<128xi32, #tpu.memory_space<vmem>>, %arg12: memref<128xi32, #tpu.memory_space<vmem>>, %arg13: memref<128xi32, #tpu.memory_space<vmem>>, %arg14: memref<128xi32, #tpu.memory_space<vmem>>, %arg15: memref<128xi32, #tpu.memory_space<vmem>>, %arg16: memref<128xi32, #tpu.memory_space<vmem>>, %arg17: memref<128xi32, #tpu.memory_space<vmem>>, %arg18: memref<128xi32, #tpu.memory_space<vmem>>, %arg19: memref<128xi32, #tpu.memory_space<vmem>>, %arg20: memref<128xi32, #tpu.memory_space<vmem>>, %arg21: memref<128xi32, #tpu.memory_space<vmem>>, %arg22: memref<4x3x128xf32, #tpu.memory_space<vmem>>, %arg23: memref<!tpu.dma_semaphore, #tpu.memory_space<semaphore_mem>>, %arg24: memref<!tpu.dma_semaphore, #tpu.memory_space<semaphore_mem>>) attributes {dimension_semantics = [#tpu.dimension_semantics<core_parallel>, #tpu.dimension_semantics<subcore_parallel>], iteration_bounds = array<i64: 2, 16>, scalar_prefetch = 0 : i64, scratch_operands = 19 : i64, tpu.core_type = #tpu.core_type<sc_vector_subcore>, window_params = [{transform_indices = #map}, {transform_indices = #map1}, {transform_indices = #map}, {transform_indices = #map}]} {
    %mul3A = arith.constant 16 : i32
    %mul3A_0 = arith.muli %arg0, %mul3A : i32
    %add3A = arith.addi %mul3A_0, %arg1 : i32
    %iota3A = tpu.iota {dimensions = array<i32: 0>} : vector<16xi32>
    %mul3A_1 = arith.constant 4 : i32
    %mul3A_2 = arith.muli %add3A, %mul3A_1 : i32
    %add3A_3 = arith.constant 0 : i32
    %add3A_4 = arith.addi %mul3A_2, %add3A_3 : i32
    %broadcast_in_dim3A = vector.broadcast %add3A_4 : i32 to vector<16xi32>
    %dma_start3A = arith.constant 0 : i32
    %dma_start3A_5 = tpu.memref_slice %arg4[%dma_start3A] : memref<128xi32, #tpu.memory_space<hbm>> -> memref<128xi32, #tpu.memory_space<hbm>>
    tpu.enqueue_indirect_dma source(%dma_start3A_5 : memref<128xi32, #tpu.memory_space<hbm>>) target(%arg6 : memref<16xi32, #tpu.memory_space<vmem>>) offsets(%broadcast_in_dim3A : vector<16xi32>) semaphore(%arg24 : memref<!tpu.dma_semaphore, #tpu.memory_space<semaphore_mem>>)
    %dma_start3A_6 = arith.constant 0 : i32
    %dma_start3A_7 = arith.constant 0 : i32
    %dma_start3A_8 = arith.constant 0 : i32
    %dma_start3A_9 = tpu.memref_slice %arg22[%dma_start3A_6, %dma_start3A_7, %dma_start3A_8] : memref<4x3x128xf32, #tpu.memory_space<vmem>> -> memref<1x3x128xf32, #tpu.memory_space<vmem>>
    %dma_start3A_10 = tpu.memref_squeeze %dma_start3A_9 : memref<1x3x128xf32, #tpu.memory_space<vmem>> -> memref<3x128xf32, #tpu.memory_space<vmem>>
    %dma_start3A_11 = arith.constant 0 : i32
    %dma_start3A_12 = arith.constant 0 : i32
    %dma_start3A_13 = tpu.memref_slice %arg3[%add3A_4, %dma_start3A_11, %dma_start3A_12] : memref<128x3x128xf32, #tpu.memory_space<hbm>> -> memref<1x3x128xf32, #tpu.memory_space<hbm>>
    %dma_start3A_14 = tpu.memref_squeeze %dma_start3A_13 : memref<1x3x128xf32, #tpu.memory_space<hbm>> -> memref<3x128xf32, #tpu.memory_space<hbm>>
    %dma_start3A_15 = arith.constant 0 : i32
    %dma_start3A_16 = arith.constant 0 : i32
    %dma_start3A_17 = tpu.memref_slice %arg22[%dma_start3A_6, %dma_start3A_15, %dma_start3A_16] : memref<4x3x128xf32, #tpu.memory_space<vmem>> -> memref<1x3x128xf32, #tpu.memory_space<vmem>>
    %dma_start3A_18 = tpu.memref_squeeze %dma_start3A_17 : memref<1x3x128xf32, #tpu.memory_space<vmem>> -> memref<3x128xf32, #tpu.memory_space<vmem>>
    %dma_start3A_19 = arith.constant 0 : i32
    %dma_start3A_20 = arith.constant 0 : i32
    %dma_start3A_21 = tpu.memref_slice %arg3[%add3A_4, %dma_start3A_19, %dma_start3A_20] : memref<128x3x128xf32, #tpu.memory_space<hbm>> -> memref<1x3x128xf32, #tpu.memory_space<hbm>>
    %dma_start3A_22 = tpu.memref_squeeze %dma_start3A_21 : memref<1x3x128xf32, #tpu.memory_space<hbm>> -> memref<3x128xf32, #tpu.memory_space<hbm>>
    tpu.enqueue_dma source(%dma_start3A_22 : memref<3x128xf32, #tpu.memory_space<hbm>>) target(%dma_start3A_18 : memref<3x128xf32, #tpu.memory_space<vmem>>) target_semaphore(%arg24 : memref<!tpu.dma_semaphore, #tpu.memory_space<semaphore_mem>>)
    %mul3A_23 = arith.constant 4 : i32
    %mul3A_24 = arith.muli %add3A, %mul3A_23 : i32
    %add3A_25 = arith.constant 1 : i32
    %add3A_26 = arith.addi %mul3A_24, %add3A_25 : i32
    %broadcast_in_dim3A_27 = vector.broadcast %add3A_26 : i32 to vector<16xi32>
    %dma_start3A_28 = arith.constant 0 : i32
    %dma_start3A_29 = tpu.memref_slice %arg4[%dma_start3A_28] : memref<128xi32, #tpu.memory_space<hbm>> -> memref<128xi32, #tpu.memory_space<hbm>>
    tpu.enqueue_indirect_dma source(%dma_start3A_29 : memref<128xi32, #tpu.memory_space<hbm>>) target(%arg7 : memref<16xi32, #tpu.memory_space<vmem>>) offsets(%broadcast_in_dim3A_27 : vector<16xi32>) semaphore(%arg24 : memref<!tpu.dma_semaphore, #tpu.memory_space<semaphore_mem>>)
    %dma_start3A_30 = arith.constant 1 : i32
    %dma_start3A_31 = arith.constant 0 : i32
    %dma_start3A_32 = arith.constant 0 : i32
    %dma_start3A_33 = tpu.memref_slice %arg22[%dma_start3A_30, %dma_start3A_31, %dma_start3A_32] : memref<4x3x128xf32, #tpu.memory_space<vmem>> -> memref<1x3x128xf32, #tpu.memory_space<vmem>>
    %dma_start3A_34 = tpu.memref_squeeze %dma_start3A_33 : memref<1x3x128xf32, #tpu.memory_space<vmem>> -> memref<3x128xf32, #tpu.memory_space<vmem>>
    %dma_start3A_35 = arith.constant 0 : i32
    %dma_start3A_36 = arith.constant 0 : i32
    %dma_start3A_37 = tpu.memref_slice %arg3[%add3A_26, %dma_start3A_35, %dma_start3A_36] : memref<128x3x128xf32, #tpu.memory_space<hbm>> -> memref<1x3x128xf32, #tpu.memory_space<hbm>>
    %dma_start3A_38 = tpu.memref_squeeze %dma_start3A_37 : memref<1x3x128xf32, #tpu.memory_space<hbm>> -> memref<3x128xf32, #tpu.memory_space<hbm>>
    %dma_start3A_39 = arith.constant 0 : i32
    %dma_start3A_40 = arith.constant 0 : i32
    %dma_start3A_41 = tpu.memref_slice %arg22[%dma_start3A_30, %dma_start3A_39, %dma_start3A_40] : memref<4x3x128xf32, #tpu.memory_space<vmem>> -> memref<1x3x128xf32, #tpu.memory_space<vmem>>
    %dma_start3A_42 = tpu.memref_squeeze %dma_start3A_41 : memref<1x3x128xf32, #tpu.memory_space<vmem>> -> memref<3x128xf32, #tpu.memory_space<vmem>>
    %dma_start3A_43 = arith.constant 0 : i32
    %dma_start3A_44 = arith.constant 0 : i32
    %dma_start3A_45 = tpu.memref_slice %arg3[%add3A_26, %dma_start3A_43, %dma_start3A_44] : memref<128x3x128xf32, #tpu.memory_space<hbm>> -> memref<1x3x128xf32, #tpu.memory_space<hbm>>
    %dma_start3A_46 = tpu.memref_squeeze %dma_start3A_45 : memref<1x3x128xf32, #tpu.memory_space<hbm>> -> memref<3x128xf32, #tpu.memory_space<hbm>>
    tpu.enqueue_dma source(%dma_start3A_46 : memref<3x128xf32, #tpu.memory_space<hbm>>) target(%dma_start3A_42 : memref<3x128xf32, #tpu.memory_space<vmem>>) target_semaphore(%arg24 : memref<!tpu.dma_semaphore, #tpu.memory_space<semaphore_mem>>)
    %mul3A_47 = arith.constant 4 : i32
    %mul3A_48 = arith.muli %add3A, %mul3A_47 : i32
    %add3A_49 = arith.constant 2 : i32
    %add3A_50 = arith.addi %mul3A_48, %add3A_49 : i32
    %broadcast_in_dim3A_51 = vector.broadcast %add3A_50 : i32 to vector<16xi32>
    %dma_start3A_52 = arith.constant 0 : i32
    %dma_start3A_53 = tpu.memref_slice %arg4[%dma_start3A_52] : memref<128xi32, #tpu.memory_space<hbm>> -> memref<128xi32, #tpu.memory_space<hbm>>
    tpu.enqueue_indirect_dma source(%dma_start3A_53 : memref<128xi32, #tpu.memory_space<hbm>>) target(%arg8 : memref<16xi32, #tpu.memory_space<vmem>>) offsets(%broadcast_in_dim3A_51 : vector<16xi32>) semaphore(%arg24 : memref<!tpu.dma_semaphore, #tpu.memory_space<semaphore_mem>>)
    %dma_start3A_54 = arith.constant 2 : i32
    %dma_start3A_55 = arith.constant 0 : i32
    %dma_start3A_56 = arith.constant 0 : i32
    %dma_start3A_57 = tpu.memref_slice %arg22[%dma_start3A_54, %dma_start3A_55, %dma_start3A_56] : memref<4x3x128xf32, #tpu.memory_space<vmem>> -> memref<1x3x128xf32, #tpu.memory_space<vmem>>
    %dma_start3A_58 = tpu.memref_squeeze %dma_start3A_57 : memref<1x3x128xf32, #tpu.memory_space<vmem>> -> memref<3x128xf32, #tpu.memory_space<vmem>>
    %dma_start3A_59 = arith.constant 0 : i32
    %dma_start3A_60 = arith.constant 0 : i32
    %dma_start3A_61 = tpu.memref_slice %arg3[%add3A_50, %dma_start3A_59, %dma_start3A_60] : memref<128x3x128xf32, #tpu.memory_space<hbm>> -> memref<1x3x128xf32, #tpu.memory_space<hbm>>
    %dma_start3A_62 = tpu.memref_squeeze %dma_start3A_61 : memref<1x3x128xf32, #tpu.memory_space<hbm>> -> memref<3x128xf32, #tpu.memory_space<hbm>>
    %dma_start3A_63 = arith.constant 0 : i32
    %dma_start3A_64 = arith.constant 0 : i32
    %dma_start3A_65 = tpu.memref_slice %arg22[%dma_start3A_54, %dma_start3A_63, %dma_start3A_64] : memref<4x3x128xf32, #tpu.memory_space<vmem>> -> memref<1x3x128xf32, #tpu.memory_space<vmem>>
    %dma_start3A_66 = tpu.memref_squeeze %dma_start3A_65 : memref<1x3x128xf32, #tpu.memory_space<vmem>> -> memref<3x128xf32, #tpu.memory_space<vmem>>
    %dma_start3A_67 = arith.constant 0 : i32
    %dma_start3A_68 = arith.constant 0 : i32
    %dma_start3A_69 = tpu.memref_slice %arg3[%add3A_50, %dma_start3A_67, %dma_start3A_68] : memref<128x3x128xf32, #tpu.memory_space<hbm>> -> memref<1x3x128xf32, #tpu.memory_space<hbm>>
    %dma_start3A_70 = tpu.memref_squeeze %dma_start3A_69 : memref<1x3x128xf32, #tpu.memory_space<hbm>> -> memref<3x128xf32, #tpu.memory_space<hbm>>
    tpu.enqueue_dma source(%dma_start3A_70 : memref<3x128xf32, #tpu.memory_space<hbm>>) target(%dma_start3A_66 : memref<3x128xf32, #tpu.memory_space<vmem>>) target_semaphore(%arg24 : memref<!tpu.dma_semaphore, #tpu.memory_space<semaphore_mem>>)
    %mul3A_71 = arith.constant 4 : i32
    %mul3A_72 = arith.muli %add3A, %mul3A_71 : i32
    %add3A_73 = arith.constant 3 : i32
    %add3A_74 = arith.addi %mul3A_72, %add3A_73 : i32
    %broadcast_in_dim3A_75 = vector.broadcast %add3A_74 : i32 to vector<16xi32>
    %dma_start3A_76 = arith.constant 0 : i32
    %dma_start3A_77 = tpu.memref_slice %arg4[%dma_start3A_76] : memref<128xi32, #tpu.memory_space<hbm>> -> memref<128xi32, #tpu.memory_space<hbm>>
    tpu.enqueue_indirect_dma source(%dma_start3A_77 : memref<128xi32, #tpu.memory_space<hbm>>) target(%arg9 : memref<16xi32, #tpu.memory_space<vmem>>) offsets(%broadcast_in_dim3A_75 : vector<16xi32>) semaphore(%arg24 : memref<!tpu.dma_semaphore, #tpu.memory_space<semaphore_mem>>)
    %dma_start3A_78 = arith.constant 3 : i32
    %dma_start3A_79 = arith.constant 0 : i32
    %dma_start3A_80 = arith.constant 0 : i32
    %dma_start3A_81 = tpu.memref_slice %arg22[%dma_start3A_78, %dma_start3A_79, %dma_start3A_80] : memref<4x3x128xf32, #tpu.memory_space<vmem>> -> memref<1x3x128xf32, #tpu.memory_space<vmem>>
    %dma_start3A_82 = tpu.memref_squeeze %dma_start3A_81 : memref<1x3x128xf32, #tpu.memory_space<vmem>> -> memref<3x128xf32, #tpu.memory_space<vmem>>
    %dma_start3A_83 = arith.constant 0 : i32
    %dma_start3A_84 = arith.constant 0 : i32
    %dma_start3A_85 = tpu.memref_slice %arg3[%add3A_74, %dma_start3A_83, %dma_start3A_84] : memref<128x3x128xf32, #tpu.memory_space<hbm>> -> memref<1x3x128xf32, #tpu.memory_space<hbm>>
    %dma_start3A_86 = tpu.memref_squeeze %dma_start3A_85 : memref<1x3x128xf32, #tpu.memory_space<hbm>> -> memref<3x128xf32, #tpu.memory_space<hbm>>
    %dma_start3A_87 = arith.constant 0 : i32
    %dma_start3A_88 = arith.constant 0 : i32
    %dma_start3A_89 = tpu.memref_slice %arg22[%dma_start3A_78, %dma_start3A_87, %dma_start3A_88] : memref<4x3x128xf32, #tpu.memory_space<vmem>> -> memref<1x3x128xf32, #tpu.memory_space<vmem>>
    %dma_start3A_90 = tpu.memref_squeeze %dma_start3A_89 : memref<1x3x128xf32, #tpu.memory_space<vmem>> -> memref<3x128xf32, #tpu.memory_space<vmem>>
    %dma_start3A_91 = arith.constant 0 : i32
    %dma_start3A_92 = arith.constant 0 : i32
    %dma_start3A_93 = tpu.memref_slice %arg3[%add3A_74, %dma_start3A_91, %dma_start3A_92] : memref<128x3x128xf32, #tpu.memory_space<hbm>> -> memref<1x3x128xf32, #tpu.memory_space<hbm>>
    %dma_start3A_94 = tpu.memref_squeeze %dma_start3A_93 : memref<1x3x128xf32, #tpu.memory_space<hbm>> -> memref<3x128xf32, #tpu.memory_space<hbm>>
    tpu.enqueue_dma source(%dma_start3A_94 : memref<3x128xf32, #tpu.memory_space<hbm>>) target(%dma_start3A_90 : memref<3x128xf32, #tpu.memory_space<vmem>>) target_semaphore(%arg24 : memref<!tpu.dma_semaphore, #tpu.memory_space<semaphore_mem>>)
    %dma_wait3A = arith.constant 0 : i32
    %dma_wait3A_95 = tpu.memref_slice %arg4[%dma_wait3A] : memref<128xi32, #tpu.memory_space<hbm>> -> memref<128xi32, #tpu.memory_space<hbm>>
    tpu.wait_indirect_dma semaphore(%arg24 : memref<!tpu.dma_semaphore, #tpu.memory_space<semaphore_mem>>) src(%dma_wait3A_95 : memref<128xi32, #tpu.memory_space<hbm>>) dst(%arg6 : memref<16xi32, #tpu.memory_space<vmem>>)
    %dma_wait3A_96 = arith.constant 0 : i32
    %dma_wait3A_97 = arith.constant 0 : i32
    %dma_wait3A_98 = arith.constant 0 : i32
    %dma_wait3A_99 = tpu.memref_slice %arg22[%dma_wait3A_96, %dma_wait3A_97, %dma_wait3A_98] : memref<4x3x128xf32, #tpu.memory_space<vmem>> -> memref<1x3x128xf32, #tpu.memory_space<vmem>>
    %dma_wait3A_100 = tpu.memref_squeeze %dma_wait3A_99 : memref<1x3x128xf32, #tpu.memory_space<vmem>> -> memref<3x128xf32, #tpu.memory_space<vmem>>
    %dma_wait3A_101 = arith.constant 0 : i32
    %dma_wait3A_102 = arith.constant 0 : i32
    %dma_wait3A_103 = tpu.memref_slice %arg3[%add3A_4, %dma_wait3A_101, %dma_wait3A_102] : memref<128x3x128xf32, #tpu.memory_space<hbm>> -> memref<1x3x128xf32, #tpu.memory_space<hbm>>
    %dma_wait3A_104 = tpu.memref_squeeze %dma_wait3A_103 : memref<1x3x128xf32, #tpu.memory_space<hbm>> -> memref<3x128xf32, #tpu.memory_space<hbm>>
    %dma_wait3A_105 = arith.constant 0 : i32
    %dma_wait3A_106 = arith.constant 0 : i32
    %dma_wait3A_107 = tpu.memref_slice %arg22[%dma_wait3A_96, %dma_wait3A_105, %dma_wait3A_106] : memref<4x3x128xf32, #tpu.memory_space<vmem>> -> memref<1x3x128xf32, #tpu.memory_space<vmem>>
    %dma_wait3A_108 = tpu.memref_squeeze %dma_wait3A_107 : memref<1x3x128xf32, #tpu.memory_space<vmem>> -> memref<3x128xf32, #tpu.memory_space<vmem>>
    %dma_wait3A_109 = arith.constant 0 : i32
    %dma_wait3A_110 = arith.constant 0 : i32
    %dma_wait3A_111 = tpu.memref_slice %arg3[%add3A_4, %dma_wait3A_109, %dma_wait3A_110] : memref<128x3x128xf32, #tpu.memory_space<hbm>> -> memref<1x3x128xf32, #tpu.memory_space<hbm>>
    %dma_wait3A_112 = tpu.memref_squeeze %dma_wait3A_111 : memref<1x3x128xf32, #tpu.memory_space<hbm>> -> memref<3x128xf32, #tpu.memory_space<hbm>>
    tpu.wait_dma2 semaphore(%arg24 : memref<!tpu.dma_semaphore, #tpu.memory_space<semaphore_mem>>) src(%dma_wait3A_112 : memref<3x128xf32, #tpu.memory_space<hbm>>) dst(%dma_wait3A_108 : memref<3x128xf32, #tpu.memory_space<vmem>>)
    %dma_wait3A_113 = arith.constant 0 : i32
    %dma_wait3A_114 = tpu.memref_slice %arg4[%dma_wait3A_113] : memref<128xi32, #tpu.memory_space<hbm>> -> memref<128xi32, #tpu.memory_space<hbm>>
    tpu.wait_indirect_dma semaphore(%arg24 : memref<!tpu.dma_semaphore, #tpu.memory_space<semaphore_mem>>) src(%dma_wait3A_114 : memref<128xi32, #tpu.memory_space<hbm>>) dst(%arg7 : memref<16xi32, #tpu.memory_space<vmem>>)
    %dma_wait3A_115 = arith.constant 1 : i32
    %dma_wait3A_116 = arith.constant 0 : i32
    %dma_wait3A_117 = arith.constant 0 : i32
    %dma_wait3A_118 = tpu.memref_slice %arg22[%dma_wait3A_115, %dma_wait3A_116, %dma_wait3A_117] : memref<4x3x128xf32, #tpu.memory_space<vmem>> -> memref<1x3x128xf32, #tpu.memory_space<vmem>>
    %dma_wait3A_119 = tpu.memref_squeeze %dma_wait3A_118 : memref<1x3x128xf32, #tpu.memory_space<vmem>> -> memref<3x128xf32, #tpu.memory_space<vmem>>
    %dma_wait3A_120 = arith.constant 0 : i32
    %dma_wait3A_121 = arith.constant 0 : i32
    %dma_wait3A_122 = tpu.memref_slice %arg3[%add3A_26, %dma_wait3A_120, %dma_wait3A_121] : memref<128x3x128xf32, #tpu.memory_space<hbm>> -> memref<1x3x128xf32, #tpu.memory_space<hbm>>
    %dma_wait3A_123 = tpu.memref_squeeze %dma_wait3A_122 : memref<1x3x128xf32, #tpu.memory_space<hbm>> -> memref<3x128xf32, #tpu.memory_space<hbm>>
    %dma_wait3A_124 = arith.constant 0 : i32
    %dma_wait3A_125 = arith.constant 0 : i32
    %dma_wait3A_126 = tpu.memref_slice %arg22[%dma_wait3A_115, %dma_wait3A_124, %dma_wait3A_125] : memref<4x3x128xf32, #tpu.memory_space<vmem>> -> memref<1x3x128xf32, #tpu.memory_space<vmem>>
    %dma_wait3A_127 = tpu.memref_squeeze %dma_wait3A_126 : memref<1x3x128xf32, #tpu.memory_space<vmem>> -> memref<3x128xf32, #tpu.memory_space<vmem>>
    %dma_wait3A_128 = arith.constant 0 : i32
    %dma_wait3A_129 = arith.constant 0 : i32
    %dma_wait3A_130 = tpu.memref_slice %arg3[%add3A_26, %dma_wait3A_128, %dma_wait3A_129] : memref<128x3x128xf32, #tpu.memory_space<hbm>> -> memref<1x3x128xf32, #tpu.memory_space<hbm>>
    %dma_wait3A_131 = tpu.memref_squeeze %dma_wait3A_130 : memref<1x3x128xf32, #tpu.memory_space<hbm>> -> memref<3x128xf32, #tpu.memory_space<hbm>>
    tpu.wait_dma2 semaphore(%arg24 : memref<!tpu.dma_semaphore, #tpu.memory_space<semaphore_mem>>) src(%dma_wait3A_131 : memref<3x128xf32, #tpu.memory_space<hbm>>) dst(%dma_wait3A_127 : memref<3x128xf32, #tpu.memory_space<vmem>>)
    %dma_wait3A_132 = arith.constant 0 : i32
    %dma_wait3A_133 = tpu.memref_slice %arg4[%dma_wait3A_132] : memref<128xi32, #tpu.memory_space<hbm>> -> memref<128xi32, #tpu.memory_space<hbm>>
    tpu.wait_indirect_dma semaphore(%arg24 : memref<!tpu.dma_semaphore, #tpu.memory_space<semaphore_mem>>) src(%dma_wait3A_133 : memref<128xi32, #tpu.memory_space<hbm>>) dst(%arg8 : memref<16xi32, #tpu.memory_space<vmem>>)
    %dma_wait3A_134 = arith.constant 2 : i32
    %dma_wait3A_135 = arith.constant 0 : i32
    %dma_wait3A_136 = arith.constant 0 : i32
    %dma_wait3A_137 = tpu.memref_slice %arg22[%dma_wait3A_134, %dma_wait3A_135, %dma_wait3A_136] : memref<4x3x128xf32, #tpu.memory_space<vmem>> -> memref<1x3x128xf32, #tpu.memory_space<vmem>>
    %dma_wait3A_138 = tpu.memref_squeeze %dma_wait3A_137 : memref<1x3x128xf32, #tpu.memory_space<vmem>> -> memref<3x128xf32, #tpu.memory_space<vmem>>
    %dma_wait3A_139 = arith.constant 0 : i32
    %dma_wait3A_140 = arith.constant 0 : i32
    %dma_wait3A_141 = tpu.memref_slice %arg3[%add3A_50, %dma_wait3A_139, %dma_wait3A_140] : memref<128x3x128xf32, #tpu.memory_space<hbm>> -> memref<1x3x128xf32, #tpu.memory_space<hbm>>
    %dma_wait3A_142 = tpu.memref_squeeze %dma_wait3A_141 : memref<1x3x128xf32, #tpu.memory_space<hbm>> -> memref<3x128xf32, #tpu.memory_space<hbm>>
    %dma_wait3A_143 = arith.constant 0 : i32
    %dma_wait3A_144 = arith.constant 0 : i32
    %dma_wait3A_145 = tpu.memref_slice %arg22[%dma_wait3A_134, %dma_wait3A_143, %dma_wait3A_144] : memref<4x3x128xf32, #tpu.memory_space<vmem>> -> memref<1x3x128xf32, #tpu.memory_space<vmem>>
    %dma_wait3A_146 = tpu.memref_squeeze %dma_wait3A_145 : memref<1x3x128xf32, #tpu.memory_space<vmem>> -> memref<3x128xf32, #tpu.memory_space<vmem>>
    %dma_wait3A_147 = arith.constant 0 : i32
    %dma_wait3A_148 = arith.constant 0 : i32
    %dma_wait3A_149 = tpu.memref_slice %arg3[%add3A_50, %dma_wait3A_147, %dma_wait3A_148] : memref<128x3x128xf32, #tpu.memory_space<hbm>> -> memref<1x3x128xf32, #tpu.memory_space<hbm>>
    %dma_wait3A_150 = tpu.memref_squeeze %dma_wait3A_149 : memref<1x3x128xf32, #tpu.memory_space<hbm>> -> memref<3x128xf32, #tpu.memory_space<hbm>>
    tpu.wait_dma2 semaphore(%arg24 : memref<!tpu.dma_semaphore, #tpu.memory_space<semaphore_mem>>) src(%dma_wait3A_150 : memref<3x128xf32, #tpu.memory_space<hbm>>) dst(%dma_wait3A_146 : memref<3x128xf32, #tpu.memory_space<vmem>>)
    %dma_wait3A_151 = arith.constant 0 : i32
    %dma_wait3A_152 = tpu.memref_slice %arg4[%dma_wait3A_151] : memref<128xi32, #tpu.memory_space<hbm>> -> memref<128xi32, #tpu.memory_space<hbm>>
    tpu.wait_indirect_dma semaphore(%arg24 : memref<!tpu.dma_semaphore, #tpu.memory_space<semaphore_mem>>) src(%dma_wait3A_152 : memref<128xi32, #tpu.memory_space<hbm>>) dst(%arg9 : memref<16xi32, #tpu.memory_space<vmem>>)
    %dma_wait3A_153 = arith.constant 3 : i32
    %dma_wait3A_154 = arith.constant 0 : i32
    %dma_wait3A_155 = arith.constant 0 : i32
    %dma_wait3A_156 = tpu.memref_slice %arg22[%dma_wait3A_153, %dma_wait3A_154, %dma_wait3A_155] : memref<4x3x128xf32, #tpu.memory_space<vmem>> -> memref<1x3x128xf32, #tpu.memory_space<vmem>>
    %dma_wait3A_157 = tpu.memref_squeeze %dma_wait3A_156 : memref<1x3x128xf32, #tpu.memory_space<vmem>> -> memref<3x128xf32, #tpu.memory_space<vmem>>
    %dma_wait3A_158 = arith.constant 0 : i32
    %dma_wait3A_159 = arith.constant 0 : i32
    %dma_wait3A_160 = tpu.memref_slice %arg3[%add3A_74, %dma_wait3A_158, %dma_wait3A_159] : memref<128x3x128xf32, #tpu.memory_space<hbm>> -> memref<1x3x128xf32, #tpu.memory_space<hbm>>
    %dma_wait3A_161 = tpu.memref_squeeze %dma_wait3A_160 : memref<1x3x128xf32, #tpu.memory_space<hbm>> -> memref<3x128xf32, #tpu.memory_space<hbm>>
    %dma_wait3A_162 = arith.constant 0 : i32
    %dma_wait3A_163 = arith.constant 0 : i32
    %dma_wait3A_164 = tpu.memref_slice %arg22[%dma_wait3A_153, %dma_wait3A_162, %dma_wait3A_163] : memref<4x3x128xf32, #tpu.memory_space<vmem>> -> memref<1x3x128xf32, #tpu.memory_space<vmem>>
    %dma_wait3A_165 = tpu.memref_squeeze %dma_wait3A_164 : memref<1x3x128xf32, #tpu.memory_space<vmem>> -> memref<3x128xf32, #tpu.memory_space<vmem>>
    %dma_wait3A_166 = arith.constant 0 : i32
    %dma_wait3A_167 = arith.constant 0 : i32
    %dma_wait3A_168 = tpu.memref_slice %arg3[%add3A_74, %dma_wait3A_166, %dma_wait3A_167] : memref<128x3x128xf32, #tpu.memory_space<hbm>> -> memref<1x3x128xf32, #tpu.memory_space<hbm>>
    %dma_wait3A_169 = tpu.memref_squeeze %dma_wait3A_168 : memref<1x3x128xf32, #tpu.memory_space<hbm>> -> memref<3x128xf32, #tpu.memory_space<hbm>>
    tpu.wait_dma2 semaphore(%arg24 : memref<!tpu.dma_semaphore, #tpu.memory_space<semaphore_mem>>) src(%dma_wait3A_169 : memref<3x128xf32, #tpu.memory_space<hbm>>) dst(%dma_wait3A_165 : memref<3x128xf32, #tpu.memory_space<vmem>>)
    %mul3A_170 = arith.constant 4 : i32
    %mul3A_171 = arith.muli %add3A, %mul3A_170 : i32
    %add3A_172 = arith.constant 0 : i32
    %add3A_173 = arith.addi %mul3A_171, %add3A_172 : i32
    %broadcast_in_dim3A_174 = vector.broadcast %add3A_173 : i32 to vector<16xi32>
    %get3A = arith.constant 0 : index
    %get3A_175 = tpu.vector_load %arg6[%get3A] {strides = array<i32>} : memref<16xi32, #tpu.memory_space<vmem>>, vector<16xi32>,
    %ge3A = arith.constant 64 : i32
    %ge3A_176 = vector.broadcast %ge3A : i32 to vector<16xi32>
    %ge3A_177 = arith.cmpi sge, %broadcast_in_dim3A_174, %ge3A_176 : vector<16xi32>
    %jit3A = arith.constant 56623104 : i32
    %jit3A_178 = arith.constant 0 : i32
    %broadcast_in_dim3A_179 = vector.broadcast %jit3A : i32 to vector<16xi32>
    %broadcast_in_dim3A_180 = vector.broadcast %jit3A_178 : i32 to vector<16xi32>
    %select_n3A = arith.select %ge3A_177, %broadcast_in_dim3A_179, %broadcast_in_dim3A_180 : vector<16xi1>, vector<16xi32>
    %add3A_181 = arith.addi %get3A_175, %select_n3A : vector<16xi32>
    %add3A_182 = arith.constant 0 : i32
    %add3A_183 = vector.broadcast %add3A_182 : i32 to vector<16xi32>
    %add3A_184 = arith.addi %iota3A, %add3A_183 : vector<16xi32>
    %mul3A_185 = arith.constant 147456 : i32
    %mul3A_186 = vector.broadcast %mul3A_185 : i32 to vector<16xi32>
    %mul3A_187 = arith.muli %add3A_184, %mul3A_186 : vector<16xi32>
    %add3A_188 = arith.addi %add3A_181, %mul3A_187 : vector<16xi32>
    %swap3A = arith.constant 0 : index
    %swap3A_189 = tpu.vector_load %arg10[%swap3A] {strides = array<i32>} : memref<128xi32, #tpu.memory_space<vmem>>, vector<16xi32>,
    tpu.vector_store %arg10[%swap3A], %add3A_188 {strides = array<i32>} : memref<128xi32, #tpu.memory_space<vmem>>, vector<16xi32>,
    %add3A_190 = arith.constant 16 : i32
    %add3A_191 = vector.broadcast %add3A_190 : i32 to vector<16xi32>
    %add3A_192 = arith.addi %iota3A, %add3A_191 : vector<16xi32>
    %mul3A_193 = arith.constant 147456 : i32
    %mul3A_194 = vector.broadcast %mul3A_193 : i32 to vector<16xi32>
    %mul3A_195 = arith.muli %add3A_192, %mul3A_194 : vector<16xi32>
    %add3A_196 = arith.addi %add3A_181, %mul3A_195 : vector<16xi32>
    %swap3A_197 = arith.constant 16 : index
    %swap3A_198 = tpu.vector_load %arg10[%swap3A_197] {strides = array<i32>} : memref<128xi32, #tpu.memory_space<vmem>>, vector<16xi32>,
    tpu.vector_store %arg10[%swap3A_197], %add3A_196 {strides = array<i32>} : memref<128xi32, #tpu.memory_space<vmem>>, vector<16xi32>,
    %add3A_199 = arith.constant 32 : i32
    %add3A_200 = vector.broadcast %add3A_199 : i32 to vector<16xi32>
    %add3A_201 = arith.addi %iota3A, %add3A_200 : vector<16xi32>
    %mul3A_202 = arith.constant 147456 : i32
    %mul3A_203 = vector.broadcast %mul3A_202 : i32 to vector<16xi32>
    %mul3A_204 = arith.muli %add3A_201, %mul3A_203 : vector<16xi32>
    %add3A_205 = arith.addi %add3A_181, %mul3A_204 : vector<16xi32>
    %swap3A_206 = arith.constant 32 : index
    %swap3A_207 = tpu.vector_load %arg10[%swap3A_206] {strides = array<i32>} : memref<128xi32, #tpu.memory_space<vmem>>, vector<16xi32>,
    tpu.vector_store %arg10[%swap3A_206], %add3A_205 {strides = array<i32>} : memref<128xi32, #tpu.memory_space<vmem>>, vector<16xi32>,
    %add3A_208 = arith.constant 48 : i32
    %add3A_209 = vector.broadcast %add3A_208 : i32 to vector<16xi32>
    %add3A_210 = arith.addi %iota3A, %add3A_209 : vector<16xi32>
    %mul3A_211 = arith.constant 147456 : i32
    %mul3A_212 = vector.broadcast %mul3A_211 : i32 to vector<16xi32>
    %mul3A_213 = arith.muli %add3A_210, %mul3A_212 : vector<16xi32>
    %add3A_214 = arith.addi %add3A_181, %mul3A_213 : vector<16xi32>
    %swap3A_215 = arith.constant 48 : index
    %swap3A_216 = tpu.vector_load %arg10[%swap3A_215] {strides = array<i32>} : memref<128xi32, #tpu.memory_space<vmem>>, vector<16xi32>,
    tpu.vector_store %arg10[%swap3A_215], %add3A_214 {strides = array<i32>} : memref<128xi32, #tpu.memory_space<vmem>>, vector<16xi32>,
    %add3A_217 = arith.constant 64 : i32
    %add3A_218 = vector.broadcast %add3A_217 : i32 to vector<16xi32>
    %add3A_219 = arith.addi %iota3A, %add3A_218 : vector<16xi32>
    %mul3A_220 = arith.constant 147456 : i32
    %mul3A_221 = vector.broadcast %mul3A_220 : i32 to vector<16xi32>
    %mul3A_222 = arith.muli %add3A_219, %mul3A_221 : vector<16xi32>
    %add3A_223 = arith.addi %add3A_181, %mul3A_222 : vector<16xi32>
    %swap3A_224 = arith.constant 64 : index
    %swap3A_225 = tpu.vector_load %arg10[%swap3A_224] {strides = array<i32>} : memref<128xi32, #tpu.memory_space<vmem>>, vector<16xi32>,
    tpu.vector_store %arg10[%swap3A_224], %add3A_223 {strides = array<i32>} : memref<128xi32, #tpu.memory_space<vmem>>, vector<16xi32>,
    %add3A_226 = arith.constant 80 : i32
    %add3A_227 = vector.broadcast %add3A_226 : i32 to vector<16xi32>
    %add3A_228 = arith.addi %iota3A, %add3A_227 : vector<16xi32>
    %mul3A_229 = arith.constant 147456 : i32
    %mul3A_230 = vector.broadcast %mul3A_229 : i32 to vector<16xi32>
    %mul3A_231 = arith.muli %add3A_228, %mul3A_230 : vector<16xi32>
    %add3A_232 = arith.addi %add3A_181, %mul3A_231 : vector<16xi32>
    %swap3A_233 = arith.constant 80 : index
    %swap3A_234 = tpu.vector_load %arg10[%swap3A_233] {strides = array<i32>} : memref<128xi32, #tpu.memory_space<vmem>>, vector<16xi32>,
    tpu.vector_store %arg10[%swap3A_233], %add3A_232 {strides = array<i32>} : memref<128xi32, #tpu.memory_space<vmem>>, vector<16xi32>,
    %add3A_235 = arith.constant 96 : i32
    %add3A_236 = vector.broadcast %add3A_235 : i32 to vector<16xi32>
    %add3A_237 = arith.addi %iota3A, %add3A_236 : vector<16xi32>
    %mul3A_238 = arith.constant 147456 : i32
    %mul3A_239 = vector.broadcast %mul3A_238 : i32 to vector<16xi32>
    %mul3A_240 = arith.muli %add3A_237, %mul3A_239 : vector<16xi32>
    %add3A_241 = arith.addi %add3A_181, %mul3A_240 : vector<16xi32>
    %swap3A_242 = arith.constant 96 : index
    %swap3A_243 = tpu.vector_load %arg10[%swap3A_242] {strides = array<i32>} : memref<128xi32, #tpu.memory_space<vmem>>, vector<16xi32>,
    tpu.vector_store %arg10[%swap3A_242], %add3A_241 {strides = array<i32>} : memref<128xi32, #tpu.memory_space<vmem>>, vector<16xi32>,
    %add3A_244 = arith.constant 112 : i32
    %add3A_245 = vector.broadcast %add3A_244 : i32 to vector<16xi32>
    %add3A_246 = arith.addi %iota3A, %add3A_245 : vector<16xi32>
    %mul3A_247 = arith.constant 147456 : i32
    %mul3A_248 = vector.broadcast %mul3A_247 : i32 to vector<16xi32>
    %mul3A_249 = arith.muli %add3A_246, %mul3A_248 : vector<16xi32>
    %add3A_250 = arith.addi %add3A_181, %mul3A_249 : vector<16xi32>
    %swap3A_251 = arith.constant 112 : index
    %swap3A_252 = tpu.vector_load %arg10[%swap3A_251] {strides = array<i32>} : memref<128xi32, #tpu.memory_space<vmem>>, vector<16xi32>,
    tpu.vector_store %arg10[%swap3A_251], %add3A_250 {strides = array<i32>} : memref<128xi32, #tpu.memory_space<vmem>>, vector<16xi32>,
    %add3A_253 = arith.constant 128 : i32
    %add3A_254 = vector.broadcast %add3A_253 : i32 to vector<16xi32>
    %add3A_255 = arith.addi %iota3A, %add3A_254 : vector<16xi32>
    %mul3A_256 = arith.constant 147456 : i32
    %mul3A_257 = vector.broadcast %mul3A_256 : i32 to vector<16xi32>
    %mul3A_258 = arith.muli %add3A_255, %mul3A_257 : vector<16xi32>
    %add3A_259 = arith.addi %add3A_181, %mul3A_258 : vector<16xi32>
    %swap3A_260 = arith.constant 0 : index
    %swap3A_261 = tpu.vector_load %arg11[%swap3A_260] {strides = array<i32>} : memref<128xi32, #tpu.memory_space<vmem>>, vector<16xi32>,
    tpu.vector_store %arg11[%swap3A_260], %add3A_259 {strides = array<i32>} : memref<128xi32, #tpu.memory_space<vmem>>, vector<16xi32>,
    %add3A_262 = arith.constant 144 : i32
    %add3A_263 = vector.broadcast %add3A_262 : i32 to vector<16xi32>
    %add3A_264 = arith.addi %iota3A, %add3A_263 : vector<16xi32>
    %mul3A_265 = arith.constant 147456 : i32
    %mul3A_266 = vector.broadcast %mul3A_265 : i32 to vector<16xi32>
    %mul3A_267 = arith.muli %add3A_264, %mul3A_266 : vector<16xi32>
    %add3A_268 = arith.addi %add3A_181, %mul3A_267 : vector<16xi32>
    %swap3A_269 = arith.constant 16 : index
    %swap3A_270 = tpu.vector_load %arg11[%swap3A_269] {strides = array<i32>} : memref<128xi32, #tpu.memory_space<vmem>>, vector<16xi32>,
    tpu.vector_store %arg11[%swap3A_269], %add3A_268 {strides = array<i32>} : memref<128xi32, #tpu.memory_space<vmem>>, vector<16xi32>,
    %add3A_271 = arith.constant 160 : i32
    %add3A_272 = vector.broadcast %add3A_271 : i32 to vector<16xi32>
    %add3A_273 = arith.addi %iota3A, %add3A_272 : vector<16xi32>
    %mul3A_274 = arith.constant 147456 : i32
    %mul3A_275 = vector.broadcast %mul3A_274 : i32 to vector<16xi32>
    %mul3A_276 = arith.muli %add3A_273, %mul3A_275 : vector<16xi32>
    %add3A_277 = arith.addi %add3A_181, %mul3A_276 : vector<16xi32>
    %swap3A_278 = arith.constant 32 : index
    %swap3A_279 = tpu.vector_load %arg11[%swap3A_278] {strides = array<i32>} : memref<128xi32, #tpu.memory_space<vmem>>, vector<16xi32>,
    tpu.vector_store %arg11[%swap3A_278], %add3A_277 {strides = array<i32>} : memref<128xi32, #tpu.memory_space<vmem>>, vector<16xi32>,
    %add3A_280 = arith.constant 176 : i32
    %add3A_281 = vector.broadcast %add3A_280 : i32 to vector<16xi32>
    %add3A_282 = arith.addi %iota3A, %add3A_281 : vector<16xi32>
    %mul3A_283 = arith.constant 147456 : i32
    %mul3A_284 = vector.broadcast %mul3A_283 : i32 to vector<16xi32>
    %mul3A_285 = arith.muli %add3A_282, %mul3A_284 : vector<16xi32>
    %add3A_286 = arith.addi %add3A_181, %mul3A_285 : vector<16xi32>
    %swap3A_287 = arith.constant 48 : index
    %swap3A_288 = tpu.vector_load %arg11[%swap3A_287] {strides = array<i32>} : memref<128xi32, #tpu.memory_space<vmem>>, vector<16xi32>,
    tpu.vector_store %arg11[%swap3A_287], %add3A_286 {strides = array<i32>} : memref<128xi32, #tpu.memory_space<vmem>>, vector<16xi32>,
    %add3A_289 = arith.constant 192 : i32
    %add3A_290 = vector.broadcast %add3A_289 : i32 to vector<16xi32>
    %add3A_291 = arith.addi %iota3A, %add3A_290 : vector<16xi32>
    %mul3A_292 = arith.constant 147456 : i32
    %mul3A_293 = vector.broadcast %mul3A_292 : i32 to vector<16xi32>
    %mul3A_294 = arith.muli %add3A_291, %mul3A_293 : vector<16xi32>
    %add3A_295 = arith.addi %add3A_181, %mul3A_294 : vector<16xi32>
    %swap3A_296 = arith.constant 64 : index
    %swap3A_297 = tpu.vector_load %arg11[%swap3A_296] {strides = array<i32>} : memref<128xi32, #tpu.memory_space<vmem>>, vector<16xi32>,
    tpu.vector_store %arg11[%swap3A_296], %add3A_295 {strides = array<i32>} : memref<128xi32, #tpu.memory_space<vmem>>, vector<16xi32>,
    %add3A_298 = arith.constant 208 : i32
    %add3A_299 = vector.broadcast %add3A_298 : i32 to vector<16xi32>
    %add3A_300 = arith.addi %iota3A, %add3A_299 : vector<16xi32>
    %mul3A_301 = arith.constant 147456 : i32
    %mul3A_302 = vector.broadcast %mul3A_301 : i32 to vector<16xi32>
    %mul3A_303 = arith.muli %add3A_300, %mul3A_302 : vector<16xi32>
    %add3A_304 = arith.addi %add3A_181, %mul3A_303 : vector<16xi32>
    %swap3A_305 = arith.constant 80 : index
    %swap3A_306 = tpu.vector_load %arg11[%swap3A_305] {strides = array<i32>} : memref<128xi32, #tpu.memory_space<vmem>>, vector<16xi32>,
    tpu.vector_store %arg11[%swap3A_305], %add3A_304 {strides = array<i32>} : memref<128xi32, #tpu.memory_space<vmem>>, vector<16xi32>,
    %add3A_307 = arith.constant 224 : i32
    %add3A_308 = vector.broadcast %add3A_307 : i32 to vector<16xi32>
    %add3A_309 = arith.addi %iota3A, %add3A_308 : vector<16xi32>
    %mul3A_310 = arith.constant 147456 : i32
    %mul3A_311 = vector.broadcast %mul3A_310 : i32 to vector<16xi32>
    %mul3A_312 = arith.muli %add3A_309, %mul3A_311 : vector<16xi32>
    %add3A_313 = arith.addi %add3A_181, %mul3A_312 : vector<16xi32>
    %swap3A_314 = arith.constant 96 : index
    %swap3A_315 = tpu.vector_load %arg11[%swap3A_314] {strides = array<i32>} : memref<128xi32, #tpu.memory_space<vmem>>, vector<16xi32>,
    tpu.vector_store %arg11[%swap3A_314], %add3A_313 {strides = array<i32>} : memref<128xi32, #tpu.memory_space<vmem>>, vector<16xi32>,
    %add3A_316 = arith.constant 240 : i32
    %add3A_317 = vector.broadcast %add3A_316 : i32 to vector<16xi32>
    %add3A_318 = arith.addi %iota3A, %add3A_317 : vector<16xi32>
    %mul3A_319 = arith.constant 147456 : i32
    %mul3A_320 = vector.broadcast %mul3A_319 : i32 to vector<16xi32>
    %mul3A_321 = arith.muli %add3A_318, %mul3A_320 : vector<16xi32>
    %add3A_322 = arith.addi %add3A_181, %mul3A_321 : vector<16xi32>
    %swap3A_323 = arith.constant 112 : index
    %swap3A_324 = tpu.vector_load %arg11[%swap3A_323] {strides = array<i32>} : memref<128xi32, #tpu.memory_space<vmem>>, vector<16xi32>,
    tpu.vector_store %arg11[%swap3A_323], %add3A_322 {strides = array<i32>} : memref<128xi32, #tpu.memory_space<vmem>>, vector<16xi32>,
    %add3A_325 = arith.constant 256 : i32
    %add3A_326 = vector.broadcast %add3A_325 : i32 to vector<16xi32>
    %add3A_327 = arith.addi %iota3A, %add3A_326 : vector<16xi32>
    %mul3A_328 = arith.constant 147456 : i32
    %mul3A_329 = vector.broadcast %mul3A_328 : i32 to vector<16xi32>
    %mul3A_330 = arith.muli %add3A_327, %mul3A_329 : vector<16xi32>
    %add3A_331 = arith.addi %add3A_181, %mul3A_330 : vector<16xi32>
    %swap3A_332 = arith.constant 0 : index
    %swap3A_333 = tpu.vector_load %arg12[%swap3A_332] {strides = array<i32>} : memref<128xi32, #tpu.memory_space<vmem>>, vector<16xi32>,
    tpu.vector_store %arg12[%swap3A_332], %add3A_331 {strides = array<i32>} : memref<128xi32, #tpu.memory_space<vmem>>, vector<16xi32>,
    %add3A_334 = arith.constant 272 : i32
    %add3A_335 = vector.broadcast %add3A_334 : i32 to vector<16xi32>
    %add3A_336 = arith.addi %iota3A, %add3A_335 : vector<16xi32>
    %mul3A_337 = arith.constant 147456 : i32
    %mul3A_338 = vector.broadcast %mul3A_337 : i32 to vector<16xi32>
    %mul3A_339 = arith.muli %add3A_336, %mul3A_338 : vector<16xi32>
    %add3A_340 = arith.addi %add3A_181, %mul3A_339 : vector<16xi32>
    %swap3A_341 = arith.constant 16 : index
    %swap3A_342 = tpu.vector_load %arg12[%swap3A_341] {strides = array<i32>} : memref<128xi32, #tpu.memory_space<vmem>>, vector<16xi32>,
    tpu.vector_store %arg12[%swap3A_341], %add3A_340 {strides = array<i32>} : memref<128xi32, #tpu.memory_space<vmem>>, vector<16xi32>,
    %add3A_343 = arith.constant 288 : i32
    %add3A_344 = vector.broadcast %add3A_343 : i32 to vector<16xi32>
    %add3A_345 = arith.addi %iota3A, %add3A_344 : vector<16xi32>
    %mul3A_346 = arith.constant 147456 : i32
    %mul3A_347 = vector.broadcast %mul3A_346 : i32 to vector<16xi32>
    %mul3A_348 = arith.muli %add3A_345, %mul3A_347 : vector<16xi32>
    %add3A_349 = arith.addi %add3A_181, %mul3A_348 : vector<16xi32>
    %swap3A_350 = arith.constant 32 : index
    %swap3A_351 = tpu.vector_load %arg12[%swap3A_350] {strides = array<i32>} : memref<128xi32, #tpu.memory_space<vmem>>, vector<16xi32>,
    tpu.vector_store %arg12[%swap3A_350], %add3A_349 {strides = array<i32>} : memref<128xi32, #tpu.memory_space<vmem>>, vector<16xi32>,
    %add3A_352 = arith.constant 304 : i32
    %add3A_353 = vector.broadcast %add3A_352 : i32 to vector<16xi32>
    %add3A_354 = arith.addi %iota3A, %add3A_353 : vector<16xi32>
    %mul3A_355 = arith.constant 147456 : i32
    %mul3A_356 = vector.broadcast %mul3A_355 : i32 to vector<16xi32>
    %mul3A_357 = arith.muli %add3A_354, %mul3A_356 : vector<16xi32>
    %add3A_358 = arith.addi %add3A_181, %mul3A_357 : vector<16xi32>
    %swap3A_359 = arith.constant 48 : index
    %swap3A_360 = tpu.vector_load %arg12[%swap3A_359] {strides = array<i32>} : memref<128xi32, #tpu.memory_space<vmem>>, vector<16xi32>,
    tpu.vector_store %arg12[%swap3A_359], %add3A_358 {strides = array<i32>} : memref<128xi32, #tpu.memory_space<vmem>>, vector<16xi32>,
    %add3A_361 = arith.constant 320 : i32
    %add3A_362 = vector.broadcast %add3A_361 : i32 to vector<16xi32>
    %add3A_363 = arith.addi %iota3A, %add3A_362 : vector<16xi32>
    %mul3A_364 = arith.constant 147456 : i32
    %mul3A_365 = vector.broadcast %mul3A_364 : i32 to vector<16xi32>
    %mul3A_366 = arith.muli %add3A_363, %mul3A_365 : vector<16xi32>
    %add3A_367 = arith.addi %add3A_181, %mul3A_366 : vector<16xi32>
    %swap3A_368 = arith.constant 64 : index
    %swap3A_369 = tpu.vector_load %arg12[%swap3A_368] {strides = array<i32>} : memref<128xi32, #tpu.memory_space<vmem>>, vector<16xi32>,
    tpu.vector_store %arg12[%swap3A_368], %add3A_367 {strides = array<i32>} : memref<128xi32, #tpu.memory_space<vmem>>, vector<16xi32>,
    %add3A_370 = arith.constant 336 : i32
    %add3A_371 = vector.broadcast %add3A_370 : i32 to vector<16xi32>
    %add3A_372 = arith.addi %iota3A, %add3A_371 : vector<16xi32>
    %mul3A_373 = arith.constant 147456 : i32
    %mul3A_374 = vector.broadcast %mul3A_373 : i32 to vector<16xi32>
    %mul3A_375 = arith.muli %add3A_372, %mul3A_374 : vector<16xi32>
    %add3A_376 = arith.addi %add3A_181, %mul3A_375 : vector<16xi32>
    %swap3A_377 = arith.constant 80 : index
    %swap3A_378 = tpu.vector_load %arg12[%swap3A_377] {strides = array<i32>} : memref<128xi32, #tpu.memory_space<vmem>>, vector<16xi32>,
    tpu.vector_store %arg12[%swap3A_377], %add3A_376 {strides = array<i32>} : memref<128xi32, #tpu.memory_space<vmem>>, vector<16xi32>,
    %add3A_379 = arith.constant 352 : i32
    %add3A_380 = vector.broadcast %add3A_379 : i32 to vector<16xi32>
    %add3A_381 = arith.addi %iota3A, %add3A_380 : vector<16xi32>
    %mul3A_382 = arith.constant 147456 : i32
    %mul3A_383 = vector.broadcast %mul3A_382 : i32 to vector<16xi32>
    %mul3A_384 = arith.muli %add3A_381, %mul3A_383 : vector<16xi32>
    %add3A_385 = arith.addi %add3A_181, %mul3A_384 : vector<16xi32>
    %swap3A_386 = arith.constant 96 : index
    %swap3A_387 = tpu.vector_load %arg12[%swap3A_386] {strides = array<i32>} : memref<128xi32, #tpu.memory_space<vmem>>, vector<16xi32>,
    tpu.vector_store %arg12[%swap3A_386], %add3A_385 {strides = array<i32>} : memref<128xi32, #tpu.memory_space<vmem>>, vector<16xi32>,
    %add3A_388 = arith.constant 368 : i32
    %add3A_389 = vector.broadcast %add3A_388 : i32 to vector<16xi32>
    %add3A_390 = arith.addi %iota3A, %add3A_389 : vector<16xi32>
    %mul3A_391 = arith.constant 147456 : i32
    %mul3A_392 = vector.broadcast %mul3A_391 : i32 to vector<16xi32>
    %mul3A_393 = arith.muli %add3A_390, %mul3A_392 : vector<16xi32>
    %add3A_394 = arith.addi %add3A_181, %mul3A_393 : vector<16xi32>
    %swap3A_395 = arith.constant 112 : index
    %swap3A_396 = tpu.vector_load %arg12[%swap3A_395] {strides = array<i32>} : memref<128xi32, #tpu.memory_space<vmem>>, vector<16xi32>,
    tpu.vector_store %arg12[%swap3A_395], %add3A_394 {strides = array<i32>} : memref<128xi32, #tpu.memory_space<vmem>>, vector<16xi32>,
    %mul3A_397 = arith.constant 4 : i32
    %mul3A_398 = arith.muli %add3A, %mul3A_397 : i32
    %add3A_399 = arith.constant 1 : i32
    %add3A_400 = arith.addi %mul3A_398, %add3A_399 : i32
    %broadcast_in_dim3A_401 = vector.broadcast %add3A_400 : i32 to vector<16xi32>
    %get3A_402 = arith.constant 0 : index
    %get3A_403 = tpu.vector_load %arg7[%get3A_402] {strides = array<i32>} : memref<16xi32, #tpu.memory_space<vmem>>, vector<16xi32>,
    %ge3A_404 = arith.constant 64 : i32
    %ge3A_405 = vector.broadcast %ge3A_404 : i32 to vector<16xi32>
    %ge3A_406 = arith.cmpi sge, %broadcast_in_dim3A_401, %ge3A_405 : vector<16xi32>
    %jit3A_407 = arith.constant 56623104 : i32
    %jit3A_408 = arith.constant 0 : i32
    %broadcast_in_dim3A_409 = vector.broadcast %jit3A_407 : i32 to vector<16xi32>
    %broadcast_in_dim3A_410 = vector.broadcast %jit3A_408 : i32 to vector<16xi32>
    %select_n3A_411 = arith.select %ge3A_406, %broadcast_in_dim3A_409, %broadcast_in_dim3A_410 : vector<16xi1>, vector<16xi32>
    %add3A_412 = arith.addi %get3A_403, %select_n3A_411 : vector<16xi32>
    %add3A_413 = arith.constant 0 : i32
    %add3A_414 = vector.broadcast %add3A_413 : i32 to vector<16xi32>
    %add3A_415 = arith.addi %iota3A, %add3A_414 : vector<16xi32>
    %mul3A_416 = arith.constant 147456 : i32
    %mul3A_417 = vector.broadcast %mul3A_416 : i32 to vector<16xi32>
    %mul3A_418 = arith.muli %add3A_415, %mul3A_417 : vector<16xi32>
    %add3A_419 = arith.addi %add3A_412, %mul3A_418 : vector<16xi32>
    %swap3A_420 = arith.constant 0 : index
    %swap3A_421 = tpu.vector_load %arg13[%swap3A_420] {strides = array<i32>} : memref<128xi32, #tpu.memory_space<vmem>>, vector<16xi32>,
    tpu.vector_store %arg13[%swap3A_420], %add3A_419 {strides = array<i32>} : memref<128xi32, #tpu.memory_space<vmem>>, vector<16xi32>,
    %add3A_422 = arith.constant 16 : i32
    %add3A_423 = vector.broadcast %add3A_422 : i32 to vector<16xi32>
    %add3A_424 = arith.addi %iota3A, %add3A_423 : vector<16xi32>
    %mul3A_425 = arith.constant 147456 : i32
    %mul3A_426 = vector.broadcast %mul3A_425 : i32 to vector<16xi32>
    %mul3A_427 = arith.muli %add3A_424, %mul3A_426 : vector<16xi32>
    %add3A_428 = arith.addi %add3A_412, %mul3A_427 : vector<16xi32>
    %swap3A_429 = arith.constant 16 : index
    %swap3A_430 = tpu.vector_load %arg13[%swap3A_429] {strides = array<i32>} : memref<128xi32, #tpu.memory_space<vmem>>, vector<16xi32>,
    tpu.vector_store %arg13[%swap3A_429], %add3A_428 {strides = array<i32>} : memref<128xi32, #tpu.memory_space<vmem>>, vector<16xi32>,
    %add3A_431 = arith.constant 32 : i32
    %add3A_432 = vector.broadcast %add3A_431 : i32 to vector<16xi32>
    %add3A_433 = arith.addi %iota3A, %add3A_432 : vector<16xi32>
    %mul3A_434 = arith.constant 147456 : i32
    %mul3A_435 = vector.broadcast %mul3A_434 : i32 to vector<16xi32>
    %mul3A_436 = arith.muli %add3A_433, %mul3A_435 : vector<16xi32>
    %add3A_437 = arith.addi %add3A_412, %mul3A_436 : vector<16xi32>
    %swap3A_438 = arith.constant 32 : index
    %swap3A_439 = tpu.vector_load %arg13[%swap3A_438] {strides = array<i32>} : memref<128xi32, #tpu.memory_space<vmem>>, vector<16xi32>,
    tpu.vector_store %arg13[%swap3A_438], %add3A_437 {strides = array<i32>} : memref<128xi32, #tpu.memory_space<vmem>>, vector<16xi32>,
    %add3A_440 = arith.constant 48 : i32
    %add3A_441 = vector.broadcast %add3A_440 : i32 to vector<16xi32>
    %add3A_442 = arith.addi %iota3A, %add3A_441 : vector<16xi32>
    %mul3A_443 = arith.constant 147456 : i32
    %mul3A_444 = vector.broadcast %mul3A_443 : i32 to vector<16xi32>
    %mul3A_445 = arith.muli %add3A_442, %mul3A_444 : vector<16xi32>
    %add3A_446 = arith.addi %add3A_412, %mul3A_445 : vector<16xi32>
    %swap3A_447 = arith.constant 48 : index
    %swap3A_448 = tpu.vector_load %arg13[%swap3A_447] {strides = array<i32>} : memref<128xi32, #tpu.memory_space<vmem>>, vector<16xi32>,
    tpu.vector_store %arg13[%swap3A_447], %add3A_446 {strides = array<i32>} : memref<128xi32, #tpu.memory_space<vmem>>, vector<16xi32>,
    %add3A_449 = arith.constant 64 : i32
    %add3A_450 = vector.broadcast %add3A_449 : i32 to vector<16xi32>
    %add3A_451 = arith.addi %iota3A, %add3A_450 : vector<16xi32>
    %mul3A_452 = arith.constant 147456 : i32
    %mul3A_453 = vector.broadcast %mul3A_452 : i32 to vector<16xi32>
    %mul3A_454 = arith.muli %add3A_451, %mul3A_453 : vector<16xi32>
    %add3A_455 = arith.addi %add3A_412, %mul3A_454 : vector<16xi32>
    %swap3A_456 = arith.constant 64 : index
    %swap3A_457 = tpu.vector_load %arg13[%swap3A_456] {strides = array<i32>} : memref<128xi32, #tpu.memory_space<vmem>>, vector<16xi32>,
    tpu.vector_store %arg13[%swap3A_456], %add3A_455 {strides = array<i32>} : memref<128xi32, #tpu.memory_space<vmem>>, vector<16xi32>,
    %add3A_458 = arith.constant 80 : i32
    %add3A_459 = vector.broadcast %add3A_458 : i32 to vector<16xi32>
    %add3A_460 = arith.addi %iota3A, %add3A_459 : vector<16xi32>
    %mul3A_461 = arith.constant 147456 : i32
    %mul3A_462 = vector.broadcast %mul3A_461 : i32 to vector<16xi32>
    %mul3A_463 = arith.muli %add3A_460, %mul3A_462 : vector<16xi32>
    %add3A_464 = arith.addi %add3A_412, %mul3A_463 : vector<16xi32>
    %swap3A_465 = arith.constant 80 : index
    %swap3A_466 = tpu.vector_load %arg13[%swap3A_465] {strides = array<i32>} : memref<128xi32, #tpu.memory_space<vmem>>, vector<16xi32>,
    tpu.vector_store %arg13[%swap3A_465], %add3A_464 {strides = array<i32>} : memref<128xi32, #tpu.memory_space<vmem>>, vector<16xi32>,
    %add3A_467 = arith.constant 96 : i32
    %add3A_468 = vector.broadcast %add3A_467 : i32 to vector<16xi32>
    %add3A_469 = arith.addi %iota3A, %add3A_468 : vector<16xi32>
    %mul3A_470 = arith.constant 147456 : i32
    %mul3A_471 = vector.broadcast %mul3A_470 : i32 to vector<16xi32>
    %mul3A_472 = arith.muli %add3A_469, %mul3A_471 : vector<16xi32>
    %add3A_473 = arith.addi %add3A_412, %mul3A_472 : vector<16xi32>
    %swap3A_474 = arith.constant 96 : index
    %swap3A_475 = tpu.vector_load %arg13[%swap3A_474] {strides = array<i32>} : memref<128xi32, #tpu.memory_space<vmem>>, vector<16xi32>,
    tpu.vector_store %arg13[%swap3A_474], %add3A_473 {strides = array<i32>} : memref<128xi32, #tpu.memory_space<vmem>>, vector<16xi32>,
    %add3A_476 = arith.constant 112 : i32
    %add3A_477 = vector.broadcast %add3A_476 : i32 to vector<16xi32>
    %add3A_478 = arith.addi %iota3A, %add3A_477 : vector<16xi32>
    %mul3A_479 = arith.constant 147456 : i32
    %mul3A_480 = vector.broadcast %mul3A_479 : i32 to vector<16xi32>
    %mul3A_481 = arith.muli %add3A_478, %mul3A_480 : vector<16xi32>
    %add3A_482 = arith.addi %add3A_412, %mul3A_481 : vector<16xi32>
    %swap3A_483 = arith.constant 112 : index
    %swap3A_484 = tpu.vector_load %arg13[%swap3A_483] {strides = array<i32>} : memref<128xi32, #tpu.memory_space<vmem>>, vector<16xi32>,
    tpu.vector_store %arg13[%swap3A_483], %add3A_482 {strides = array<i32>} : memref<128xi32, #tpu.memory_space<vmem>>, vector<16xi32>,
    %add3A_485 = arith.constant 128 : i32
    %add3A_486 = vector.broadcast %add3A_485 : i32 to vector<16xi32>
    %add3A_487 = arith.addi %iota3A, %add3A_486 : vector<16xi32>
    %mul3A_488 = arith.constant 147456 : i32
    %mul3A_489 = vector.broadcast %mul3A_488 : i32 to vector<16xi32>
    %mul3A_490 = arith.muli %add3A_487, %mul3A_489 : vector<16xi32>
    %add3A_491 = arith.addi %add3A_412, %mul3A_490 : vector<16xi32>
    %swap3A_492 = arith.constant 0 : index
    %swap3A_493 = tpu.vector_load %arg14[%swap3A_492] {strides = array<i32>} : memref<128xi32, #tpu.memory_space<vmem>>, vector<16xi32>,
    tpu.vector_store %arg14[%swap3A_492], %add3A_491 {strides = array<i32>} : memref<128xi32, #tpu.memory_space<vmem>>, vector<16xi32>,
    %add3A_494 = arith.constant 144 : i32
    %add3A_495 = vector.broadcast %add3A_494 : i32 to vector<16xi32>
    %add3A_496 = arith.addi %iota3A, %add3A_495 : vector<16xi32>
    %mul3A_497 = arith.constant 147456 : i32
    %mul3A_498 = vector.broadcast %mul3A_497 : i32 to vector<16xi32>
    %mul3A_499 = arith.muli %add3A_496, %mul3A_498 : vector<16xi32>
    %add3A_500 = arith.addi %add3A_412, %mul3A_499 : vector<16xi32>
    %swap3A_501 = arith.constant 16 : index
    %swap3A_502 = tpu.vector_load %arg14[%swap3A_501] {strides = array<i32>} : memref<128xi32, #tpu.memory_space<vmem>>, vector<16xi32>,
    tpu.vector_store %arg14[%swap3A_501], %add3A_500 {strides = array<i32>} : memref<128xi32, #tpu.memory_space<vmem>>, vector<16xi32>,
    %add3A_503 = arith.constant 160 : i32
    %add3A_504 = vector.broadcast %add3A_503 : i32 to vector<16xi32>
    %add3A_505 = arith.addi %iota3A, %add3A_504 : vector<16xi32>
    %mul3A_506 = arith.constant 147456 : i32
    %mul3A_507 = vector.broadcast %mul3A_506 : i32 to vector<16xi32>
    %mul3A_508 = arith.muli %add3A_505, %mul3A_507 : vector<16xi32>
    %add3A_509 = arith.addi %add3A_412, %mul3A_508 : vector<16xi32>
    %swap3A_510 = arith.constant 32 : index
    %swap3A_511 = tpu.vector_load %arg14[%swap3A_510] {strides = array<i32>} : memref<128xi32, #tpu.memory_space<vmem>>, vector<16xi32>,
    tpu.vector_store %arg14[%swap3A_510], %add3A_509 {strides = array<i32>} : memref<128xi32, #tpu.memory_space<vmem>>, vector<16xi32>,
    %add3A_512 = arith.constant 176 : i32
    %add3A_513 = vector.broadcast %add3A_512 : i32 to vector<16xi32>
    %add3A_514 = arith.addi %iota3A, %add3A_513 : vector<16xi32>
    %mul3A_515 = arith.constant 147456 : i32
    %mul3A_516 = vector.broadcast %mul3A_515 : i32 to vector<16xi32>
    %mul3A_517 = arith.muli %add3A_514, %mul3A_516 : vector<16xi32>
    %add3A_518 = arith.addi %add3A_412, %mul3A_517 : vector<16xi32>
    %swap3A_519 = arith.constant 48 : index
    %swap3A_520 = tpu.vector_load %arg14[%swap3A_519] {strides = array<i32>} : memref<128xi32, #tpu.memory_space<vmem>>, vector<16xi32>,
    tpu.vector_store %arg14[%swap3A_519], %add3A_518 {strides = array<i32>} : memref<128xi32, #tpu.memory_space<vmem>>, vector<16xi32>,
    %add3A_521 = arith.constant 192 : i32
    %add3A_522 = vector.broadcast %add3A_521 : i32 to vector<16xi32>
    %add3A_523 = arith.addi %iota3A, %add3A_522 : vector<16xi32>
    %mul3A_524 = arith.constant 147456 : i32
    %mul3A_525 = vector.broadcast %mul3A_524 : i32 to vector<16xi32>
    %mul3A_526 = arith.muli %add3A_523, %mul3A_525 : vector<16xi32>
    %add3A_527 = arith.addi %add3A_412, %mul3A_526 : vector<16xi32>
    %swap3A_528 = arith.constant 64 : index
    %swap3A_529 = tpu.vector_load %arg14[%swap3A_528] {strides = array<i32>} : memref<128xi32, #tpu.memory_space<vmem>>, vector<16xi32>,
    tpu.vector_store %arg14[%swap3A_528], %add3A_527 {strides = array<i32>} : memref<128xi32, #tpu.memory_space<vmem>>, vector<16xi32>,
    %add3A_530 = arith.constant 208 : i32
    %add3A_531 = vector.broadcast %add3A_530 : i32 to vector<16xi32>
    %add3A_532 = arith.addi %iota3A, %add3A_531 : vector<16xi32>
    %mul3A_533 = arith.constant 147456 : i32
    %mul3A_534 = vector.broadcast %mul3A_533 : i32 to vector<16xi32>
    %mul3A_535 = arith.muli %add3A_532, %mul3A_534 : vector<16xi32>
    %add3A_536 = arith.addi %add3A_412, %mul3A_535 : vector<16xi32>
    %swap3A_537 = arith.constant 80 : index
    %swap3A_538 = tpu.vector_load %arg14[%swap3A_537] {strides = array<i32>} : memref<128xi32, #tpu.memory_space<vmem>>, vector<16xi32>,
    tpu.vector_store %arg14[%swap3A_537], %add3A_536 {strides = array<i32>} : memref<128xi32, #tpu.memory_space<vmem>>, vector<16xi32>,
    %add3A_539 = arith.constant 224 : i32
    %add3A_540 = vector.broadcast %add3A_539 : i32 to vector<16xi32>
    %add3A_541 = arith.addi %iota3A, %add3A_540 : vector<16xi32>
    %mul3A_542 = arith.constant 147456 : i32
    %mul3A_543 = vector.broadcast %mul3A_542 : i32 to vector<16xi32>
    %mul3A_544 = arith.muli %add3A_541, %mul3A_543 : vector<16xi32>
    %add3A_545 = arith.addi %add3A_412, %mul3A_544 : vector<16xi32>
    %swap3A_546 = arith.constant 96 : index
    %swap3A_547 = tpu.vector_load %arg14[%swap3A_546] {strides = array<i32>} : memref<128xi32, #tpu.memory_space<vmem>>, vector<16xi32>,
    tpu.vector_store %arg14[%swap3A_546], %add3A_545 {strides = array<i32>} : memref<128xi32, #tpu.memory_space<vmem>>, vector<16xi32>,
    %add3A_548 = arith.constant 240 : i32
    %add3A_549 = vector.broadcast %add3A_548 : i32 to vector<16xi32>
    %add3A_550 = arith.addi %iota3A, %add3A_549 : vector<16xi32>
    %mul3A_551 = arith.constant 147456 : i32
    %mul3A_552 = vector.broadcast %mul3A_551 : i32 to vector<16xi32>
    %mul3A_553 = arith.muli %add3A_550, %mul3A_552 : vector<16xi32>
    %add3A_554 = arith.addi %add3A_412, %mul3A_553 : vector<16xi32>
    %swap3A_555 = arith.constant 112 : index
    %swap3A_556 = tpu.vector_load %arg14[%swap3A_555] {strides = array<i32>} : memref<128xi32, #tpu.memory_space<vmem>>, vector<16xi32>,
    tpu.vector_store %arg14[%swap3A_555], %add3A_554 {strides = array<i32>} : memref<128xi32, #tpu.memory_space<vmem>>, vector<16xi32>,
    %add3A_557 = arith.constant 256 : i32
    %add3A_558 = vector.broadcast %add3A_557 : i32 to vector<16xi32>
    %add3A_559 = arith.addi %iota3A, %add3A_558 : vector<16xi32>
    %mul3A_560 = arith.constant 147456 : i32
    %mul3A_561 = vector.broadcast %mul3A_560 : i32 to vector<16xi32>
    %mul3A_562 = arith.muli %add3A_559, %mul3A_561 : vector<16xi32>
    %add3A_563 = arith.addi %add3A_412, %mul3A_562 : vector<16xi32>
    %swap3A_564 = arith.constant 0 : index
    %swap3A_565 = tpu.vector_load %arg15[%swap3A_564] {strides = array<i32>} : memref<128xi32, #tpu.memory_space<vmem>>, vector<16xi32>,
    tpu.vector_store %arg15[%swap3A_564], %add3A_563 {strides = array<i32>} : memref<128xi32, #tpu.memory_space<vmem>>, vector<16xi32>,
    %add3A_566 = arith.constant 272 : i32
    %add3A_567 = vector.broadcast %add3A_566 : i32 to vector<16xi32>
    %add3A_568 = arith.addi %iota3A, %add3A_567 : vector<16xi32>
    %mul3A_569 = arith.constant 147456 : i32
    %mul3A_570 = vector.broadcast %mul3A_569 : i32 to vector<16xi32>
    %mul3A_571 = arith.muli %add3A_568, %mul3A_570 : vector<16xi32>
    %add3A_572 = arith.addi %add3A_412, %mul3A_571 : vector<16xi32>
    %swap3A_573 = arith.constant 16 : index
    %swap3A_574 = tpu.vector_load %arg15[%swap3A_573] {strides = array<i32>} : memref<128xi32, #tpu.memory_space<vmem>>, vector<16xi32>,
    tpu.vector_store %arg15[%swap3A_573], %add3A_572 {strides = array<i32>} : memref<128xi32, #tpu.memory_space<vmem>>, vector<16xi32>,
    %add3A_575 = arith.constant 288 : i32
    %add3A_576 = vector.broadcast %add3A_575 : i32 to vector<16xi32>
    %add3A_577 = arith.addi %iota3A, %add3A_576 : vector<16xi32>
    %mul3A_578 = arith.constant 147456 : i32
    %mul3A_579 = vector.broadcast %mul3A_578 : i32 to vector<16xi32>
    %mul3A_580 = arith.muli %add3A_577, %mul3A_579 : vector<16xi32>
    %add3A_581 = arith.addi %add3A_412, %mul3A_580 : vector<16xi32>
    %swap3A_582 = arith.constant 32 : index
    %swap3A_583 = tpu.vector_load %arg15[%swap3A_582] {strides = array<i32>} : memref<128xi32, #tpu.memory_space<vmem>>, vector<16xi32>,
    tpu.vector_store %arg15[%swap3A_582], %add3A_581 {strides = array<i32>} : memref<128xi32, #tpu.memory_space<vmem>>, vector<16xi32>,
    %add3A_584 = arith.constant 304 : i32
    %add3A_585 = vector.broadcast %add3A_584 : i32 to vector<16xi32>
    %add3A_586 = arith.addi %iota3A, %add3A_585 : vector<16xi32>
    %mul3A_587 = arith.constant 147456 : i32
    %mul3A_588 = vector.broadcast %mul3A_587 : i32 to vector<16xi32>
    %mul3A_589 = arith.muli %add3A_586, %mul3A_588 : vector<16xi32>
    %add3A_590 = arith.addi %add3A_412, %mul3A_589 : vector<16xi32>
    %swap3A_591 = arith.constant 48 : index
    %swap3A_592 = tpu.vector_load %arg15[%swap3A_591] {strides = array<i32>} : memref<128xi32, #tpu.memory_space<vmem>>, vector<16xi32>,
    tpu.vector_store %arg15[%swap3A_591], %add3A_590 {strides = array<i32>} : memref<128xi32, #tpu.memory_space<vmem>>, vector<16xi32>,
    %add3A_593 = arith.constant 320 : i32
    %add3A_594 = vector.broadcast %add3A_593 : i32 to vector<16xi32>
    %add3A_595 = arith.addi %iota3A, %add3A_594 : vector<16xi32>
    %mul3A_596 = arith.constant 147456 : i32
    %mul3A_597 = vector.broadcast %mul3A_596 : i32 to vector<16xi32>
    %mul3A_598 = arith.muli %add3A_595, %mul3A_597 : vector<16xi32>
    %add3A_599 = arith.addi %add3A_412, %mul3A_598 : vector<16xi32>
    %swap3A_600 = arith.constant 64 : index
    %swap3A_601 = tpu.vector_load %arg15[%swap3A_600] {strides = array<i32>} : memref<128xi32, #tpu.memory_space<vmem>>, vector<16xi32>,
    tpu.vector_store %arg15[%swap3A_600], %add3A_599 {strides = array<i32>} : memref<128xi32, #tpu.memory_space<vmem>>, vector<16xi32>,
    %add3A_602 = arith.constant 336 : i32
    %add3A_603 = vector.broadcast %add3A_602 : i32 to vector<16xi32>
    %add3A_604 = arith.addi %iota3A, %add3A_603 : vector<16xi32>
    %mul3A_605 = arith.constant 147456 : i32
    %mul3A_606 = vector.broadcast %mul3A_605 : i32 to vector<16xi32>
    %mul3A_607 = arith.muli %add3A_604, %mul3A_606 : vector<16xi32>
    %add3A_608 = arith.addi %add3A_412, %mul3A_607 : vector<16xi32>
    %swap3A_609 = arith.constant 80 : index
    %swap3A_610 = tpu.vector_load %arg15[%swap3A_609] {strides = array<i32>} : memref<128xi32, #tpu.memory_space<vmem>>, vector<16xi32>,
    tpu.vector_store %arg15[%swap3A_609], %add3A_608 {strides = array<i32>} : memref<128xi32, #tpu.memory_space<vmem>>, vector<16xi32>,
    %add3A_611 = arith.constant 352 : i32
    %add3A_612 = vector.broadcast %add3A_611 : i32 to vector<16xi32>
    %add3A_613 = arith.addi %iota3A, %add3A_612 : vector<16xi32>
    %mul3A_614 = arith.constant 147456 : i32
    %mul3A_615 = vector.broadcast %mul3A_614 : i32 to vector<16xi32>
    %mul3A_616 = arith.muli %add3A_613, %mul3A_615 : vector<16xi32>
    %add3A_617 = arith.addi %add3A_412, %mul3A_616 : vector<16xi32>
    %swap3A_618 = arith.constant 96 : index
    %swap3A_619 = tpu.vector_load %arg15[%swap3A_618] {strides = array<i32>} : memref<128xi32, #tpu.memory_space<vmem>>, vector<16xi32>,
    tpu.vector_store %arg15[%swap3A_618], %add3A_617 {strides = array<i32>} : memref<128xi32, #tpu.memory_space<vmem>>, vector<16xi32>,
    %add3A_620 = arith.constant 368 : i32
    %add3A_621 = vector.broadcast %add3A_620 : i32 to vector<16xi32>
    %add3A_622 = arith.addi %iota3A, %add3A_621 : vector<16xi32>
    %mul3A_623 = arith.constant 147456 : i32
    %mul3A_624 = vector.broadcast %mul3A_623 : i32 to vector<16xi32>
    %mul3A_625 = arith.muli %add3A_622, %mul3A_624 : vector<16xi32>
    %add3A_626 = arith.addi %add3A_412, %mul3A_625 : vector<16xi32>
    %swap3A_627 = arith.constant 112 : index
    %swap3A_628 = tpu.vector_load %arg15[%swap3A_627] {strides = array<i32>} : memref<128xi32, #tpu.memory_space<vmem>>, vector<16xi32>,
    tpu.vector_store %arg15[%swap3A_627], %add3A_626 {strides = array<i32>} : memref<128xi32, #tpu.memory_space<vmem>>, vector<16xi32>,
    %mul3A_629 = arith.constant 4 : i32
    %mul3A_630 = arith.muli %add3A, %mul3A_629 : i32
    %add3A_631 = arith.constant 2 : i32
    %add3A_632 = arith.addi %mul3A_630, %add3A_631 : i32
    %broadcast_in_dim3A_633 = vector.broadcast %add3A_632 : i32 to vector<16xi32>
    %get3A_634 = arith.constant 0 : index
    %get3A_635 = tpu.vector_load %arg8[%get3A_634] {strides = array<i32>} : memref<16xi32, #tpu.memory_space<vmem>>, vector<16xi32>,
    %ge3A_636 = arith.constant 64 : i32
    %ge3A_637 = vector.broadcast %ge3A_636 : i32 to vector<16xi32>
    %ge3A_638 = arith.cmpi sge, %broadcast_in_dim3A_633, %ge3A_637 : vector<16xi32>
    %jit3A_639 = arith.constant 56623104 : i32
    %jit3A_640 = arith.constant 0 : i32
    %broadcast_in_dim3A_641 = vector.broadcast %jit3A_639 : i32 to vector<16xi32>
    %broadcast_in_dim3A_642 = vector.broadcast %jit3A_640 : i32 to vector<16xi32>
    %select_n3A_643 = arith.select %ge3A_638, %broadcast_in_dim3A_641, %broadcast_in_dim3A_642 : vector<16xi1>, vector<16xi32>
    %add3A_644 = arith.addi %get3A_635, %select_n3A_643 : vector<16xi32>
    %add3A_645 = arith.constant 0 : i32
    %add3A_646 = vector.broadcast %add3A_645 : i32 to vector<16xi32>
    %add3A_647 = arith.addi %iota3A, %add3A_646 : vector<16xi32>
    %mul3A_648 = arith.constant 147456 : i32
    %mul3A_649 = vector.broadcast %mul3A_648 : i32 to vector<16xi32>
    %mul3A_650 = arith.muli %add3A_647, %mul3A_649 : vector<16xi32>
    %add3A_651 = arith.addi %add3A_644, %mul3A_650 : vector<16xi32>
    %swap3A_652 = arith.constant 0 : index
    %swap3A_653 = tpu.vector_load %arg16[%swap3A_652] {strides = array<i32>} : memref<128xi32, #tpu.memory_space<vmem>>, vector<16xi32>,
    tpu.vector_store %arg16[%swap3A_652], %add3A_651 {strides = array<i32>} : memref<128xi32, #tpu.memory_space<vmem>>, vector<16xi32>,
    %add3A_654 = arith.constant 16 : i32
    %add3A_655 = vector.broadcast %add3A_654 : i32 to vector<16xi32>
    %add3A_656 = arith.addi %iota3A, %add3A_655 : vector<16xi32>
    %mul3A_657 = arith.constant 147456 : i32
    %mul3A_658 = vector.broadcast %mul3A_657 : i32 to vector<16xi32>
    %mul3A_659 = arith.muli %add3A_656, %mul3A_658 : vector<16xi32>
    %add3A_660 = arith.addi %add3A_644, %mul3A_659 : vector<16xi32>
    %swap3A_661 = arith.constant 16 : index
    %swap3A_662 = tpu.vector_load %arg16[%swap3A_661] {strides = array<i32>} : memref<128xi32, #tpu.memory_space<vmem>>, vector<16xi32>,
    tpu.vector_store %arg16[%swap3A_661], %add3A_660 {strides = array<i32>} : memref<128xi32, #tpu.memory_space<vmem>>, vector<16xi32>,
    %add3A_663 = arith.constant 32 : i32
    %add3A_664 = vector.broadcast %add3A_663 : i32 to vector<16xi32>
    %add3A_665 = arith.addi %iota3A, %add3A_664 : vector<16xi32>
    %mul3A_666 = arith.constant 147456 : i32
    %mul3A_667 = vector.broadcast %mul3A_666 : i32 to vector<16xi32>
    %mul3A_668 = arith.muli %add3A_665, %mul3A_667 : vector<16xi32>
    %add3A_669 = arith.addi %add3A_644, %mul3A_668 : vector<16xi32>
    %swap3A_670 = arith.constant 32 : index
    %swap3A_671 = tpu.vector_load %arg16[%swap3A_670] {strides = array<i32>} : memref<128xi32, #tpu.memory_space<vmem>>, vector<16xi32>,
    tpu.vector_store %arg16[%swap3A_670], %add3A_669 {strides = array<i32>} : memref<128xi32, #tpu.memory_space<vmem>>, vector<16xi32>,
    %add3A_672 = arith.constant 48 : i32
    %add3A_673 = vector.broadcast %add3A_672 : i32 to vector<16xi32>
    %add3A_674 = arith.addi %iota3A, %add3A_673 : vector<16xi32>
    %mul3A_675 = arith.constant 147456 : i32
    %mul3A_676 = vector.broadcast %mul3A_675 : i32 to vector<16xi32>
    %mul3A_677 = arith.muli %add3A_674, %mul3A_676 : vector<16xi32>
    %add3A_678 = arith.addi %add3A_644, %mul3A_677 : vector<16xi32>
    %swap3A_679 = arith.constant 48 : index
    %swap3A_680 = tpu.vector_load %arg16[%swap3A_679] {strides = array<i32>} : memref<128xi32, #tpu.memory_space<vmem>>, vector<16xi32>,
    tpu.vector_store %arg16[%swap3A_679], %add3A_678 {strides = array<i32>} : memref<128xi32, #tpu.memory_space<vmem>>, vector<16xi32>,
    %add3A_681 = arith.constant 64 : i32
    %add3A_682 = vector.broadcast %add3A_681 : i32 to vector<16xi32>
    %add3A_683 = arith.addi %iota3A, %add3A_682 : vector<16xi32>
    %mul3A_684 = arith.constant 147456 : i32
    %mul3A_685 = vector.broadcast %mul3A_684 : i32 to vector<16xi32>
    %mul3A_686 = arith.muli %add3A_683, %mul3A_685 : vector<16xi32>
    %add3A_687 = arith.addi %add3A_644, %mul3A_686 : vector<16xi32>
    %swap3A_688 = arith.constant 64 : index
    %swap3A_689 = tpu.vector_load %arg16[%swap3A_688] {strides = array<i32>} : memref<128xi32, #tpu.memory_space<vmem>>, vector<16xi32>,
    tpu.vector_store %arg16[%swap3A_688], %add3A_687 {strides = array<i32>} : memref<128xi32, #tpu.memory_space<vmem>>, vector<16xi32>,
    %add3A_690 = arith.constant 80 : i32
    %add3A_691 = vector.broadcast %add3A_690 : i32 to vector<16xi32>
    %add3A_692 = arith.addi %iota3A, %add3A_691 : vector<16xi32>
    %mul3A_693 = arith.constant 147456 : i32
    %mul3A_694 = vector.broadcast %mul3A_693 : i32 to vector<16xi32>
    %mul3A_695 = arith.muli %add3A_692, %mul3A_694 : vector<16xi32>
    %add3A_696 = arith.addi %add3A_644, %mul3A_695 : vector<16xi32>
    %swap3A_697 = arith.constant 80 : index
    %swap3A_698 = tpu.vector_load %arg16[%swap3A_697] {strides = array<i32>} : memref<128xi32, #tpu.memory_space<vmem>>, vector<16xi32>,
    tpu.vector_store %arg16[%swap3A_697], %add3A_696 {strides = array<i32>} : memref<128xi32, #tpu.memory_space<vmem>>, vector<16xi32>,
    %add3A_699 = arith.constant 96 : i32
    %add3A_700 = vector.broadcast %add3A_699 : i32 to vector<16xi32>
    %add3A_701 = arith.addi %iota3A, %add3A_700 : vector<16xi32>
    %mul3A_702 = arith.constant 147456 : i32
    %mul3A_703 = vector.broadcast %mul3A_702 : i32 to vector<16xi32>
    %mul3A_704 = arith.muli %add3A_701, %mul3A_703 : vector<16xi32>
    %add3A_705 = arith.addi %add3A_644, %mul3A_704 : vector<16xi32>
    %swap3A_706 = arith.constant 96 : index
    %swap3A_707 = tpu.vector_load %arg16[%swap3A_706] {strides = array<i32>} : memref<128xi32, #tpu.memory_space<vmem>>, vector<16xi32>,
    tpu.vector_store %arg16[%swap3A_706], %add3A_705 {strides = array<i32>} : memref<128xi32, #tpu.memory_space<vmem>>, vector<16xi32>,
    %add3A_708 = arith.constant 112 : i32
    %add3A_709 = vector.broadcast %add3A_708 : i32 to vector<16xi32>
    %add3A_710 = arith.addi %iota3A, %add3A_709 : vector<16xi32>
    %mul3A_711 = arith.constant 147456 : i32
    %mul3A_712 = vector.broadcast %mul3A_711 : i32 to vector<16xi32>
    %mul3A_713 = arith.muli %add3A_710, %mul3A_712 : vector<16xi32>
    %add3A_714 = arith.addi %add3A_644, %mul3A_713 : vector<16xi32>
    %swap3A_715 = arith.constant 112 : index
    %swap3A_716 = tpu.vector_load %arg16[%swap3A_715] {strides = array<i32>} : memref<128xi32, #tpu.memory_space<vmem>>, vector<16xi32>,
    tpu.vector_store %arg16[%swap3A_715], %add3A_714 {strides = array<i32>} : memref<128xi32, #tpu.memory_space<vmem>>, vector<16xi32>,
    %add3A_717 = arith.constant 128 : i32
    %add3A_718 = vector.broadcast %add3A_717 : i32 to vector<16xi32>
    %add3A_719 = arith.addi %iota3A, %add3A_718 : vector<16xi32>
    %mul3A_720 = arith.constant 147456 : i32
    %mul3A_721 = vector.broadcast %mul3A_720 : i32 to vector<16xi32>
    %mul3A_722 = arith.muli %add3A_719, %mul3A_721 : vector<16xi32>
    %add3A_723 = arith.addi %add3A_644, %mul3A_722 : vector<16xi32>
    %swap3A_724 = arith.constant 0 : index
    %swap3A_725 = tpu.vector_load %arg17[%swap3A_724] {strides = array<i32>} : memref<128xi32, #tpu.memory_space<vmem>>, vector<16xi32>,
    tpu.vector_store %arg17[%swap3A_724], %add3A_723 {strides = array<i32>} : memref<128xi32, #tpu.memory_space<vmem>>, vector<16xi32>,
    %add3A_726 = arith.constant 144 : i32
    %add3A_727 = vector.broadcast %add3A_726 : i32 to vector<16xi32>
    %add3A_728 = arith.addi %iota3A, %add3A_727 : vector<16xi32>
    %mul3A_729 = arith.constant 147456 : i32
    %mul3A_730 = vector.broadcast %mul3A_729 : i32 to vector<16xi32>
    %mul3A_731 = arith.muli %add3A_728, %mul3A_730 : vector<16xi32>
    %add3A_732 = arith.addi %add3A_644, %mul3A_731 : vector<16xi32>
    %swap3A_733 = arith.constant 16 : index
    %swap3A_734 = tpu.vector_load %arg17[%swap3A_733] {strides = array<i32>} : memref<128xi32, #tpu.memory_space<vmem>>, vector<16xi32>,
    tpu.vector_store %arg17[%swap3A_733], %add3A_732 {strides = array<i32>} : memref<128xi32, #tpu.memory_space<vmem>>, vector<16xi32>,
    %add3A_735 = arith.constant 160 : i32
    %add3A_736 = vector.broadcast %add3A_735 : i32 to vector<16xi32>
    %add3A_737 = arith.addi %iota3A, %add3A_736 : vector<16xi32>
    %mul3A_738 = arith.constant 147456 : i32
    %mul3A_739 = vector.broadcast %mul3A_738 : i32 to vector<16xi32>
    %mul3A_740 = arith.muli %add3A_737, %mul3A_739 : vector<16xi32>
    %add3A_741 = arith.addi %add3A_644, %mul3A_740 : vector<16xi32>
    %swap3A_742 = arith.constant 32 : index
    %swap3A_743 = tpu.vector_load %arg17[%swap3A_742] {strides = array<i32>} : memref<128xi32, #tpu.memory_space<vmem>>, vector<16xi32>,
    tpu.vector_store %arg17[%swap3A_742], %add3A_741 {strides = array<i32>} : memref<128xi32, #tpu.memory_space<vmem>>, vector<16xi32>,
    %add3A_744 = arith.constant 176 : i32
    %add3A_745 = vector.broadcast %add3A_744 : i32 to vector<16xi32>
    %add3A_746 = arith.addi %iota3A, %add3A_745 : vector<16xi32>
    %mul3A_747 = arith.constant 147456 : i32
    %mul3A_748 = vector.broadcast %mul3A_747 : i32 to vector<16xi32>
    %mul3A_749 = arith.muli %add3A_746, %mul3A_748 : vector<16xi32>
    %add3A_750 = arith.addi %add3A_644, %mul3A_749 : vector<16xi32>
    %swap3A_751 = arith.constant 48 : index
    %swap3A_752 = tpu.vector_load %arg17[%swap3A_751] {strides = array<i32>} : memref<128xi32, #tpu.memory_space<vmem>>, vector<16xi32>,
    tpu.vector_store %arg17[%swap3A_751], %add3A_750 {strides = array<i32>} : memref<128xi32, #tpu.memory_space<vmem>>, vector<16xi32>,
    %add3A_753 = arith.constant 192 : i32
    %add3A_754 = vector.broadcast %add3A_753 : i32 to vector<16xi32>
    %add3A_755 = arith.addi %iota3A, %add3A_754 : vector<16xi32>
    %mul3A_756 = arith.constant 147456 : i32
    %mul3A_757 = vector.broadcast %mul3A_756 : i32 to vector<16xi32>
    %mul3A_758 = arith.muli %add3A_755, %mul3A_757 : vector<16xi32>
    %add3A_759 = arith.addi %add3A_644, %mul3A_758 : vector<16xi32>
    %swap3A_760 = arith.constant 64 : index
    %swap3A_761 = tpu.vector_load %arg17[%swap3A_760] {strides = array<i32>} : memref<128xi32, #tpu.memory_space<vmem>>, vector<16xi32>,
    tpu.vector_store %arg17[%swap3A_760], %add3A_759 {strides = array<i32>} : memref<128xi32, #tpu.memory_space<vmem>>, vector<16xi32>,
    %add3A_762 = arith.constant 208 : i32
    %add3A_763 = vector.broadcast %add3A_762 : i32 to vector<16xi32>
    %add3A_764 = arith.addi %iota3A, %add3A_763 : vector<16xi32>
    %mul3A_765 = arith.constant 147456 : i32
    %mul3A_766 = vector.broadcast %mul3A_765 : i32 to vector<16xi32>
    %mul3A_767 = arith.muli %add3A_764, %mul3A_766 : vector<16xi32>
    %add3A_768 = arith.addi %add3A_644, %mul3A_767 : vector<16xi32>
    %swap3A_769 = arith.constant 80 : index
    %swap3A_770 = tpu.vector_load %arg17[%swap3A_769] {strides = array<i32>} : memref<128xi32, #tpu.memory_space<vmem>>, vector<16xi32>,
    tpu.vector_store %arg17[%swap3A_769], %add3A_768 {strides = array<i32>} : memref<128xi32, #tpu.memory_space<vmem>>, vector<16xi32>,
    %add3A_771 = arith.constant 224 : i32
    %add3A_772 = vector.broadcast %add3A_771 : i32 to vector<16xi32>
    %add3A_773 = arith.addi %iota3A, %add3A_772 : vector<16xi32>
    %mul3A_774 = arith.constant 147456 : i32
    %mul3A_775 = vector.broadcast %mul3A_774 : i32 to vector<16xi32>
    %mul3A_776 = arith.muli %add3A_773, %mul3A_775 : vector<16xi32>
    %add3A_777 = arith.addi %add3A_644, %mul3A_776 : vector<16xi32>
    %swap3A_778 = arith.constant 96 : index
    %swap3A_779 = tpu.vector_load %arg17[%swap3A_778] {strides = array<i32>} : memref<128xi32, #tpu.memory_space<vmem>>, vector<16xi32>,
    tpu.vector_store %arg17[%swap3A_778], %add3A_777 {strides = array<i32>} : memref<128xi32, #tpu.memory_space<vmem>>, vector<16xi32>,
    %add3A_780 = arith.constant 240 : i32
    %add3A_781 = vector.broadcast %add3A_780 : i32 to vector<16xi32>
    %add3A_782 = arith.addi %iota3A, %add3A_781 : vector<16xi32>
    %mul3A_783 = arith.constant 147456 : i32
    %mul3A_784 = vector.broadcast %mul3A_783 : i32 to vector<16xi32>
    %mul3A_785 = arith.muli %add3A_782, %mul3A_784 : vector<16xi32>
    %add3A_786 = arith.addi %add3A_644, %mul3A_785 : vector<16xi32>
    %swap3A_787 = arith.constant 112 : index
    %swap3A_788 = tpu.vector_load %arg17[%swap3A_787] {strides = array<i32>} : memref<128xi32, #tpu.memory_space<vmem>>, vector<16xi32>,
    tpu.vector_store %arg17[%swap3A_787], %add3A_786 {strides = array<i32>} : memref<128xi32, #tpu.memory_space<vmem>>, vector<16xi32>,
    %add3A_789 = arith.constant 256 : i32
    %add3A_790 = vector.broadcast %add3A_789 : i32 to vector<16xi32>
    %add3A_791 = arith.addi %iota3A, %add3A_790 : vector<16xi32>
    %mul3A_792 = arith.constant 147456 : i32
    %mul3A_793 = vector.broadcast %mul3A_792 : i32 to vector<16xi32>
    %mul3A_794 = arith.muli %add3A_791, %mul3A_793 : vector<16xi32>
    %add3A_795 = arith.addi %add3A_644, %mul3A_794 : vector<16xi32>
    %swap3A_796 = arith.constant 0 : index
    %swap3A_797 = tpu.vector_load %arg18[%swap3A_796] {strides = array<i32>} : memref<128xi32, #tpu.memory_space<vmem>>, vector<16xi32>,
    tpu.vector_store %arg18[%swap3A_796], %add3A_795 {strides = array<i32>} : memref<128xi32, #tpu.memory_space<vmem>>, vector<16xi32>,
    %add3A_798 = arith.constant 272 : i32
    %add3A_799 = vector.broadcast %add3A_798 : i32 to vector<16xi32>
    %add3A_800 = arith.addi %iota3A, %add3A_799 : vector<16xi32>
    %mul3A_801 = arith.constant 147456 : i32
    %mul3A_802 = vector.broadcast %mul3A_801 : i32 to vector<16xi32>
    %mul3A_803 = arith.muli %add3A_800, %mul3A_802 : vector<16xi32>
    %add3A_804 = arith.addi %add3A_644, %mul3A_803 : vector<16xi32>
    %swap3A_805 = arith.constant 16 : index
    %swap3A_806 = tpu.vector_load %arg18[%swap3A_805] {strides = array<i32>} : memref<128xi32, #tpu.memory_space<vmem>>, vector<16xi32>,
    tpu.vector_store %arg18[%swap3A_805], %add3A_804 {strides = array<i32>} : memref<128xi32, #tpu.memory_space<vmem>>, vector<16xi32>,
    %add3A_807 = arith.constant 288 : i32
    %add3A_808 = vector.broadcast %add3A_807 : i32 to vector<16xi32>
    %add3A_809 = arith.addi %iota3A, %add3A_808 : vector<16xi32>
    %mul3A_810 = arith.constant 147456 : i32
    %mul3A_811 = vector.broadcast %mul3A_810 : i32 to vector<16xi32>
    %mul3A_812 = arith.muli %add3A_809, %mul3A_811 : vector<16xi32>
    %add3A_813 = arith.addi %add3A_644, %mul3A_812 : vector<16xi32>
    %swap3A_814 = arith.constant 32 : index
    %swap3A_815 = tpu.vector_load %arg18[%swap3A_814] {strides = array<i32>} : memref<128xi32, #tpu.memory_space<vmem>>, vector<16xi32>,
    tpu.vector_store %arg18[%swap3A_814], %add3A_813 {strides = array<i32>} : memref<128xi32, #tpu.memory_space<vmem>>, vector<16xi32>,
    %add3A_816 = arith.constant 304 : i32
    %add3A_817 = vector.broadcast %add3A_816 : i32 to vector<16xi32>
    %add3A_818 = arith.addi %iota3A, %add3A_817 : vector<16xi32>
    %mul3A_819 = arith.constant 147456 : i32
    %mul3A_820 = vector.broadcast %mul3A_819 : i32 to vector<16xi32>
    %mul3A_821 = arith.muli %add3A_818, %mul3A_820 : vector<16xi32>
    %add3A_822 = arith.addi %add3A_644, %mul3A_821 : vector<16xi32>
    %swap3A_823 = arith.constant 48 : index
    %swap3A_824 = tpu.vector_load %arg18[%swap3A_823] {strides = array<i32>} : memref<128xi32, #tpu.memory_space<vmem>>, vector<16xi32>,
    tpu.vector_store %arg18[%swap3A_823], %add3A_822 {strides = array<i32>} : memref<128xi32, #tpu.memory_space<vmem>>, vector<16xi32>,
    %add3A_825 = arith.constant 320 : i32
    %add3A_826 = vector.broadcast %add3A_825 : i32 to vector<16xi32>
    %add3A_827 = arith.addi %iota3A, %add3A_826 : vector<16xi32>
    %mul3A_828 = arith.constant 147456 : i32
    %mul3A_829 = vector.broadcast %mul3A_828 : i32 to vector<16xi32>
    %mul3A_830 = arith.muli %add3A_827, %mul3A_829 : vector<16xi32>
    %add3A_831 = arith.addi %add3A_644, %mul3A_830 : vector<16xi32>
    %swap3A_832 = arith.constant 64 : index
    %swap3A_833 = tpu.vector_load %arg18[%swap3A_832] {strides = array<i32>} : memref<128xi32, #tpu.memory_space<vmem>>, vector<16xi32>,
    tpu.vector_store %arg18[%swap3A_832], %add3A_831 {strides = array<i32>} : memref<128xi32, #tpu.memory_space<vmem>>, vector<16xi32>,
    %add3A_834 = arith.constant 336 : i32
    %add3A_835 = vector.broadcast %add3A_834 : i32 to vector<16xi32>
    %add3A_836 = arith.addi %iota3A, %add3A_835 : vector<16xi32>
    %mul3A_837 = arith.constant 147456 : i32
    %mul3A_838 = vector.broadcast %mul3A_837 : i32 to vector<16xi32>
    %mul3A_839 = arith.muli %add3A_836, %mul3A_838 : vector<16xi32>
    %add3A_840 = arith.addi %add3A_644, %mul3A_839 : vector<16xi32>
    %swap3A_841 = arith.constant 80 : index
    %swap3A_842 = tpu.vector_load %arg18[%swap3A_841] {strides = array<i32>} : memref<128xi32, #tpu.memory_space<vmem>>, vector<16xi32>,
    tpu.vector_store %arg18[%swap3A_841], %add3A_840 {strides = array<i32>} : memref<128xi32, #tpu.memory_space<vmem>>, vector<16xi32>,
    %add3A_843 = arith.constant 352 : i32
    %add3A_844 = vector.broadcast %add3A_843 : i32 to vector<16xi32>
    %add3A_845 = arith.addi %iota3A, %add3A_844 : vector<16xi32>
    %mul3A_846 = arith.constant 147456 : i32
    %mul3A_847 = vector.broadcast %mul3A_846 : i32 to vector<16xi32>
    %mul3A_848 = arith.muli %add3A_845, %mul3A_847 : vector<16xi32>
    %add3A_849 = arith.addi %add3A_644, %mul3A_848 : vector<16xi32>
    %swap3A_850 = arith.constant 96 : index
    %swap3A_851 = tpu.vector_load %arg18[%swap3A_850] {strides = array<i32>} : memref<128xi32, #tpu.memory_space<vmem>>, vector<16xi32>,
    tpu.vector_store %arg18[%swap3A_850], %add3A_849 {strides = array<i32>} : memref<128xi32, #tpu.memory_space<vmem>>, vector<16xi32>,
    %add3A_852 = arith.constant 368 : i32
    %add3A_853 = vector.broadcast %add3A_852 : i32 to vector<16xi32>
    %add3A_854 = arith.addi %iota3A, %add3A_853 : vector<16xi32>
    %mul3A_855 = arith.constant 147456 : i32
    %mul3A_856 = vector.broadcast %mul3A_855 : i32 to vector<16xi32>
    %mul3A_857 = arith.muli %add3A_854, %mul3A_856 : vector<16xi32>
    %add3A_858 = arith.addi %add3A_644, %mul3A_857 : vector<16xi32>
    %swap3A_859 = arith.constant 112 : index
    %swap3A_860 = tpu.vector_load %arg18[%swap3A_859] {strides = array<i32>} : memref<128xi32, #tpu.memory_space<vmem>>, vector<16xi32>,
    tpu.vector_store %arg18[%swap3A_859], %add3A_858 {strides = array<i32>} : memref<128xi32, #tpu.memory_space<vmem>>, vector<16xi32>,
    %mul3A_861 = arith.constant 4 : i32
    %mul3A_862 = arith.muli %add3A, %mul3A_861 : i32
    %add3A_863 = arith.constant 3 : i32
    %add3A_864 = arith.addi %mul3A_862, %add3A_863 : i32
    %broadcast_in_dim3A_865 = vector.broadcast %add3A_864 : i32 to vector<16xi32>
    %get3A_866 = arith.constant 0 : index
    %get3A_867 = tpu.vector_load %arg9[%get3A_866] {strides = array<i32>} : memref<16xi32, #tpu.memory_space<vmem>>, vector<16xi32>,
    %ge3A_868 = arith.constant 64 : i32
    %ge3A_869 = vector.broadcast %ge3A_868 : i32 to vector<16xi32>
    %ge3A_870 = arith.cmpi sge, %broadcast_in_dim3A_865, %ge3A_869 : vector<16xi32>
    %jit3A_871 = arith.constant 56623104 : i32
    %jit3A_872 = arith.constant 0 : i32
    %broadcast_in_dim3A_873 = vector.broadcast %jit3A_871 : i32 to vector<16xi32>
    %broadcast_in_dim3A_874 = vector.broadcast %jit3A_872 : i32 to vector<16xi32>
    %select_n3A_875 = arith.select %ge3A_870, %broadcast_in_dim3A_873, %broadcast_in_dim3A_874 : vector<16xi1>, vector<16xi32>
    %add3A_876 = arith.addi %get3A_867, %select_n3A_875 : vector<16xi32>
    %add3A_877 = arith.constant 0 : i32
    %add3A_878 = vector.broadcast %add3A_877 : i32 to vector<16xi32>
    %add3A_879 = arith.addi %iota3A, %add3A_878 : vector<16xi32>
    %mul3A_880 = arith.constant 147456 : i32
    %mul3A_881 = vector.broadcast %mul3A_880 : i32 to vector<16xi32>
    %mul3A_882 = arith.muli %add3A_879, %mul3A_881 : vector<16xi32>
    %add3A_883 = arith.addi %add3A_876, %mul3A_882 : vector<16xi32>
    %swap3A_884 = arith.constant 0 : index
    %swap3A_885 = tpu.vector_load %arg19[%swap3A_884] {strides = array<i32>} : memref<128xi32, #tpu.memory_space<vmem>>, vector<16xi32>,
    tpu.vector_store %arg19[%swap3A_884], %add3A_883 {strides = array<i32>} : memref<128xi32, #tpu.memory_space<vmem>>, vector<16xi32>,
    %add3A_886 = arith.constant 16 : i32
    %add3A_887 = vector.broadcast %add3A_886 : i32 to vector<16xi32>
    %add3A_888 = arith.addi %iota3A, %add3A_887 : vector<16xi32>
    %mul3A_889 = arith.constant 147456 : i32
    %mul3A_890 = vector.broadcast %mul3A_889 : i32 to vector<16xi32>
    %mul3A_891 = arith.muli %add3A_888, %mul3A_890 : vector<16xi32>
    %add3A_892 = arith.addi %add3A_876, %mul3A_891 : vector<16xi32>
    %swap3A_893 = arith.constant 16 : index
    %swap3A_894 = tpu.vector_load %arg19[%swap3A_893] {strides = array<i32>} : memref<128xi32, #tpu.memory_space<vmem>>, vector<16xi32>,
    tpu.vector_store %arg19[%swap3A_893], %add3A_892 {strides = array<i32>} : memref<128xi32, #tpu.memory_space<vmem>>, vector<16xi32>,
    %add3A_895 = arith.constant 32 : i32
    %add3A_896 = vector.broadcast %add3A_895 : i32 to vector<16xi32>
    %add3A_897 = arith.addi %iota3A, %add3A_896 : vector<16xi32>
    %mul3A_898 = arith.constant 147456 : i32
    %mul3A_899 = vector.broadcast %mul3A_898 : i32 to vector<16xi32>
    %mul3A_900 = arith.muli %add3A_897, %mul3A_899 : vector<16xi32>
    %add3A_901 = arith.addi %add3A_876, %mul3A_900 : vector<16xi32>
    %swap3A_902 = arith.constant 32 : index
    %swap3A_903 = tpu.vector_load %arg19[%swap3A_902] {strides = array<i32>} : memref<128xi32, #tpu.memory_space<vmem>>, vector<16xi32>,
    tpu.vector_store %arg19[%swap3A_902], %add3A_901 {strides = array<i32>} : memref<128xi32, #tpu.memory_space<vmem>>, vector<16xi32>,
    %add3A_904 = arith.constant 48 : i32
    %add3A_905 = vector.broadcast %add3A_904 : i32 to vector<16xi32>
    %add3A_906 = arith.addi %iota3A, %add3A_905 : vector<16xi32>
    %mul3A_907 = arith.constant 147456 : i32
    %mul3A_908 = vector.broadcast %mul3A_907 : i32 to vector<16xi32>
    %mul3A_909 = arith.muli %add3A_906, %mul3A_908 : vector<16xi32>
    %add3A_910 = arith.addi %add3A_876, %mul3A_909 : vector<16xi32>
    %swap3A_911 = arith.constant 48 : index
    %swap3A_912 = tpu.vector_load %arg19[%swap3A_911] {strides = array<i32>} : memref<128xi32, #tpu.memory_space<vmem>>, vector<16xi32>,
    tpu.vector_store %arg19[%swap3A_911], %add3A_910 {strides = array<i32>} : memref<128xi32, #tpu.memory_space<vmem>>, vector<16xi32>,
    %add3A_913 = arith.constant 64 : i32
    %add3A_914 = vector.broadcast %add3A_913 : i32 to vector<16xi32>
    %add3A_915 = arith.addi %iota3A, %add3A_914 : vector<16xi32>
    %mul3A_916 = arith.constant 147456 : i32
    %mul3A_917 = vector.broadcast %mul3A_916 : i32 to vector<16xi32>
    %mul3A_918 = arith.muli %add3A_915, %mul3A_917 : vector<16xi32>
    %add3A_919 = arith.addi %add3A_876, %mul3A_918 : vector<16xi32>
    %swap3A_920 = arith.constant 64 : index
    %swap3A_921 = tpu.vector_load %arg19[%swap3A_920] {strides = array<i32>} : memref<128xi32, #tpu.memory_space<vmem>>, vector<16xi32>,
    tpu.vector_store %arg19[%swap3A_920], %add3A_919 {strides = array<i32>} : memref<128xi32, #tpu.memory_space<vmem>>, vector<16xi32>,
    %add3A_922 = arith.constant 80 : i32
    %add3A_923 = vector.broadcast %add3A_922 : i32 to vector<16xi32>
    %add3A_924 = arith.addi %iota3A, %add3A_923 : vector<16xi32>
    %mul3A_925 = arith.constant 147456 : i32
    %mul3A_926 = vector.broadcast %mul3A_925 : i32 to vector<16xi32>
    %mul3A_927 = arith.muli %add3A_924, %mul3A_926 : vector<16xi32>
    %add3A_928 = arith.addi %add3A_876, %mul3A_927 : vector<16xi32>
    %swap3A_929 = arith.constant 80 : index
    %swap3A_930 = tpu.vector_load %arg19[%swap3A_929] {strides = array<i32>} : memref<128xi32, #tpu.memory_space<vmem>>, vector<16xi32>,
    tpu.vector_store %arg19[%swap3A_929], %add3A_928 {strides = array<i32>} : memref<128xi32, #tpu.memory_space<vmem>>, vector<16xi32>,
    %add3A_931 = arith.constant 96 : i32
    %add3A_932 = vector.broadcast %add3A_931 : i32 to vector<16xi32>
    %add3A_933 = arith.addi %iota3A, %add3A_932 : vector<16xi32>
    %mul3A_934 = arith.constant 147456 : i32
    %mul3A_935 = vector.broadcast %mul3A_934 : i32 to vector<16xi32>
    %mul3A_936 = arith.muli %add3A_933, %mul3A_935 : vector<16xi32>
    %add3A_937 = arith.addi %add3A_876, %mul3A_936 : vector<16xi32>
    %swap3A_938 = arith.constant 96 : index
    %swap3A_939 = tpu.vector_load %arg19[%swap3A_938] {strides = array<i32>} : memref<128xi32, #tpu.memory_space<vmem>>, vector<16xi32>,
    tpu.vector_store %arg19[%swap3A_938], %add3A_937 {strides = array<i32>} : memref<128xi32, #tpu.memory_space<vmem>>, vector<16xi32>,
    %add3A_940 = arith.constant 112 : i32
    %add3A_941 = vector.broadcast %add3A_940 : i32 to vector<16xi32>
    %add3A_942 = arith.addi %iota3A, %add3A_941 : vector<16xi32>
    %mul3A_943 = arith.constant 147456 : i32
    %mul3A_944 = vector.broadcast %mul3A_943 : i32 to vector<16xi32>
    %mul3A_945 = arith.muli %add3A_942, %mul3A_944 : vector<16xi32>
    %add3A_946 = arith.addi %add3A_876, %mul3A_945 : vector<16xi32>
    %swap3A_947 = arith.constant 112 : index
    %swap3A_948 = tpu.vector_load %arg19[%swap3A_947] {strides = array<i32>} : memref<128xi32, #tpu.memory_space<vmem>>, vector<16xi32>,
    tpu.vector_store %arg19[%swap3A_947], %add3A_946 {strides = array<i32>} : memref<128xi32, #tpu.memory_space<vmem>>, vector<16xi32>,
    %add3A_949 = arith.constant 128 : i32
    %add3A_950 = vector.broadcast %add3A_949 : i32 to vector<16xi32>
    %add3A_951 = arith.addi %iota3A, %add3A_950 : vector<16xi32>
    %mul3A_952 = arith.constant 147456 : i32
    %mul3A_953 = vector.broadcast %mul3A_952 : i32 to vector<16xi32>
    %mul3A_954 = arith.muli %add3A_951, %mul3A_953 : vector<16xi32>
    %add3A_955 = arith.addi %add3A_876, %mul3A_954 : vector<16xi32>
    %swap3A_956 = arith.constant 0 : index
    %swap3A_957 = tpu.vector_load %arg20[%swap3A_956] {strides = array<i32>} : memref<128xi32, #tpu.memory_space<vmem>>, vector<16xi32>,
    tpu.vector_store %arg20[%swap3A_956], %add3A_955 {strides = array<i32>} : memref<128xi32, #tpu.memory_space<vmem>>, vector<16xi32>,
    %add3A_958 = arith.constant 144 : i32
    %add3A_959 = vector.broadcast %add3A_958 : i32 to vector<16xi32>
    %add3A_960 = arith.addi %iota3A, %add3A_959 : vector<16xi32>
    %mul3A_961 = arith.constant 147456 : i32
    %mul3A_962 = vector.broadcast %mul3A_961 : i32 to vector<16xi32>
    %mul3A_963 = arith.muli %add3A_960, %mul3A_962 : vector<16xi32>
    %add3A_964 = arith.addi %add3A_876, %mul3A_963 : vector<16xi32>
    %swap3A_965 = arith.constant 16 : index
    %swap3A_966 = tpu.vector_load %arg20[%swap3A_965] {strides = array<i32>} : memref<128xi32, #tpu.memory_space<vmem>>, vector<16xi32>,
    tpu.vector_store %arg20[%swap3A_965], %add3A_964 {strides = array<i32>} : memref<128xi32, #tpu.memory_space<vmem>>, vector<16xi32>,
    %add3A_967 = arith.constant 160 : i32
    %add3A_968 = vector.broadcast %add3A_967 : i32 to vector<16xi32>
    %add3A_969 = arith.addi %iota3A, %add3A_968 : vector<16xi32>
    %mul3A_970 = arith.constant 147456 : i32
    %mul3A_971 = vector.broadcast %mul3A_970 : i32 to vector<16xi32>
    %mul3A_972 = arith.muli %add3A_969, %mul3A_971 : vector<16xi32>
    %add3A_973 = arith.addi %add3A_876, %mul3A_972 : vector<16xi32>
    %swap3A_974 = arith.constant 32 : index
    %swap3A_975 = tpu.vector_load %arg20[%swap3A_974] {strides = array<i32>} : memref<128xi32, #tpu.memory_space<vmem>>, vector<16xi32>,
    tpu.vector_store %arg20[%swap3A_974], %add3A_973 {strides = array<i32>} : memref<128xi32, #tpu.memory_space<vmem>>, vector<16xi32>,
    %add3A_976 = arith.constant 176 : i32
    %add3A_977 = vector.broadcast %add3A_976 : i32 to vector<16xi32>
    %add3A_978 = arith.addi %iota3A, %add3A_977 : vector<16xi32>
    %mul3A_979 = arith.constant 147456 : i32
    %mul3A_980 = vector.broadcast %mul3A_979 : i32 to vector<16xi32>
    %mul3A_981 = arith.muli %add3A_978, %mul3A_980 : vector<16xi32>
    %add3A_982 = arith.addi %add3A_876, %mul3A_981 : vector<16xi32>
    %swap3A_983 = arith.constant 48 : index
    %swap3A_984 = tpu.vector_load %arg20[%swap3A_983] {strides = array<i32>} : memref<128xi32, #tpu.memory_space<vmem>>, vector<16xi32>,
    tpu.vector_store %arg20[%swap3A_983], %add3A_982 {strides = array<i32>} : memref<128xi32, #tpu.memory_space<vmem>>, vector<16xi32>,
    %add3A_985 = arith.constant 192 : i32
    %add3A_986 = vector.broadcast %add3A_985 : i32 to vector<16xi32>
    %add3A_987 = arith.addi %iota3A, %add3A_986 : vector<16xi32>
    %mul3A_988 = arith.constant 147456 : i32
    %mul3A_989 = vector.broadcast %mul3A_988 : i32 to vector<16xi32>
    %mul3A_990 = arith.muli %add3A_987, %mul3A_989 : vector<16xi32>
    %add3A_991 = arith.addi %add3A_876, %mul3A_990 : vector<16xi32>
    %swap3A_992 = arith.constant 64 : index
    %swap3A_993 = tpu.vector_load %arg20[%swap3A_992] {strides = array<i32>} : memref<128xi32, #tpu.memory_space<vmem>>, vector<16xi32>,
    tpu.vector_store %arg20[%swap3A_992], %add3A_991 {strides = array<i32>} : memref<128xi32, #tpu.memory_space<vmem>>, vector<16xi32>,
    %add3A_994 = arith.constant 208 : i32
    %add3A_995 = vector.broadcast %add3A_994 : i32 to vector<16xi32>
    %add3A_996 = arith.addi %iota3A, %add3A_995 : vector<16xi32>
    %mul3A_997 = arith.constant 147456 : i32
    %mul3A_998 = vector.broadcast %mul3A_997 : i32 to vector<16xi32>
    %mul3A_999 = arith.muli %add3A_996, %mul3A_998 : vector<16xi32>
    %add3A_1000 = arith.addi %add3A_876, %mul3A_999 : vector<16xi32>
    %swap3A_1001 = arith.constant 80 : index
    %swap3A_1002 = tpu.vector_load %arg20[%swap3A_1001] {strides = array<i32>} : memref<128xi32, #tpu.memory_space<vmem>>, vector<16xi32>,
    tpu.vector_store %arg20[%swap3A_1001], %add3A_1000 {strides = array<i32>} : memref<128xi32, #tpu.memory_space<vmem>>, vector<16xi32>,
    %add3A_1003 = arith.constant 224 : i32
    %add3A_1004 = vector.broadcast %add3A_1003 : i32 to vector<16xi32>
    %add3A_1005 = arith.addi %iota3A, %add3A_1004 : vector<16xi32>
    %mul3A_1006 = arith.constant 147456 : i32
    %mul3A_1007 = vector.broadcast %mul3A_1006 : i32 to vector<16xi32>
    %mul3A_1008 = arith.muli %add3A_1005, %mul3A_1007 : vector<16xi32>
    %add3A_1009 = arith.addi %add3A_876, %mul3A_1008 : vector<16xi32>
    %swap3A_1010 = arith.constant 96 : index
    %swap3A_1011 = tpu.vector_load %arg20[%swap3A_1010] {strides = array<i32>} : memref<128xi32, #tpu.memory_space<vmem>>, vector<16xi32>,
    tpu.vector_store %arg20[%swap3A_1010], %add3A_1009 {strides = array<i32>} : memref<128xi32, #tpu.memory_space<vmem>>, vector<16xi32>,
    %add3A_1012 = arith.constant 240 : i32
    %add3A_1013 = vector.broadcast %add3A_1012 : i32 to vector<16xi32>
    %add3A_1014 = arith.addi %iota3A, %add3A_1013 : vector<16xi32>
    %mul3A_1015 = arith.constant 147456 : i32
    %mul3A_1016 = vector.broadcast %mul3A_1015 : i32 to vector<16xi32>
    %mul3A_1017 = arith.muli %add3A_1014, %mul3A_1016 : vector<16xi32>
    %add3A_1018 = arith.addi %add3A_876, %mul3A_1017 : vector<16xi32>
    %swap3A_1019 = arith.constant 112 : index
    %swap3A_1020 = tpu.vector_load %arg20[%swap3A_1019] {strides = array<i32>} : memref<128xi32, #tpu.memory_space<vmem>>, vector<16xi32>,
    tpu.vector_store %arg20[%swap3A_1019], %add3A_1018 {strides = array<i32>} : memref<128xi32, #tpu.memory_space<vmem>>, vector<16xi32>,
    %add3A_1021 = arith.constant 256 : i32
    %add3A_1022 = vector.broadcast %add3A_1021 : i32 to vector<16xi32>
    %add3A_1023 = arith.addi %iota3A, %add3A_1022 : vector<16xi32>
    %mul3A_1024 = arith.constant 147456 : i32
    %mul3A_1025 = vector.broadcast %mul3A_1024 : i32 to vector<16xi32>
    %mul3A_1026 = arith.muli %add3A_1023, %mul3A_1025 : vector<16xi32>
    %add3A_1027 = arith.addi %add3A_876, %mul3A_1026 : vector<16xi32>
    %swap3A_1028 = arith.constant 0 : index
    %swap3A_1029 = tpu.vector_load %arg21[%swap3A_1028] {strides = array<i32>} : memref<128xi32, #tpu.memory_space<vmem>>, vector<16xi32>,
    tpu.vector_store %arg21[%swap3A_1028], %add3A_1027 {strides = array<i32>} : memref<128xi32, #tpu.memory_space<vmem>>, vector<16xi32>,
    %add3A_1030 = arith.constant 272 : i32
    %add3A_1031 = vector.broadcast %add3A_1030 : i32 to vector<16xi32>
    %add3A_1032 = arith.addi %iota3A, %add3A_1031 : vector<16xi32>
    %mul3A_1033 = arith.constant 147456 : i32
    %mul3A_1034 = vector.broadcast %mul3A_1033 : i32 to vector<16xi32>
    %mul3A_1035 = arith.muli %add3A_1032, %mul3A_1034 : vector<16xi32>
    %add3A_1036 = arith.addi %add3A_876, %mul3A_1035 : vector<16xi32>
    %swap3A_1037 = arith.constant 16 : index
    %swap3A_1038 = tpu.vector_load %arg21[%swap3A_1037] {strides = array<i32>} : memref<128xi32, #tpu.memory_space<vmem>>, vector<16xi32>,
    tpu.vector_store %arg21[%swap3A_1037], %add3A_1036 {strides = array<i32>} : memref<128xi32, #tpu.memory_space<vmem>>, vector<16xi32>,
    %add3A_1039 = arith.constant 288 : i32
    %add3A_1040 = vector.broadcast %add3A_1039 : i32 to vector<16xi32>
    %add3A_1041 = arith.addi %iota3A, %add3A_1040 : vector<16xi32>
    %mul3A_1042 = arith.constant 147456 : i32
    %mul3A_1043 = vector.broadcast %mul3A_1042 : i32 to vector<16xi32>
    %mul3A_1044 = arith.muli %add3A_1041, %mul3A_1043 : vector<16xi32>
    %add3A_1045 = arith.addi %add3A_876, %mul3A_1044 : vector<16xi32>
    %swap3A_1046 = arith.constant 32 : index
    %swap3A_1047 = tpu.vector_load %arg21[%swap3A_1046] {strides = array<i32>} : memref<128xi32, #tpu.memory_space<vmem>>, vector<16xi32>,
    tpu.vector_store %arg21[%swap3A_1046], %add3A_1045 {strides = array<i32>} : memref<128xi32, #tpu.memory_space<vmem>>, vector<16xi32>,
    %add3A_1048 = arith.constant 304 : i32
    %add3A_1049 = vector.broadcast %add3A_1048 : i32 to vector<16xi32>
    %add3A_1050 = arith.addi %iota3A, %add3A_1049 : vector<16xi32>
    %mul3A_1051 = arith.constant 147456 : i32
    %mul3A_1052 = vector.broadcast %mul3A_1051 : i32 to vector<16xi32>
    %mul3A_1053 = arith.muli %add3A_1050, %mul3A_1052 : vector<16xi32>
    %add3A_1054 = arith.addi %add3A_876, %mul3A_1053 : vector<16xi32>
    %swap3A_1055 = arith.constant 48 : index
    %swap3A_1056 = tpu.vector_load %arg21[%swap3A_1055] {strides = array<i32>} : memref<128xi32, #tpu.memory_space<vmem>>, vector<16xi32>,
    tpu.vector_store %arg21[%swap3A_1055], %add3A_1054 {strides = array<i32>} : memref<128xi32, #tpu.memory_space<vmem>>, vector<16xi32>,
    %add3A_1057 = arith.constant 320 : i32
    %add3A_1058 = vector.broadcast %add3A_1057 : i32 to vector<16xi32>
    %add3A_1059 = arith.addi %iota3A, %add3A_1058 : vector<16xi32>
    %mul3A_1060 = arith.constant 147456 : i32
    %mul3A_1061 = vector.broadcast %mul3A_1060 : i32 to vector<16xi32>
    %mul3A_1062 = arith.muli %add3A_1059, %mul3A_1061 : vector<16xi32>
    %add3A_1063 = arith.addi %add3A_876, %mul3A_1062 : vector<16xi32>
    %swap3A_1064 = arith.constant 64 : index
    %swap3A_1065 = tpu.vector_load %arg21[%swap3A_1064] {strides = array<i32>} : memref<128xi32, #tpu.memory_space<vmem>>, vector<16xi32>,
    tpu.vector_store %arg21[%swap3A_1064], %add3A_1063 {strides = array<i32>} : memref<128xi32, #tpu.memory_space<vmem>>, vector<16xi32>,
    %add3A_1066 = arith.constant 336 : i32
    %add3A_1067 = vector.broadcast %add3A_1066 : i32 to vector<16xi32>
    %add3A_1068 = arith.addi %iota3A, %add3A_1067 : vector<16xi32>
    %mul3A_1069 = arith.constant 147456 : i32
    %mul3A_1070 = vector.broadcast %mul3A_1069 : i32 to vector<16xi32>
    %mul3A_1071 = arith.muli %add3A_1068, %mul3A_1070 : vector<16xi32>
    %add3A_1072 = arith.addi %add3A_876, %mul3A_1071 : vector<16xi32>
    %swap3A_1073 = arith.constant 80 : index
    %swap3A_1074 = tpu.vector_load %arg21[%swap3A_1073] {strides = array<i32>} : memref<128xi32, #tpu.memory_space<vmem>>, vector<16xi32>,
    tpu.vector_store %arg21[%swap3A_1073], %add3A_1072 {strides = array<i32>} : memref<128xi32, #tpu.memory_space<vmem>>, vector<16xi32>,
    %add3A_1075 = arith.constant 352 : i32
    %add3A_1076 = vector.broadcast %add3A_1075 : i32 to vector<16xi32>
    %add3A_1077 = arith.addi %iota3A, %add3A_1076 : vector<16xi32>
    %mul3A_1078 = arith.constant 147456 : i32
    %mul3A_1079 = vector.broadcast %mul3A_1078 : i32 to vector<16xi32>
    %mul3A_1080 = arith.muli %add3A_1077, %mul3A_1079 : vector<16xi32>
    %add3A_1081 = arith.addi %add3A_876, %mul3A_1080 : vector<16xi32>
    %swap3A_1082 = arith.constant 96 : index
    %swap3A_1083 = tpu.vector_load %arg21[%swap3A_1082] {strides = array<i32>} : memref<128xi32, #tpu.memory_space<vmem>>, vector<16xi32>,
    tpu.vector_store %arg21[%swap3A_1082], %add3A_1081 {strides = array<i32>} : memref<128xi32, #tpu.memory_space<vmem>>, vector<16xi32>,
    %add3A_1084 = arith.constant 368 : i32
    %add3A_1085 = vector.broadcast %add3A_1084 : i32 to vector<16xi32>
    %add3A_1086 = arith.addi %iota3A, %add3A_1085 : vector<16xi32>
    %mul3A_1087 = arith.constant 147456 : i32
    %mul3A_1088 = vector.broadcast %mul3A_1087 : i32 to vector<16xi32>
    %mul3A_1089 = arith.muli %add3A_1086, %mul3A_1088 : vector<16xi32>
    %add3A_1090 = arith.addi %add3A_876, %mul3A_1089 : vector<16xi32>
    %swap3A_1091 = arith.constant 112 : index
    %swap3A_1092 = tpu.vector_load %arg21[%swap3A_1091] {strides = array<i32>} : memref<128xi32, #tpu.memory_space<vmem>>, vector<16xi32>,
    tpu.vector_store %arg21[%swap3A_1091], %add3A_1090 {strides = array<i32>} : memref<128xi32, #tpu.memory_space<vmem>>, vector<16xi32>,
    %dma_start3A_1093 = arith.constant 0 : i32
    %dma_start3A_1094 = arith.constant 0 : i32
    %dma_start3A_1095 = arith.constant 0 : i32
    %dma_start3A_1096 = tpu.memref_slice %arg22[%dma_start3A_1093, %dma_start3A_1094, %dma_start3A_1095] : memref<4x3x128xf32, #tpu.memory_space<vmem>> -> memref<1x1x128xf32, #tpu.memory_space<vmem>>
    %dma_start3A_1097 = tpu.memref_squeeze %dma_start3A_1096 : memref<1x1x128xf32, #tpu.memory_space<vmem>> -> memref<128xf32, #tpu.memory_space<vmem>>
    %dma_start3A_1098 = arith.constant 0 : i32
    %dma_start3A_1099 = tpu.memref_slice %arg5[%dma_start3A_1098] : memref<113246208xf32, #tpu.memory_space<hbm>> -> memref<113246208xf32, #tpu.memory_space<hbm>>
    tpu.enqueue_indirect_dma source(%dma_start3A_1097 : memref<128xf32, #tpu.memory_space<vmem>>) target(%dma_start3A_1099 : memref<113246208xf32, #tpu.memory_space<hbm>>) offsets(%arg10 : memref<128xi32, #tpu.memory_space<vmem>>) semaphore(%arg23 : memref<!tpu.dma_semaphore, #tpu.memory_space<semaphore_mem>>)
    %dma_start3A_1100 = arith.constant 0 : i32
    %dma_start3A_1101 = arith.constant 1 : i32
    %dma_start3A_1102 = arith.constant 0 : i32
    %dma_start3A_1103 = tpu.memref_slice %arg22[%dma_start3A_1100, %dma_start3A_1101, %dma_start3A_1102] : memref<4x3x128xf32, #tpu.memory_space<vmem>> -> memref<1x1x128xf32, #tpu.memory_space<vmem>>
    %dma_start3A_1104 = tpu.memref_squeeze %dma_start3A_1103 : memref<1x1x128xf32, #tpu.memory_space<vmem>> -> memref<128xf32, #tpu.memory_space<vmem>>
    %dma_start3A_1105 = arith.constant 0 : i32
    %dma_start3A_1106 = tpu.memref_slice %arg5[%dma_start3A_1105] : memref<113246208xf32, #tpu.memory_space<hbm>> -> memref<113246208xf32, #tpu.memory_space<hbm>>
    tpu.enqueue_indirect_dma source(%dma_start3A_1104 : memref<128xf32, #tpu.memory_space<vmem>>) target(%dma_start3A_1106 : memref<113246208xf32, #tpu.memory_space<hbm>>) offsets(%arg11 : memref<128xi32, #tpu.memory_space<vmem>>) semaphore(%arg23 : memref<!tpu.dma_semaphore, #tpu.memory_space<semaphore_mem>>)
    %dma_start3A_1107 = arith.constant 0 : i32
    %dma_start3A_1108 = arith.constant 2 : i32
    %dma_start3A_1109 = arith.constant 0 : i32
    %dma_start3A_1110 = tpu.memref_slice %arg22[%dma_start3A_1107, %dma_start3A_1108, %dma_start3A_1109] : memref<4x3x128xf32, #tpu.memory_space<vmem>> -> memref<1x1x128xf32, #tpu.memory_space<vmem>>
    %dma_start3A_1111 = tpu.memref_squeeze %dma_start3A_1110 : memref<1x1x128xf32, #tpu.memory_space<vmem>> -> memref<128xf32, #tpu.memory_space<vmem>>
    %dma_start3A_1112 = arith.constant 0 : i32
    %dma_start3A_1113 = tpu.memref_slice %arg5[%dma_start3A_1112] : memref<113246208xf32, #tpu.memory_space<hbm>> -> memref<113246208xf32, #tpu.memory_space<hbm>>
    tpu.enqueue_indirect_dma source(%dma_start3A_1111 : memref<128xf32, #tpu.memory_space<vmem>>) target(%dma_start3A_1113 : memref<113246208xf32, #tpu.memory_space<hbm>>) offsets(%arg12 : memref<128xi32, #tpu.memory_space<vmem>>) semaphore(%arg23 : memref<!tpu.dma_semaphore, #tpu.memory_space<semaphore_mem>>)
    %dma_start3A_1114 = arith.constant 1 : i32
    %dma_start3A_1115 = arith.constant 0 : i32
    %dma_start3A_1116 = arith.constant 0 : i32
    %dma_start3A_1117 = tpu.memref_slice %arg22[%dma_start3A_1114, %dma_start3A_1115, %dma_start3A_1116] : memref<4x3x128xf32, #tpu.memory_space<vmem>> -> memref<1x1x128xf32, #tpu.memory_space<vmem>>
    %dma_start3A_1118 = tpu.memref_squeeze %dma_start3A_1117 : memref<1x1x128xf32, #tpu.memory_space<vmem>> -> memref<128xf32, #tpu.memory_space<vmem>>
    %dma_start3A_1119 = arith.constant 0 : i32
    %dma_start3A_1120 = tpu.memref_slice %arg5[%dma_start3A_1119] : memref<113246208xf32, #tpu.memory_space<hbm>> -> memref<113246208xf32, #tpu.memory_space<hbm>>
    tpu.enqueue_indirect_dma source(%dma_start3A_1118 : memref<128xf32, #tpu.memory_space<vmem>>) target(%dma_start3A_1120 : memref<113246208xf32, #tpu.memory_space<hbm>>) offsets(%arg13 : memref<128xi32, #tpu.memory_space<vmem>>) semaphore(%arg23 : memref<!tpu.dma_semaphore, #tpu.memory_space<semaphore_mem>>)
    %dma_start3A_1121 = arith.constant 1 : i32
    %dma_start3A_1122 = arith.constant 1 : i32
    %dma_start3A_1123 = arith.constant 0 : i32
    %dma_start3A_1124 = tpu.memref_slice %arg22[%dma_start3A_1121, %dma_start3A_1122, %dma_start3A_1123] : memref<4x3x128xf32, #tpu.memory_space<vmem>> -> memref<1x1x128xf32, #tpu.memory_space<vmem>>
    %dma_start3A_1125 = tpu.memref_squeeze %dma_start3A_1124 : memref<1x1x128xf32, #tpu.memory_space<vmem>> -> memref<128xf32, #tpu.memory_space<vmem>>
    %dma_start3A_1126 = arith.constant 0 : i32
    %dma_start3A_1127 = tpu.memref_slice %arg5[%dma_start3A_1126] : memref<113246208xf32, #tpu.memory_space<hbm>> -> memref<113246208xf32, #tpu.memory_space<hbm>>
    tpu.enqueue_indirect_dma source(%dma_start3A_1125 : memref<128xf32, #tpu.memory_space<vmem>>) target(%dma_start3A_1127 : memref<113246208xf32, #tpu.memory_space<hbm>>) offsets(%arg14 : memref<128xi32, #tpu.memory_space<vmem>>) semaphore(%arg23 : memref<!tpu.dma_semaphore, #tpu.memory_space<semaphore_mem>>)
    %dma_start3A_1128 = arith.constant 1 : i32
    %dma_start3A_1129 = arith.constant 2 : i32
    %dma_start3A_1130 = arith.constant 0 : i32
    %dma_start3A_1131 = tpu.memref_slice %arg22[%dma_start3A_1128, %dma_start3A_1129, %dma_start3A_1130] : memref<4x3x128xf32, #tpu.memory_space<vmem>> -> memref<1x1x128xf32, #tpu.memory_space<vmem>>
    %dma_start3A_1132 = tpu.memref_squeeze %dma_start3A_1131 : memref<1x1x128xf32, #tpu.memory_space<vmem>> -> memref<128xf32, #tpu.memory_space<vmem>>
    %dma_start3A_1133 = arith.constant 0 : i32
    %dma_start3A_1134 = tpu.memref_slice %arg5[%dma_start3A_1133] : memref<113246208xf32, #tpu.memory_space<hbm>> -> memref<113246208xf32, #tpu.memory_space<hbm>>
    tpu.enqueue_indirect_dma source(%dma_start3A_1132 : memref<128xf32, #tpu.memory_space<vmem>>) target(%dma_start3A_1134 : memref<113246208xf32, #tpu.memory_space<hbm>>) offsets(%arg15 : memref<128xi32, #tpu.memory_space<vmem>>) semaphore(%arg23 : memref<!tpu.dma_semaphore, #tpu.memory_space<semaphore_mem>>)
    %dma_start3A_1135 = arith.constant 2 : i32
    %dma_start3A_1136 = arith.constant 0 : i32
    %dma_start3A_1137 = arith.constant 0 : i32
    %dma_start3A_1138 = tpu.memref_slice %arg22[%dma_start3A_1135, %dma_start3A_1136, %dma_start3A_1137] : memref<4x3x128xf32, #tpu.memory_space<vmem>> -> memref<1x1x128xf32, #tpu.memory_space<vmem>>
    %dma_start3A_1139 = tpu.memref_squeeze %dma_start3A_1138 : memref<1x1x128xf32, #tpu.memory_space<vmem>> -> memref<128xf32, #tpu.memory_space<vmem>>
    %dma_start3A_1140 = arith.constant 0 : i32
    %dma_start3A_1141 = tpu.memref_slice %arg5[%dma_start3A_1140] : memref<113246208xf32, #tpu.memory_space<hbm>> -> memref<113246208xf32, #tpu.memory_space<hbm>>
    tpu.enqueue_indirect_dma source(%dma_start3A_1139 : memref<128xf32, #tpu.memory_space<vmem>>) target(%dma_start3A_1141 : memref<113246208xf32, #tpu.memory_space<hbm>>) offsets(%arg16 : memref<128xi32, #tpu.memory_space<vmem>>) semaphore(%arg23 : memref<!tpu.dma_semaphore, #tpu.memory_space<semaphore_mem>>)
    %dma_start3A_1142 = arith.constant 2 : i32
    %dma_start3A_1143 = arith.constant 1 : i32
    %dma_start3A_1144 = arith.constant 0 : i32
    %dma_start3A_1145 = tpu.memref_slice %arg22[%dma_start3A_1142, %dma_start3A_1143, %dma_start3A_1144] : memref<4x3x128xf32, #tpu.memory_space<vmem>> -> memref<1x1x128xf32, #tpu.memory_space<vmem>>
    %dma_start3A_1146 = tpu.memref_squeeze %dma_start3A_1145 : memref<1x1x128xf32, #tpu.memory_space<vmem>> -> memref<128xf32, #tpu.memory_space<vmem>>
    %dma_start3A_1147 = arith.constant 0 : i32
    %dma_start3A_1148 = tpu.memref_slice %arg5[%dma_start3A_1147] : memref<113246208xf32, #tpu.memory_space<hbm>> -> memref<113246208xf32, #tpu.memory_space<hbm>>
    tpu.enqueue_indirect_dma source(%dma_start3A_1146 : memref<128xf32, #tpu.memory_space<vmem>>) target(%dma_start3A_1148 : memref<113246208xf32, #tpu.memory_space<hbm>>) offsets(%arg17 : memref<128xi32, #tpu.memory_space<vmem>>) semaphore(%arg23 : memref<!tpu.dma_semaphore, #tpu.memory_space<semaphore_mem>>)
    %dma_start3A_1149 = arith.constant 2 : i32
    %dma_start3A_1150 = arith.constant 2 : i32
    %dma_start3A_1151 = arith.constant 0 : i32
    %dma_start3A_1152 = tpu.memref_slice %arg22[%dma_start3A_1149, %dma_start3A_1150, %dma_start3A_1151] : memref<4x3x128xf32, #tpu.memory_space<vmem>> -> memref<1x1x128xf32, #tpu.memory_space<vmem>>
    %dma_start3A_1153 = tpu.memref_squeeze %dma_start3A_1152 : memref<1x1x128xf32, #tpu.memory_space<vmem>> -> memref<128xf32, #tpu.memory_space<vmem>>
    %dma_start3A_1154 = arith.constant 0 : i32
    %dma_start3A_1155 = tpu.memref_slice %arg5[%dma_start3A_1154] : memref<113246208xf32, #tpu.memory_space<hbm>> -> memref<113246208xf32, #tpu.memory_space<hbm>>
    tpu.enqueue_indirect_dma source(%dma_start3A_1153 : memref<128xf32, #tpu.memory_space<vmem>>) target(%dma_start3A_1155 : memref<113246208xf32, #tpu.memory_space<hbm>>) offsets(%arg18 : memref<128xi32, #tpu.memory_space<vmem>>) semaphore(%arg23 : memref<!tpu.dma_semaphore, #tpu.memory_space<semaphore_mem>>)
    %dma_start3A_1156 = arith.constant 3 : i32
    %dma_start3A_1157 = arith.constant 0 : i32
    %dma_start3A_1158 = arith.constant 0 : i32
    %dma_start3A_1159 = tpu.memref_slice %arg22[%dma_start3A_1156, %dma_start3A_1157, %dma_start3A_1158] : memref<4x3x128xf32, #tpu.memory_space<vmem>> -> memref<1x1x128xf32, #tpu.memory_space<vmem>>
    %dma_start3A_1160 = tpu.memref_squeeze %dma_start3A_1159 : memref<1x1x128xf32, #tpu.memory_space<vmem>> -> memref<128xf32, #tpu.memory_space<vmem>>
    %dma_start3A_1161 = arith.constant 0 : i32
    %dma_start3A_1162 = tpu.memref_slice %arg5[%dma_start3A_1161] : memref<113246208xf32, #tpu.memory_space<hbm>> -> memref<113246208xf32, #tpu.memory_space<hbm>>
    tpu.enqueue_indirect_dma source(%dma_start3A_1160 : memref<128xf32, #tpu.memory_space<vmem>>) target(%dma_start3A_1162 : memref<113246208xf32, #tpu.memory_space<hbm>>) offsets(%arg19 : memref<128xi32, #tpu.memory_space<vmem>>) semaphore(%arg23 : memref<!tpu.dma_semaphore, #tpu.memory_space<semaphore_mem>>)
    %dma_start3A_1163 = arith.constant 3 : i32
    %dma_start3A_1164 = arith.constant 1 : i32
    %dma_start3A_1165 = arith.constant 0 : i32
    %dma_start3A_1166 = tpu.memref_slice %arg22[%dma_start3A_1163, %dma_start3A_1164, %dma_start3A_1165] : memref<4x3x128xf32, #tpu.memory_space<vmem>> -> memref<1x1x128xf32, #tpu.memory_space<vmem>>
    %dma_start3A_1167 = tpu.memref_squeeze %dma_start3A_1166 : memref<1x1x128xf32, #tpu.memory_space<vmem>> -> memref<128xf32, #tpu.memory_space<vmem>>
    %dma_start3A_1168 = arith.constant 0 : i32
    %dma_start3A_1169 = tpu.memref_slice %arg5[%dma_start3A_1168] : memref<113246208xf32, #tpu.memory_space<hbm>> -> memref<113246208xf32, #tpu.memory_space<hbm>>
    tpu.enqueue_indirect_dma source(%dma_start3A_1167 : memref<128xf32, #tpu.memory_space<vmem>>) target(%dma_start3A_1169 : memref<113246208xf32, #tpu.memory_space<hbm>>) offsets(%arg20 : memref<128xi32, #tpu.memory_space<vmem>>) semaphore(%arg23 : memref<!tpu.dma_semaphore, #tpu.memory_space<semaphore_mem>>)
    %dma_start3A_1170 = arith.constant 3 : i32
    %dma_start3A_1171 = arith.constant 2 : i32
    %dma_start3A_1172 = arith.constant 0 : i32
    %dma_start3A_1173 = tpu.memref_slice %arg22[%dma_start3A_1170, %dma_start3A_1171, %dma_start3A_1172] : memref<4x3x128xf32, #tpu.memory_space<vmem>> -> memref<1x1x128xf32, #tpu.memory_space<vmem>>
    %dma_start3A_1174 = tpu.memref_squeeze %dma_start3A_1173 : memref<1x1x128xf32, #tpu.memory_space<vmem>> -> memref<128xf32, #tpu.memory_space<vmem>>
    %dma_start3A_1175 = arith.constant 0 : i32
    %dma_start3A_1176 = tpu.memref_slice %arg5[%dma_start3A_1175] : memref<113246208xf32, #tpu.memory_space<hbm>> -> memref<113246208xf32, #tpu.memory_space<hbm>>
    tpu.enqueue_indirect_dma source(%dma_start3A_1174 : memref<128xf32, #tpu.memory_space<vmem>>) target(%dma_start3A_1176 : memref<113246208xf32, #tpu.memory_space<hbm>>) offsets(%arg21 : memref<128xi32, #tpu.memory_space<vmem>>) semaphore(%arg23 : memref<!tpu.dma_semaphore, #tpu.memory_space<semaphore_mem>>)
    %dma_wait3A_1177 = arith.constant 0 : i32
    %dma_wait3A_1178 = arith.constant 0 : i32
    %dma_wait3A_1179 = arith.constant 0 : i32
    %dma_wait3A_1180 = tpu.memref_slice %arg22[%dma_wait3A_1177, %dma_wait3A_1178, %dma_wait3A_1179] : memref<4x3x128xf32, #tpu.memory_space<vmem>> -> memref<1x1x128xf32, #tpu.memory_space<vmem>>
    %dma_wait3A_1181 = tpu.memref_squeeze %dma_wait3A_1180 : memref<1x1x128xf32, #tpu.memory_space<vmem>> -> memref<128xf32, #tpu.memory_space<vmem>>
    %dma_wait3A_1182 = arith.constant 0 : i32
    %dma_wait3A_1183 = tpu.memref_slice %arg5[%dma_wait3A_1182] : memref<113246208xf32, #tpu.memory_space<hbm>> -> memref<113246208xf32, #tpu.memory_space<hbm>>
    tpu.wait_indirect_dma semaphore(%arg23 : memref<!tpu.dma_semaphore, #tpu.memory_space<semaphore_mem>>) src(%dma_wait3A_1181 : memref<128xf32, #tpu.memory_space<vmem>>) dst(%dma_wait3A_1183 : memref<113246208xf32, #tpu.memory_space<hbm>>)
    %dma_wait3A_1184 = arith.constant 0 : i32
    %dma_wait3A_1185 = arith.constant 1 : i32
    %dma_wait3A_1186 = arith.constant 0 : i32
    %dma_wait3A_1187 = tpu.memref_slice %arg22[%dma_wait3A_1184, %dma_wait3A_1185, %dma_wait3A_1186] : memref<4x3x128xf32, #tpu.memory_space<vmem>> -> memref<1x1x128xf32, #tpu.memory_space<vmem>>
    %dma_wait3A_1188 = tpu.memref_squeeze %dma_wait3A_1187 : memref<1x1x128xf32, #tpu.memory_space<vmem>> -> memref<128xf32, #tpu.memory_space<vmem>>
    %dma_wait3A_1189 = arith.constant 0 : i32
    %dma_wait3A_1190 = tpu.memref_slice %arg5[%dma_wait3A_1189] : memref<113246208xf32, #tpu.memory_space<hbm>> -> memref<113246208xf32, #tpu.memory_space<hbm>>
    tpu.wait_indirect_dma semaphore(%arg23 : memref<!tpu.dma_semaphore, #tpu.memory_space<semaphore_mem>>) src(%dma_wait3A_1188 : memref<128xf32, #tpu.memory_space<vmem>>) dst(%dma_wait3A_1190 : memref<113246208xf32, #tpu.memory_space<hbm>>)
    %dma_wait3A_1191 = arith.constant 0 : i32
    %dma_wait3A_1192 = arith.constant 2 : i32
    %dma_wait3A_1193 = arith.constant 0 : i32
    %dma_wait3A_1194 = tpu.memref_slice %arg22[%dma_wait3A_1191, %dma_wait3A_1192, %dma_wait3A_1193] : memref<4x3x128xf32, #tpu.memory_space<vmem>> -> memref<1x1x128xf32, #tpu.memory_space<vmem>>
    %dma_wait3A_1195 = tpu.memref_squeeze %dma_wait3A_1194 : memref<1x1x128xf32, #tpu.memory_space<vmem>> -> memref<128xf32, #tpu.memory_space<vmem>>
    %dma_wait3A_1196 = arith.constant 0 : i32
    %dma_wait3A_1197 = tpu.memref_slice %arg5[%dma_wait3A_1196] : memref<113246208xf32, #tpu.memory_space<hbm>> -> memref<113246208xf32, #tpu.memory_space<hbm>>
    tpu.wait_indirect_dma semaphore(%arg23 : memref<!tpu.dma_semaphore, #tpu.memory_space<semaphore_mem>>) src(%dma_wait3A_1195 : memref<128xf32, #tpu.memory_space<vmem>>) dst(%dma_wait3A_1197 : memref<113246208xf32, #tpu.memory_space<hbm>>)
    %dma_wait3A_1198 = arith.constant 1 : i32
    %dma_wait3A_1199 = arith.constant 0 : i32
    %dma_wait3A_1200 = arith.constant 0 : i32
    %dma_wait3A_1201 = tpu.memref_slice %arg22[%dma_wait3A_1198, %dma_wait3A_1199, %dma_wait3A_1200] : memref<4x3x128xf32, #tpu.memory_space<vmem>> -> memref<1x1x128xf32, #tpu.memory_space<vmem>>
    %dma_wait3A_1202 = tpu.memref_squeeze %dma_wait3A_1201 : memref<1x1x128xf32, #tpu.memory_space<vmem>> -> memref<128xf32, #tpu.memory_space<vmem>>
    %dma_wait3A_1203 = arith.constant 0 : i32
    %dma_wait3A_1204 = tpu.memref_slice %arg5[%dma_wait3A_1203] : memref<113246208xf32, #tpu.memory_space<hbm>> -> memref<113246208xf32, #tpu.memory_space<hbm>>
    tpu.wait_indirect_dma semaphore(%arg23 : memref<!tpu.dma_semaphore, #tpu.memory_space<semaphore_mem>>) src(%dma_wait3A_1202 : memref<128xf32, #tpu.memory_space<vmem>>) dst(%dma_wait3A_1204 : memref<113246208xf32, #tpu.memory_space<hbm>>)
    %dma_wait3A_1205 = arith.constant 1 : i32
    %dma_wait3A_1206 = arith.constant 1 : i32
    %dma_wait3A_1207 = arith.constant 0 : i32
    %dma_wait3A_1208 = tpu.memref_slice %arg22[%dma_wait3A_1205, %dma_wait3A_1206, %dma_wait3A_1207] : memref<4x3x128xf32, #tpu.memory_space<vmem>> -> memref<1x1x128xf32, #tpu.memory_space<vmem>>
    %dma_wait3A_1209 = tpu.memref_squeeze %dma_wait3A_1208 : memref<1x1x128xf32, #tpu.memory_space<vmem>> -> memref<128xf32, #tpu.memory_space<vmem>>
    %dma_wait3A_1210 = arith.constant 0 : i32
    %dma_wait3A_1211 = tpu.memref_slice %arg5[%dma_wait3A_1210] : memref<113246208xf32, #tpu.memory_space<hbm>> -> memref<113246208xf32, #tpu.memory_space<hbm>>
    tpu.wait_indirect_dma semaphore(%arg23 : memref<!tpu.dma_semaphore, #tpu.memory_space<semaphore_mem>>) src(%dma_wait3A_1209 : memref<128xf32, #tpu.memory_space<vmem>>) dst(%dma_wait3A_1211 : memref<113246208xf32, #tpu.memory_space<hbm>>)
    %dma_wait3A_1212 = arith.constant 1 : i32
    %dma_wait3A_1213 = arith.constant 2 : i32
    %dma_wait3A_1214 = arith.constant 0 : i32
    %dma_wait3A_1215 = tpu.memref_slice %arg22[%dma_wait3A_1212, %dma_wait3A_1213, %dma_wait3A_1214] : memref<4x3x128xf32, #tpu.memory_space<vmem>> -> memref<1x1x128xf32, #tpu.memory_space<vmem>>
    %dma_wait3A_1216 = tpu.memref_squeeze %dma_wait3A_1215 : memref<1x1x128xf32, #tpu.memory_space<vmem>> -> memref<128xf32, #tpu.memory_space<vmem>>
    %dma_wait3A_1217 = arith.constant 0 : i32
    %dma_wait3A_1218 = tpu.memref_slice %arg5[%dma_wait3A_1217] : memref<113246208xf32, #tpu.memory_space<hbm>> -> memref<113246208xf32, #tpu.memory_space<hbm>>
    tpu.wait_indirect_dma semaphore(%arg23 : memref<!tpu.dma_semaphore, #tpu.memory_space<semaphore_mem>>) src(%dma_wait3A_1216 : memref<128xf32, #tpu.memory_space<vmem>>) dst(%dma_wait3A_1218 : memref<113246208xf32, #tpu.memory_space<hbm>>)
    %dma_wait3A_1219 = arith.constant 2 : i32
    %dma_wait3A_1220 = arith.constant 0 : i32
    %dma_wait3A_1221 = arith.constant 0 : i32
    %dma_wait3A_1222 = tpu.memref_slice %arg22[%dma_wait3A_1219, %dma_wait3A_1220, %dma_wait3A_1221] : memref<4x3x128xf32, #tpu.memory_space<vmem>> -> memref<1x1x128xf32, #tpu.memory_space<vmem>>
    %dma_wait3A_1223 = tpu.memref_squeeze %dma_wait3A_1222 : memref<1x1x128xf32, #tpu.memory_space<vmem>> -> memref<128xf32, #tpu.memory_space<vmem>>
    %dma_wait3A_1224 = arith.constant 0 : i32
    %dma_wait3A_1225 = tpu.memref_slice %arg5[%dma_wait3A_1224] : memref<113246208xf32, #tpu.memory_space<hbm>> -> memref<113246208xf32, #tpu.memory_space<hbm>>
    tpu.wait_indirect_dma semaphore(%arg23 : memref<!tpu.dma_semaphore, #tpu.memory_space<semaphore_mem>>) src(%dma_wait3A_1223 : memref<128xf32, #tpu.memory_space<vmem>>) dst(%dma_wait3A_1225 : memref<113246208xf32, #tpu.memory_space<hbm>>)
    %dma_wait3A_1226 = arith.constant 2 : i32
    %dma_wait3A_1227 = arith.constant 1 : i32
    %dma_wait3A_1228 = arith.constant 0 : i32
    %dma_wait3A_1229 = tpu.memref_slice %arg22[%dma_wait3A_1226, %dma_wait3A_1227, %dma_wait3A_1228] : memref<4x3x128xf32, #tpu.memory_space<vmem>> -> memref<1x1x128xf32, #tpu.memory_space<vmem>>
    %dma_wait3A_1230 = tpu.memref_squeeze %dma_wait3A_1229 : memref<1x1x128xf32, #tpu.memory_space<vmem>> -> memref<128xf32, #tpu.memory_space<vmem>>
    %dma_wait3A_1231 = arith.constant 0 : i32
    %dma_wait3A_1232 = tpu.memref_slice %arg5[%dma_wait3A_1231] : memref<113246208xf32, #tpu.memory_space<hbm>> -> memref<113246208xf32, #tpu.memory_space<hbm>>
    tpu.wait_indirect_dma semaphore(%arg23 : memref<!tpu.dma_semaphore, #tpu.memory_space<semaphore_mem>>) src(%dma_wait3A_1230 : memref<128xf32, #tpu.memory_space<vmem>>) dst(%dma_wait3A_1232 : memref<113246208xf32, #tpu.memory_space<hbm>>)
    %dma_wait3A_1233 = arith.constant 2 : i32
    %dma_wait3A_1234 = arith.constant 2 : i32
    %dma_wait3A_1235 = arith.constant 0 : i32
    %dma_wait3A_1236 = tpu.memref_slice %arg22[%dma_wait3A_1233, %dma_wait3A_1234, %dma_wait3A_1235] : memref<4x3x128xf32, #tpu.memory_space<vmem>> -> memref<1x1x128xf32, #tpu.memory_space<vmem>>
    %dma_wait3A_1237 = tpu.memref_squeeze %dma_wait3A_1236 : memref<1x1x128xf32, #tpu.memory_space<vmem>> -> memref<128xf32, #tpu.memory_space<vmem>>
    %dma_wait3A_1238 = arith.constant 0 : i32
    %dma_wait3A_1239 = tpu.memref_slice %arg5[%dma_wait3A_1238] : memref<113246208xf32, #tpu.memory_space<hbm>> -> memref<113246208xf32, #tpu.memory_space<hbm>>
    tpu.wait_indirect_dma semaphore(%arg23 : memref<!tpu.dma_semaphore, #tpu.memory_space<semaphore_mem>>) src(%dma_wait3A_1237 : memref<128xf32, #tpu.memory_space<vmem>>) dst(%dma_wait3A_1239 : memref<113246208xf32, #tpu.memory_space<hbm>>)
    %dma_wait3A_1240 = arith.constant 3 : i32
    %dma_wait3A_1241 = arith.constant 0 : i32
    %dma_wait3A_1242 = arith.constant 0 : i32
    %dma_wait3A_1243 = tpu.memref_slice %arg22[%dma_wait3A_1240, %dma_wait3A_1241, %dma_wait3A_1242] : memref<4x3x128xf32, #tpu.memory_space<vmem>> -> memref<1x1x128xf32, #tpu.memory_space<vmem>>
    %dma_wait3A_1244 = tpu.memref_squeeze %dma_wait3A_1243 : memref<1x1x128xf32, #tpu.memory_space<vmem>> -> memref<128xf32, #tpu.memory_space<vmem>>
    %dma_wait3A_1245 = arith.constant 0 : i32
    %dma_wait3A_1246 = tpu.memref_slice %arg5[%dma_wait3A_1245] : memref<113246208xf32, #tpu.memory_space<hbm>> -> memref<113246208xf32, #tpu.memory_space<hbm>>
    tpu.wait_indirect_dma semaphore(%arg23 : memref<!tpu.dma_semaphore, #tpu.memory_space<semaphore_mem>>) src(%dma_wait3A_1244 : memref<128xf32, #tpu.memory_space<vmem>>) dst(%dma_wait3A_1246 : memref<113246208xf32, #tpu.memory_space<hbm>>)
    %dma_wait3A_1247 = arith.constant 3 : i32
    %dma_wait3A_1248 = arith.constant 1 : i32
    %dma_wait3A_1249 = arith.constant 0 : i32
    %dma_wait3A_1250 = tpu.memref_slice %arg22[%dma_wait3A_1247, %dma_wait3A_1248, %dma_wait3A_1249] : memref<4x3x128xf32, #tpu.memory_space<vmem>> -> memref<1x1x128xf32, #tpu.memory_space<vmem>>
    %dma_wait3A_1251 = tpu.memref_squeeze %dma_wait3A_1250 : memref<1x1x128xf32, #tpu.memory_space<vmem>> -> memref<128xf32, #tpu.memory_space<vmem>>
    %dma_wait3A_1252 = arith.constant 0 : i32
    %dma_wait3A_1253 = tpu.memref_slice %arg5[%dma_wait3A_1252] : memref<113246208xf32, #tpu.memory_space<hbm>> -> memref<113246208xf32, #tpu.memory_space<hbm>>
    tpu.wait_indirect_dma semaphore(%arg23 : memref<!tpu.dma_semaphore, #tpu.memory_space<semaphore_mem>>) src(%dma_wait3A_1251 : memref<128xf32, #tpu.memory_space<vmem>>) dst(%dma_wait3A_1253 : memref<113246208xf32, #tpu.memory_space<hbm>>)
    %dma_wait3A_1254 = arith.constant 3 : i32
    %dma_wait3A_1255 = arith.constant 2 : i32
    %dma_wait3A_1256 = arith.constant 0 : i32
    %dma_wait3A_1257 = tpu.memref_slice %arg22[%dma_wait3A_1254, %dma_wait3A_1255, %dma_wait3A_1256] : memref<4x3x128xf32, #tpu.memory_space<vmem>> -> memref<1x1x128xf32, #tpu.memory_space<vmem>>
    %dma_wait3A_1258 = tpu.memref_squeeze %dma_wait3A_1257 : memref<1x1x128xf32, #tpu.memory_space<vmem>> -> memref<128xf32, #tpu.memory_space<vmem>>
    %dma_wait3A_1259 = arith.constant 0 : i32
    %dma_wait3A_1260 = tpu.memref_slice %arg5[%dma_wait3A_1259] : memref<113246208xf32, #tpu.memory_space<hbm>> -> memref<113246208xf32, #tpu.memory_space<hbm>>
    tpu.wait_indirect_dma semaphore(%arg23 : memref<!tpu.dma_semaphore, #tpu.memory_space<semaphore_mem>>) src(%dma_wait3A_1258 : memref<128xf32, #tpu.memory_space<vmem>>) dst(%dma_wait3A_1260 : memref<113246208xf32, #tpu.memory_space<hbm>>)
    return
  }
}

module attributes {stable_mosaic.version = 14 : i64} {
  func.func @_transformer_body(%arg0: i32, %arg1: memref<1x64x384xf32, #tpu.memory_space<vmem>>, %arg2: memref<1x64x1xi32, #tpu.memory_space<vmem>>, %arg3: memref<384x384xf32, #tpu.memory_space<vmem>>, %arg4: memref<384x384xf32, #tpu.memory_space<vmem>>, %arg5: memref<384x384xf32, #tpu.memory_space<vmem>>, %arg6: memref<2x64xf32, #tpu.memory_space<vmem>>, %arg7: memref<1x64xf32, #tpu.memory_space<vmem>>, %arg8: memref<384x64xf32, #tpu.memory_space<vmem>>, %arg9: memref<1x384xf32, #tpu.memory_space<vmem>>, %arg10: memref<768x384xf32, #tpu.memory_space<vmem>>, %arg11: memref<1x768xf32, #tpu.memory_space<vmem>>, %arg12: memref<384x768xf32, #tpu.memory_space<vmem>>, %arg13: memref<1x384xf32, #tpu.memory_space<vmem>>, %arg14: memref<1x64x384xf32, #tpu.memory_space<vmem>>) attributes {dimension_semantics = [#tpu.dimension_semantics<arbitrary>], iteration_bounds = array<i64: 2>, scalar_prefetch = 0 : i64, scratch_operands = 0 : i64, tpu.core_type = #tpu.core_type<tc>, window_params = [{transform_indices = @transform_0, window_bounds = array<i64: 1, 64, 384>}, {transform_indices = @transform_1, window_bounds = array<i64: 1, 64, 1>}, {pipeline_mode = #tpu.pipeline_mode<synchronous>, transform_indices = @transform_2, window_bounds = array<i64: 384, 384>}, {pipeline_mode = #tpu.pipeline_mode<synchronous>, transform_indices = @transform_3, window_bounds = array<i64: 384, 384>}, {pipeline_mode = #tpu.pipeline_mode<synchronous>, transform_indices = @transform_4, window_bounds = array<i64: 384, 384>}, {pipeline_mode = #tpu.pipeline_mode<synchronous>, transform_indices = @transform_5, window_bounds = array<i64: 2, 64>}, {pipeline_mode = #tpu.pipeline_mode<synchronous>, transform_indices = @transform_6, window_bounds = array<i64: 1, 64>}, {pipeline_mode = #tpu.pipeline_mode<synchronous>, transform_indices = @transform_7, window_bounds = array<i64: 384, 64>}, {pipeline_mode = #tpu.pipeline_mode<synchronous>, transform_indices = @transform_8, window_bounds = array<i64: 1, 384>}, {pipeline_mode = #tpu.pipeline_mode<synchronous>, transform_indices = @transform_9, window_bounds = array<i64: 768, 384>}, {pipeline_mode = #tpu.pipeline_mode<synchronous>, transform_indices = @transform_10, window_bounds = array<i64: 1, 768>}, {pipeline_mode = #tpu.pipeline_mode<synchronous>, transform_indices = @transform_11, window_bounds = array<i64: 384, 768>}, {pipeline_mode = #tpu.pipeline_mode<synchronous>, transform_indices = @transform_12, window_bounds = array<i64: 1, 384>}, {transform_indices = @transform_13, window_bounds = array<i64: 1, 64, 384>}]} {
    %get3A = arith.constant 0 : index
    %get3A_0 = arith.constant 0 : index
    %get3A_1 = arith.constant 0 : index
    %get3A_2 = vector.load %arg1[%get3A, %get3A_0, %get3A_1] : memref<1x64x384xf32, #tpu.memory_space<vmem>>, vector<1x64x384xf32>
    %get3A_3 = vector.shape_cast %get3A_2 : vector<1x64x384xf32> to vector<64x384xf32>
    %get3A_4 = arith.constant 0 : index
    %get3A_5 = arith.constant 0 : index
    %get3A_6 = vector.load %arg3[%get3A_4, %get3A_5] : memref<384x384xf32, #tpu.memory_space<vmem>>, vector<384x384xf32>
    %dot_general3A = arith.constant dense<0.000000e+00> : vector<64x384xf32>
    %dot_general3A_7 = tpu.matmul %get3A_3, %get3A_6, %dot_general3A {dimension_numbers = #tpu.dot_dimension_numbers<[1], [1], [0], [0], [0, 0, 1, 0], [], []>, transpose_lhs_hint = false} : vector<64x384xf32>, vector<384x384xf32>, vector<64x384xf32> -> vector<64x384xf32>
    %get3A_8 = arith.constant 0 : index
    %get3A_9 = arith.constant 0 : index
    %get3A_10 = vector.load %arg4[%get3A_8, %get3A_9] : memref<384x384xf32, #tpu.memory_space<vmem>>, vector<384x384xf32>
    %dot_general3A_11 = arith.constant dense<0.000000e+00> : vector<64x384xf32>
    %dot_general3A_12 = tpu.matmul %get3A_3, %get3A_10, %dot_general3A_11 {dimension_numbers = #tpu.dot_dimension_numbers<[1], [1], [0], [0], [0, 0, 1, 0], [], []>, transpose_lhs_hint = false} : vector<64x384xf32>, vector<384x384xf32>, vector<64x384xf32> -> vector<64x384xf32>
    %get3A_13 = arith.constant 0 : index
    %get3A_14 = arith.constant 0 : index
    %get3A_15 = vector.load %arg5[%get3A_13, %get3A_14] : memref<384x384xf32, #tpu.memory_space<vmem>>, vector<384x384xf32>
    %dot_general3A_16 = arith.constant dense<0.000000e+00> : vector<64x384xf32>
    %dot_general3A_17 = tpu.matmul %get3A_3, %get3A_15, %dot_general3A_16 {dimension_numbers = #tpu.dot_dimension_numbers<[1], [1], [0], [0], [0, 0, 1, 0], [], []>, transpose_lhs_hint = false} : vector<64x384xf32>, vector<384x384xf32>, vector<64x384xf32> -> vector<64x384xf32>
    %get3A_18 = arith.constant 0 : index
    %get3A_19 = arith.constant 0 : index
    %get3A_20 = arith.constant 0 : index
    %get3A_21 = vector.load %arg2[%get3A_18, %get3A_19, %get3A_20] : memref<1x64x1xi32, #tpu.memory_space<vmem>>, vector<1x64x1xi32>
    %get3A_22 = vector.shape_cast %get3A_21 : vector<1x64x1xi32> to vector<64x1xi32>
    %convert_element_type3A = arith.sitofp %get3A_22 : vector<64x1xi32> to vector<64x1xf32>
    %add3A = arith.constant 5.000000e-01 : f32
    %add3A_23 = vector.broadcast %add3A : f32 to vector<64x1xf32>
    %add3A_24 = arith.addf %convert_element_type3A, %add3A_23 : vector<64x1xf32>
    %mul3A = arith.constant 0.00260416674 : f32
    %mul3A_25 = vector.broadcast %mul3A : f32 to vector<64x1xf32>
    %mul3A_26 = arith.mulf %add3A_24, %mul3A_25 : vector<64x1xf32>
    %floor3A = math.floor %mul3A_26 : vector<64x1xf32>
    %mul3A_27 = arith.constant 3.840000e+02 : f32
    %mul3A_28 = vector.broadcast %mul3A_27 : f32 to vector<64x1xf32>
    %mul3A_29 = arith.mulf %floor3A, %mul3A_28 : vector<64x1xf32>
    %sub3A = arith.subf %convert_element_type3A, %mul3A_29 : vector<64x1xf32>
    %div3A = arith.constant 3.840000e+02 : f32
    %div3A_30 = vector.broadcast %div3A : f32 to vector<64x1xf32>
    %div3A_31 = arith.divf %sub3A, %div3A_30 : vector<64x1xf32>
    %div3A_32 = arith.constant 3.840000e+02 : f32
    %div3A_33 = vector.broadcast %div3A_32 : f32 to vector<64x1xf32>
    %div3A_34 = arith.divf %floor3A, %div3A_33 : vector<64x1xf32>
    %get3A_35 = arith.constant 0 : index
    %get3A_36 = arith.constant 0 : index
    %get3A_37 = vector.load %arg6[%get3A_35, %get3A_36] : memref<2x64xf32, #tpu.memory_space<vmem>>, vector<1x64xf32>
    %mul3A_38 = vector.broadcast %div3A_31 : vector<64x1xf32> to vector<64x64xf32>
    %mul3A_39 = vector.broadcast %get3A_37 : vector<1x64xf32> to vector<64x64xf32>
    %mul3A_40 = arith.mulf %mul3A_38, %mul3A_39 : vector<64x64xf32>
    %get3A_41 = arith.constant 1 : index
    %get3A_42 = arith.constant 0 : index
    %get3A_43 = vector.load %arg6[%get3A_41, %get3A_42] : memref<2x64xf32, #tpu.memory_space<vmem>>, vector<1x64xf32>
    %mul3A_44 = vector.broadcast %div3A_34 : vector<64x1xf32> to vector<64x64xf32>
    %mul3A_45 = vector.broadcast %get3A_43 : vector<1x64xf32> to vector<64x64xf32>
    %mul3A_46 = arith.mulf %mul3A_44, %mul3A_45 : vector<64x64xf32>
    %add3A_47 = arith.addf %mul3A_40, %mul3A_46 : vector<64x64xf32>
    %broadcast_in_dim3A = vector.shape_cast %add3A_47 : vector<64x64xf32> to vector<64x1x64xf32>
    %broadcast_in_dim3A_48 = vector.shape_cast %broadcast_in_dim3A : vector<64x1x64xf32> to vector<64x1x64xf32>
    %broadcast_in_dim3A_49 = vector.broadcast %broadcast_in_dim3A_48 : vector<64x1x64xf32> to vector<64x64x64xf32>
    %reshape3A = vector.shape_cast %broadcast_in_dim3A_49 : vector<64x64x64xf32> to vector<4096x64xf32>
    %broadcast_in_dim3A_50 = vector.shape_cast %add3A_47 : vector<64x64xf32> to vector<1x64x64xf32>
    %broadcast_in_dim3A_51 = vector.shape_cast %broadcast_in_dim3A_50 : vector<1x64x64xf32> to vector<1x64x64xf32>
    %broadcast_in_dim3A_52 = vector.broadcast %broadcast_in_dim3A_51 : vector<1x64x64xf32> to vector<64x64x64xf32>
    %reshape3A_53 = vector.shape_cast %broadcast_in_dim3A_52 : vector<64x64x64xf32> to vector<4096x64xf32>
    %sub3A_54 = arith.subf %reshape3A, %reshape3A_53 : vector<4096x64xf32>
    %get3A_55 = arith.constant 0 : index
    %get3A_56 = arith.constant 0 : index
    %get3A_57 = vector.load %arg7[%get3A_55, %get3A_56] : memref<1x64xf32, #tpu.memory_space<vmem>>, vector<1x64xf32>
    %add3A_58 = vector.broadcast %get3A_57 : vector<1x64xf32> to vector<4096x64xf32>
    %add3A_59 = arith.addf %sub3A_54, %add3A_58 : vector<4096x64xf32>
    %max3A = arith.constant 0.000000e+00 : f32
    %max3A_60 = vector.broadcast %max3A : f32 to vector<4096x64xf32>
    %max3A_61 = arith.maximumf %add3A_59, %max3A_60 : vector<4096x64xf32>
    %get3A_62 = arith.constant 0 : index
    %get3A_63 = arith.constant 0 : index
    %get3A_64 = vector.load %arg8[%get3A_62, %get3A_63] : memref<384x64xf32, #tpu.memory_space<vmem>>, vector<384x64xf32>
    %dot_general3A_65 = arith.constant dense<0.000000e+00> : vector<4096x384xf32>
    %dot_general3A_66 = tpu.matmul %max3A_61, %get3A_64, %dot_general3A_65 {dimension_numbers = #tpu.dot_dimension_numbers<[1], [1], [0], [0], [0, 0, 1, 0], [], []>, transpose_lhs_hint = false} : vector<4096x64xf32>, vector<384x64xf32>, vector<4096x384xf32> -> vector<4096x384xf32>
    %get3A_67 = arith.constant 0 : index
    %get3A_68 = arith.constant 0 : index
    %get3A_69 = vector.load %arg9[%get3A_67, %get3A_68] : memref<1x384xf32, #tpu.memory_space<vmem>>, vector<1x384xf32>
    %add3A_70 = vector.broadcast %get3A_69 : vector<1x384xf32> to vector<4096x384xf32>
    %add3A_71 = arith.addf %dot_general3A_66, %add3A_70 : vector<4096x384xf32>
    %broadcast_in_dim3A_72 = vector.shape_cast %dot_general3A_7 : vector<64x384xf32> to vector<64x1x384xf32>
    %broadcast_in_dim3A_73 = vector.shape_cast %broadcast_in_dim3A_72 : vector<64x1x384xf32> to vector<64x1x384xf32>
    %broadcast_in_dim3A_74 = vector.broadcast %broadcast_in_dim3A_73 : vector<64x1x384xf32> to vector<64x64x384xf32>
    %reshape3A_75 = vector.shape_cast %broadcast_in_dim3A_74 : vector<64x64x384xf32> to vector<4096x384xf32>
    %broadcast_in_dim3A_76 = vector.shape_cast %dot_general3A_12 : vector<64x384xf32> to vector<1x64x384xf32>
    %broadcast_in_dim3A_77 = vector.shape_cast %broadcast_in_dim3A_76 : vector<1x64x384xf32> to vector<1x64x384xf32>
    %broadcast_in_dim3A_78 = vector.broadcast %broadcast_in_dim3A_77 : vector<1x64x384xf32> to vector<64x64x384xf32>
    %reshape3A_79 = vector.shape_cast %broadcast_in_dim3A_78 : vector<64x64x384xf32> to vector<4096x384xf32>
    %sub3A_80 = arith.subf %reshape3A_75, %reshape3A_79 : vector<4096x384xf32>
    %add3A_81 = arith.addf %sub3A_80, %add3A_71 : vector<4096x384xf32>
    %convert_element_type3A_82 = arith.truncf %add3A_81 : vector<4096x384xf32> to vector<4096x384xbf16>
    %get3A_83 = arith.constant 0 : index
    %get3A_84 = arith.constant 0 : index
    %get3A_85 = vector.load %arg10[%get3A_83, %get3A_84] : memref<768x384xf32, #tpu.memory_space<vmem>>, vector<768x384xf32>
    %convert_element_type3A_86 = arith.truncf %get3A_85 : vector<768x384xf32> to vector<768x384xbf16>
    %dot_general3A_87 = arith.constant dense<0.000000e+00> : vector<4096x768xf32>
    %dot_general3A_88 = tpu.matmul %convert_element_type3A_82, %convert_element_type3A_86, %dot_general3A_87 {dimension_numbers = #tpu.dot_dimension_numbers<[1], [1], [0], [0], [0, 0, 1, 0], [], []>, transpose_lhs_hint = false} : vector<4096x384xbf16>, vector<768x384xbf16>, vector<4096x768xf32> -> vector<4096x768xf32>
    %get3A_89 = arith.constant 0 : index
    %get3A_90 = arith.constant 0 : index
    %get3A_91 = vector.load %arg11[%get3A_89, %get3A_90] : memref<1x768xf32, #tpu.memory_space<vmem>>, vector<1x768xf32>
    %add3A_92 = vector.broadcast %get3A_91 : vector<1x768xf32> to vector<4096x768xf32>
    %add3A_93 = arith.addf %dot_general3A_88, %add3A_92 : vector<4096x768xf32>
    %max3A_94 = arith.constant 0.000000e+00 : f32
    %max3A_95 = vector.broadcast %max3A_94 : f32 to vector<4096x768xf32>
    %max3A_96 = arith.maximumf %add3A_93, %max3A_95 : vector<4096x768xf32>
    %convert_element_type3A_97 = arith.truncf %max3A_96 : vector<4096x768xf32> to vector<4096x768xbf16>
    %get3A_98 = arith.constant 0 : index
    %get3A_99 = arith.constant 0 : index
    %get3A_100 = vector.load %arg12[%get3A_98, %get3A_99] : memref<384x768xf32, #tpu.memory_space<vmem>>, vector<384x768xf32>
    %convert_element_type3A_101 = arith.truncf %get3A_100 : vector<384x768xf32> to vector<384x768xbf16>
    %dot_general3A_102 = arith.constant dense<0.000000e+00> : vector<4096x384xf32>
    %dot_general3A_103 = tpu.matmul %convert_element_type3A_97, %convert_element_type3A_101, %dot_general3A_102 {dimension_numbers = #tpu.dot_dimension_numbers<[1], [1], [0], [0], [0, 0, 1, 0], [], []>, transpose_lhs_hint = false} : vector<4096x768xbf16>, vector<384x768xbf16>, vector<4096x384xf32> -> vector<4096x384xf32>
    %get3A_104 = arith.constant 0 : index
    %get3A_105 = arith.constant 0 : index
    %get3A_106 = vector.load %arg13[%get3A_104, %get3A_105] : memref<1x384xf32, #tpu.memory_space<vmem>>, vector<1x384xf32>
    %add3A_107 = vector.broadcast %get3A_106 : vector<1x384xf32> to vector<4096x384xf32>
    %add3A_108 = arith.addf %dot_general3A_103, %add3A_107 : vector<4096x384xf32>
    %reshape3A_109 = vector.shape_cast %add3A_108 : vector<4096x384xf32> to vector<64x64x384xf32>
    %reduce_max3A = arith.constant dense<0xFF800000> : vector<64x384xf32>
    %reduce_max3A_110 = vector.multi_reduction <maximumf>, %reshape3A_109, %reduce_max3A [1] : vector<64x64x384xf32> to vector<64x384xf32>
    %broadcast_in_dim3A_111 = vector.shape_cast %reduce_max3A_110 : vector<64x384xf32> to vector<64x1x384xf32>
    %sub3A_112 = vector.broadcast %broadcast_in_dim3A_111 : vector<64x1x384xf32> to vector<64x64x384xf32>
    %sub3A_113 = arith.subf %reshape3A_109, %sub3A_112 : vector<64x64x384xf32>
    %exp3A = math.exp %sub3A_113 : vector<64x64x384xf32>
    %reduce_sum3A = arith.constant dense<0.000000e+00> : vector<64x384xf32>
    %reduce_sum3A_114 = vector.multi_reduction <add>, %exp3A, %reduce_sum3A [1] : vector<64x64x384xf32> to vector<64x384xf32>
    %broadcast_in_dim3A_115 = vector.shape_cast %reduce_sum3A_114 : vector<64x384xf32> to vector<64x1x384xf32>
    %div3A_116 = vector.broadcast %broadcast_in_dim3A_115 : vector<64x1x384xf32> to vector<64x64x384xf32>
    %div3A_117 = arith.divf %exp3A, %div3A_116 : vector<64x64x384xf32>
    %broadcast_in_dim3A_118 = vector.shape_cast %dot_general3A_17 : vector<64x384xf32> to vector<1x64x384xf32>
    %broadcast_in_dim3A_119 = vector.shape_cast %broadcast_in_dim3A_118 : vector<1x64x384xf32> to vector<1x64x384xf32>
    %broadcast_in_dim3A_120 = vector.broadcast %broadcast_in_dim3A_119 : vector<1x64x384xf32> to vector<64x64x384xf32>
    %reshape3A_121 = vector.shape_cast %broadcast_in_dim3A_120 : vector<64x64x384xf32> to vector<4096x384xf32>
    %add3A_122 = arith.addf %reshape3A_121, %add3A_71 : vector<4096x384xf32>
    %reshape3A_123 = vector.shape_cast %add3A_122 : vector<4096x384xf32> to vector<64x64x384xf32>
    %mul3A_124 = arith.mulf %div3A_117, %reshape3A_123 : vector<64x64x384xf32>
    %reduce_sum3A_125 = arith.constant dense<0.000000e+00> : vector<64x384xf32>
    %reduce_sum3A_126 = vector.multi_reduction <add>, %mul3A_124, %reduce_sum3A_125 [1] : vector<64x64x384xf32> to vector<64x384xf32>
    %swap3A = arith.constant 0 : index
    %swap3A_127 = arith.constant 0 : index
    %swap3A_128 = arith.constant 0 : index
    %swap3A_129 = vector.load %arg14[%swap3A, %swap3A_127, %swap3A_128] : memref<1x64x384xf32, #tpu.memory_space<vmem>>, vector<1x64x384xf32>
    %swap3A_130 = vector.shape_cast %swap3A_129 : vector<1x64x384xf32> to vector<64x384xf32>
    %swap3A_131 = vector.shape_cast %reduce_sum3A_126 : vector<64x384xf32> to vector<1x64x384xf32>
    tpu.vector_store %arg14[%swap3A, %swap3A_127, %swap3A_128], %swap3A_131 {strides = array<i32>} : memref<1x64x384xf32, #tpu.memory_space<vmem>>, vector<1x64x384xf32>,
    return
  }
  func.func @transform_0(%arg0: i32) -> (i32, i32, i32) {
    %c0_i32 = arith.constant 0 : i32
    %c0_i32_0 = arith.constant 0 : i32
    %c0_i32_1 = arith.constant 0 : i32
    return %arg0, %c0_i32, %c0_i32_0 : i32, i32, i32
  }
  func.func @transform_1(%arg0: i32) -> (i32, i32, i32) {
    %c0_i32 = arith.constant 0 : i32
    %c0_i32_0 = arith.constant 0 : i32
    %c0_i32_1 = arith.constant 0 : i32
    return %arg0, %c0_i32, %c0_i32_0 : i32, i32, i32
  }
  func.func @transform_2(%arg0: i32) -> (i32, i32) {
    %c0_i32 = arith.constant 0 : i32
    %c0_i32_0 = arith.constant 0 : i32
    %c0_i32_1 = arith.constant 0 : i32
    return %c0_i32, %c0_i32_0 : i32, i32
  }
  func.func @transform_3(%arg0: i32) -> (i32, i32) {
    %c0_i32 = arith.constant 0 : i32
    %c0_i32_0 = arith.constant 0 : i32
    %c0_i32_1 = arith.constant 0 : i32
    return %c0_i32, %c0_i32_0 : i32, i32
  }
  func.func @transform_4(%arg0: i32) -> (i32, i32) {
    %c0_i32 = arith.constant 0 : i32
    %c0_i32_0 = arith.constant 0 : i32
    %c0_i32_1 = arith.constant 0 : i32
    return %c0_i32, %c0_i32_0 : i32, i32
  }
  func.func @transform_5(%arg0: i32) -> (i32, i32) {
    %c0_i32 = arith.constant 0 : i32
    %c0_i32_0 = arith.constant 0 : i32
    %c0_i32_1 = arith.constant 0 : i32
    return %c0_i32, %c0_i32_0 : i32, i32
  }
  func.func @transform_6(%arg0: i32) -> (i32, i32) {
    %c0_i32 = arith.constant 0 : i32
    %c0_i32_0 = arith.constant 0 : i32
    %c0_i32_1 = arith.constant 0 : i32
    return %c0_i32, %c0_i32_0 : i32, i32
  }
  func.func @transform_7(%arg0: i32) -> (i32, i32) {
    %c0_i32 = arith.constant 0 : i32
    %c0_i32_0 = arith.constant 0 : i32
    %c0_i32_1 = arith.constant 0 : i32
    return %c0_i32, %c0_i32_0 : i32, i32
  }
  func.func @transform_8(%arg0: i32) -> (i32, i32) {
    %c0_i32 = arith.constant 0 : i32
    %c0_i32_0 = arith.constant 0 : i32
    %c0_i32_1 = arith.constant 0 : i32
    return %c0_i32, %c0_i32_0 : i32, i32
  }
  func.func @transform_9(%arg0: i32) -> (i32, i32) {
    %c0_i32 = arith.constant 0 : i32
    %c0_i32_0 = arith.constant 0 : i32
    %c0_i32_1 = arith.constant 0 : i32
    return %c0_i32, %c0_i32_0 : i32, i32
  }
  func.func @transform_10(%arg0: i32) -> (i32, i32) {
    %c0_i32 = arith.constant 0 : i32
    %c0_i32_0 = arith.constant 0 : i32
    %c0_i32_1 = arith.constant 0 : i32
    return %c0_i32, %c0_i32_0 : i32, i32
  }
  func.func @transform_11(%arg0: i32) -> (i32, i32) {
    %c0_i32 = arith.constant 0 : i32
    %c0_i32_0 = arith.constant 0 : i32
    %c0_i32_1 = arith.constant 0 : i32
    return %c0_i32, %c0_i32_0 : i32, i32
  }
  func.func @transform_12(%arg0: i32) -> (i32, i32) {
    %c0_i32 = arith.constant 0 : i32
    %c0_i32_0 = arith.constant 0 : i32
    %c0_i32_1 = arith.constant 0 : i32
    return %c0_i32, %c0_i32_0 : i32, i32
  }
  func.func @transform_13(%arg0: i32) -> (i32, i32, i32) {
    %c0_i32 = arith.constant 0 : i32
    %c0_i32_0 = arith.constant 0 : i32
    %c0_i32_1 = arith.constant 0 : i32
    return %arg0, %c0_i32, %c0_i32_0 : i32, i32, i32
  }
}

</mosaic_0001>

<sc_bundles>
// kernel: kernel.5.cloned.1.call-start
scs
__scs_entry_jumppad:
0x0: {  	(pc) =	sbr.rel $0x88, $3  }
0x1: {  	(tag) =	ssettag $0x0;
	lr =	simm.s32 $0x1  }
0x2: {  	[smem:$0x3F94] =	sst lr;
	_ =	strace $0xD0000000  }
0x3: {  	_ = 	snop  }
0x4: {  	_ = 	snop  }
0x5: {  	_ = 	snop  }
0x6: {  	_ = 	snop  }
0x7: {  	_ = 	snop  }
__scs_overlays_trampoline_lowered:
0x8: {  	[smem:$0x3FA3] =	sst s0  }
0x9: {  	[smem:$0x3FA4] =	sst s1  }
0xa: {  	[smem:$0x3FA5] =	sst s2  }
0xb: {  	[smem:$0x3FA6] =	sst s3  }
0xc: {  	[smem:$0x3FA7] =	sst s4  }
0xd: {  	[smem:$0x3FA8] =	sst s5  }
0xe: {  	[smem:$0x3FA9] =	sst s6  }
0xf: {  	[smem:$0x3FAA] =	sst s7  }
0x10: {  	[smem:$0x3FAB] =	sst s8  }
0x11: {  	[smem:$0x3FAC] =	sst s9;
	s0 =	simm.s32 @!p0 $0x0  }
0x12: {  	s1 =	sld [smem:$0x3F92];
	s0 =	simm.s32 @p0 $0x1  }
0x13: {  	[smem:$0x3FAD] =	sst s0;
	s0 =	simm.s32 @!p1 $0x0  }
0x14: {  	s2 =	sld [smem:$0x3F91];
	s0 =	simm.s32 @p1 $0x1  }
0x15: {  	[smem:$0x3FAE] =	sst s0;
	s0 =	simm.s32 @!p2 $0x0  }
0x16: {  	s3 =	sld [smem:$0x3FDB];
	s0 =	simm.s32 @p2 $0x1  }
0x17: {  	s4 =	simm.s32 $0x1BF5;
	[smem:$0x3FB0] =	sst s0  }
0x18: {  	s0 =	sld [smem:$0x3F93];
	_ =	swait.ge [sflag:s4], $0x0  }
0x19: {  	s7 =	sld [smem:$0x3F94]  }
0x1a: {  	s8 =	sadd.s32 $0xFFFFE003, lr  }
0x1b: {  	s9 =	sadd.s32 $0xFFFFFEF7, lr;
	s5 =	simm.s32 $0xFFFFFFFF;
	p2 =	slt.u32 s8, $0xFFFFF086  }
0x1c: {  	p1 =	slt.u32 s9, $0xF7A;
	s5 =	simm.s32 @!p2 $0x0  }
0x1d: {  	s5 =	simm.s32 @p1 $0x1;
	p0 =	seq.s32 s7, s2  }
0x1e: {  	s7 =	smul.u32 @!p0 $0xF7A, s2;
	p2 =	seq.s32 @!p0 s5, $0x0  }
0x1f: {  	s9 =	smul.u32 $0xF7A, s1;
	s8 =	simm.s32 @!p0 $0x1BF5;
	p2 =	por !p2, p0  }
0x20: {  	[sflag:s8] =	ssyncset.s32 @!p0 $0xFFFFF086;
	s6 =	sadd.s32 @!p0 s3, s7;
	s7 =	simm.s32 @!p0 $0x108  }
0x21: {  	s3 =	sadd.s32 s3, s9;
	s6 =	sadd.s32 @!p0 $0x88, s6;
	s7 =	simm.s32 @p2 $0x1082  }
0x22: {  	[simem:s7], [sflag:s8] =	dma.local @!p0 [hbm:s6], $0xF7A  }
0x23: {  	s9 =	sor.u32 $0xD0000000, s2;
	s6 =	simm.s32 $0x108;
	_ =	swait.ge @!p0 [sflag:s8], $0x0  }
0x24: {  	s3 =	sadd.s32 $0x88, s3;
	s6 =	simm.s32 @!p1 $0x1082;
	[sflag:s4] =	ssyncset.s32 $0xFFFFF086  }
0x25: {  	[simem:s6], [sflag:s4] =	dma.local [hbm:s3], $0xF7A  }
0x26: {  	[smem:$0x3F94] =	sst s1;
	(tag) =	ssettag s2;
	_ =	strace s9  }
0x27: {  	s1 =	sld [smem:$0x3FA4]  }
0x28: {  	s2 =	sld [smem:$0x3FA5]  }
0x29: {  	s4 =	sld [smem:$0x3FA7]  }
0x2a: {  	p0 =	seq.s32 s5, $0x0;
	s5 =	sld [smem:$0x3FA8]  }
0x2b: {  	s6 =	sld [smem:$0x3FA9]  }
0x2c: {  	s7 =	sld [smem:$0x3FAA]  }
0x2d: {  	s3 =	simm.s32 $0x108;
	s8 =	sld [smem:$0x3FAB]  }
0x2e: {  	s3 =	simm.s32 @!p0 $0x1082;
	s9 =	sld [smem:$0x3FAC]  }
0x2f: {  	lr =	sadd.s32 s0, s3;
	s0 =	sld [smem:$0x3FA3]  }
0x30: {  	s3 =	sld [smem:$0x3FA6]  }
0x31: {  	[smem:$0x3FAF] =	sst s10  }
0x32: {  	s10 =	sld [smem:$0x3FAD];
	_ =	sdelay $0x3  }
0x33: {  	p0 =	seq.s32 s10, $0x1;
	s10 =	sld [smem:$0x3FAF];
	_ =	sdelay $0x3  }
0x34: {  	[smem:$0x3FAF] =	sst s10  }
0x35: {  	s10 =	sld [smem:$0x3FAE];
	_ =	sdelay $0x3  }
0x36: {  	p1 =	seq.s32 s10, $0x1;
	s10 =	sld [smem:$0x3FAF];
	_ =	sdelay $0x3  }
0x37: {  	[smem:$0x3FAF] =	sst s10  }
0x38: {  	s10 =	sld [smem:$0x3FB0]  }
0x39: {  	_ = 	snop;
	(pc) =	sbr.ind lr, $3  }
0x3a: {  	_ = 	snop  }
0x3b: {  	_ = 	snop  }
0x3c: {  	p2 =	seq.s32 s10, $0x1;
	s10 =	sld [smem:$0x3FAF]  }
0x3d: {  	_ =	shalt  }
0x3e: {  	_ =	shalt  }
0x3f: {  	_ =	shalt  }
0x40: {  	_ =	shalt  }
0x41: {  	_ =	shalt  }
0x42: {  	_ =	shalt  }
0x43: {  	_ =	shalt  }
0x44: {  	_ =	shalt  }
0x45: {  	_ =	shalt  }
0x46: {  	_ =	shalt  }
0x47: {  	_ =	shalt  }
0x48: {  	_ =	shalt  }
0x49: {  	_ =	shalt  }
0x4a: {  	_ =	shalt  }
0x4b: {  	_ =	shalt  }
0x4c: {  	_ =	shalt  }
0x4d: {  	_ =	shalt  }
0x4e: {  	_ =	shalt  }
0x4f: {  	_ =	shalt  }
0x50: {  	_ =	shalt  }
0x51: {  	_ =	shalt  }
0x52: {  	_ =	shalt  }
0x53: {  	_ =	shalt  }
0x54: {  	_ =	shalt  }
0x55: {  	_ =	shalt  }
0x56: {  	_ =	shalt  }
0x57: {  	_ =	shalt  }
0x58: {  	_ =	shalt  }
0x59: {  	_ =	shalt  }
0x5a: {  	_ =	shalt  }
0x5b: {  	_ =	shalt  }
0x5c: {  	_ =	shalt  }
0x5d: {  	_ =	shalt  }
0x5e: {  	_ =	shalt  }
0x5f: {  	_ =	shalt  }
0x60: {  	_ =	shalt  }
0x61: {  	_ =	shalt  }
0x62: {  	_ =	shalt  }
0x63: {  	_ =	shalt  }
0x64: {  	_ =	shalt  }
0x65: {  	_ =	shalt  }
0x66: {  	_ =	shalt  }
0x67: {  	_ =	shalt  }
0x68: {  	_ =	shalt  }
0x69: {  	_ =	shalt  }
0x6a: {  	_ =	shalt  }
0x6b: {  	_ =	shalt  }
0x6c: {  	_ =	shalt  }
0x6d: {  	_ =	shalt  }
0x6e: {  	_ =	shalt  }
0x6f: {  	_ =	shalt  }
0x70: {  	_ =	shalt  }
0x71: {  	_ =	shalt  }
0x72: {  	_ =	shalt  }
0x73: {  	_ =	shalt  }
0x74: {  	_ =	shalt  }
0x75: {  	_ =	shalt  }
0x76: {  	_ =	shalt  }
0x77: {  	_ =	shalt  }
0x78: {  	_ =	shalt  }
0x79: {  	_ =	shalt  }
0x7a: {  	_ =	shalt  }
0x7b: {  	_ =	shalt  }
0x7c: {  	_ =	shalt  }
0x7d: {  	_ =	shalt  }
0x7e: {  	_ =	shalt  }
0x7f: {  	_ =	shalt  }
0x80: {  	_ =	shalt  }
0x81: {  	_ =	shalt  }
0x82: {  	_ =	shalt  }
0x83: {  	_ =	shalt  }
0x84: {  	_ =	shalt  }
0x85: {  	_ =	shalt  }
0x86: {  	_ =	shalt  }
0x87: {  	_ =	shalt  }
.Lfunc_end0:
.L_simem_size_0:
called_computation_lowered:
.L_overlay_start_0:
0x88: {  	s2 =	sld [smem:$0x3FD9]  }
0x89: {  	s3 =	sld [smem:$0x3FFE];
	_ =	sdelay $0x1  }
0x8a: {  	s1 =	srdreg.scid  }
0x8b: {  	s0 =	sand.u32 $0x1, s1  }
0x8c: {  	s17 =	sshll.u32 s0, $0xA;
	s2 =	sadd.s32 s3, s2  }
0x8d: {  	s2 =	sadd.s32 s2, s17  }
0x8e: {  	[smem:$0x3FBB] =	sst s2  }
0x8f: {  	_ = 	snop  }
0x90: {  	s2 =	sld [smem:$0x3FD0];
	(tm) =	ssettm $0x1  }
0x91: {  	s18 =	sld [smem:$0x3FFB];
	_ =	sdelay $0x3  }
0x92: {  	_ =	strace s18  }
0x93: {  	s3 =	sld [smem:$0x3FFC];
	_ =	sdelay $0x3  }
0x94: {  	_ =	strace s3  }
0x95: {  	s3 =	sld [smem:$0x3FFD];
	_ =	sdelay $0x3  }
0x96: {  	_ =	strace s3  }
0x97: {  	_ =	strace $0x8FFFFFFF  }
0x98: {  	s19 =	sld [smem:$0x3FDB];
	_ =	sdelay $0x1  }
0x99: {  	s4 =	simm.s32 $_scs_section_size  }
0x9a: {  	s5 =	simm.s32 $_size__tile_overlayer_lowered;
	s6 =	simm.s32 $_tile_overlayer_lowered  }
0x9b: {  	s22 =	simm.s32 $0x1BFF;
	s21 =	sshll.u32 s6, $0x1;
	s3 =	sadd.s32 s4, s19  }
0x9c: {  	s7 =	simm.s32 $0x0;
	s20 =	sshll.u32 s5, $0x1;
	s5 =	sadd.s32 s21, s3  }
0x9d: {  	[timem:s7], [sflag:s22] =	dma.local [hbm:s5], s20  }
0x9e: {  	_ =	swait.ge [sflag:s22], s20  }
0x9f: {  	s4 =	ssub.s32 $0x0, s20;
	[sflag:s22] =	ssyncset.done $0x0  }
0xa0: {  	[sflag:s22] =	ssyncadd.s32 s4;
	_ =	sdelay $0x1  }
0xa1: {  	s23 =	simm.s32 $0x1B8B  }
0xa2: {  	_ =	swait.ge [sflag:s23], $0x1  }
0xa3: {  	[sflag:s23] =	ssyncset.done $0x0  }
0xa4: {  	s25 =	simm.s32 $0x1B8E;
	s24 =	sld [smem:$0x3FFE];
	[sflag:s23] =	ssyncadd.s32 $0xFFFFFFFF  }
0xa5: {  	s26 =	simm.s32 $execute0_lowered;
	[smem:$0x3FD2] =	sst s25  }
0xa6: {  	s5 =	sshll.u32 s26, $0x1;
	_ =	strace $0x80000046;
	[dreg:$0x1] =	wrdreg $0xFFFFFFFF  }
0xa7: {  	s28 =	simm.s32 $_size_execute0_lowered;
	s3 =	sadd.s32 s3, s5;
	[dreg:$0x0] =	wrdreg $0x0  }
0xa8: {  	s5 =	sshll.u32 s28, $0x1;
	[dreg:$0x2] =	wrdreg s3  }
0xa9: {  	[dreg:$0x3] =	wrdreg s5  }
0xaa: {  	[dreg:$0x4] =	wrdreg $0xC0  }
0xab: {  	_ =	task [dreg:s7], $0x5FFFF  }
0xac: {  	[dreg:$0x1] =	wrdreg $0xFFFFFFFF  }
0xad: {  	[dreg:$0x0] =	wrdreg $0x60  }
0xae: {  	[dreg:$0x2] =	wrdreg s24  }
0xaf: {  	[dreg:$0x3] =	wrdreg s2  }
0xb0: {  	[dreg:$0x4] =	wrdreg $0x9  }
0xb1: {  	_ =	task.clear_ibuf [dreg:s7], $0x5FFFF;
	_ =	strace $0x90000046  }
0xb2: {  	s29 =	simm.s32 $0x9;
	_ =	strace $0x80000048  }
0xb3: {  	_ =	swait.ge [sflag:s29], $0x1  }
0xb4: {  	[sflag:s29] =	ssyncadd.s32 $0xFFFFFFFF  }
0xb5: {  	_ =	strace $0x90000048  }
0xb6: {  	_ =	sfence  }
0xb7: {  	s30 =	sld [smem:$0x0];
	_ =	sdelay $0x2  }
0xb8: {  	s31 =	sshll.u32 s1, $0xD;
	s1 =	sshrl.u32 s1, $0x2  }
0xb9: {  	s3 =	sand.u32 $0x4000, s31;
	s1 =	sadd.s32 s1, s30  }
0xba: {  	s0 =	sor.u32 s3, s0;
	s1 =	sshll.u32 s1, $0x11  }
0xbb: {  	s0 =	sor.u32 s1, s0  }
0xbc: {  	s0 =	sadd.s32 $0x8F2B, s0  }
0xbd: {  	[sflag:s0] =	ssyncadd.remote.s32 $0x1  }
0xbe: {  	_ =	sfence.sel $0xFFFF  }
0xbf: {  	[dreg:$0x0] =	wrdreg $0xFFFFFFFF;
	(pc) =	sbr.abs _section_cstart, $3  }
0xc0: {  	[dreg:$0x1] =	wrdreg $0xFFFFFFFF  }
0xc1: {  	_ =	task.clear_ibuf [dreg:s7], $0x2FFFF;
	_ =	strace $0x9FFFFFFF  }
0xc2: {  	(tm) =	ssettm $0x7FFFFFFF  }
0xc3: {  	_ =	shalt  }
tec
execute0_lowered:
.L_overlay_start_1:
0x0: {  	(tag) =	ssettag $0x1  }
0x1: {  	s0 =	rddreg [dreg:$0x0]  }
0x2: {  	s5 =	rddreg [dreg:$0x1]  }
0x3: {  	s1 =	simm.s32 $0x0;
	s4 =	srdreg.scid;
	s2 =	stileid.u32  }
0x4: {  	s23 =	simm.s32 $0x100;
	s24 =	simm.s32 $0x180;
	s25 =	simm.s32 $0x200  }
0x5: {  	s26 =	simm.s32 $0x280;
	s13 =	simm.s32 $0xA00;
	s14 =	simm.s32 $0x400  }
0x6: {  	s15 =	simm.s32 $0xA80;
	s16 =	simm.s32 $0x480;
	s17 =	simm.s32 $0xB00  }
0x7: {  	s28 =	simm.s32 $0xE80;
	s29 =	simm.s32 $0x780;
	s30 =	simm.s32 $0xF00  }
0x8: {  	s31 =	simm.s32 $0x1;
	[smem:$0x7FF] =	sst s1;
	s3 =	sadd.s32 $0x400, s0  }
0x9: {  	v5 =	vlaneseq.u32;
	s4 =	sand.u32 $0x1, s4;
	_ =	strace $0x80000047;
	[dreg:$0x7] =	wrdreg s23  }
0xa: {  	s8 =	sshll.u32 s2, $0x2;
	v5 =	vmul.u32 $0x24000, v5;
	s6 =	ssub.s32 $0x2, s4;
	[dreg:$0x8] =	wrdreg s24  }
0xb: {  	v8 =	vimm.s32 $0x0;
	s7 =	sshll.u32 s4, $0x6;
	s4 =	sadd.s32 $0x200, s0;
	[dreg:$0x9] =	wrdreg s25  }
0xc: {  	[dreg:$0xa] =	wrdreg s26;
	s23 =	simm.s32 $0xD00;
	s24 =	simm.s32 $0x680;
	v9 =	vadd.s32 $0x240000, v5;
	v10 =	vadd.s32 $0x480000, v5;
	v11 =	vadd.s32 $0x6C0000, v5  }
0xd: {  	s25 =	simm.s32 $0xE00;
	s26 =	simm.s32 $0x700;
	s7 =	sor.u32 s8, s7;
	v12 =	vadd.s32 $0x900000, v5;
	v13 =	vadd.s32 $0xB40000, v5;
	v14 =	vadd.s32 $0xD80000, v5  }
0xe: {  	s18 =	sshrl.u32 s6, $0x1;
	v15 =	vadd.s32 $0xFC0000, v5;
	v16 =	vadd.s32 $0x1200000, v5;
	v17 =	vadd.s32 $0x1440000, v5;
	s8 =	sor.u32 $0x1, s7;
	s9 =	sor.u32 $0x2, s7  }
0xf: {  	v18 =	vadd.s32 $0x1680000, v5;
	v19 =	vadd.s32 $0x18C0000, v5;
	v20 =	vadd.s32 $0x1B00000, v5;
	s10 =	sshll.u32 s7, $0x6;
	s11 =	sor.u32 $0x3, s7;
	s0 =	ssub.s32 s6, s18  }
0x10: {  	v21 =	vadd.s32 $0x1D40000, v5;
	v22 =	vadd.s32 $0x1F80000, v5;
	v0 =	vmov s7;
	s6 =	simm.s32 $0x80;
	s7 =	simm.s32 $0x2;
	s18 =	simm.s32 $0x500  }
0x11: {  	v23 =	vadd.s32 $0x21C0000, v5;
	v24 =	vor.u32 $0x2400000, v5;
	v25 =	vadd.s32 $0x2640000, v5;
	s10 =	sadd.s32 s5, s10;
	s12 =	sshll.u32 s8, $0x6;
	s20 =	sshll.u32 s9, $0x6  }
0x12: {  	v26 =	vadd.s32 $0x2880000, v5;
	s22 =	sshll.u32 s11, $0x6;
	v1 =	vmov s8;
	v3 =	vmov s11;
	s8 =	simm.s32 $0x800;
	s11 =	simm.s32 $0x900  }
0x13: {  	v27 =	vadd.s32 $0x2AC0000, v5;
	v28 =	vadd.s32 $0x2D00000, v5;
	v29 =	vadd.s32 $0x2F40000, v5;
	[dreg:$0x3] =	wrdreg s10;
	s19 =	sadd.s32 s5, s12;
	s21 =	sadd.s32 s5, s20  }
0x14: {  	v30 =	vadd.s32 $0x3180000, v5;
	v31 =	vadd.s32 $0x33C0000, v5;
	vm0 =	vgt.u32 v0, $0x3F;
	s5 =	sadd.s32 s5, s22;
	s10 =	simm.s32 $0x300;
	[dreg:$0x4] =	wrdreg s19  }
0x15: {  	v2 =	vmov s9;
	v4 =	vsel vm0, $0x3600000, v8;
	vm0 =	vgt.u32 v1, $0x3F;
	s12 =	simm.s32 $0x380;
	s20 =	simm.s32 $0x580;
	[dreg:$0x5] =	wrdreg s21  }
0x16: {  	vm1 =	vgt.u32 v2, $0x3F;
	vm2 =	vgt.u32 v3, $0x3F;
	s22 =	simm.s32 $0x600;
	[dreg:$0x6] =	wrdreg s5;
	s5 =	smax.u32 s0, $0x1;
	v6 =	vsel vm0, $0x3600000, v8  }
0x17: {  	v7 =	vsel vm1, $0x3600000, v8;
	v8 =	vsel vm2, $0x3600000, v8;
	vm0 =	vmmov $0xffff;
	s19 =	simm.s32 $0xC00;
	s21 =	simm.s32 $0xC80;
	s0 =	simm.s32 $0x3  }
.LBB2_1:
0x18: {  	[tilespmem:s1], [sflag:$0x2] =	stream.indirect_vreg.gather [hbm4b:s4+s1], $0x1, v0, vm0, $0xb8;
	[tilespmem:$0x1000] =	vst v63  }
0x19: {  	_ = 	snop  }
0x1a: {  	[tilespmem:s6], [sflag:$0x2] =	stream.indirect_vreg.gather [hbm4b:s4+s1], $0x1, v1, vm0, $0xb8;
	[tilespmem:$0x1000] =	vst v63  }
0x1b: {  	s2 =	rddreg [dreg:$0x7]  }
0x1c: {  	[tilespmem:s2], [sflag:$0x2] =	stream.indirect_vreg.gather [hbm4b:s4+s1], $0x1, v2, vm0, $0xb8;
	[tilespmem:$0x1000] =	vst v63  }
0x1d: {  	s9 =	rddreg [dreg:$0x8]  }
0x1e: {  	[tilespmem:s9], [sflag:$0x2] =	stream.indirect_vreg.gather [hbm4b:s4+s1], $0x1, v3, vm0, $0xb8;
	[tilespmem:$0x1000] =	vst v63  }
0x1f: {  	_ =	swait.ge [sflag:s7], $0x10  }
0x20: {  	[sflag:s7] =	ssyncset.done $0x0  }
0x21: {  	[sflag:s7] =	ssyncadd.s32 $0xFFFFFFF0  }
0x22: {  	_ =	swait.ge [sflag:s7], $0x10  }
0x23: {  	[sflag:s7] =	ssyncset.done $0x0  }
0x24: {  	[sflag:s7] =	ssyncadd.s32 $0xFFFFFFF0  }
0x25: {  	_ =	swait.ge [sflag:s7], $0x10  }
0x26: {  	[sflag:s7] =	ssyncset.done $0x0  }
0x27: {  	[sflag:s7] =	ssyncadd.s32 $0xFFFFFFF0  }
0x28: {  	_ =	swait.ge [sflag:s7], $0x10  }
0x29: {  	[sflag:s7] =	ssyncset.done $0x0  }
0x2a: {  	[sflag:s7] =	ssyncadd.s32 $0xFFFFFFF0  }
0x2b: {  	v32 =	vld [tilespmem:$0x0];
	_ =	sdelay $0x4  }
0x2c: {  	v32 =	vadd.s32 v4, v32  }
0x2d: {  	v33 =	vadd.s32 v5, v32  }
0x2e: {  	v49 =	vadd.s32 v9, v32;
	[tilespmem:$0x200] =	vst v33  }
0x2f: {  	v50 =	vadd.s32 v10, v32;
	[tilespmem:$0x210] =	vst v49  }
0x30: {  	v51 =	vadd.s32 v11, v32;
	[tilespmem:$0x220] =	vst v50  }
0x31: {  	v52 =	vadd.s32 v12, v32;
	[tilespmem:$0x230] =	vst v51  }
0x32: {  	v53 =	vadd.s32 v13, v32;
	[tilespmem:$0x240] =	vst v52  }
0x33: {  	v54 =	vadd.s32 v14, v32;
	[tilespmem:$0x250] =	vst v53  }
0x34: {  	v55 =	vadd.s32 v15, v32;
	[tilespmem:$0x260] =	vst v54  }
0x35: {  	v56 =	vadd.s32 v16, v32;
	[tilespmem:$0x270] =	vst v55  }
0x36: {  	v57 =	vadd.s32 v17, v32;
	[tilespmem:$0x280] =	vst v56  }
0x37: {  	v58 =	vadd.s32 v18, v32;
	[tilespmem:$0x290] =	vst v57  }
0x38: {  	v59 =	vadd.s32 v19, v32;
	[tilespmem:$0x2A0] =	vst v58  }
0x39: {  	v60 =	vadd.s32 v20, v32;
	[tilespmem:$0x2B0] =	vst v59  }
0x3a: {  	v61 =	vadd.s32 v21, v32;
	[tilespmem:$0x2C0] =	vst v60  }
0x3b: {  	v62 =	vadd.s32 v22, v32;
	[tilespmem:$0x2D0] =	vst v61  }
0x3c: {  	v63 =	vadd.s32 v23, v32;
	[tilespmem:$0x2E0] =	vst v62  }
0x3d: {  	v36 =	vadd.s32 v24, v32;
	[tilespmem:$0x2F0] =	vst v63  }
0x3e: {  	v37 =	vadd.s32 v25, v32;
	[tilespmem:$0x300] =	vst v36  }
0x3f: {  	v34 =	vld [tilespmem:$0x80];
	v38 =	vadd.s32 v26, v32;
	[tilespmem:$0x310] =	vst v37  }
0x40: {  	v39 =	vadd.s32 v27, v32;
	[tilespmem:$0x320] =	vst v38  }
0x41: {  	v40 =	vadd.s32 v28, v32;
	[tilespmem:$0x330] =	vst v39  }
0x42: {  	v41 =	vadd.s32 v29, v32;
	[tilespmem:$0x340] =	vst v40  }
0x43: {  	v42 =	vadd.s32 v30, v32;
	[tilespmem:$0x350] =	vst v41  }
0x44: {  	v43 =	vadd.s32 v6, v34;
	v32 =	vadd.s32 v31, v32;
	[tilespmem:$0x360] =	vst v42  }
0x45: {  	v44 =	vadd.s32 v5, v43;
	[tilespmem:$0x370] =	vst v32  }
0x46: {  	v45 =	vadd.s32 v9, v43;
	[tilespmem:$0x380] =	vst v44  }
0x47: {  	v46 =	vadd.s32 v10, v43;
	[tilespmem:$0x390] =	vst v45  }
0x48: {  	v47 =	vadd.s32 v11, v43;
	[tilespmem:$0x3A0] =	vst v46  }
0x49: {  	v48 =	vadd.s32 v12, v43;
	[tilespmem:$0x3B0] =	vst v47  }
0x4a: {  	[tilespmem:$0x3C0] =	vst v48;
	v49 =	vadd.s32 v13, v43  }
0x4b: {  	v50 =	vadd.s32 v14, v43;
	[tilespmem:$0x3D0] =	vst v49  }
0x4c: {  	v51 =	vadd.s32 v15, v43;
	[tilespmem:$0x3E0] =	vst v50  }
0x4d: {  	v52 =	vadd.s32 v16, v43;
	[tilespmem:$0x3F0] =	vst v51  }
0x4e: {  	v53 =	vadd.s32 v17, v43;
	[tilespmem:$0x400] =	vst v52  }
0x4f: {  	v54 =	vadd.s32 v18, v43;
	[tilespmem:$0x410] =	vst v53  }
0x50: {  	v55 =	vadd.s32 v19, v43;
	[tilespmem:$0x420] =	vst v54  }
0x51: {  	v56 =	vadd.s32 v20, v43;
	[tilespmem:$0x430] =	vst v55  }
0x52: {  	v57 =	vadd.s32 v21, v43;
	[tilespmem:$0x440] =	vst v56  }
0x53: {  	v58 =	vadd.s32 v22, v43;
	[tilespmem:$0x450] =	vst v57  }
0x54: {  	v59 =	vadd.s32 v23, v43;
	[tilespmem:$0x460] =	vst v58  }
0x55: {  	v60 =	vadd.s32 v24, v43;
	[tilespmem:$0x470] =	vst v59  }
0x56: {  	v61 =	vadd.s32 v25, v43;
	[tilespmem:$0x480] =	vst v60  }
0x57: {  	v62 =	vadd.s32 v26, v43;
	v63 =	vld [tilespmem:$0x100];
	[tilespmem:$0x490] =	vst v61  }
0x58: {  	v36 =	vadd.s32 v27, v43;
	[tilespmem:$0x4A0] =	vst v62  }
0x59: {  	v37 =	vadd.s32 v28, v43;
	[tilespmem:$0x4B0] =	vst v36  }
0x5a: {  	v38 =	vadd.s32 v29, v43;
	[tilespmem:$0x4C0] =	vst v37  }
0x5b: {  	v39 =	vadd.s32 v30, v43;
	[tilespmem:$0x4D0] =	vst v38  }
0x5c: {  	v40 =	vadd.s32 v31, v43;
	[tilespmem:$0x4E0] =	vst v39;
	v41 =	vadd.s32 v7, v63  }
0x5d: {  	[tilespmem:$0x4F0] =	vst v40;
	v42 =	vadd.s32 v5, v41  }
0x5e: {  	v43 =	vadd.s32 v9, v41;
	[tilespmem:$0x500] =	vst v42  }
0x5f: {  	v44 =	vadd.s32 v10, v41;
	[tilespmem:$0x510] =	vst v43  }
0x60: {  	v45 =	vadd.s32 v11, v41;
	[tilespmem:$0x520] =	vst v44  }
0x61: {  	v46 =	vadd.s32 v12, v41;
	[tilespmem:$0x530] =	vst v45  }
0x62: {  	v47 =	vadd.s32 v13, v41;
	[tilespmem:$0x540] =	vst v46  }
0x63: {  	v48 =	vadd.s32 v14, v41;
	[tilespmem:$0x550] =	vst v47  }
0x64: {  	v49 =	vadd.s32 v15, v41;
	[tilespmem:$0x560] =	vst v48  }
0x65: {  	v50 =	vadd.s32 v16, v41;
	[tilespmem:$0x570] =	vst v49  }
0x66: {  	v51 =	vadd.s32 v17, v41;
	[tilespmem:$0x580] =	vst v50  }
0x67: {  	v52 =	vadd.s32 v18, v41;
	[tilespmem:$0x590] =	vst v51  }
0x68: {  	v53 =	vadd.s32 v19, v41;
	[tilespmem:$0x5A0] =	vst v52  }
0x69: {  	v54 =	vadd.s32 v20, v41;
	[tilespmem:$0x5B0] =	vst v53  }
0x6a: {  	v55 =	vadd.s32 v21, v41;
	[tilespmem:$0x5C0] =	vst v54  }
0x6b: {  	v56 =	vadd.s32 v22, v41;
	[tilespmem:$0x5D0] =	vst v55  }
0x6c: {  	v57 =	vadd.s32 v23, v41;
	[tilespmem:$0x5E0] =	vst v56  }
0x6d: {  	v58 =	vadd.s32 v24, v41;
	[tilespmem:$0x5F0] =	vst v57  }
0x6e: {  	v59 =	vadd.s32 v25, v41;
	[tilespmem:$0x600] =	vst v58  }
0x6f: {  	v61 =	vld [tilespmem:$0x180];
	v60 =	vadd.s32 v26, v41;
	[tilespmem:$0x610] =	vst v59  }
0x70: {  	v62 =	vadd.s32 v27, v41;
	[tilespmem:$0x620] =	vst v60  }
0x71: {  	v63 =	vadd.s32 v28, v41;
	[tilespmem:$0x630] =	vst v62  }
0x72: {  	v36 =	vadd.s32 v29, v41;
	[tilespmem:$0x640] =	vst v63  }
0x73: {  	v37 =	vadd.s32 v30, v41;
	[tilespmem:$0x650] =	vst v36  }
0x74: {  	v38 =	vadd.s32 v31, v41;
	v39 =	vadd.s32 v8, v61;
	[tilespmem:$0x660] =	vst v37  }
0x75: {  	[tilespmem:$0x670] =	vst v38;
	v40 =	vadd.s32 v5, v39  }
0x76: {  	v41 =	vadd.s32 v9, v39;
	[tilespmem:$0x680] =	vst v40  }
0x77: {  	v42 =	vadd.s32 v10, v39;
	[tilespmem:$0x690] =	vst v41  }
0x78: {  	v43 =	vadd.s32 v11, v39;
	[tilespmem:$0x6A0] =	vst v42  }
0x79: {  	v44 =	vadd.s32 v12, v39;
	[tilespmem:$0x6B0] =	vst v43  }
0x7a: {  	v45 =	vadd.s32 v13, v39;
	[tilespmem:$0x6C0] =	vst v44  }
0x7b: {  	v46 =	vadd.s32 v14, v39;
	[tilespmem:$0x6D0] =	vst v45  }
0x7c: {  	v47 =	vadd.s32 v15, v39;
	[tilespmem:$0x6E0] =	vst v46  }
0x7d: {  	v48 =	vadd.s32 v16, v39;
	[tilespmem:$0x6F0] =	vst v47  }
0x7e: {  	v49 =	vadd.s32 v17, v39;
	[tilespmem:$0x700] =	vst v48  }
0x7f: {  	v50 =	vadd.s32 v18, v39;
	[tilespmem:$0x710] =	vst v49  }
0x80: {  	v51 =	vadd.s32 v19, v39;
	[tilespmem:$0x720] =	vst v50  }
0x81: {  	v52 =	vadd.s32 v20, v39;
	[tilespmem:$0x730] =	vst v51  }
0x82: {  	v53 =	vadd.s32 v21, v39;
	[tilespmem:$0x740] =	vst v52  }
0x83: {  	v54 =	vadd.s32 v22, v39;
	[tilespmem:$0x750] =	vst v53  }
0x84: {  	v55 =	vadd.s32 v23, v39;
	[tilespmem:$0x760] =	vst v54  }
0x85: {  	v56 =	vadd.s32 v24, v39;
	[tilespmem:$0x770] =	vst v55  }
0x86: {  	v57 =	vadd.s32 v25, v39;
	[tilespmem:$0x780] =	vst v56  }
0x87: {  	v58 =	vadd.s32 v26, v39;
	[tilespmem:$0x790] =	vst v57  }
0x88: {  	v59 =	vadd.s32 v27, v39;
	[tilespmem:$0x7A0] =	vst v58  }
0x89: {  	v60 =	vadd.s32 v28, v39;
	[tilespmem:$0x7B0] =	vst v59  }
0x8a: {  	v61 =	vadd.s32 v29, v39;
	[tilespmem:$0x7C0] =	vst v60  }
0x8b: {  	v62 =	vadd.s32 v30, v39;
	[tilespmem:$0x7D0] =	vst v61  }
0x8c: {  	v63 =	vadd.s32 v31, v39;
	[tilespmem:$0x7E0] =	vst v62  }
0x8d: {  	s2 =	rddreg [dreg:$0x9];
	[tilespmem:$0x7F0] =	vst v63  }
0x8e: {  	[tilespmem:s8], [sflag:$0x1] =	stream.indirect.gather [hbm4b:s3+s6], $0x1, s2, s6, $0xb8;
	[tilespmem:$0x1000] =	vst v63  }
0x8f: {  	s9 =	rddreg [dreg:$0xa];
	s2 =	simm.s32 $0x880  }
0x90: {  	[tilespmem:s2], [sflag:$0x1] =	stream.indirect.gather [hbm4b:s3+s6], $0x1, s9, s6, $0xb8;
	[tilespmem:$0x1000] =	vst v63  }
0x91: {  	_ = 	snop  }
0x92: {  	[tilespmem:s11], [sflag:$0x1] =	stream.indirect.gather [hbm4b:s3+s6], $0x1, s10, s6, $0xb8;
	[tilespmem:$0x1000] =	vst v63  }
0x93: {  	_ = 	snop  }
0x94: {  	[tilespmem:s13], [sflag:$0x1] =	stream.indirect.gather [hbm4b:s3+s6], $0x1, s12, s6, $0xb8;
	[tilespmem:$0x1000] =	vst v63  }
0x95: {  	_ = 	snop  }
0x96: {  	[tilespmem:s15], [sflag:$0x1] =	stream.indirect.gather [hbm4b:s3+s6], $0x1, s14, s6, $0xb8;
	[tilespmem:$0x1000] =	vst v63  }
0x97: {  	_ = 	snop  }
0x98: {  	[tilespmem:s17], [sflag:$0x1] =	stream.indirect.gather [hbm4b:s3+s6], $0x1, s16, s6, $0xb8;
	[tilespmem:$0x1000] =	vst v63  }
0x99: {  	_ = 	snop  }
0x9a: {  	[tilespmem:s19], [sflag:$0x1] =	stream.indirect.gather [hbm4b:s3+s6], $0x1, s18, s6, $0xb8;
	[tilespmem:$0x1000] =	vst v63  }
0x9b: {  	_ = 	snop  }
0x9c: {  	[tilespmem:s21], [sflag:$0x1] =	stream.indirect.gather [hbm4b:s3+s6], $0x1, s20, s6, $0xb8;
	[tilespmem:$0x1000] =	vst v63  }
0x9d: {  	_ = 	snop  }
0x9e: {  	[tilespmem:s23], [sflag:$0x1] =	stream.indirect.gather [hbm4b:s3+s6], $0x1, s22, s6, $0xb8;
	[tilespmem:$0x1000] =	vst v63  }
0x9f: {  	_ = 	snop  }
0xa0: {  	[tilespmem:s25], [sflag:$0x1] =	stream.indirect.gather [hbm4b:s3+s6], $0x1, s24, s6, $0xb8;
	[tilespmem:$0x1000] =	vst v63  }
0xa1: {  	_ = 	snop  }
0xa2: {  	[tilespmem:s28], [sflag:$0x1] =	stream.indirect.gather [hbm4b:s3+s6], $0x1, s26, s6, $0xb8;
	[tilespmem:$0x1000] =	vst v63  }
0xa3: {  	_ = 	snop  }
0xa4: {  	[tilespmem:s30], [sflag:$0x1] =	stream.indirect.gather [hbm4b:s3+s6], $0x1, s29, s6, $0xb8;
	[tilespmem:$0x1000] =	vst v63  }
0xa5: {  	_ =	swait.ge [sflag:s31], $0x80  }
0xa6: {  	[sflag:s31] =	ssyncset.done $0x0  }
0xa7: {  	[sflag:s31] =	ssyncadd.s32 $0xFFFFFF80  }
0xa8: {  	_ =	swait.ge [sflag:s31], $0x80  }
0xa9: {  	[sflag:s31] =	ssyncset.done $0x0  }
0xaa: {  	[sflag:s31] =	ssyncadd.s32 $0xFFFFFF80  }
0xab: {  	_ =	swait.ge [sflag:s31], $0x80  }
0xac: {  	[sflag:s31] =	ssyncset.done $0x0  }
0xad: {  	[sflag:s31] =	ssyncadd.s32 $0xFFFFFF80  }
0xae: {  	_ =	swait.ge [sflag:s31], $0x80  }
0xaf: {  	[sflag:s31] =	ssyncset.done $0x0  }
0xb0: {  	[sflag:s31] =	ssyncadd.s32 $0xFFFFFF80  }
0xb1: {  	_ =	swait.ge [sflag:s31], $0x80  }
0xb2: {  	[sflag:s31] =	ssyncset.done $0x0  }
0xb3: {  	[sflag:s31] =	ssyncadd.s32 $0xFFFFFF80  }
0xb4: {  	_ =	swait.ge [sflag:s31], $0x80  }
0xb5: {  	[sflag:s31] =	ssyncset.done $0x0  }
0xb6: {  	[sflag:s31] =	ssyncadd.s32 $0xFFFFFF80  }
0xb7: {  	_ =	swait.ge [sflag:s31], $0x80  }
0xb8: {  	[sflag:s31] =	ssyncset.done $0x0  }
0xb9: {  	[sflag:s31] =	ssyncadd.s32 $0xFFFFFF80  }
0xba: {  	_ =	swait.ge [sflag:s31], $0x80  }
0xbb: {  	[sflag:s31] =	ssyncset.done $0x0  }
0xbc: {  	[sflag:s31] =	ssyncadd.s32 $0xFFFFFF80  }
0xbd: {  	_ =	swait.ge [sflag:s31], $0x80  }
0xbe: {  	[sflag:s31] =	ssyncset.done $0x0  }
0xbf: {  	[sflag:s31] =	ssyncadd.s32 $0xFFFFFF80  }
0xc0: {  	_ =	swait.ge [sflag:s31], $0x80  }
0xc1: {  	[sflag:s31] =	ssyncset.done $0x0  }
0xc2: {  	[sflag:s31] =	ssyncadd.s32 $0xFFFFFF80  }
0xc3: {  	_ =	swait.ge [sflag:s31], $0x80  }
0xc4: {  	[sflag:s31] =	ssyncset.done $0x0  }
0xc5: {  	[sflag:s31] =	ssyncadd.s32 $0xFFFFFF80  }
0xc6: {  	_ =	swait.ge [sflag:s31], $0x80  }
0xc7: {  	[sflag:s31] =	ssyncset.done $0x0  }
0xc8: {  	s9 =	rddreg [dreg:$0x3];
	[sflag:s31] =	ssyncadd.s32 $0xFFFFFF80  }
0xc9: {  	[hbm4b:s9+s1] =	stream.linear.scatter [tilespmem:s8], [sflag:$0x3], $0x180, $0x38;
	[tilespmem:$0x1000] =	vst v63  }
0xca: {  	_ =	swait.ge [sflag:s0], $0x180  }
0xcb: {  	[sflag:s0] =	ssyncset.done $0x0  }
0xcc: {  	s9 =	rddreg [dreg:$0x4];
	[sflag:s0] =	ssyncadd.s32 $0xFFFFFE80  }
0xcd: {  	[hbm4b:s9+s1] =	stream.linear.scatter [tilespmem:s13], [sflag:$0x3], $0x180, $0x38;
	[tilespmem:$0x1000] =	vst v63  }
0xce: {  	_ =	swait.ge [sflag:s0], $0x180  }
0xcf: {  	[sflag:s0] =	ssyncset.done $0x0  }
0xd0: {  	s9 =	rddreg [dreg:$0x5];
	[sflag:s0] =	ssyncadd.s32 $0xFFFFFE80  }
0xd1: {  	[hbm4b:s9+s1] =	stream.linear.scatter [tilespmem:s19], [sflag:$0x3], $0x180, $0x38;
	[tilespmem:$0x1000] =	vst v63  }
0xd2: {  	_ =	swait.ge [sflag:s0], $0x180  }
0xd3: {  	p0 =	sne.s32 s5, $0x1;
	[sflag:s0] =	ssyncset.done $0x0  }
.Ltmp0:
0xd4: {  	s9 =	rddreg [dreg:$0x6];
	[sflag:s0] =	ssyncadd.s32 $0xFFFFFE80;
	(pc) =	sbr.rel @p0 .LBB2_1-.Ltmp0, $4  }
0xd5: {  	[hbm4b:s9+s1] =	stream.linear.scatter [tilespmem:s25], [sflag:$0x3], $0x180, $0x38;
	[tilespmem:$0x1000] =	vst v63  }
0xd6: {  	_ =	swait.ge [sflag:s0], $0x180  }
0xd7: {  	[sflag:s0] =	ssyncset.done $0x0  }
0xd8: {  	s5 =	sadd.s32 $0xFFFFFFFF, s5;
	[sflag:s0] =	ssyncadd.s32 $0xFFFFFE80  }
0xd9: {  	_ =	sfence.sel $0x180000  }
0xda: {  	[bflag:$0x0] =	sbarrier.arrive $0xFFFF  }
0xdb: {  	_ =	strace $0x90000047  }
0xdc: {  	s0 =	stileid.u32;
	[bflag:$0x2] =	sbarrier.arrive $0xFFFF  }
0xdd: {  	p0 =	sne.s32 s0, $0x0;
	s0 =	rddreg [dreg:$0x2]  }
0xde: {  	s0 =	sadd.s32 @!p0 $0x100000, s0  }
0xdf: {  	[sflag:s0] =	ssyncadd.tile.s32 @!p0 $0x1;
	_ =	shalt  }
.Lfunc_end2:
_tile_overlayer_lowered:
.L_overlay_start_2:
0xe0: {  	(tag) =	ssettag $0x2  }
0xe1: {  	s0 =	rddreg [dreg:$0x0];
	s2 =	stileid.u32  }
0xe2: {  	s1 =	rddreg [dreg:$0x1];
	p0 =	sne.s32 s2, $0x0  }
0xe3: {  	s3 =	rddreg [dreg:$0x2];
	[bflag:$0x3] =	sbarrier.arrive $0xFFFF;
	s2 =	simm.s32 @!p0 $0x1C03  }
0xe4: {  	[timem:s3], [sflag:s2] =	dma.local @!p0 [hbm:s0], s1  }
0xe5: {  	s0 =	simm.s32 @!p0 $0x3  }
0xe6: {  	_ =	swait.ge @!p0 [sflag:s0], s1  }
0xe7: {  	s1 =	ssub.s32 @!p0 $0x0, s1;
	[sflag:s0] =	ssyncset.done @!p0 $0x0  }
0xe8: {  	[sflag:s0] =	ssyncadd.s32 @!p0 s1  }
0xe9: {  	[bflag:$0x3] =	sbarrier.arrive $0xFFFF  }
0xea: {  	_ =	shalt  }

// kernel: kernel.8.cloned.1.call-start
scs
__scs_entry_jumppad:
0x0: {  	(pc) =	sbr.rel $0x88, $3  }
0x1: {  	(tag) =	ssettag $0x0;
	lr =	simm.s32 $0x1  }
0x2: {  	[smem:$0x3F94] =	sst lr;
	_ =	strace $0xD0000000  }
0x3: {  	_ = 	snop  }
0x4: {  	_ = 	snop  }
0x5: {  	_ = 	snop  }
0x6: {  	_ = 	snop  }
0x7: {  	_ = 	snop  }
__scs_overlays_trampoline_lowered:
0x8: {  	[smem:$0x3FA3] =	sst s0  }
0x9: {  	[smem:$0x3FA4] =	sst s1  }
0xa: {  	[smem:$0x3FA5] =	sst s2  }
0xb: {  	[smem:$0x3FA6] =	sst s3  }
0xc: {  	[smem:$0x3FA7] =	sst s4  }
0xd: {  	[smem:$0x3FA8] =	sst s5  }
0xe: {  	[smem:$0x3FA9] =	sst s6  }
0xf: {  	[smem:$0x3FAA] =	sst s7  }
0x10: {  	[smem:$0x3FAB] =	sst s8  }
0x11: {  	[smem:$0x3FAC] =	sst s9;
	s0 =	simm.s32 @!p0 $0x0  }
0x12: {  	s1 =	sld [smem:$0x3F92];
	s0 =	simm.s32 @p0 $0x1  }
0x13: {  	[smem:$0x3FAD] =	sst s0;
	s0 =	simm.s32 @!p1 $0x0  }
0x14: {  	s2 =	sld [smem:$0x3F91];
	s0 =	simm.s32 @p1 $0x1  }
0x15: {  	[smem:$0x3FAE] =	sst s0;
	s0 =	simm.s32 @!p2 $0x0  }
0x16: {  	s3 =	sld [smem:$0x3FDB];
	s0 =	simm.s32 @p2 $0x1  }
0x17: {  	s4 =	simm.s32 $0x1BF5;
	[smem:$0x3FB0] =	sst s0  }
0x18: {  	s0 =	sld [smem:$0x3F93];
	_ =	swait.ge [sflag:s4], $0x0  }
0x19: {  	s7 =	sld [smem:$0x3F94]  }
0x1a: {  	s8 =	sadd.s32 $0xFFFFE003, lr  }
0x1b: {  	s9 =	sadd.s32 $0xFFFFFEF7, lr;
	s5 =	simm.s32 $0xFFFFFFFF;
	p2 =	slt.u32 s8, $0xFFFFF086  }
0x1c: {  	p1 =	slt.u32 s9, $0xF7A;
	s5 =	simm.s32 @!p2 $0x0  }
0x1d: {  	s5 =	simm.s32 @p1 $0x1;
	p0 =	seq.s32 s7, s2  }
0x1e: {  	s7 =	smul.u32 @!p0 $0xF7A, s2;
	p2 =	seq.s32 @!p0 s5, $0x0  }
0x1f: {  	s9 =	smul.u32 $0xF7A, s1;
	s8 =	simm.s32 @!p0 $0x1BF5;
	p2 =	por !p2, p0  }
0x20: {  	[sflag:s8] =	ssyncset.s32 @!p0 $0xFFFFF086;
	s6 =	sadd.s32 @!p0 s3, s7;
	s7 =	simm.s32 @!p0 $0x108  }
0x21: {  	s3 =	sadd.s32 s3, s9;
	s6 =	sadd.s32 @!p0 $0x88, s6;
	s7 =	simm.s32 @p2 $0x1082  }
0x22: {  	[simem:s7], [sflag:s8] =	dma.local @!p0 [hbm:s6], $0xF7A  }
0x23: {  	s9 =	sor.u32 $0xD0000000, s2;
	s6 =	simm.s32 $0x108;
	_ =	swait.ge @!p0 [sflag:s8], $0x0  }
0x24: {  	s3 =	sadd.s32 $0x88, s3;
	s6 =	simm.s32 @!p1 $0x1082;
	[sflag:s4] =	ssyncset.s32 $0xFFFFF086  }
0x25: {  	[simem:s6], [sflag:s4] =	dma.local [hbm:s3], $0xF7A  }
0x26: {  	[smem:$0x3F94] =	sst s1;
	(tag) =	ssettag s2;
	_ =	strace s9  }
0x27: {  	s1 =	sld [smem:$0x3FA4]  }
0x28: {  	s2 =	sld [smem:$0x3FA5]  }
0x29: {  	s4 =	sld [smem:$0x3FA7]  }
0x2a: {  	p0 =	seq.s32 s5, $0x0;
	s5 =	sld [smem:$0x3FA8]  }
0x2b: {  	s6 =	sld [smem:$0x3FA9]  }
0x2c: {  	s7 =	sld [smem:$0x3FAA]  }
0x2d: {  	s3 =	simm.s32 $0x108;
	s8 =	sld [smem:$0x3FAB]  }
0x2e: {  	s3 =	simm.s32 @!p0 $0x1082;
	s9 =	sld [smem:$0x3FAC]  }
0x2f: {  	lr =	sadd.s32 s0, s3;
	s0 =	sld [smem:$0x3FA3]  }
0x30: {  	s3 =	sld [smem:$0x3FA6]  }
0x31: {  	[smem:$0x3FAF] =	sst s10  }
0x32: {  	s10 =	sld [smem:$0x3FAD];
	_ =	sdelay $0x3  }
0x33: {  	p0 =	seq.s32 s10, $0x1;
	s10 =	sld [smem:$0x3FAF];
	_ =	sdelay $0x3  }
0x34: {  	[smem:$0x3FAF] =	sst s10  }
0x35: {  	s10 =	sld [smem:$0x3FAE];
	_ =	sdelay $0x3  }
0x36: {  	p1 =	seq.s32 s10, $0x1;
	s10 =	sld [smem:$0x3FAF];
	_ =	sdelay $0x3  }
0x37: {  	[smem:$0x3FAF] =	sst s10  }
0x38: {  	s10 =	sld [smem:$0x3FB0]  }
0x39: {  	_ = 	snop;
	(pc) =	sbr.ind lr, $3  }
0x3a: {  	_ = 	snop  }
0x3b: {  	_ = 	snop  }
0x3c: {  	p2 =	seq.s32 s10, $0x1;
	s10 =	sld [smem:$0x3FAF]  }
0x3d: {  	_ =	shalt  }
0x3e: {  	_ =	shalt  }
0x3f: {  	_ =	shalt  }
0x40: {  	_ =	shalt  }
0x41: {  	_ =	shalt  }
0x42: {  	_ =	shalt  }
0x43: {  	_ =	shalt  }
0x44: {  	_ =	shalt  }
0x45: {  	_ =	shalt  }
0x46: {  	_ =	shalt  }
0x47: {  	_ =	shalt  }
0x48: {  	_ =	shalt  }
0x49: {  	_ =	shalt  }
0x4a: {  	_ =	shalt  }
0x4b: {  	_ =	shalt  }
0x4c: {  	_ =	shalt  }
0x4d: {  	_ =	shalt  }
0x4e: {  	_ =	shalt  }
0x4f: {  	_ =	shalt  }
0x50: {  	_ =	shalt  }
0x51: {  	_ =	shalt  }
0x52: {  	_ =	shalt  }
0x53: {  	_ =	shalt  }
0x54: {  	_ =	shalt  }
0x55: {  	_ =	shalt  }
0x56: {  	_ =	shalt  }
0x57: {  	_ =	shalt  }
0x58: {  	_ =	shalt  }
0x59: {  	_ =	shalt  }
0x5a: {  	_ =	shalt  }
0x5b: {  	_ =	shalt  }
0x5c: {  	_ =	shalt  }
0x5d: {  	_ =	shalt  }
0x5e: {  	_ =	shalt  }
0x5f: {  	_ =	shalt  }
0x60: {  	_ =	shalt  }
0x61: {  	_ =	shalt  }
0x62: {  	_ =	shalt  }
0x63: {  	_ =	shalt  }
0x64: {  	_ =	shalt  }
0x65: {  	_ =	shalt  }
0x66: {  	_ =	shalt  }
0x67: {  	_ =	shalt  }
0x68: {  	_ =	shalt  }
0x69: {  	_ =	shalt  }
0x6a: {  	_ =	shalt  }
0x6b: {  	_ =	shalt  }
0x6c: {  	_ =	shalt  }
0x6d: {  	_ =	shalt  }
0x6e: {  	_ =	shalt  }
0x6f: {  	_ =	shalt  }
0x70: {  	_ =	shalt  }
0x71: {  	_ =	shalt  }
0x72: {  	_ =	shalt  }
0x73: {  	_ =	shalt  }
0x74: {  	_ =	shalt  }
0x75: {  	_ =	shalt  }
0x76: {  	_ =	shalt  }
0x77: {  	_ =	shalt  }
0x78: {  	_ =	shalt  }
0x79: {  	_ =	shalt  }
0x7a: {  	_ =	shalt  }
0x7b: {  	_ =	shalt  }
0x7c: {  	_ =	shalt  }
0x7d: {  	_ =	shalt  }
0x7e: {  	_ =	shalt  }
0x7f: {  	_ =	shalt  }
0x80: {  	_ =	shalt  }
0x81: {  	_ =	shalt  }
0x82: {  	_ =	shalt  }
0x83: {  	_ =	shalt  }
0x84: {  	_ =	shalt  }
0x85: {  	_ =	shalt  }
0x86: {  	_ =	shalt  }
0x87: {  	_ =	shalt  }
.Lfunc_end0:
.L_simem_size_0:
called_computation.1_lowered:
.L_overlay_start_0:
0x88: {  	s2 =	sld [smem:$0x3FD9]  }
0x89: {  	s3 =	sld [smem:$0x3FFE];
	_ =	sdelay $0x1  }
0x8a: {  	s1 =	srdreg.scid  }
0x8b: {  	s0 =	sand.u32 $0x1, s1  }
0x8c: {  	s17 =	sshll.u32 s0, $0xA;
	s2 =	sadd.s32 s3, s2  }
0x8d: {  	s2 =	sadd.s32 s2, s17  }
0x8e: {  	[smem:$0x3FBB] =	sst s2  }
0x8f: {  	_ = 	snop  }
0x90: {  	s2 =	sld [smem:$0x3FD0];
	(tm) =	ssettm $0x1  }
0x91: {  	s18 =	sld [smem:$0x3FFB];
	_ =	sdelay $0x3  }
0x92: {  	_ =	strace s18  }
0x93: {  	s3 =	sld [smem:$0x3FFC];
	_ =	sdelay $0x3  }
0x94: {  	_ =	strace s3  }
0x95: {  	s3 =	sld [smem:$0x3FFD];
	_ =	sdelay $0x3  }
0x96: {  	_ =	strace s3  }
0x97: {  	_ =	strace $0x8FFFFFFF  }
0x98: {  	s19 =	sld [smem:$0x3FDB];
	_ =	sdelay $0x1  }
0x99: {  	s4 =	simm.s32 $_scs_section_size  }
0x9a: {  	s5 =	simm.s32 $_size__tile_overlayer_lowered;
	s6 =	simm.s32 $_tile_overlayer_lowered  }
0x9b: {  	s22 =	simm.s32 $0x1BFF;
	s21 =	sshll.u32 s6, $0x1;
	s3 =	sadd.s32 s4, s19  }
0x9c: {  	s7 =	simm.s32 $0x0;
	s20 =	sshll.u32 s5, $0x1;
	s5 =	sadd.s32 s21, s3  }
0x9d: {  	[timem:s7], [sflag:s22] =	dma.local [hbm:s5], s20  }
0x9e: {  	_ =	swait.ge [sflag:s22], s20  }
0x9f: {  	s4 =	ssub.s32 $0x0, s20;
	[sflag:s22] =	ssyncset.done $0x0  }
0xa0: {  	[sflag:s22] =	ssyncadd.s32 s4;
	_ =	sdelay $0x1  }
0xa1: {  	s23 =	simm.s32 $0x1B8B  }
0xa2: {  	_ =	swait.ge [sflag:s23], $0x1  }
0xa3: {  	[sflag:s23] =	ssyncset.done $0x0  }
0xa4: {  	s25 =	simm.s32 $0x1B8E;
	s24 =	sld [smem:$0x3FFE];
	[sflag:s23] =	ssyncadd.s32 $0xFFFFFFFF  }
0xa5: {  	s26 =	simm.s32 $execute0_lowered;
	[smem:$0x3FD2] =	sst s25  }
0xa6: {  	s5 =	sshll.u32 s26, $0x1;
	_ =	strace $0x80000049;
	[dreg:$0x1] =	wrdreg $0xFFFFFFFF  }
0xa7: {  	s28 =	simm.s32 $_size_execute0_lowered;
	s3 =	sadd.s32 s3, s5;
	[dreg:$0x0] =	wrdreg $0x0  }
0xa8: {  	s5 =	sshll.u32 s28, $0x1;
	[dreg:$0x2] =	wrdreg s3  }
0xa9: {  	[dreg:$0x3] =	wrdreg s5  }
0xaa: {  	[dreg:$0x4] =	wrdreg $0xC0  }
0xab: {  	_ =	task [dreg:s7], $0x5FFFF  }
0xac: {  	[dreg:$0x1] =	wrdreg $0xFFFFFFFF  }
0xad: {  	[dreg:$0x0] =	wrdreg $0x60  }
0xae: {  	[dreg:$0x2] =	wrdreg s2  }
0xaf: {  	[dreg:$0x3] =	wrdreg s24  }
0xb0: {  	[dreg:$0x4] =	wrdreg $0x9  }
0xb1: {  	_ =	task.clear_ibuf [dreg:s7], $0x5FFFF;
	_ =	strace $0x90000049  }
0xb2: {  	s29 =	simm.s32 $0x9;
	_ =	strace $0x8000004B  }
0xb3: {  	_ =	swait.ge [sflag:s29], $0x1  }
0xb4: {  	[sflag:s29] =	ssyncadd.s32 $0xFFFFFFFF  }
0xb5: {  	_ =	strace $0x9000004B  }
0xb6: {  	_ =	sfence  }
0xb7: {  	s30 =	sld [smem:$0x0];
	_ =	sdelay $0x2  }
0xb8: {  	s31 =	sshll.u32 s1, $0xD;
	s1 =	sshrl.u32 s1, $0x2  }
0xb9: {  	s3 =	sand.u32 $0x4000, s31;
	s1 =	sadd.s32 s1, s30  }
0xba: {  	s0 =	sor.u32 s3, s0;
	s1 =	sshll.u32 s1, $0x11  }
0xbb: {  	s0 =	sor.u32 s1, s0  }
0xbc: {  	s0 =	sadd.s32 $0x8F2B, s0  }
0xbd: {  	[sflag:s0] =	ssyncadd.remote.s32 $0x1  }
0xbe: {  	_ =	sfence.sel $0xFFFF  }
0xbf: {  	[dreg:$0x0] =	wrdreg $0xFFFFFFFF;
	(pc) =	sbr.abs _section_cstart, $3  }
0xc0: {  	[dreg:$0x1] =	wrdreg $0xFFFFFFFF  }
0xc1: {  	_ =	task.clear_ibuf [dreg:s7], $0x2FFFF;
	_ =	strace $0x9FFFFFFF  }
0xc2: {  	(tm) =	ssettm $0x7FFFFFFF  }
0xc3: {  	_ =	shalt  }
tec
execute0_lowered:
.L_overlay_start_1:
0x0: {  	(tag) =	ssettag $0x1  }
0x1: {  	s0 =	rddreg [dreg:$0x0]  }
0x2: {  	s4 =	rddreg [dreg:$0x1];
	s2 =	srdreg.scid  }
0x3: {  	s1 =	stileid.u32;
	s24 =	simm.s32 $0x100;
	s25 =	simm.s32 $0x180  }
0x4: {  	s26 =	simm.s32 $0x200;
	s13 =	simm.s32 $0x880;
	s14 =	simm.s32 $0x300  }
0x5: {  	s15 =	simm.s32 $0x900;
	s16 =	simm.s32 $0x380;
	s17 =	simm.s32 $0x400  }
0x6: {  	s18 =	simm.s32 $0xA80;
	s19 =	simm.s32 $0x480;
	s20 =	simm.s32 $0xB00  }
0x7: {  	s28 =	simm.s32 $0x700;
	s29 =	simm.s32 $0xE80;
	s30 =	simm.s32 $0x780  }
0x8: {  	v5 =	vlaneseq.u32;
	s31 =	simm.s32 $0xF00;
	s5 =	sand.u32 $0x1, s2;
	s2 =	simm.s32 $0x0  }
0x9: {  	s6 =	sshll.u32 s1, $0x2;
	v5 =	vmul.u32 $0x24000, v5;
	s3 =	sshll.u32 s5, $0x6;
	[smem:$0x7FF] =	sst s2  }
0xa: {  	v8 =	vimm.s32 $0x0;
	s5 =	ssub.s32 $0x2, s5;
	_ =	strace $0x8000004A;
	[dreg:$0x7] =	wrdreg s24  }
0xb: {  	s6 =	sor.u32 s6, s3;
	s3 =	sadd.s32 $0x200, s4;
	[dreg:$0x8] =	wrdreg s25;
	v9 =	vadd.s32 $0x240000, v5;
	v10 =	vadd.s32 $0x480000, v5;
	v11 =	vadd.s32 $0x6C0000, v5  }
0xc: {  	s12 =	sshrl.u32 s5, $0x1;
	s4 =	sadd.s32 $0x400, s4;
	v12 =	vadd.s32 $0x900000, v5;
	v13 =	vadd.s32 $0xB40000, v5;
	[dreg:$0x9] =	wrdreg s26;
	v14 =	vadd.s32 $0xD80000, v5  }
0xd: {  	v15 =	vadd.s32 $0xFC0000, v5;
	v16 =	vadd.s32 $0x1200000, v5;
	v17 =	vadd.s32 $0x1440000, v5;
	s24 =	simm.s32 $0x600;
	s25 =	simm.s32 $0xD00;
	s26 =	simm.s32 $0x680  }
0xe: {  	v18 =	vadd.s32 $0x1680000, v5;
	v19 =	vadd.s32 $0x18C0000, v5;
	v20 =	vadd.s32 $0x1B00000, v5;
	s7 =	sshll.u32 s6, $0x6;
	s8 =	sor.u32 $0x1, s6;
	s9 =	sor.u32 $0x2, s6  }
0xf: {  	v21 =	vadd.s32 $0x1D40000, v5;
	v22 =	vadd.s32 $0x1F80000, v5;
	s11 =	sor.u32 $0x3, s6;
	v0 =	vmov s6;
	s5 =	ssub.s32 s5, s12;
	s6 =	simm.s32 $0x800  }
0x10: {  	v23 =	vadd.s32 $0x21C0000, v5;
	v24 =	vor.u32 $0x2400000, v5;
	v25 =	vadd.s32 $0x2640000, v5;
	s7 =	sadd.s32 s0, s7;
	s21 =	sshll.u32 s8, $0x6;
	s10 =	sshll.u32 s9, $0x6  }
0x11: {  	v26 =	vadd.s32 $0x2880000, v5;
	v27 =	vadd.s32 $0x2AC0000, v5;
	s23 =	sshll.u32 s11, $0x6;
	v1 =	vmov s8;
	s5 =	smax.u32 s5, $0x1;
	s8 =	simm.s32 $0xA00  }
0x12: {  	v28 =	vadd.s32 $0x2D00000, v5;
	v29 =	vadd.s32 $0x2F40000, v5;
	v2 =	vmov s9;
	s9 =	simm.s32 $0xC00;
	[dreg:$0x3] =	wrdreg s7;
	s7 =	sadd.s32 s0, s21  }
0x13: {  	v30 =	vadd.s32 $0x3180000, v5;
	v3 =	vmov s11;
	vm0 =	vgt.u32 v0, $0x3F;
	s11 =	simm.s32 $0x2;
	s22 =	sadd.s32 s0, s10;
	[dreg:$0x4] =	wrdreg s7  }
0x14: {  	v31 =	vadd.s32 $0x33C0000, v5;
	s0 =	sadd.s32 s0, s23;
	v4 =	vsel vm0, $0x3600000, v8;
	vm0 =	vgt.u32 v1, $0x3F;
	s10 =	simm.s32 $0xE00;
	[dreg:$0x5] =	wrdreg s22  }
0x15: {  	vm1 =	vgt.u32 v2, $0x3F;
	vm2 =	vgt.u32 v3, $0x3F;
	s21 =	simm.s32 $0x500;
	s23 =	simm.s32 $0xC80;
	[dreg:$0x6] =	wrdreg s0;
	v6 =	vsel vm0, $0x3600000, v8  }
0x16: {  	s7 =	simm.s32 $0x80;
	v7 =	vsel vm1, $0x3600000, v8;
	v8 =	vsel vm2, $0x3600000, v8;
	vm0 =	vmmov $0xffff;
	s22 =	simm.s32 $0x580;
	s0 =	simm.s32 $0x1  }
.LBB2_1:
0x17: {  	[tilespmem:s2], [sflag:$0x2] =	stream.indirect_vreg.gather [hbm4b:s3+s2], $0x1, v0, vm0, $0xb8;
	[tilespmem:$0x1000] =	vst v63  }
0x18: {  	s1 =	rddreg [dreg:$0x3]  }
0x19: {  	[tilespmem:s6], [sflag:$0x2] =	stream.linear.gather [hbm4b:s1+s2], $0x180, $0x38;
	[tilespmem:$0x1000] =	vst v63  }
0x1a: {  	_ = 	snop  }
0x1b: {  	[tilespmem:s7], [sflag:$0x2] =	stream.indirect_vreg.gather [hbm4b:s3+s2], $0x1, v1, vm0, $0xb8;
	[tilespmem:$0x1000] =	vst v63  }
0x1c: {  	s1 =	rddreg [dreg:$0x4]  }
0x1d: {  	[tilespmem:s8], [sflag:$0x2] =	stream.linear.gather [hbm4b:s1+s2], $0x180, $0x38;
	[tilespmem:$0x1000] =	vst v63  }
0x1e: {  	s12 =	rddreg [dreg:$0x7]  }
0x1f: {  	[tilespmem:s12], [sflag:$0x2] =	stream.indirect_vreg.gather [hbm4b:s3+s2], $0x1, v2, vm0, $0xb8;
	[tilespmem:$0x1000] =	vst v63  }
0x20: {  	s1 =	rddreg [dreg:$0x5]  }
0x21: {  	[tilespmem:s9], [sflag:$0x2] =	stream.linear.gather [hbm4b:s1+s2], $0x180, $0x38;
	[tilespmem:$0x1000] =	vst v63  }
0x22: {  	s12 =	rddreg [dreg:$0x8]  }
0x23: {  	[tilespmem:s12], [sflag:$0x2] =	stream.indirect_vreg.gather [hbm4b:s3+s2], $0x1, v3, vm0, $0xb8;
	[tilespmem:$0x1000] =	vst v63  }
0x24: {  	s1 =	rddreg [dreg:$0x6]  }
0x25: {  	[tilespmem:s10], [sflag:$0x2] =	stream.linear.gather [hbm4b:s1+s2], $0x180, $0x38;
	[tilespmem:$0x1000] =	vst v63  }
0x26: {  	_ =	swait.ge [sflag:s11], $0x10  }
0x27: {  	[sflag:s11] =	ssyncset.done $0x0  }
0x28: {  	[sflag:s11] =	ssyncadd.s32 $0xFFFFFFF0  }
0x29: {  	_ =	swait.ge [sflag:s11], $0x180  }
0x2a: {  	[sflag:s11] =	ssyncset.done $0x0  }
0x2b: {  	[sflag:s11] =	ssyncadd.s32 $0xFFFFFE80  }
0x2c: {  	_ =	swait.ge [sflag:s11], $0x10  }
0x2d: {  	[sflag:s11] =	ssyncset.done $0x0  }
0x2e: {  	[sflag:s11] =	ssyncadd.s32 $0xFFFFFFF0  }
0x2f: {  	_ =	swait.ge [sflag:s11], $0x180  }
0x30: {  	[sflag:s11] =	ssyncset.done $0x0  }
0x31: {  	[sflag:s11] =	ssyncadd.s32 $0xFFFFFE80  }
0x32: {  	_ =	swait.ge [sflag:s11], $0x10  }
0x33: {  	[sflag:s11] =	ssyncset.done $0x0  }
0x34: {  	[sflag:s11] =	ssyncadd.s32 $0xFFFFFFF0  }
0x35: {  	_ =	swait.ge [sflag:s11], $0x180  }
0x36: {  	[sflag:s11] =	ssyncset.done $0x0  }
0x37: {  	[sflag:s11] =	ssyncadd.s32 $0xFFFFFE80  }
0x38: {  	_ =	swait.ge [sflag:s11], $0x10  }
0x39: {  	[sflag:s11] =	ssyncset.done $0x0  }
0x3a: {  	[sflag:s11] =	ssyncadd.s32 $0xFFFFFFF0  }
0x3b: {  	_ =	swait.ge [sflag:s11], $0x180  }
0x3c: {  	[sflag:s11] =	ssyncset.done $0x0  }
0x3d: {  	[sflag:s11] =	ssyncadd.s32 $0xFFFFFE80  }
0x3e: {  	v32 =	vld [tilespmem:$0x0];
	_ =	sdelay $0x4  }
0x3f: {  	v32 =	vadd.s32 v4, v32  }
0x40: {  	v33 =	vadd.s32 v5, v32  }
0x41: {  	v49 =	vadd.s32 v9, v32;
	[tilespmem:$0x200] =	vst v33  }
0x42: {  	v50 =	vadd.s32 v10, v32;
	[tilespmem:$0x210] =	vst v49  }
0x43: {  	v51 =	vadd.s32 v11, v32;
	[tilespmem:$0x220] =	vst v50  }
0x44: {  	v52 =	vadd.s32 v12, v32;
	[tilespmem:$0x230] =	vst v51  }
0x45: {  	v53 =	vadd.s32 v13, v32;
	[tilespmem:$0x240] =	vst v52  }
0x46: {  	v54 =	vadd.s32 v14, v32;
	[tilespmem:$0x250] =	vst v53  }
0x47: {  	v55 =	vadd.s32 v15, v32;
	[tilespmem:$0x260] =	vst v54  }
0x48: {  	v56 =	vadd.s32 v16, v32;
	[tilespmem:$0x270] =	vst v55  }
0x49: {  	v57 =	vadd.s32 v17, v32;
	[tilespmem:$0x280] =	vst v56  }
0x4a: {  	v58 =	vadd.s32 v18, v32;
	[tilespmem:$0x290] =	vst v57  }
0x4b: {  	v59 =	vadd.s32 v19, v32;
	[tilespmem:$0x2A0] =	vst v58  }
0x4c: {  	v60 =	vadd.s32 v20, v32;
	[tilespmem:$0x2B0] =	vst v59  }
0x4d: {  	v61 =	vadd.s32 v21, v32;
	[tilespmem:$0x2C0] =	vst v60  }
0x4e: {  	v62 =	vadd.s32 v22, v32;
	[tilespmem:$0x2D0] =	vst v61  }
0x4f: {  	v63 =	vadd.s32 v23, v32;
	[tilespmem:$0x2E0] =	vst v62  }
0x50: {  	v36 =	vadd.s32 v24, v32;
	[tilespmem:$0x2F0] =	vst v63  }
0x51: {  	v37 =	vadd.s32 v25, v32;
	[tilespmem:$0x300] =	vst v36  }
0x52: {  	v34 =	vld [tilespmem:$0x80];
	v38 =	vadd.s32 v26, v32;
	[tilespmem:$0x310] =	vst v37  }
0x53: {  	v39 =	vadd.s32 v27, v32;
	[tilespmem:$0x320] =	vst v38  }
0x54: {  	v40 =	vadd.s32 v28, v32;
	[tilespmem:$0x330] =	vst v39  }
0x55: {  	v41 =	vadd.s32 v29, v32;
	[tilespmem:$0x340] =	vst v40  }
0x56: {  	v42 =	vadd.s32 v30, v32;
	[tilespmem:$0x350] =	vst v41  }
0x57: {  	v43 =	vadd.s32 v6, v34;
	v32 =	vadd.s32 v31, v32;
	[tilespmem:$0x360] =	vst v42  }
0x58: {  	v44 =	vadd.s32 v5, v43;
	[tilespmem:$0x370] =	vst v32  }
0x59: {  	v45 =	vadd.s32 v9, v43;
	[tilespmem:$0x380] =	vst v44  }
0x5a: {  	v46 =	vadd.s32 v10, v43;
	[tilespmem:$0x390] =	vst v45  }
0x5b: {  	v47 =	vadd.s32 v11, v43;
	[tilespmem:$0x3A0] =	vst v46  }
0x5c: {  	v48 =	vadd.s32 v12, v43;
	[tilespmem:$0x3B0] =	vst v47  }
0x5d: {  	[tilespmem:$0x3C0] =	vst v48;
	v49 =	vadd.s32 v13, v43  }
0x5e: {  	v50 =	vadd.s32 v14, v43;
	[tilespmem:$0x3D0] =	vst v49  }
0x5f: {  	v51 =	vadd.s32 v15, v43;
	[tilespmem:$0x3E0] =	vst v50  }
0x60: {  	v52 =	vadd.s32 v16, v43;
	[tilespmem:$0x3F0] =	vst v51  }
0x61: {  	v53 =	vadd.s32 v17, v43;
	[tilespmem:$0x400] =	vst v52  }
0x62: {  	v54 =	vadd.s32 v18, v43;
	[tilespmem:$0x410] =	vst v53  }
0x63: {  	v55 =	vadd.s32 v19, v43;
	[tilespmem:$0x420] =	vst v54  }
0x64: {  	v56 =	vadd.s32 v20, v43;
	[tilespmem:$0x430] =	vst v55  }
0x65: {  	v57 =	vadd.s32 v21, v43;
	[tilespmem:$0x440] =	vst v56  }
0x66: {  	v58 =	vadd.s32 v22, v43;
	[tilespmem:$0x450] =	vst v57  }
0x67: {  	v59 =	vadd.s32 v23, v43;
	[tilespmem:$0x460] =	vst v58  }
0x68: {  	v60 =	vadd.s32 v24, v43;
	[tilespmem:$0x470] =	vst v59  }
0x69: {  	v61 =	vadd.s32 v25, v43;
	[tilespmem:$0x480] =	vst v60  }
0x6a: {  	v62 =	vadd.s32 v26, v43;
	v63 =	vld [tilespmem:$0x100];
	[tilespmem:$0x490] =	vst v61  }
0x6b: {  	v36 =	vadd.s32 v27, v43;
	[tilespmem:$0x4A0] =	vst v62  }
0x6c: {  	v37 =	vadd.s32 v28, v43;
	[tilespmem:$0x4B0] =	vst v36  }
0x6d: {  	v38 =	vadd.s32 v29, v43;
	[tilespmem:$0x4C0] =	vst v37  }
0x6e: {  	v39 =	vadd.s32 v30, v43;
	[tilespmem:$0x4D0] =	vst v38  }
0x6f: {  	v40 =	vadd.s32 v31, v43;
	[tilespmem:$0x4E0] =	vst v39;
	v41 =	vadd.s32 v7, v63  }
0x70: {  	[tilespmem:$0x4F0] =	vst v40;
	v42 =	vadd.s32 v5, v41  }
0x71: {  	v43 =	vadd.s32 v9, v41;
	[tilespmem:$0x500] =	vst v42  }
0x72: {  	v44 =	vadd.s32 v10, v41;
	[tilespmem:$0x510] =	vst v43  }
0x73: {  	v45 =	vadd.s32 v11, v41;
	[tilespmem:$0x520] =	vst v44  }
0x74: {  	v46 =	vadd.s32 v12, v41;
	[tilespmem:$0x530] =	vst v45  }
0x75: {  	v47 =	vadd.s32 v13, v41;
	[tilespmem:$0x540] =	vst v46  }
0x76: {  	v48 =	vadd.s32 v14, v41;
	[tilespmem:$0x550] =	vst v47  }
0x77: {  	v49 =	vadd.s32 v15, v41;
	[tilespmem:$0x560] =	vst v48  }
0x78: {  	v50 =	vadd.s32 v16, v41;
	[tilespmem:$0x570] =	vst v49  }
0x79: {  	v51 =	vadd.s32 v17, v41;
	[tilespmem:$0x580] =	vst v50  }
0x7a: {  	v52 =	vadd.s32 v18, v41;
	[tilespmem:$0x590] =	vst v51  }
0x7b: {  	v53 =	vadd.s32 v19, v41;
	[tilespmem:$0x5A0] =	vst v52  }
0x7c: {  	v54 =	vadd.s32 v20, v41;
	[tilespmem:$0x5B0] =	vst v53  }
0x7d: {  	v55 =	vadd.s32 v21, v41;
	[tilespmem:$0x5C0] =	vst v54  }
0x7e: {  	v56 =	vadd.s32 v22, v41;
	[tilespmem:$0x5D0] =	vst v55  }
0x7f: {  	v57 =	vadd.s32 v23, v41;
	[tilespmem:$0x5E0] =	vst v56  }
0x80: {  	v58 =	vadd.s32 v24, v41;
	[tilespmem:$0x5F0] =	vst v57  }
0x81: {  	v59 =	vadd.s32 v25, v41;
	[tilespmem:$0x600] =	vst v58  }
0x82: {  	v61 =	vld [tilespmem:$0x180];
	v60 =	vadd.s32 v26, v41;
	[tilespmem:$0x610] =	vst v59  }
0x83: {  	v62 =	vadd.s32 v27, v41;
	[tilespmem:$0x620] =	vst v60  }
0x84: {  	v63 =	vadd.s32 v28, v41;
	[tilespmem:$0x630] =	vst v62  }
0x85: {  	v36 =	vadd.s32 v29, v41;
	[tilespmem:$0x640] =	vst v63  }
0x86: {  	v37 =	vadd.s32 v30, v41;
	[tilespmem:$0x650] =	vst v36  }
0x87: {  	v38 =	vadd.s32 v31, v41;
	v39 =	vadd.s32 v8, v61;
	[tilespmem:$0x660] =	vst v37  }
0x88: {  	[tilespmem:$0x670] =	vst v38;
	v40 =	vadd.s32 v5, v39  }
0x89: {  	v41 =	vadd.s32 v9, v39;
	[tilespmem:$0x680] =	vst v40  }
0x8a: {  	v42 =	vadd.s32 v10, v39;
	[tilespmem:$0x690] =	vst v41  }
0x8b: {  	v43 =	vadd.s32 v11, v39;
	[tilespmem:$0x6A0] =	vst v42  }
0x8c: {  	v44 =	vadd.s32 v12, v39;
	[tilespmem:$0x6B0] =	vst v43  }
0x8d: {  	v45 =	vadd.s32 v13, v39;
	[tilespmem:$0x6C0] =	vst v44  }
0x8e: {  	v46 =	vadd.s32 v14, v39;
	[tilespmem:$0x6D0] =	vst v45  }
0x8f: {  	v47 =	vadd.s32 v15, v39;
	[tilespmem:$0x6E0] =	vst v46  }
0x90: {  	v48 =	vadd.s32 v16, v39;
	[tilespmem:$0x6F0] =	vst v47  }
0x91: {  	v49 =	vadd.s32 v17, v39;
	[tilespmem:$0x700] =	vst v48  }
0x92: {  	v50 =	vadd.s32 v18, v39;
	[tilespmem:$0x710] =	vst v49  }
0x93: {  	v51 =	vadd.s32 v19, v39;
	[tilespmem:$0x720] =	vst v50  }
0x94: {  	v52 =	vadd.s32 v20, v39;
	[tilespmem:$0x730] =	vst v51  }
0x95: {  	v53 =	vadd.s32 v21, v39;
	[tilespmem:$0x740] =	vst v52  }
0x96: {  	v54 =	vadd.s32 v22, v39;
	[tilespmem:$0x750] =	vst v53  }
0x97: {  	v55 =	vadd.s32 v23, v39;
	[tilespmem:$0x760] =	vst v54  }
0x98: {  	v56 =	vadd.s32 v24, v39;
	[tilespmem:$0x770] =	vst v55  }
0x99: {  	v57 =	vadd.s32 v25, v39;
	[tilespmem:$0x780] =	vst v56  }
0x9a: {  	v58 =	vadd.s32 v26, v39;
	[tilespmem:$0x790] =	vst v57  }
0x9b: {  	v59 =	vadd.s32 v27, v39;
	[tilespmem:$0x7A0] =	vst v58  }
0x9c: {  	v60 =	vadd.s32 v28, v39;
	[tilespmem:$0x7B0] =	vst v59  }
0x9d: {  	v61 =	vadd.s32 v29, v39;
	[tilespmem:$0x7C0] =	vst v60  }
0x9e: {  	v62 =	vadd.s32 v30, v39;
	[tilespmem:$0x7D0] =	vst v61  }
0x9f: {  	v63 =	vadd.s32 v31, v39;
	[tilespmem:$0x7E0] =	vst v62  }
0xa0: {  	s12 =	rddreg [dreg:$0x9];
	[tilespmem:$0x7F0] =	vst v63  }
0xa1: {  	[hbm4b:s4+s7] =	stream.indirect.scatter [tilespmem:s6], [sflag:$0x1], $0x1, s12, s7, $0xb8;
	[tilespmem:$0x1000] =	vst v63  }
0xa2: {  	s12 =	simm.s32 $0x280  }
0xa3: {  	[hbm4b:s4+s7] =	stream.indirect.scatter [tilespmem:s13], [sflag:$0x1], $0x1, s12, s7, $0xb8;
	[tilespmem:$0x1000] =	vst v63  }
0xa4: {  	_ = 	snop  }
0xa5: {  	[hbm4b:s4+s7] =	stream.indirect.scatter [tilespmem:s15], [sflag:$0x1], $0x1, s14, s7, $0xb8;
	[tilespmem:$0x1000] =	vst v63  }
0xa6: {  	_ = 	snop  }
0xa7: {  	[hbm4b:s4+s7] =	stream.indirect.scatter [tilespmem:s8], [sflag:$0x1], $0x1, s16, s7, $0xb8;
	[tilespmem:$0x1000] =	vst v63  }
0xa8: {  	_ = 	snop  }
0xa9: {  	[hbm4b:s4+s7] =	stream.indirect.scatter [tilespmem:s18], [sflag:$0x1], $0x1, s17, s7, $0xb8;
	[tilespmem:$0x1000] =	vst v63  }
0xaa: {  	_ = 	snop  }
0xab: {  	[hbm4b:s4+s7] =	stream.indirect.scatter [tilespmem:s20], [sflag:$0x1], $0x1, s19, s7, $0xb8;
	[tilespmem:$0x1000] =	vst v63  }
0xac: {  	_ = 	snop  }
0xad: {  	[hbm4b:s4+s7] =	stream.indirect.scatter [tilespmem:s9], [sflag:$0x1], $0x1, s21, s7, $0xb8;
	[tilespmem:$0x1000] =	vst v63  }
0xae: {  	_ = 	snop  }
0xaf: {  	[hbm4b:s4+s7] =	stream.indirect.scatter [tilespmem:s23], [sflag:$0x1], $0x1, s22, s7, $0xb8;
	[tilespmem:$0x1000] =	vst v63  }
0xb0: {  	_ = 	snop  }
0xb1: {  	[hbm4b:s4+s7] =	stream.indirect.scatter [tilespmem:s25], [sflag:$0x1], $0x1, s24, s7, $0xb8;
	[tilespmem:$0x1000] =	vst v63  }
0xb2: {  	_ = 	snop  }
0xb3: {  	[hbm4b:s4+s7] =	stream.indirect.scatter [tilespmem:s10], [sflag:$0x1], $0x1, s26, s7, $0xb8;
	[tilespmem:$0x1000] =	vst v63  }
0xb4: {  	_ = 	snop  }
0xb5: {  	[hbm4b:s4+s7] =	stream.indirect.scatter [tilespmem:s29], [sflag:$0x1], $0x1, s28, s7, $0xb8;
	[tilespmem:$0x1000] =	vst v63  }
0xb6: {  	_ = 	snop  }
0xb7: {  	[hbm4b:s4+s7] =	stream.indirect.scatter [tilespmem:s31], [sflag:$0x1], $0x1, s30, s7, $0xb8;
	[tilespmem:$0x1000] =	vst v63  }
0xb8: {  	_ =	swait.ge [sflag:s0], $0x80  }
0xb9: {  	[sflag:s0] =	ssyncset.done $0x0  }
0xba: {  	[sflag:s0] =	ssyncadd.s32 $0xFFFFFF80  }
0xbb: {  	_ =	swait.ge [sflag:s0], $0x80  }
0xbc: {  	[sflag:s0] =	ssyncset.done $0x0  }
0xbd: {  	[sflag:s0] =	ssyncadd.s32 $0xFFFFFF80  }
0xbe: {  	_ =	swait.ge [sflag:s0], $0x80  }
0xbf: {  	[sflag:s0] =	ssyncset.done $0x0  }
0xc0: {  	[sflag:s0] =	ssyncadd.s32 $0xFFFFFF80  }
0xc1: {  	_ =	swait.ge [sflag:s0], $0x80  }
0xc2: {  	[sflag:s0] =	ssyncset.done $0x0  }
0xc3: {  	[sflag:s0] =	ssyncadd.s32 $0xFFFFFF80  }
0xc4: {  	_ =	swait.ge [sflag:s0], $0x80  }
0xc5: {  	[sflag:s0] =	ssyncset.done $0x0  }
0xc6: {  	[sflag:s0] =	ssyncadd.s32 $0xFFFFFF80  }
0xc7: {  	_ =	swait.ge [sflag:s0], $0x80  }
0xc8: {  	[sflag:s0] =	ssyncset.done $0x0  }
0xc9: {  	[sflag:s0] =	ssyncadd.s32 $0xFFFFFF80  }
0xca: {  	_ =	swait.ge [sflag:s0], $0x80  }
0xcb: {  	[sflag:s0] =	ssyncset.done $0x0  }
0xcc: {  	[sflag:s0] =	ssyncadd.s32 $0xFFFFFF80  }
0xcd: {  	_ =	swait.ge [sflag:s0], $0x80  }
0xce: {  	[sflag:s0] =	ssyncset.done $0x0  }
0xcf: {  	[sflag:s0] =	ssyncadd.s32 $0xFFFFFF80  }
0xd0: {  	_ =	swait.ge [sflag:s0], $0x80  }
0xd1: {  	[sflag:s0] =	ssyncset.done $0x0  }
0xd2: {  	[sflag:s0] =	ssyncadd.s32 $0xFFFFFF80  }
0xd3: {  	_ =	swait.ge [sflag:s0], $0x80  }
0xd4: {  	[sflag:s0] =	ssyncset.done $0x0  }
0xd5: {  	[sflag:s0] =	ssyncadd.s32 $0xFFFFFF80  }
0xd6: {  	p0 =	sne.s32 s5, $0x1;
	_ =	swait.ge [sflag:s0], $0x80  }
.Ltmp0:
0xd7: {  	[sflag:s0] =	ssyncset.done $0x0;
	(pc) =	sbr.rel @p0 .LBB2_1-.Ltmp0, $4  }
0xd8: {  	[sflag:s0] =	ssyncadd.s32 $0xFFFFFF80  }
0xd9: {  	_ =	swait.ge [sflag:s0], $0x80  }
0xda: {  	[sflag:s0] =	ssyncset.done $0x0  }
0xdb: {  	s5 =	sadd.s32 $0xFFFFFFFF, s5;
	[sflag:s0] =	ssyncadd.s32 $0xFFFFFF80  }
0xdc: {  	_ =	sfence.sel $0x180000  }
0xdd: {  	[bflag:$0x0] =	sbarrier.arrive $0xFFFF  }
0xde: {  	_ =	strace $0x9000004A  }
0xdf: {  	s0 =	stileid.u32;
	[bflag:$0x2] =	sbarrier.arrive $0xFFFF  }
0xe0: {  	p0 =	sne.s32 s0, $0x0;
	s0 =	rddreg [dreg:$0x2]  }
0xe1: {  	s0 =	sadd.s32 @!p0 $0x100000, s0  }
0xe2: {  	[sflag:s0] =	ssyncadd.tile.s32 @!p0 $0x1;
	_ =	shalt  }
.Lfunc_end2:
_tile_overlayer_lowered:
.L_overlay_start_2:
0xe3: {  	(tag) =	ssettag $0x2  }
0xe4: {  	s0 =	rddreg [dreg:$0x0];
	s2 =	stileid.u32  }
0xe5: {  	s1 =	rddreg [dreg:$0x1];
	p0 =	sne.s32 s2, $0x0  }
0xe6: {  	s3 =	rddreg [dreg:$0x2];
	[bflag:$0x3] =	sbarrier.arrive $0xFFFF;
	s2 =	simm.s32 @!p0 $0x1C03  }
0xe7: {  	[timem:s3], [sflag:s2] =	dma.local @!p0 [hbm:s0], s1  }
0xe8: {  	s0 =	simm.s32 @!p0 $0x3  }
0xe9: {  	_ =	swait.ge @!p0 [sflag:s0], s1  }
0xea: {  	s1 =	ssub.s32 @!p0 $0x0, s1;
	[sflag:s0] =	ssyncset.done @!p0 $0x0  }
0xeb: {  	[sflag:s0] =	ssyncadd.s32 @!p0 s1  }
0xec: {  	[bflag:$0x3] =	sbarrier.arrive $0xFFFF  }
0xed: {  	_ =	shalt  }

</sc_bundles>
